<compile_context>
chip_gen: v7x
topology: tpu7x:2x2x1
jax: 0.10.2.dev20260603
libtpu: 0.0.44.dev20260713+nightly
codegen_flags: <defaults>
</compile_context>

<pallas_src>
import functools

import jax
import jax.numpy as jnp
from jax import lax
from jax.experimental import pallas as pl
from jax.experimental.pallas import tpu as pltpu
from jax.experimental.pallas import tpu_sc as plsc

_F = 64
_FP = 128
_G = 64
_W = 32
_S = 128


def _mesh():
    return plsc.VectorSubcoreMesh(core_axis_name="c", subcore_axis_name="s",
                                  num_cores=2, num_subcores=16)


def _count_body(idx_hbm, out_hbm, idxv, onesv, zv, cnt_sh, *, steps, cntp):
    c = lax.axis_index("c")
    s = lax.axis_index("s")
    wid = c * 16 + s
    pltpu.sync_copy(idx_hbm.at[wid], idxv)
    for k in range(8):
        onesv[pl.ds(16 * k, 16)] = jnp.ones((16,), jnp.int32)

    nz = zv.shape[0]

    @pl.when(s == 0)
    def _():
        def zstep(i, _):
            zv[pl.ds(i * 16, 16)] = jnp.zeros((16,), jnp.int32)
            return 0
        lax.fori_loop(0, nz // 16, zstep, 0)
        for q in range(cntp // nz):
            pltpu.sync_copy(zv, cnt_sh.at[pl.ds(q * nz, nz)])

    plsc.subcore_barrier()

    def step(j, _):
        pltpu.sync_copy(onesv, cnt_sh.at[idxv.at[j]], add=True)
        return 0
    lax.fori_loop(0, steps, step, 0)

    plsc.subcore_barrier()
    sl = cntp // 16
    pltpu.sync_copy(cnt_sh.at[pl.ds(s * sl, sl)],
                    out_hbm.at[pl.ds(c * cntp + s * sl, sl)])


def _sc_count(idx3, cntp):
    steps = idx3.shape[1]
    out = pl.kernel(
        functools.partial(_count_body, steps=steps, cntp=cntp),
        out_type=jax.ShapeDtypeStruct((2 * cntp,), jnp.int32),
        mesh=_mesh(),
        scratch_types=[
            pltpu.VMEM((steps, _S), jnp.int32),
            pltpu.VMEM((_S,), jnp.int32),
            pltpu.VMEM((12800,), jnp.int32),
            pltpu.VMEM_SHARED((cntp,), jnp.int32),
        ],
    )(idx3)
    out = out.reshape(2, cntp)
    return out[0] + out[1]


def _gather2_body(taba, tabb, idxa, idxb, outa, outb,
                  iva, ivb, ra, rb, sa, sb, *, steps):
    c = lax.axis_index("c")
    s = lax.axis_index("s")
    wid = c * 16 + s
    pltpu.sync_copy(idxa.at[wid], iva)
    pltpu.sync_copy(idxb.at[wid], ivb)

    def step(j, _):
        ca = pltpu.async_copy(taba.at[iva.at[j]], ra, sa)
        cb = pltpu.async_copy(tabb.at[ivb.at[j]], rb, sb)
        ca.wait()
        cb.wait()
        pltpu.sync_copy(ra, outa.at[wid, j])
        pltpu.sync_copy(rb, outb.at[wid, j])
        return 0
    lax.fori_loop(0, steps, step, 0)


def _sc_gather2(taba, tabb, idxa3, idxb3):
    steps = idxa3.shape[1]
    sh = jax.ShapeDtypeStruct((_W, steps, _S, _FP), jnp.float32)
    outa, outb = pl.kernel(
        functools.partial(_gather2_body, steps=steps),
        out_type=(sh, sh),
        mesh=_mesh(),
        scratch_types=[
            pltpu.VMEM((steps, _S), jnp.int32),
            pltpu.VMEM((steps, _S), jnp.int32),
            pltpu.VMEM((_S, _FP), jnp.float32),
            pltpu.VMEM((_S, _FP), jnp.float32),
            pltpu.SemaphoreType.DMA,
            pltpu.SemaphoreType.DMA,
        ],
    )(taba, tabb, idxa3, idxb3)
    return (outa.reshape(_W * steps * _S, _FP),
            outb.reshape(_W * steps * _S, _FP))


def _gatherE2_body(taba, tabb, idxa, idxb, outa, outb,
                   iva, ivb, ra, rb, sa, sb, *, steps):
    c = lax.axis_index("c")
    s = lax.axis_index("s")
    wid = c * 16 + s
    pltpu.sync_copy(idxa.at[wid], iva)
    pltpu.sync_copy(idxb.at[wid], ivb)

    def step(j, _):
        ca = pltpu.async_copy(taba.at[iva.at[j]], ra, sa)
        cb = pltpu.async_copy(tabb.at[ivb.at[j]], rb, sb)
        ca.wait()
        cb.wait()
        pltpu.sync_copy(ra, outa.at[wid, j])
        pltpu.sync_copy(rb, outb.at[wid, j])
        return 0
    lax.fori_loop(0, steps, step, 0)


def _sc_gather_e2(tab, idxa3, idxb3):
    steps = idxa3.shape[1]
    sh = jax.ShapeDtypeStruct((_W, steps, _S), jnp.int32)
    outa, outb = pl.kernel(
        functools.partial(_gatherE2_body, steps=steps),
        out_type=(sh, sh),
        mesh=_mesh(),
        scratch_types=[
            pltpu.VMEM((steps, _S), jnp.int32),
            pltpu.VMEM((steps, _S), jnp.int32),
            pltpu.VMEM((_S,), jnp.int32),
            pltpu.VMEM((_S,), jnp.int32),
            pltpu.SemaphoreType.DMA,
            pltpu.SemaphoreType.DMA,
        ],
    )(tab, tab, idxa3, idxb3)
    return outa.reshape(-1), outb.reshape(-1)


def _gather1_body(tab, idx, out, iv, r0, r1, s0, s1, *, steps):
    c = lax.axis_index("c")
    s = lax.axis_index("s")
    wid = c * 16 + s
    pltpu.sync_copy(idx.at[wid], iv)

    def pair(jo, _):
        j0 = 2 * jo
        c0 = pltpu.async_copy(tab.at[iv.at[j0]], r0, s0)
        c1 = pltpu.async_copy(tab.at[iv.at[j0 + 1]], r1, s1)
        c0.wait()
        pltpu.sync_copy(r0, out.at[wid, j0])
        c1.wait()
        pltpu.sync_copy(r1, out.at[wid, j0 + 1])
        return 0
    lax.fori_loop(0, steps // 2, pair, 0)


def _sc_gather1(tab, idx3):
    steps = idx3.shape[1]
    out = pl.kernel(
        functools.partial(_gather1_body, steps=steps),
        out_type=jax.ShapeDtypeStruct((_W, steps, _S, _FP), jnp.float32),
        mesh=_mesh(),
        scratch_types=[
            pltpu.VMEM((steps, _S), jnp.int32),
            pltpu.VMEM((_S, _FP), jnp.float32),
            pltpu.VMEM((_S, _FP), jnp.float32),
            pltpu.SemaphoreType.DMA,
            pltpu.SemaphoreType.DMA,
        ],
    )(tab, idx3)
    return out.reshape(_W * steps * _S, _FP)


def _bprep_body(pos_ref, wp_ref, b_ref):
    b_ref[...] = jnp.dot(pos_ref[...], wp_ref[...],
                         preferred_element_type=jnp.float32)


def _aprep_body(h_ref, b_ref, wh_ref, b1_ref, a_ref):
    a_ref[...] = (jnp.dot(h_ref[...], wh_ref[...],
                          preferred_element_type=jnp.float32)
                  + b_ref[...] + b1_ref[...])


def _bprep(pos, wp, nk):
    n = pos.shape[0]
    return pl.pallas_call(
        _bprep_body,
        grid=(n // nk,),
        in_specs=[pl.BlockSpec((nk, 3), lambda i: (i, 0)),
                  pl.BlockSpec((3, _FP), lambda i: (0, 0))],
        out_specs=pl.BlockSpec((nk, _FP), lambda i: (i, 0)),
        out_shape=jax.ShapeDtypeStruct((n, _FP), jnp.float32),
    )(pos, wp)


def _aprep(h, b, wh, b1, nk):
    n, hw = h.shape
    return pl.pallas_call(
        _aprep_body,
        grid=(n // nk,),
        in_specs=[pl.BlockSpec((nk, hw), lambda i: (i, 0)),
                  pl.BlockSpec((nk, _FP), lambda i: (i, 0)),
                  pl.BlockSpec((hw, _FP), lambda i: (0, 0)),
                  pl.BlockSpec((1, _FP), lambda i: (0, 0))],
        out_specs=pl.BlockSpec((nk, _FP), lambda i: (i, 0)),
        out_shape=jax.ShapeDtypeStruct((n, _FP), jnp.float32),
    )(h, b, wh, b1.reshape(1, _FP))


def _edge_body(dst_ref, xa_ref, xb_ref, w2_ref, cdi_ref, cmi_ref,
               out_ref, cdo_ref, cmo_ref, cdst_ref, cmax_ref, *, ek, nc):
    pid = pl.program_id(0)
    x = jnp.maximum(xa_ref[:, :_F] - xb_ref[:, :_F], 0.0)
    m = jnp.dot(x, w2_ref[...], preferred_element_type=jnp.float32)
    d = dst_ref[...]
    rows = lax.broadcasted_iota(jnp.int32, (ek, 1), 0)
    s = 1
    while s < ek:
        d_s = jnp.where(rows >= s, pltpu.roll(d, s, 0), -1)
        m_s = pltpu.roll(m, s, 0)
        take = d_s == d
        m = jnp.where(take, jnp.maximum(m, m_s), m)
        s *= 2

    @pl.when(pid == 0)
    def _():
        cdst_ref[...] = cdi_ref[...]
        cmax_ref[...] = cmi_ref[...]

    m = jnp.where(d == cdst_ref[...], jnp.maximum(m, cmax_ref[0:1, :]), m)
    out_ref[...] = jnp.concatenate(
        [m, jnp.zeros((ek, _FP - _F), jnp.float32)], axis=1)
    cdst_ref[...] = d[ek - 1:ek, 0:1]
    cmax_ref[0:1, :] = m[ek - 1:ek, :]

    @pl.when(pid == nc - 1)
    def _():
        cdo_ref[...] = cdst_ref[...]
        cmo_ref[...] = cmax_ref[...]


def _edge_scan(dst2, xa, xb, w2, cdi, cmi, ek, half, nedges):
    nc = nedges // ek
    off = half * nc
    return pl.pallas_call(
        functools.partial(_edge_body, ek=ek, nc=nc),
        grid=(nc,),
        in_specs=[pl.BlockSpec((ek, 1), lambda i: (i + off, 0)),
                  pl.BlockSpec((ek, _FP), lambda i: (i, 0)),
                  pl.BlockSpec((ek, _FP), lambda i: (i + off, 0)),
                  pl.BlockSpec((_F, _F), lambda i: (0, 0)),
                  pl.BlockSpec((1, 1), lambda i: (0, 0)),
                  pl.BlockSpec((8, _F), lambda i: (0, 0))],
        out_specs=(pl.BlockSpec((ek, _FP), lambda i: (i, 0)),
                   pl.BlockSpec((1, 1), lambda i: (0, 0)),
                   pl.BlockSpec((8, _F), lambda i: (0, 0))),
        out_shape=(jax.ShapeDtypeStruct((nedges, _FP), jnp.float32),
                   jax.ShapeDtypeStruct((1, 1), jnp.int32),
                   jax.ShapeDtypeStruct((8, _F), jnp.float32)),
        scratch_shapes=[pltpu.VMEM((1, 1), jnp.int32),
                        pltpu.VMEM((8, _F), jnp.float32)],
    )(dst2, xa, xb, w2, cdi, cmi)


def _pool_body(h_ref, bat_ref, r1w_ref, r1b_ref, r2w_ref, r2b_ref,
               o1_ref, o2_ref, acc_ref, *, nk, nc):
    pid = pl.program_id(0)

    @pl.when(pid == 0)
    def _():
        acc_ref[...] = jnp.zeros_like(acc_ref)

    b = bat_ref[...]
    g = lax.broadcasted_iota(jnp.int32, (nk, _G), 1)
    oh = (b == g).astype(jnp.float32)
    hx = jnp.concatenate([h_ref[..., :_F], jnp.ones((nk, 8), jnp.float32)],
                         axis=1)
    acc_ref[...] += lax.dot_general(
        oh, hx, (((0,), (0,)), ((), ())), preferred_element_type=jnp.float32)

    @pl.when(pid == nc - 1)
    def _():
        acc = acc_ref[...]
        mean = acc[:, :_F] / jnp.maximum(acc[:, _F:_F + 1], 1.0)
        o1_ref[...] = jnp.dot(mean, r1w_ref[...],
                              preferred_element_type=jnp.float32) + r1b_ref[...]
        o2_ref[...] = jnp.dot(mean, r2w_ref[...],
                              preferred_element_type=jnp.float32) + r2b_ref[...]


def _pool(h, batch2, r1_w, r1_b, r2_w, r2_b, nk):
    n = h.shape[0]
    nc = n // nk
    return pl.pallas_call(
        functools.partial(_pool_body, nk=nk, nc=nc),
        grid=(nc,),
        in_specs=[pl.BlockSpec((nk, _FP), lambda i: (i, 0)),
                  pl.BlockSpec((nk, 1), lambda i: (i, 0)),
                  pl.BlockSpec((_F, 1), lambda i: (0, 0)),
                  pl.BlockSpec((1, 1), lambda i: (0, 0)),
                  pl.BlockSpec((_F, 1), lambda i: (0, 0)),
                  pl.BlockSpec((1, 1), lambda i: (0, 0))],
        out_specs=(pl.BlockSpec((_G, 1), lambda i: (0, 0)),
                   pl.BlockSpec((_G, 1), lambda i: (0, 0))),
        out_shape=(jax.ShapeDtypeStruct((_G, 1), jnp.float32),
                   jax.ShapeDtypeStruct((_G, 1), jnp.float32)),
        scratch_shapes=[pltpu.VMEM((_G, _F + 8), jnp.float32)],
    )(h, batch2, r1_w, r1_b.reshape(1, 1), r2_w, r2_b.reshape(1, 1))


def _pad_to_grid(idx, total):
    e = idx.shape[0]
    padded = jnp.concatenate(
        [idx, jnp.zeros((total - e,), jnp.int32)]) if total > e else idx
    return padded.reshape(_W, total // (_W * _S), _S)


def kernel(pos, edge_index, batch,
           c1_w1, c1_b1, c1_w2, c1_b2,
           c2_w1, c2_b1, c2_w2, c2_b2,
           r1_w, r1_b, r2_w, r2_b):
    n = pos.shape[0]
    e = edge_index.shape[1]
    blk = _W * _S
    ep = ((e + blk - 1) // blk) * blk
    ek = 3200 if (e // 2) % 3200 == 0 else 2000
    nk = 2000 if n % 2000 == 0 else 200
    cntp = ((n + 16 + 12800 - 1) // 12800) * 12800

    src, dst = edge_index[0], edge_index[1]

    ends = edge_index.reshape(-1)
    e2 = ends.shape[0]
    e2p = ((e2 + blk - 1) // blk) * blk
    dump = n + (jnp.arange(e2p - e2, dtype=jnp.int32) % 16)
    ends_p = jnp.concatenate([ends, dump]).reshape(_W, e2p // blk, _S)
    cnt_ends = _sc_count(ends_p, cntp)
    mask = cnt_ends[:n] > 0
    assoc = jnp.cumsum(mask.astype(jnp.int32)).astype(jnp.int32) - 1

    d_sraw, s_sraw = lax.sort_key_val(dst, src)
    assoc_p = jnp.pad(assoc, (0, (-n) % _S))
    d_g, s_g = _sc_gather_e2(assoc_p, _pad_to_grid(d_sraw, ep),
                             _pad_to_grid(s_sraw, ep))
    d_sorted = d_g[:e]
    s_sorted = s_g[:e]

    dumpd = n + (jnp.arange(ep - e, dtype=jnp.int32) % 16)
    d2_p = jnp.concatenate([d_sorted, dumpd]).reshape(_W, ep // blk, _S)
    deg = _sc_count(d2_p, cntp)[:n]
    cum_end = jnp.cumsum(deg).astype(jnp.int32)
    has = (deg > 0)[:, None]
    last_pos = jnp.maximum(cum_end - 1, 0)

    sg_pad = _pad_to_grid(s_sorted, ep)
    dg_pad = _pad_to_grid(d_sorted, ep)
    d_scan = jnp.concatenate(
        [d_sorted, jnp.full((ep - e,), n, jnp.int32)])[:, None]
    np2 = ((n + 2 * blk - 1) // (2 * blk)) * (2 * blk)
    lp_pad = _pad_to_grid(last_pos, np2)

    def padc(w):
        return jnp.pad(w, ((0, 0), (0, _FP - w.shape[1])))

    def padrc(w):
        return jnp.pad(w, ((0, _FP - w.shape[0]), (0, _FP - w.shape[1])))

    def padv(v):
        return jnp.pad(v, (0, _FP - v.shape[0]))

    b_tab1 = _bprep(pos, padc(c1_w1[3:6]), nk)
    b_tab2 = _bprep(pos, padc(c2_w1[_F:_F + 3]), nk)
    xb_l = _sc_gather2(b_tab1, b_tab2, dg_pad, dg_pad)

    cd0 = jnp.full((1, 1), -1, jnp.int32)
    cm0 = jnp.zeros((8, _F), jnp.float32)
    lanes_ok = (jnp.arange(_FP, dtype=jnp.int32) < _F)[None, :]

    h = pos
    for layer in range(3):
        if layer == 0:
            wh, b1, w2, b2, b_tab = (padc(c1_w1[0:3]), padv(c1_b1),
                                     c1_w2, padv(c1_b2), b_tab1)
        else:
            wh, b1, w2, b2, b_tab = (padrc(c2_w1[0:_F]), padv(c2_b1),
                                     c2_w2, padv(c2_b2), b_tab2)
        xb = xb_l[min(layer, 1)]
        a_tab = _aprep(h, b_tab, wh, b1, nk)
        xa = _sc_gather1(a_tab, sg_pad)
        mscan, _, _ = _edge_scan(d_scan, xa, xb, w2, cd0, cm0, ek, 0, e)
        hmax = _sc_gather1(mscan, lp_pad)[:n]
        h = jnp.where(has & lanes_ok,
                      jnp.maximum(hmax + b2[None, :], 0.0), 0.0)

    return _pool(h, batch[:, None], r1_w, r1_b, r2_w, r2_b, nk)

# --- scband reference (transcript-rebuilt; emitter-appended) ---
"""Pipeline reference for scband-point-net-1769526526178 (READ-ONLY COPY).

The authoritative reference and input builder live on the scoring server;
editing this copy changes nothing except your own understanding.
"""

import jax, jax.numpy as jnp
import numpy as np

N = 50000
E = 800000
F = 64
G = 64


def setup_inputs(seed: int = 0) -> dict:
    key = jax.random.key(seed)
    ks = jax.random.split(key, 16)
    pos = jax.random.normal(ks[0], (N, 3), dtype=jnp.float32)
    edge_index = jax.random.randint(ks[1], (2, E), 0, N, dtype=jnp.int32)
    batch = jnp.sort(jax.random.randint(ks[2], (N,), 0, G, dtype=jnp.int32))
    s = 0.1
    # conv1: Linear(3+3, 64), Linear(64, 64)
    c1_w1 = jax.random.normal(ks[3], (6, F), dtype=jnp.float32) * s
    c1_b1 = jnp.zeros((F,), dtype=jnp.float32)
    c1_w2 = jax.random.normal(ks[4], (F, F), dtype=jnp.float32) * s
    c1_b2 = jnp.zeros((F,), dtype=jnp.float32)
    # conv2: Linear(64+3, 64), Linear(64, 64)  (conv2 is applied twice, matching the torch code)
    c2_w1 = jax.random.normal(ks[5], (F + 3, F), dtype=jnp.float32) * s
    c2_b1 = jnp.zeros((F,), dtype=jnp.float32)
    c2_w2 = jax.random.normal(ks[6], (F, F), dtype=jnp.float32) * s
    c2_b2 = jnp.zeros((F,), dtype=jnp.float32)
    r1_w = jax.random.normal(ks[7], (F, 1), dtype=jnp.float32) * s
    r1_b = jnp.zeros((1,), dtype=jnp.float32)
    r2_w = jax.random.normal(ks[8], (F, 1), dtype=jnp.float32) * s
    r2_b = jnp.zeros((1,), dtype=jnp.float32)
    return {"pos": pos, "edge_index": edge_index, "batch": batch,
            "c1_w1": c1_w1, "c1_b1": c1_b1, "c1_w2": c1_w2, "c1_b2": c1_b2,
            "c2_w1": c2_w1, "c2_b1": c2_b1, "c2_w2": c2_w2, "c2_b2": c2_b2,
            "r1_w": r1_w, "r1_b": r1_b, "r2_w": r2_w, "r2_b": r2_b}


def _remove_isolated_nodes(edge_index):
    # faithful to torch_geometric.utils.remove_isolated_nodes: relabel node ids
    # so that nodes not present in edge_index are removed from the index space.
    mask = jnp.zeros((N,), dtype=bool).at[edge_index.reshape(-1)].set(True)
    assoc = jnp.cumsum(mask.astype(jnp.int32)) - 1
    return assoc[edge_index]


def _pointnet_layer(h, pos, edge_index, w1, b1, w2, b2):
    src = edge_index[0]  # j (source / neighbor)
    dst = edge_index[1]  # i (target)
    inp = jnp.concatenate([h[src], pos[src] - pos[dst]], axis=-1)
    m = jnp.maximum(inp @ w1 + b1, 0.0) @ w2 + b2
    out = jax.ops.segment_max(m, dst, num_segments=N)
    # nodes with no incoming edges: fill with 0 (PyG max-aggr convention)
    return jnp.where(jnp.isfinite(out), out, 0.0)


def reference(pos, edge_index, batch,
              c1_w1, c1_b1, c1_w2, c1_b2,
              c2_w1, c2_b1, c2_w2, c2_b2,
              r1_w, r1_b, r2_w, r2_b):
    edge_index = _remove_isolated_nodes(edge_index)
    h = _pointnet_layer(pos, pos, edge_index, c1_w1, c1_b1, c1_w2, c1_b2)
    h = jnp.maximum(h, 0.0)
    h = _pointnet_layer(h, pos, edge_index, c2_w1, c2_b1, c2_w2, c2_b2)
    h = jnp.maximum(h, 0.0)
    h = _pointnet_layer(h, pos, edge_index, c2_w1, c2_b1, c2_w2, c2_b2)
    h = jnp.maximum(h, 0.0)
    # global_mean_pool
    sums = jax.ops.segment_sum(h, batch, num_segments=G)
    cnt = jax.ops.segment_sum(jnp.ones((N,), dtype=jnp.float32), batch, num_segments=G)
    mean = sums / jnp.maximum(cnt, 1.0)[:, None]
    return (mean @ r1_w + r1_b, mean @ r2_w + r2_b)

if __name__ == "__main__":
    import jax
    _d = setup_inputs()
    print(jax.jit(kernel)(*tuple(_d.values())))

</pallas_src>

<mosaic_0001>
#map = affine_map<(d0, d1) -> (0, 0, 0)>
#map1 = affine_map<(d0, d1) -> (0)>
module attributes {stable_mosaic.version = 14 : i64} {
  func.func @_count_body(%arg0: i32, %arg1: i32, %arg2: memref<32x391x128xi32, #tpu.memory_space<hbm>>, %arg3: memref<102400xi32, #tpu.memory_space<hbm>>, %arg4: memref<391x128xi32, #tpu.memory_space<vmem>>, %arg5: memref<128xi32, #tpu.memory_space<vmem>>, %arg6: memref<12800xi32, #tpu.memory_space<vmem>>, %arg7: memref<51200xi32, #tpu.memory_space<vmem_shared>>) attributes {dimension_semantics = [#tpu.dimension_semantics<core_parallel>, #tpu.dimension_semantics<subcore_parallel>], iteration_bounds = array<i64: 2, 16>, scalar_prefetch = 0 : i64, scratch_operands = 4 : i64, tpu.core_type = #tpu.core_type<sc_vector_subcore>, window_params = [{transform_indices = #map}, {transform_indices = #map1}]} {
    %mul3A = arith.constant 16 : i32
    %mul3A_0 = arith.muli %arg0, %mul3A : i32
    %add3A = arith.addi %mul3A_0, %arg1 : i32
    "tpu.region"() ({
      %run_scoped3A = tpu.sem_alloc : memref<!tpu.dma_semaphore, #tpu.memory_space<semaphore_mem>>
      %dma_start3A = arith.constant 0 : i32
      %dma_start3A_63 = arith.constant 0 : i32
      %dma_start3A_64 = tpu.memref_slice %arg2[%add3A, %dma_start3A, %dma_start3A_63] : memref<32x391x128xi32, #tpu.memory_space<hbm>> -> memref<1x391x128xi32, #tpu.memory_space<hbm>>
      %dma_start3A_65 = tpu.memref_squeeze %dma_start3A_64 : memref<1x391x128xi32, #tpu.memory_space<hbm>> -> memref<391x128xi32, #tpu.memory_space<hbm>>
      %dma_start3A_66 = arith.constant 0 : i32
      %dma_start3A_67 = arith.constant 0 : i32
      %dma_start3A_68 = tpu.memref_slice %arg2[%add3A, %dma_start3A_66, %dma_start3A_67] : memref<32x391x128xi32, #tpu.memory_space<hbm>> -> memref<1x391x128xi32, #tpu.memory_space<hbm>>
      %dma_start3A_69 = tpu.memref_squeeze %dma_start3A_68 : memref<1x391x128xi32, #tpu.memory_space<hbm>> -> memref<391x128xi32, #tpu.memory_space<hbm>>
      tpu.enqueue_dma source(%dma_start3A_69 : memref<391x128xi32, #tpu.memory_space<hbm>>) target(%arg4 : memref<391x128xi32, #tpu.memory_space<vmem>>) target_semaphore(%run_scoped3A : memref<!tpu.dma_semaphore, #tpu.memory_space<semaphore_mem>>)
      %dma_wait3A = arith.constant 0 : i32
      %dma_wait3A_70 = arith.constant 0 : i32
      %dma_wait3A_71 = tpu.memref_slice %arg2[%add3A, %dma_wait3A, %dma_wait3A_70] : memref<32x391x128xi32, #tpu.memory_space<hbm>> -> memref<1x391x128xi32, #tpu.memory_space<hbm>>
      %dma_wait3A_72 = tpu.memref_squeeze %dma_wait3A_71 : memref<1x391x128xi32, #tpu.memory_space<hbm>> -> memref<391x128xi32, #tpu.memory_space<hbm>>
      %dma_wait3A_73 = arith.constant 0 : i32
      %dma_wait3A_74 = arith.constant 0 : i32
      %dma_wait3A_75 = tpu.memref_slice %arg2[%add3A, %dma_wait3A_73, %dma_wait3A_74] : memref<32x391x128xi32, #tpu.memory_space<hbm>> -> memref<1x391x128xi32, #tpu.memory_space<hbm>>
      %dma_wait3A_76 = tpu.memref_squeeze %dma_wait3A_75 : memref<1x391x128xi32, #tpu.memory_space<hbm>> -> memref<391x128xi32, #tpu.memory_space<hbm>>
      tpu.wait_dma2 semaphore(%run_scoped3A : memref<!tpu.dma_semaphore, #tpu.memory_space<semaphore_mem>>) src(%dma_wait3A_76 : memref<391x128xi32, #tpu.memory_space<hbm>>) dst(%arg4 : memref<391x128xi32, #tpu.memory_space<vmem>>)
      tpu.yield
    }) : () -> ()
    %broadcast_in_dim3A = arith.constant 1 : i32
    %broadcast_in_dim3A_1 = vector.broadcast %broadcast_in_dim3A : i32 to vector<16xi32>
    %swap3A = arith.constant 0 : index
    %swap3A_2 = tpu.vector_load %arg5[%swap3A] {strides = array<i32>} : memref<128xi32, #tpu.memory_space<vmem>>, vector<16xi32>,
    %swap3A_3 = vector.shape_cast %swap3A_2 : vector<16xi32> to vector<16xi32>
    %swap3A_4 = vector.shape_cast %broadcast_in_dim3A_1 : vector<16xi32> to vector<16xi32>
    tpu.vector_store %arg5[%swap3A], %swap3A_4 {strides = array<i32>} : memref<128xi32, #tpu.memory_space<vmem>>, vector<16xi32>,
    %broadcast_in_dim3A_5 = arith.constant 1 : i32
    %broadcast_in_dim3A_6 = vector.broadcast %broadcast_in_dim3A_5 : i32 to vector<16xi32>
    %swap3A_7 = arith.constant 16 : index
    %swap3A_8 = tpu.vector_load %arg5[%swap3A_7] {strides = array<i32>} : memref<128xi32, #tpu.memory_space<vmem>>, vector<16xi32>,
    %swap3A_9 = vector.shape_cast %swap3A_8 : vector<16xi32> to vector<16xi32>
    %swap3A_10 = vector.shape_cast %broadcast_in_dim3A_6 : vector<16xi32> to vector<16xi32>
    tpu.vector_store %arg5[%swap3A_7], %swap3A_10 {strides = array<i32>} : memref<128xi32, #tpu.memory_space<vmem>>, vector<16xi32>,
    %broadcast_in_dim3A_11 = arith.constant 1 : i32
    %broadcast_in_dim3A_12 = vector.broadcast %broadcast_in_dim3A_11 : i32 to vector<16xi32>
    %swap3A_13 = arith.constant 32 : index
    %swap3A_14 = tpu.vector_load %arg5[%swap3A_13] {strides = array<i32>} : memref<128xi32, #tpu.memory_space<vmem>>, vector<16xi32>,
    %swap3A_15 = vector.shape_cast %swap3A_14 : vector<16xi32> to vector<16xi32>
    %swap3A_16 = vector.shape_cast %broadcast_in_dim3A_12 : vector<16xi32> to vector<16xi32>
    tpu.vector_store %arg5[%swap3A_13], %swap3A_16 {strides = array<i32>} : memref<128xi32, #tpu.memory_space<vmem>>, vector<16xi32>,
    %broadcast_in_dim3A_17 = arith.constant 1 : i32
    %broadcast_in_dim3A_18 = vector.broadcast %broadcast_in_dim3A_17 : i32 to vector<16xi32>
    %swap3A_19 = arith.constant 48 : index
    %swap3A_20 = tpu.vector_load %arg5[%swap3A_19] {strides = array<i32>} : memref<128xi32, #tpu.memory_space<vmem>>, vector<16xi32>,
    %swap3A_21 = vector.shape_cast %swap3A_20 : vector<16xi32> to vector<16xi32>
    %swap3A_22 = vector.shape_cast %broadcast_in_dim3A_18 : vector<16xi32> to vector<16xi32>
    tpu.vector_store %arg5[%swap3A_19], %swap3A_22 {strides = array<i32>} : memref<128xi32, #tpu.memory_space<vmem>>, vector<16xi32>,
    %broadcast_in_dim3A_23 = arith.constant 1 : i32
    %broadcast_in_dim3A_24 = vector.broadcast %broadcast_in_dim3A_23 : i32 to vector<16xi32>
    %swap3A_25 = arith.constant 64 : index
    %swap3A_26 = tpu.vector_load %arg5[%swap3A_25] {strides = array<i32>} : memref<128xi32, #tpu.memory_space<vmem>>, vector<16xi32>,
    %swap3A_27 = vector.shape_cast %swap3A_26 : vector<16xi32> to vector<16xi32>
    %swap3A_28 = vector.shape_cast %broadcast_in_dim3A_24 : vector<16xi32> to vector<16xi32>
    tpu.vector_store %arg5[%swap3A_25], %swap3A_28 {strides = array<i32>} : memref<128xi32, #tpu.memory_space<vmem>>, vector<16xi32>,
    %broadcast_in_dim3A_29 = arith.constant 1 : i32
    %broadcast_in_dim3A_30 = vector.broadcast %broadcast_in_dim3A_29 : i32 to vector<16xi32>
    %swap3A_31 = arith.constant 80 : index
    %swap3A_32 = tpu.vector_load %arg5[%swap3A_31] {strides = array<i32>} : memref<128xi32, #tpu.memory_space<vmem>>, vector<16xi32>,
    %swap3A_33 = vector.shape_cast %swap3A_32 : vector<16xi32> to vector<16xi32>
    %swap3A_34 = vector.shape_cast %broadcast_in_dim3A_30 : vector<16xi32> to vector<16xi32>
    tpu.vector_store %arg5[%swap3A_31], %swap3A_34 {strides = array<i32>} : memref<128xi32, #tpu.memory_space<vmem>>, vector<16xi32>,
    %broadcast_in_dim3A_35 = arith.constant 1 : i32
    %broadcast_in_dim3A_36 = vector.broadcast %broadcast_in_dim3A_35 : i32 to vector<16xi32>
    %swap3A_37 = arith.constant 96 : index
    %swap3A_38 = tpu.vector_load %arg5[%swap3A_37] {strides = array<i32>} : memref<128xi32, #tpu.memory_space<vmem>>, vector<16xi32>,
    %swap3A_39 = vector.shape_cast %swap3A_38 : vector<16xi32> to vector<16xi32>
    %swap3A_40 = vector.shape_cast %broadcast_in_dim3A_36 : vector<16xi32> to vector<16xi32>
    tpu.vector_store %arg5[%swap3A_37], %swap3A_40 {strides = array<i32>} : memref<128xi32, #tpu.memory_space<vmem>>, vector<16xi32>,
    %broadcast_in_dim3A_41 = arith.constant 1 : i32
    %broadcast_in_dim3A_42 = vector.broadcast %broadcast_in_dim3A_41 : i32 to vector<16xi32>
    %swap3A_43 = arith.constant 112 : index
    %swap3A_44 = tpu.vector_load %arg5[%swap3A_43] {strides = array<i32>} : memref<128xi32, #tpu.memory_space<vmem>>, vector<16xi32>,
    %swap3A_45 = vector.shape_cast %swap3A_44 : vector<16xi32> to vector<16xi32>
    %swap3A_46 = vector.shape_cast %broadcast_in_dim3A_42 : vector<16xi32> to vector<16xi32>
    tpu.vector_store %arg5[%swap3A_43], %swap3A_46 {strides = array<i32>} : memref<128xi32, #tpu.memory_space<vmem>>, vector<16xi32>,
    %eq3A = arith.constant 0 : i32
    %eq3A_47 = arith.cmpi eq, %arg1, %eq3A : i32
    %convert_element_type3A = arith.extui %eq3A_47 : i1 to i32
    %cond3A = arith.constant 0 : i32
    %cond3A_48 = arith.cmpi ne, %convert_element_type3A, %cond3A : i32
    scf.if %cond3A_48 {
      %scan3A_63 = arith.constant 0 : i32
      %scan3A_64 = arith.constant 0 : i32
      %scan3A_65 = arith.constant 800 : i32
      %scan3A_66 = arith.addi %scan3A_64, %scan3A_65 : i32
      %scan3A_67 = arith.constant 1 : i32
      %scan3A_68 = scf.for %scan3A_70 = %scan3A_64 to %scan3A_66 step %scan3A_67 iter_args(%scan3A_71 = %scan3A_63) -> (i32)  : i32 {
        %broadcast_in_dim3A_72 = arith.constant 0 : i32
        %broadcast_in_dim3A_73 = vector.broadcast %broadcast_in_dim3A_72 : i32 to vector<16xi32>
        %mul3A_74 = arith.constant 16 : i32
        %mul3A_75 = arith.muli %scan3A_70, %mul3A_74 : i32
        %swap3A_76 = arith.index_cast %mul3A_75 : i32 to index
        %swap3A_77 = tpu.vector_load %arg6[%swap3A_76] {strides = array<i32>} : memref<12800xi32, #tpu.memory_space<vmem>>, vector<16xi32>,
        %swap3A_78 = vector.shape_cast %swap3A_77 : vector<16xi32> to vector<16xi32>
        %swap3A_79 = vector.shape_cast %broadcast_in_dim3A_73 : vector<16xi32> to vector<16xi32>
        tpu.vector_store %arg6[%swap3A_76], %swap3A_79 {strides = array<i32>} : memref<12800xi32, #tpu.memory_space<vmem>>, vector<16xi32>,
        %scan3A_80 = arith.constant 0 : i32
        scf.yield %scan3A_80 : i32
      }
      %scan3A_69 = arith.constant 800 : i32
      "tpu.region"() ({
        %run_scoped3A = tpu.sem_alloc : memref<!tpu.dma_semaphore, #tpu.memory_space<semaphore_mem>>
        %dma_start3A = arith.constant 0 : i32
        %dma_start3A_70 = tpu.memref_slice %arg7[%dma_start3A] : memref<51200xi32, #tpu.memory_space<vmem_shared>> -> memref<12800xi32, #tpu.memory_space<vmem_shared>>
        %dma_start3A_71 = arith.constant 0 : i32
        %dma_start3A_72 = tpu.memref_slice %arg7[%dma_start3A_71] : memref<51200xi32, #tpu.memory_space<vmem_shared>> -> memref<12800xi32, #tpu.memory_space<vmem_shared>>
        tpu.enqueue_dma source(%arg6 : memref<12800xi32, #tpu.memory_space<vmem>>) target(%dma_start3A_72 : memref<12800xi32, #tpu.memory_space<vmem_shared>>) target_semaphore(%run_scoped3A : memref<!tpu.dma_semaphore, #tpu.memory_space<semaphore_mem>>)
        %dma_wait3A = arith.constant 0 : i32
        %dma_wait3A_73 = tpu.memref_slice %arg7[%dma_wait3A] : memref<51200xi32, #tpu.memory_space<vmem_shared>> -> memref<12800xi32, #tpu.memory_space<vmem_shared>>
        %dma_wait3A_74 = arith.constant 0 : i32
        %dma_wait3A_75 = tpu.memref_slice %arg7[%dma_wait3A_74] : memref<51200xi32, #tpu.memory_space<vmem_shared>> -> memref<12800xi32, #tpu.memory_space<vmem_shared>>
        tpu.wait_dma2 semaphore(%run_scoped3A : memref<!tpu.dma_semaphore, #tpu.memory_space<semaphore_mem>>) src(%arg6 : memref<12800xi32, #tpu.memory_space<vmem>>) dst(%dma_wait3A_75 : memref<12800xi32, #tpu.memory_space<vmem_shared>>)
        tpu.yield
      }) : () -> ()
      "tpu.region"() ({
        %run_scoped3A = tpu.sem_alloc : memref<!tpu.dma_semaphore, #tpu.memory_space<semaphore_mem>>
        %dma_start3A = arith.constant 12800 : i32
        %dma_start3A_70 = tpu.memref_slice %arg7[%dma_start3A] : memref<51200xi32, #tpu.memory_space<vmem_shared>> -> memref<12800xi32, #tpu.memory_space<vmem_shared>>
        %dma_start3A_71 = arith.constant 12800 : i32
        %dma_start3A_72 = tpu.memref_slice %arg7[%dma_start3A_71] : memref<51200xi32, #tpu.memory_space<vmem_shared>> -> memref<12800xi32, #tpu.memory_space<vmem_shared>>
        tpu.enqueue_dma source(%arg6 : memref<12800xi32, #tpu.memory_space<vmem>>) target(%dma_start3A_72 : memref<12800xi32, #tpu.memory_space<vmem_shared>>) target_semaphore(%run_scoped3A : memref<!tpu.dma_semaphore, #tpu.memory_space<semaphore_mem>>)
        %dma_wait3A = arith.constant 12800 : i32
        %dma_wait3A_73 = tpu.memref_slice %arg7[%dma_wait3A] : memref<51200xi32, #tpu.memory_space<vmem_shared>> -> memref<12800xi32, #tpu.memory_space<vmem_shared>>
        %dma_wait3A_74 = arith.constant 12800 : i32
        %dma_wait3A_75 = tpu.memref_slice %arg7[%dma_wait3A_74] : memref<51200xi32, #tpu.memory_space<vmem_shared>> -> memref<12800xi32, #tpu.memory_space<vmem_shared>>
        tpu.wait_dma2 semaphore(%run_scoped3A : memref<!tpu.dma_semaphore, #tpu.memory_space<semaphore_mem>>) src(%arg6 : memref<12800xi32, #tpu.memory_space<vmem>>) dst(%dma_wait3A_75 : memref<12800xi32, #tpu.memory_space<vmem_shared>>)
        tpu.yield
      }) : () -> ()
      "tpu.region"() ({
        %run_scoped3A = tpu.sem_alloc : memref<!tpu.dma_semaphore, #tpu.memory_space<semaphore_mem>>
        %dma_start3A = arith.constant 25600 : i32
        %dma_start3A_70 = tpu.memref_slice %arg7[%dma_start3A] : memref<51200xi32, #tpu.memory_space<vmem_shared>> -> memref<12800xi32, #tpu.memory_space<vmem_shared>>
        %dma_start3A_71 = arith.constant 25600 : i32
        %dma_start3A_72 = tpu.memref_slice %arg7[%dma_start3A_71] : memref<51200xi32, #tpu.memory_space<vmem_shared>> -> memref<12800xi32, #tpu.memory_space<vmem_shared>>
        tpu.enqueue_dma source(%arg6 : memref<12800xi32, #tpu.memory_space<vmem>>) target(%dma_start3A_72 : memref<12800xi32, #tpu.memory_space<vmem_shared>>) target_semaphore(%run_scoped3A : memref<!tpu.dma_semaphore, #tpu.memory_space<semaphore_mem>>)
        %dma_wait3A = arith.constant 25600 : i32
        %dma_wait3A_73 = tpu.memref_slice %arg7[%dma_wait3A] : memref<51200xi32, #tpu.memory_space<vmem_shared>> -> memref<12800xi32, #tpu.memory_space<vmem_shared>>
        %dma_wait3A_74 = arith.constant 25600 : i32
        %dma_wait3A_75 = tpu.memref_slice %arg7[%dma_wait3A_74] : memref<51200xi32, #tpu.memory_space<vmem_shared>> -> memref<12800xi32, #tpu.memory_space<vmem_shared>>
        tpu.wait_dma2 semaphore(%run_scoped3A : memref<!tpu.dma_semaphore, #tpu.memory_space<semaphore_mem>>) src(%arg6 : memref<12800xi32, #tpu.memory_space<vmem>>) dst(%dma_wait3A_75 : memref<12800xi32, #tpu.memory_space<vmem_shared>>)
        tpu.yield
      }) : () -> ()
      "tpu.region"() ({
        %run_scoped3A = tpu.sem_alloc : memref<!tpu.dma_semaphore, #tpu.memory_space<semaphore_mem>>
        %dma_start3A = arith.constant 38400 : i32
        %dma_start3A_70 = tpu.memref_slice %arg7[%dma_start3A] : memref<51200xi32, #tpu.memory_space<vmem_shared>> -> memref<12800xi32, #tpu.memory_space<vmem_shared>>
        %dma_start3A_71 = arith.constant 38400 : i32
        %dma_start3A_72 = tpu.memref_slice %arg7[%dma_start3A_71] : memref<51200xi32, #tpu.memory_space<vmem_shared>> -> memref<12800xi32, #tpu.memory_space<vmem_shared>>
        tpu.enqueue_dma source(%arg6 : memref<12800xi32, #tpu.memory_space<vmem>>) target(%dma_start3A_72 : memref<12800xi32, #tpu.memory_space<vmem_shared>>) target_semaphore(%run_scoped3A : memref<!tpu.dma_semaphore, #tpu.memory_space<semaphore_mem>>)
        %dma_wait3A = arith.constant 38400 : i32
        %dma_wait3A_73 = tpu.memref_slice %arg7[%dma_wait3A] : memref<51200xi32, #tpu.memory_space<vmem_shared>> -> memref<12800xi32, #tpu.memory_space<vmem_shared>>
        %dma_wait3A_74 = arith.constant 38400 : i32
        %dma_wait3A_75 = tpu.memref_slice %arg7[%dma_wait3A_74] : memref<51200xi32, #tpu.memory_space<vmem_shared>> -> memref<12800xi32, #tpu.memory_space<vmem_shared>>
        tpu.wait_dma2 semaphore(%run_scoped3A : memref<!tpu.dma_semaphore, #tpu.memory_space<semaphore_mem>>) src(%arg6 : memref<12800xi32, #tpu.memory_space<vmem>>) dst(%dma_wait3A_75 : memref<12800xi32, #tpu.memory_space<vmem_shared>>)
        tpu.yield
      }) : () -> ()
    } else {
    }
    %barrier3A = arith.constant 0 : index
    tpu.barrier barrier_id(%barrier3A)
    %scan3A = arith.constant 0 : i32
    %scan3A_49 = arith.constant 0 : i32
    %scan3A_50 = arith.constant 391 : i32
    %scan3A_51 = arith.addi %scan3A_49, %scan3A_50 : i32
    %scan3A_52 = arith.constant 1 : i32
    %scan3A_53 = scf.for %scan3A_63 = %scan3A_49 to %scan3A_51 step %scan3A_52 iter_args(%scan3A_64 = %scan3A) -> (i32)  : i32 {
      "tpu.region"() ({
        %run_scoped3A = tpu.sem_alloc : memref<!tpu.dma_semaphore, #tpu.memory_space<semaphore_mem>>
        %dma_start3A = arith.constant 0 : i32
        %dma_start3A_66 = tpu.memref_slice %arg4[%scan3A_63, %dma_start3A] : memref<391x128xi32, #tpu.memory_space<vmem>> -> memref<1x128xi32, #tpu.memory_space<vmem>>
        %dma_start3A_67 = tpu.memref_squeeze %dma_start3A_66 : memref<1x128xi32, #tpu.memory_space<vmem>> -> memref<128xi32, #tpu.memory_space<vmem>>
        %dma_start3A_68 = arith.constant 0 : i32
        %dma_start3A_69 = tpu.memref_slice %arg7[%dma_start3A_68] : memref<51200xi32, #tpu.memory_space<vmem_shared>> -> memref<51200xi32, #tpu.memory_space<vmem_shared>>
        tpu.enqueue_indirect_dma source(%arg5 : memref<128xi32, #tpu.memory_space<vmem>>) target(%dma_start3A_69 : memref<51200xi32, #tpu.memory_space<vmem_shared>>) offsets(%dma_start3A_67 : memref<128xi32, #tpu.memory_space<vmem>>) semaphore(%run_scoped3A : memref<!tpu.dma_semaphore, #tpu.memory_space<semaphore_mem>>) {add = true}
        %dma_wait3A = arith.constant 0 : i32
        %dma_wait3A_70 = tpu.memref_slice %arg4[%scan3A_63, %dma_wait3A] : memref<391x128xi32, #tpu.memory_space<vmem>> -> memref<1x128xi32, #tpu.memory_space<vmem>>
        %dma_wait3A_71 = tpu.memref_squeeze %dma_wait3A_70 : memref<1x128xi32, #tpu.memory_space<vmem>> -> memref<128xi32, #tpu.memory_space<vmem>>
        %dma_wait3A_72 = arith.constant 0 : i32
        %dma_wait3A_73 = tpu.memref_slice %arg7[%dma_wait3A_72] : memref<51200xi32, #tpu.memory_space<vmem_shared>> -> memref<51200xi32, #tpu.memory_space<vmem_shared>>
        tpu.wait_indirect_dma semaphore(%run_scoped3A : memref<!tpu.dma_semaphore, #tpu.memory_space<semaphore_mem>>) src(%arg5 : memref<128xi32, #tpu.memory_space<vmem>>) dst(%dma_wait3A_73 : memref<51200xi32, #tpu.memory_space<vmem_shared>>)
        tpu.yield
      }) : () -> ()
      %scan3A_65 = arith.constant 0 : i32
      scf.yield %scan3A_65 : i32
    }
    %scan3A_54 = arith.constant 391 : i32
    %barrier3A_55 = arith.constant 0 : index
    tpu.barrier barrier_id(%barrier3A_55)
    %mul3A_56 = arith.constant 3200 : i32
    %mul3A_57 = arith.muli %arg1, %mul3A_56 : i32
    %mul3A_58 = arith.constant 51200 : i32
    %mul3A_59 = arith.muli %arg0, %mul3A_58 : i32
    %mul3A_60 = arith.constant 3200 : i32
    %mul3A_61 = arith.muli %arg1, %mul3A_60 : i32
    %add3A_62 = arith.addi %mul3A_59, %mul3A_61 : i32
    "tpu.region"() ({
      %run_scoped3A = tpu.sem_alloc : memref<!tpu.dma_semaphore, #tpu.memory_space<semaphore_mem>>
      %dma_start3A = tpu.memref_slice %arg3[%add3A_62] : memref<102400xi32, #tpu.memory_space<hbm>> -> memref<3200xi32, #tpu.memory_space<hbm>>
      %dma_start3A_63 = tpu.memref_slice %arg7[%mul3A_57] : memref<51200xi32, #tpu.memory_space<vmem_shared>> -> memref<3200xi32, #tpu.memory_space<vmem_shared>>
      tpu.enqueue_dma source(%dma_start3A_63 : memref<3200xi32, #tpu.memory_space<vmem_shared>>) target(%dma_start3A : memref<3200xi32, #tpu.memory_space<hbm>>) target_semaphore(%run_scoped3A : memref<!tpu.dma_semaphore, #tpu.memory_space<semaphore_mem>>)
      %dma_wait3A = tpu.memref_slice %arg3[%add3A_62] : memref<102400xi32, #tpu.memory_space<hbm>> -> memref<3200xi32, #tpu.memory_space<hbm>>
      %dma_wait3A_64 = tpu.memref_slice %arg7[%mul3A_57] : memref<51200xi32, #tpu.memory_space<vmem_shared>> -> memref<3200xi32, #tpu.memory_space<vmem_shared>>
      tpu.wait_dma2 semaphore(%run_scoped3A : memref<!tpu.dma_semaphore, #tpu.memory_space<semaphore_mem>>) src(%dma_wait3A_64 : memref<3200xi32, #tpu.memory_space<vmem_shared>>) dst(%dma_wait3A : memref<3200xi32, #tpu.memory_space<hbm>>)
      tpu.yield
    }) : () -> ()
    return
  }
}

#map = affine_map<(d0, d1) -> (0)>
#map1 = affine_map<(d0, d1) -> (0, 0, 0)>
module attributes {stable_mosaic.version = 14 : i64} {
  func.func @_gatherE2_body(%arg0: i32, %arg1: i32, %arg2: memref<50048xi32, #tpu.memory_space<hbm>>, %arg3: memref<50048xi32, #tpu.memory_space<hbm>>, %arg4: memref<32x196x128xi32, #tpu.memory_space<hbm>>, %arg5: memref<32x196x128xi32, #tpu.memory_space<hbm>>, %arg6: memref<32x196x128xi32, #tpu.memory_space<hbm>>, %arg7: memref<32x196x128xi32, #tpu.memory_space<hbm>>, %arg8: memref<196x128xi32, #tpu.memory_space<vmem>>, %arg9: memref<196x128xi32, #tpu.memory_space<vmem>>, %arg10: memref<128xi32, #tpu.memory_space<vmem>>, %arg11: memref<128xi32, #tpu.memory_space<vmem>>, %arg12: memref<!tpu.dma_semaphore, #tpu.memory_space<semaphore_mem>>, %arg13: memref<!tpu.dma_semaphore, #tpu.memory_space<semaphore_mem>>) attributes {dimension_semantics = [#tpu.dimension_semantics<core_parallel>, #tpu.dimension_semantics<subcore_parallel>], iteration_bounds = array<i64: 2, 16>, scalar_prefetch = 0 : i64, scratch_operands = 6 : i64, tpu.core_type = #tpu.core_type<sc_vector_subcore>, window_params = [{transform_indices = #map}, {transform_indices = #map}, {transform_indices = #map1}, {transform_indices = #map1}, {transform_indices = #map1}, {transform_indices = #map1}]} {
    %mul3A = arith.constant 16 : i32
    %mul3A_0 = arith.muli %arg0, %mul3A : i32
    %add3A = arith.addi %mul3A_0, %arg1 : i32
    "tpu.region"() ({
      %run_scoped3A = tpu.sem_alloc : memref<!tpu.dma_semaphore, #tpu.memory_space<semaphore_mem>>
      %dma_start3A = arith.constant 0 : i32
      %dma_start3A_7 = arith.constant 0 : i32
      %dma_start3A_8 = tpu.memref_slice %arg4[%add3A, %dma_start3A, %dma_start3A_7] : memref<32x196x128xi32, #tpu.memory_space<hbm>> -> memref<1x196x128xi32, #tpu.memory_space<hbm>>
      %dma_start3A_9 = tpu.memref_squeeze %dma_start3A_8 : memref<1x196x128xi32, #tpu.memory_space<hbm>> -> memref<196x128xi32, #tpu.memory_space<hbm>>
      %dma_start3A_10 = arith.constant 0 : i32
      %dma_start3A_11 = arith.constant 0 : i32
      %dma_start3A_12 = tpu.memref_slice %arg4[%add3A, %dma_start3A_10, %dma_start3A_11] : memref<32x196x128xi32, #tpu.memory_space<hbm>> -> memref<1x196x128xi32, #tpu.memory_space<hbm>>
      %dma_start3A_13 = tpu.memref_squeeze %dma_start3A_12 : memref<1x196x128xi32, #tpu.memory_space<hbm>> -> memref<196x128xi32, #tpu.memory_space<hbm>>
      tpu.enqueue_dma source(%dma_start3A_13 : memref<196x128xi32, #tpu.memory_space<hbm>>) target(%arg8 : memref<196x128xi32, #tpu.memory_space<vmem>>) target_semaphore(%run_scoped3A : memref<!tpu.dma_semaphore, #tpu.memory_space<semaphore_mem>>)
      %dma_wait3A = arith.constant 0 : i32
      %dma_wait3A_14 = arith.constant 0 : i32
      %dma_wait3A_15 = tpu.memref_slice %arg4[%add3A, %dma_wait3A, %dma_wait3A_14] : memref<32x196x128xi32, #tpu.memory_space<hbm>> -> memref<1x196x128xi32, #tpu.memory_space<hbm>>
      %dma_wait3A_16 = tpu.memref_squeeze %dma_wait3A_15 : memref<1x196x128xi32, #tpu.memory_space<hbm>> -> memref<196x128xi32, #tpu.memory_space<hbm>>
      %dma_wait3A_17 = arith.constant 0 : i32
      %dma_wait3A_18 = arith.constant 0 : i32
      %dma_wait3A_19 = tpu.memref_slice %arg4[%add3A, %dma_wait3A_17, %dma_wait3A_18] : memref<32x196x128xi32, #tpu.memory_space<hbm>> -> memref<1x196x128xi32, #tpu.memory_space<hbm>>
      %dma_wait3A_20 = tpu.memref_squeeze %dma_wait3A_19 : memref<1x196x128xi32, #tpu.memory_space<hbm>> -> memref<196x128xi32, #tpu.memory_space<hbm>>
      tpu.wait_dma2 semaphore(%run_scoped3A : memref<!tpu.dma_semaphore, #tpu.memory_space<semaphore_mem>>) src(%dma_wait3A_20 : memref<196x128xi32, #tpu.memory_space<hbm>>) dst(%arg8 : memref<196x128xi32, #tpu.memory_space<vmem>>)
      tpu.yield
    }) : () -> ()
    "tpu.region"() ({
      %run_scoped3A = tpu.sem_alloc : memref<!tpu.dma_semaphore, #tpu.memory_space<semaphore_mem>>
      %dma_start3A = arith.constant 0 : i32
      %dma_start3A_7 = arith.constant 0 : i32
      %dma_start3A_8 = tpu.memref_slice %arg5[%add3A, %dma_start3A, %dma_start3A_7] : memref<32x196x128xi32, #tpu.memory_space<hbm>> -> memref<1x196x128xi32, #tpu.memory_space<hbm>>
      %dma_start3A_9 = tpu.memref_squeeze %dma_start3A_8 : memref<1x196x128xi32, #tpu.memory_space<hbm>> -> memref<196x128xi32, #tpu.memory_space<hbm>>
      %dma_start3A_10 = arith.constant 0 : i32
      %dma_start3A_11 = arith.constant 0 : i32
      %dma_start3A_12 = tpu.memref_slice %arg5[%add3A, %dma_start3A_10, %dma_start3A_11] : memref<32x196x128xi32, #tpu.memory_space<hbm>> -> memref<1x196x128xi32, #tpu.memory_space<hbm>>
      %dma_start3A_13 = tpu.memref_squeeze %dma_start3A_12 : memref<1x196x128xi32, #tpu.memory_space<hbm>> -> memref<196x128xi32, #tpu.memory_space<hbm>>
      tpu.enqueue_dma source(%dma_start3A_13 : memref<196x128xi32, #tpu.memory_space<hbm>>) target(%arg9 : memref<196x128xi32, #tpu.memory_space<vmem>>) target_semaphore(%run_scoped3A : memref<!tpu.dma_semaphore, #tpu.memory_space<semaphore_mem>>)
      %dma_wait3A = arith.constant 0 : i32
      %dma_wait3A_14 = arith.constant 0 : i32
      %dma_wait3A_15 = tpu.memref_slice %arg5[%add3A, %dma_wait3A, %dma_wait3A_14] : memref<32x196x128xi32, #tpu.memory_space<hbm>> -> memref<1x196x128xi32, #tpu.memory_space<hbm>>
      %dma_wait3A_16 = tpu.memref_squeeze %dma_wait3A_15 : memref<1x196x128xi32, #tpu.memory_space<hbm>> -> memref<196x128xi32, #tpu.memory_space<hbm>>
      %dma_wait3A_17 = arith.constant 0 : i32
      %dma_wait3A_18 = arith.constant 0 : i32
      %dma_wait3A_19 = tpu.memref_slice %arg5[%add3A, %dma_wait3A_17, %dma_wait3A_18] : memref<32x196x128xi32, #tpu.memory_space<hbm>> -> memref<1x196x128xi32, #tpu.memory_space<hbm>>
      %dma_wait3A_20 = tpu.memref_squeeze %dma_wait3A_19 : memref<1x196x128xi32, #tpu.memory_space<hbm>> -> memref<196x128xi32, #tpu.memory_space<hbm>>
      tpu.wait_dma2 semaphore(%run_scoped3A : memref<!tpu.dma_semaphore, #tpu.memory_space<semaphore_mem>>) src(%dma_wait3A_20 : memref<196x128xi32, #tpu.memory_space<hbm>>) dst(%arg9 : memref<196x128xi32, #tpu.memory_space<vmem>>)
      tpu.yield
    }) : () -> ()
    %scan3A = arith.constant 0 : i32
    %scan3A_1 = arith.constant 0 : i32
    %scan3A_2 = arith.constant 196 : i32
    %scan3A_3 = arith.addi %scan3A_1, %scan3A_2 : i32
    %scan3A_4 = arith.constant 1 : i32
    %scan3A_5 = scf.for %scan3A_7 = %scan3A_1 to %scan3A_3 step %scan3A_4 iter_args(%scan3A_8 = %scan3A) -> (i32)  : i32 {
      %dma_start3A = arith.constant 0 : i32
      %dma_start3A_9 = tpu.memref_slice %arg8[%scan3A_7, %dma_start3A] : memref<196x128xi32, #tpu.memory_space<vmem>> -> memref<1x128xi32, #tpu.memory_space<vmem>>
      %dma_start3A_10 = tpu.memref_squeeze %dma_start3A_9 : memref<1x128xi32, #tpu.memory_space<vmem>> -> memref<128xi32, #tpu.memory_space<vmem>>
      %dma_start3A_11 = arith.constant 0 : i32
      %dma_start3A_12 = tpu.memref_slice %arg2[%dma_start3A_11] : memref<50048xi32, #tpu.memory_space<hbm>> -> memref<50048xi32, #tpu.memory_space<hbm>>
      tpu.enqueue_indirect_dma source(%dma_start3A_12 : memref<50048xi32, #tpu.memory_space<hbm>>) target(%arg10 : memref<128xi32, #tpu.memory_space<vmem>>) offsets(%dma_start3A_10 : memref<128xi32, #tpu.memory_space<vmem>>) semaphore(%arg12 : memref<!tpu.dma_semaphore, #tpu.memory_space<semaphore_mem>>)
      %dma_start3A_13 = arith.constant 0 : i32
      %dma_start3A_14 = tpu.memref_slice %arg9[%scan3A_7, %dma_start3A_13] : memref<196x128xi32, #tpu.memory_space<vmem>> -> memref<1x128xi32, #tpu.memory_space<vmem>>
      %dma_start3A_15 = tpu.memref_squeeze %dma_start3A_14 : memref<1x128xi32, #tpu.memory_space<vmem>> -> memref<128xi32, #tpu.memory_space<vmem>>
      %dma_start3A_16 = arith.constant 0 : i32
      %dma_start3A_17 = tpu.memref_slice %arg3[%dma_start3A_16] : memref<50048xi32, #tpu.memory_space<hbm>> -> memref<50048xi32, #tpu.memory_space<hbm>>
      tpu.enqueue_indirect_dma source(%dma_start3A_17 : memref<50048xi32, #tpu.memory_space<hbm>>) target(%arg11 : memref<128xi32, #tpu.memory_space<vmem>>) offsets(%dma_start3A_15 : memref<128xi32, #tpu.memory_space<vmem>>) semaphore(%arg13 : memref<!tpu.dma_semaphore, #tpu.memory_space<semaphore_mem>>)
      %dma_wait3A = arith.constant 0 : i32
      %dma_wait3A_18 = tpu.memref_slice %arg8[%scan3A_7, %dma_wait3A] : memref<196x128xi32, #tpu.memory_space<vmem>> -> memref<1x128xi32, #tpu.memory_space<vmem>>
      %dma_wait3A_19 = tpu.memref_squeeze %dma_wait3A_18 : memref<1x128xi32, #tpu.memory_space<vmem>> -> memref<128xi32, #tpu.memory_space<vmem>>
      %dma_wait3A_20 = arith.constant 0 : i32
      %dma_wait3A_21 = tpu.memref_slice %arg2[%dma_wait3A_20] : memref<50048xi32, #tpu.memory_space<hbm>> -> memref<50048xi32, #tpu.memory_space<hbm>>
      tpu.wait_indirect_dma semaphore(%arg12 : memref<!tpu.dma_semaphore, #tpu.memory_space<semaphore_mem>>) src(%dma_wait3A_21 : memref<50048xi32, #tpu.memory_space<hbm>>) dst(%arg10 : memref<128xi32, #tpu.memory_space<vmem>>)
      %dma_wait3A_22 = arith.constant 0 : i32
      %dma_wait3A_23 = tpu.memref_slice %arg9[%scan3A_7, %dma_wait3A_22] : memref<196x128xi32, #tpu.memory_space<vmem>> -> memref<1x128xi32, #tpu.memory_space<vmem>>
      %dma_wait3A_24 = tpu.memref_squeeze %dma_wait3A_23 : memref<1x128xi32, #tpu.memory_space<vmem>> -> memref<128xi32, #tpu.memory_space<vmem>>
      %dma_wait3A_25 = arith.constant 0 : i32
      %dma_wait3A_26 = tpu.memref_slice %arg3[%dma_wait3A_25] : memref<50048xi32, #tpu.memory_space<hbm>> -> memref<50048xi32, #tpu.memory_space<hbm>>
      tpu.wait_indirect_dma semaphore(%arg13 : memref<!tpu.dma_semaphore, #tpu.memory_space<semaphore_mem>>) src(%dma_wait3A_26 : memref<50048xi32, #tpu.memory_space<hbm>>) dst(%arg11 : memref<128xi32, #tpu.memory_space<vmem>>)
      "tpu.region"() ({
        %run_scoped3A = tpu.sem_alloc : memref<!tpu.dma_semaphore, #tpu.memory_space<semaphore_mem>>
        %dma_start3A_28 = arith.constant 0 : i32
        %dma_start3A_29 = tpu.memref_slice %arg6[%add3A, %scan3A_7, %dma_start3A_28] : memref<32x196x128xi32, #tpu.memory_space<hbm>> -> memref<1x1x128xi32, #tpu.memory_space<hbm>>
        %dma_start3A_30 = tpu.memref_squeeze %dma_start3A_29 : memref<1x1x128xi32, #tpu.memory_space<hbm>> -> memref<128xi32, #tpu.memory_space<hbm>>
        %dma_start3A_31 = arith.constant 0 : i32
        %dma_start3A_32 = tpu.memref_slice %arg6[%add3A, %scan3A_7, %dma_start3A_31] : memref<32x196x128xi32, #tpu.memory_space<hbm>> -> memref<1x1x128xi32, #tpu.memory_space<hbm>>
        %dma_start3A_33 = tpu.memref_squeeze %dma_start3A_32 : memref<1x1x128xi32, #tpu.memory_space<hbm>> -> memref<128xi32, #tpu.memory_space<hbm>>
        tpu.enqueue_dma source(%arg10 : memref<128xi32, #tpu.memory_space<vmem>>) target(%dma_start3A_33 : memref<128xi32, #tpu.memory_space<hbm>>) target_semaphore(%run_scoped3A : memref<!tpu.dma_semaphore, #tpu.memory_space<semaphore_mem>>)
        %dma_wait3A_34 = arith.constant 0 : i32
        %dma_wait3A_35 = tpu.memref_slice %arg6[%add3A, %scan3A_7, %dma_wait3A_34] : memref<32x196x128xi32, #tpu.memory_space<hbm>> -> memref<1x1x128xi32, #tpu.memory_space<hbm>>
        %dma_wait3A_36 = tpu.memref_squeeze %dma_wait3A_35 : memref<1x1x128xi32, #tpu.memory_space<hbm>> -> memref<128xi32, #tpu.memory_space<hbm>>
        %dma_wait3A_37 = arith.constant 0 : i32
        %dma_wait3A_38 = tpu.memref_slice %arg6[%add3A, %scan3A_7, %dma_wait3A_37] : memref<32x196x128xi32, #tpu.memory_space<hbm>> -> memref<1x1x128xi32, #tpu.memory_space<hbm>>
        %dma_wait3A_39 = tpu.memref_squeeze %dma_wait3A_38 : memref<1x1x128xi32, #tpu.memory_space<hbm>> -> memref<128xi32, #tpu.memory_space<hbm>>
        tpu.wait_dma2 semaphore(%run_scoped3A : memref<!tpu.dma_semaphore, #tpu.memory_space<semaphore_mem>>) src(%arg10 : memref<128xi32, #tpu.memory_space<vmem>>) dst(%dma_wait3A_39 : memref<128xi32, #tpu.memory_space<hbm>>)
        tpu.yield
      }) : () -> ()
      "tpu.region"() ({
        %run_scoped3A = tpu.sem_alloc : memref<!tpu.dma_semaphore, #tpu.memory_space<semaphore_mem>>
        %dma_start3A_28 = arith.constant 0 : i32
        %dma_start3A_29 = tpu.memref_slice %arg7[%add3A, %scan3A_7, %dma_start3A_28] : memref<32x196x128xi32, #tpu.memory_space<hbm>> -> memref<1x1x128xi32, #tpu.memory_space<hbm>>
        %dma_start3A_30 = tpu.memref_squeeze %dma_start3A_29 : memref<1x1x128xi32, #tpu.memory_space<hbm>> -> memref<128xi32, #tpu.memory_space<hbm>>
        %dma_start3A_31 = arith.constant 0 : i32
        %dma_start3A_32 = tpu.memref_slice %arg7[%add3A, %scan3A_7, %dma_start3A_31] : memref<32x196x128xi32, #tpu.memory_space<hbm>> -> memref<1x1x128xi32, #tpu.memory_space<hbm>>
        %dma_start3A_33 = tpu.memref_squeeze %dma_start3A_32 : memref<1x1x128xi32, #tpu.memory_space<hbm>> -> memref<128xi32, #tpu.memory_space<hbm>>
        tpu.enqueue_dma source(%arg11 : memref<128xi32, #tpu.memory_space<vmem>>) target(%dma_start3A_33 : memref<128xi32, #tpu.memory_space<hbm>>) target_semaphore(%run_scoped3A : memref<!tpu.dma_semaphore, #tpu.memory_space<semaphore_mem>>)
        %dma_wait3A_34 = arith.constant 0 : i32
        %dma_wait3A_35 = tpu.memref_slice %arg7[%add3A, %scan3A_7, %dma_wait3A_34] : memref<32x196x128xi32, #tpu.memory_space<hbm>> -> memref<1x1x128xi32, #tpu.memory_space<hbm>>
        %dma_wait3A_36 = tpu.memref_squeeze %dma_wait3A_35 : memref<1x1x128xi32, #tpu.memory_space<hbm>> -> memref<128xi32, #tpu.memory_space<hbm>>
        %dma_wait3A_37 = arith.constant 0 : i32
        %dma_wait3A_38 = tpu.memref_slice %arg7[%add3A, %scan3A_7, %dma_wait3A_37] : memref<32x196x128xi32, #tpu.memory_space<hbm>> -> memref<1x1x128xi32, #tpu.memory_space<hbm>>
        %dma_wait3A_39 = tpu.memref_squeeze %dma_wait3A_38 : memref<1x1x128xi32, #tpu.memory_space<hbm>> -> memref<128xi32, #tpu.memory_space<hbm>>
        tpu.wait_dma2 semaphore(%run_scoped3A : memref<!tpu.dma_semaphore, #tpu.memory_space<semaphore_mem>>) src(%arg11 : memref<128xi32, #tpu.memory_space<vmem>>) dst(%dma_wait3A_39 : memref<128xi32, #tpu.memory_space<hbm>>)
        tpu.yield
      }) : () -> ()
      %scan3A_27 = arith.constant 0 : i32
      scf.yield %scan3A_27 : i32
    }
    %scan3A_6 = arith.constant 196 : i32
    return
  }
}

#map = affine_map<(d0, d1) -> (0, 0, 0)>
#map1 = affine_map<(d0, d1) -> (0)>
module attributes {stable_mosaic.version = 14 : i64} {
  func.func @_count_body(%arg0: i32, %arg1: i32, %arg2: memref<32x196x128xi32, #tpu.memory_space<hbm>>, %arg3: memref<102400xi32, #tpu.memory_space<hbm>>, %arg4: memref<196x128xi32, #tpu.memory_space<vmem>>, %arg5: memref<128xi32, #tpu.memory_space<vmem>>, %arg6: memref<12800xi32, #tpu.memory_space<vmem>>, %arg7: memref<51200xi32, #tpu.memory_space<vmem_shared>>) attributes {dimension_semantics = [#tpu.dimension_semantics<core_parallel>, #tpu.dimension_semantics<subcore_parallel>], iteration_bounds = array<i64: 2, 16>, scalar_prefetch = 0 : i64, scratch_operands = 4 : i64, tpu.core_type = #tpu.core_type<sc_vector_subcore>, window_params = [{transform_indices = #map}, {transform_indices = #map1}]} {
    %mul3A = arith.constant 16 : i32
    %mul3A_0 = arith.muli %arg0, %mul3A : i32
    %add3A = arith.addi %mul3A_0, %arg1 : i32
    "tpu.region"() ({
      %run_scoped3A = tpu.sem_alloc : memref<!tpu.dma_semaphore, #tpu.memory_space<semaphore_mem>>
      %dma_start3A = arith.constant 0 : i32
      %dma_start3A_63 = arith.constant 0 : i32
      %dma_start3A_64 = tpu.memref_slice %arg2[%add3A, %dma_start3A, %dma_start3A_63] : memref<32x196x128xi32, #tpu.memory_space<hbm>> -> memref<1x196x128xi32, #tpu.memory_space<hbm>>
      %dma_start3A_65 = tpu.memref_squeeze %dma_start3A_64 : memref<1x196x128xi32, #tpu.memory_space<hbm>> -> memref<196x128xi32, #tpu.memory_space<hbm>>
      %dma_start3A_66 = arith.constant 0 : i32
      %dma_start3A_67 = arith.constant 0 : i32
      %dma_start3A_68 = tpu.memref_slice %arg2[%add3A, %dma_start3A_66, %dma_start3A_67] : memref<32x196x128xi32, #tpu.memory_space<hbm>> -> memref<1x196x128xi32, #tpu.memory_space<hbm>>
      %dma_start3A_69 = tpu.memref_squeeze %dma_start3A_68 : memref<1x196x128xi32, #tpu.memory_space<hbm>> -> memref<196x128xi32, #tpu.memory_space<hbm>>
      tpu.enqueue_dma source(%dma_start3A_69 : memref<196x128xi32, #tpu.memory_space<hbm>>) target(%arg4 : memref<196x128xi32, #tpu.memory_space<vmem>>) target_semaphore(%run_scoped3A : memref<!tpu.dma_semaphore, #tpu.memory_space<semaphore_mem>>)
      %dma_wait3A = arith.constant 0 : i32
      %dma_wait3A_70 = arith.constant 0 : i32
      %dma_wait3A_71 = tpu.memref_slice %arg2[%add3A, %dma_wait3A, %dma_wait3A_70] : memref<32x196x128xi32, #tpu.memory_space<hbm>> -> memref<1x196x128xi32, #tpu.memory_space<hbm>>
      %dma_wait3A_72 = tpu.memref_squeeze %dma_wait3A_71 : memref<1x196x128xi32, #tpu.memory_space<hbm>> -> memref<196x128xi32, #tpu.memory_space<hbm>>
      %dma_wait3A_73 = arith.constant 0 : i32
      %dma_wait3A_74 = arith.constant 0 : i32
      %dma_wait3A_75 = tpu.memref_slice %arg2[%add3A, %dma_wait3A_73, %dma_wait3A_74] : memref<32x196x128xi32, #tpu.memory_space<hbm>> -> memref<1x196x128xi32, #tpu.memory_space<hbm>>
      %dma_wait3A_76 = tpu.memref_squeeze %dma_wait3A_75 : memref<1x196x128xi32, #tpu.memory_space<hbm>> -> memref<196x128xi32, #tpu.memory_space<hbm>>
      tpu.wait_dma2 semaphore(%run_scoped3A : memref<!tpu.dma_semaphore, #tpu.memory_space<semaphore_mem>>) src(%dma_wait3A_76 : memref<196x128xi32, #tpu.memory_space<hbm>>) dst(%arg4 : memref<196x128xi32, #tpu.memory_space<vmem>>)
      tpu.yield
    }) : () -> ()
    %broadcast_in_dim3A = arith.constant 1 : i32
    %broadcast_in_dim3A_1 = vector.broadcast %broadcast_in_dim3A : i32 to vector<16xi32>
    %swap3A = arith.constant 0 : index
    %swap3A_2 = tpu.vector_load %arg5[%swap3A] {strides = array<i32>} : memref<128xi32, #tpu.memory_space<vmem>>, vector<16xi32>,
    %swap3A_3 = vector.shape_cast %swap3A_2 : vector<16xi32> to vector<16xi32>
    %swap3A_4 = vector.shape_cast %broadcast_in_dim3A_1 : vector<16xi32> to vector<16xi32>
    tpu.vector_store %arg5[%swap3A], %swap3A_4 {strides = array<i32>} : memref<128xi32, #tpu.memory_space<vmem>>, vector<16xi32>,
    %broadcast_in_dim3A_5 = arith.constant 1 : i32
    %broadcast_in_dim3A_6 = vector.broadcast %broadcast_in_dim3A_5 : i32 to vector<16xi32>
    %swap3A_7 = arith.constant 16 : index
    %swap3A_8 = tpu.vector_load %arg5[%swap3A_7] {strides = array<i32>} : memref<128xi32, #tpu.memory_space<vmem>>, vector<16xi32>,
    %swap3A_9 = vector.shape_cast %swap3A_8 : vector<16xi32> to vector<16xi32>
    %swap3A_10 = vector.shape_cast %broadcast_in_dim3A_6 : vector<16xi32> to vector<16xi32>
    tpu.vector_store %arg5[%swap3A_7], %swap3A_10 {strides = array<i32>} : memref<128xi32, #tpu.memory_space<vmem>>, vector<16xi32>,
    %broadcast_in_dim3A_11 = arith.constant 1 : i32
    %broadcast_in_dim3A_12 = vector.broadcast %broadcast_in_dim3A_11 : i32 to vector<16xi32>
    %swap3A_13 = arith.constant 32 : index
    %swap3A_14 = tpu.vector_load %arg5[%swap3A_13] {strides = array<i32>} : memref<128xi32, #tpu.memory_space<vmem>>, vector<16xi32>,
    %swap3A_15 = vector.shape_cast %swap3A_14 : vector<16xi32> to vector<16xi32>
    %swap3A_16 = vector.shape_cast %broadcast_in_dim3A_12 : vector<16xi32> to vector<16xi32>
    tpu.vector_store %arg5[%swap3A_13], %swap3A_16 {strides = array<i32>} : memref<128xi32, #tpu.memory_space<vmem>>, vector<16xi32>,
    %broadcast_in_dim3A_17 = arith.constant 1 : i32
    %broadcast_in_dim3A_18 = vector.broadcast %broadcast_in_dim3A_17 : i32 to vector<16xi32>
    %swap3A_19 = arith.constant 48 : index
    %swap3A_20 = tpu.vector_load %arg5[%swap3A_19] {strides = array<i32>} : memref<128xi32, #tpu.memory_space<vmem>>, vector<16xi32>,
    %swap3A_21 = vector.shape_cast %swap3A_20 : vector<16xi32> to vector<16xi32>
    %swap3A_22 = vector.shape_cast %broadcast_in_dim3A_18 : vector<16xi32> to vector<16xi32>
    tpu.vector_store %arg5[%swap3A_19], %swap3A_22 {strides = array<i32>} : memref<128xi32, #tpu.memory_space<vmem>>, vector<16xi32>,
    %broadcast_in_dim3A_23 = arith.constant 1 : i32
    %broadcast_in_dim3A_24 = vector.broadcast %broadcast_in_dim3A_23 : i32 to vector<16xi32>
    %swap3A_25 = arith.constant 64 : index
    %swap3A_26 = tpu.vector_load %arg5[%swap3A_25] {strides = array<i32>} : memref<128xi32, #tpu.memory_space<vmem>>, vector<16xi32>,
    %swap3A_27 = vector.shape_cast %swap3A_26 : vector<16xi32> to vector<16xi32>
    %swap3A_28 = vector.shape_cast %broadcast_in_dim3A_24 : vector<16xi32> to vector<16xi32>
    tpu.vector_store %arg5[%swap3A_25], %swap3A_28 {strides = array<i32>} : memref<128xi32, #tpu.memory_space<vmem>>, vector<16xi32>,
    %broadcast_in_dim3A_29 = arith.constant 1 : i32
    %broadcast_in_dim3A_30 = vector.broadcast %broadcast_in_dim3A_29 : i32 to vector<16xi32>
    %swap3A_31 = arith.constant 80 : index
    %swap3A_32 = tpu.vector_load %arg5[%swap3A_31] {strides = array<i32>} : memref<128xi32, #tpu.memory_space<vmem>>, vector<16xi32>,
    %swap3A_33 = vector.shape_cast %swap3A_32 : vector<16xi32> to vector<16xi32>
    %swap3A_34 = vector.shape_cast %broadcast_in_dim3A_30 : vector<16xi32> to vector<16xi32>
    tpu.vector_store %arg5[%swap3A_31], %swap3A_34 {strides = array<i32>} : memref<128xi32, #tpu.memory_space<vmem>>, vector<16xi32>,
    %broadcast_in_dim3A_35 = arith.constant 1 : i32
    %broadcast_in_dim3A_36 = vector.broadcast %broadcast_in_dim3A_35 : i32 to vector<16xi32>
    %swap3A_37 = arith.constant 96 : index
    %swap3A_38 = tpu.vector_load %arg5[%swap3A_37] {strides = array<i32>} : memref<128xi32, #tpu.memory_space<vmem>>, vector<16xi32>,
    %swap3A_39 = vector.shape_cast %swap3A_38 : vector<16xi32> to vector<16xi32>
    %swap3A_40 = vector.shape_cast %broadcast_in_dim3A_36 : vector<16xi32> to vector<16xi32>
    tpu.vector_store %arg5[%swap3A_37], %swap3A_40 {strides = array<i32>} : memref<128xi32, #tpu.memory_space<vmem>>, vector<16xi32>,
    %broadcast_in_dim3A_41 = arith.constant 1 : i32
    %broadcast_in_dim3A_42 = vector.broadcast %broadcast_in_dim3A_41 : i32 to vector<16xi32>
    %swap3A_43 = arith.constant 112 : index
    %swap3A_44 = tpu.vector_load %arg5[%swap3A_43] {strides = array<i32>} : memref<128xi32, #tpu.memory_space<vmem>>, vector<16xi32>,
    %swap3A_45 = vector.shape_cast %swap3A_44 : vector<16xi32> to vector<16xi32>
    %swap3A_46 = vector.shape_cast %broadcast_in_dim3A_42 : vector<16xi32> to vector<16xi32>
    tpu.vector_store %arg5[%swap3A_43], %swap3A_46 {strides = array<i32>} : memref<128xi32, #tpu.memory_space<vmem>>, vector<16xi32>,
    %eq3A = arith.constant 0 : i32
    %eq3A_47 = arith.cmpi eq, %arg1, %eq3A : i32
    %convert_element_type3A = arith.extui %eq3A_47 : i1 to i32
    %cond3A = arith.constant 0 : i32
    %cond3A_48 = arith.cmpi ne, %convert_element_type3A, %cond3A : i32
    scf.if %cond3A_48 {
      %scan3A_63 = arith.constant 0 : i32
      %scan3A_64 = arith.constant 0 : i32
      %scan3A_65 = arith.constant 800 : i32
      %scan3A_66 = arith.addi %scan3A_64, %scan3A_65 : i32
      %scan3A_67 = arith.constant 1 : i32
      %scan3A_68 = scf.for %scan3A_70 = %scan3A_64 to %scan3A_66 step %scan3A_67 iter_args(%scan3A_71 = %scan3A_63) -> (i32)  : i32 {
        %broadcast_in_dim3A_72 = arith.constant 0 : i32
        %broadcast_in_dim3A_73 = vector.broadcast %broadcast_in_dim3A_72 : i32 to vector<16xi32>
        %mul3A_74 = arith.constant 16 : i32
        %mul3A_75 = arith.muli %scan3A_70, %mul3A_74 : i32
        %swap3A_76 = arith.index_cast %mul3A_75 : i32 to index
        %swap3A_77 = tpu.vector_load %arg6[%swap3A_76] {strides = array<i32>} : memref<12800xi32, #tpu.memory_space<vmem>>, vector<16xi32>,
        %swap3A_78 = vector.shape_cast %swap3A_77 : vector<16xi32> to vector<16xi32>
        %swap3A_79 = vector.shape_cast %broadcast_in_dim3A_73 : vector<16xi32> to vector<16xi32>
        tpu.vector_store %arg6[%swap3A_76], %swap3A_79 {strides = array<i32>} : memref<12800xi32, #tpu.memory_space<vmem>>, vector<16xi32>,
        %scan3A_80 = arith.constant 0 : i32
        scf.yield %scan3A_80 : i32
      }
      %scan3A_69 = arith.constant 800 : i32
      "tpu.region"() ({
        %run_scoped3A = tpu.sem_alloc : memref<!tpu.dma_semaphore, #tpu.memory_space<semaphore_mem>>
        %dma_start3A = arith.constant 0 : i32
        %dma_start3A_70 = tpu.memref_slice %arg7[%dma_start3A] : memref<51200xi32, #tpu.memory_space<vmem_shared>> -> memref<12800xi32, #tpu.memory_space<vmem_shared>>
        %dma_start3A_71 = arith.constant 0 : i32
        %dma_start3A_72 = tpu.memref_slice %arg7[%dma_start3A_71] : memref<51200xi32, #tpu.memory_space<vmem_shared>> -> memref<12800xi32, #tpu.memory_space<vmem_shared>>
        tpu.enqueue_dma source(%arg6 : memref<12800xi32, #tpu.memory_space<vmem>>) target(%dma_start3A_72 : memref<12800xi32, #tpu.memory_space<vmem_shared>>) target_semaphore(%run_scoped3A : memref<!tpu.dma_semaphore, #tpu.memory_space<semaphore_mem>>)
        %dma_wait3A = arith.constant 0 : i32
        %dma_wait3A_73 = tpu.memref_slice %arg7[%dma_wait3A] : memref<51200xi32, #tpu.memory_space<vmem_shared>> -> memref<12800xi32, #tpu.memory_space<vmem_shared>>
        %dma_wait3A_74 = arith.constant 0 : i32
        %dma_wait3A_75 = tpu.memref_slice %arg7[%dma_wait3A_74] : memref<51200xi32, #tpu.memory_space<vmem_shared>> -> memref<12800xi32, #tpu.memory_space<vmem_shared>>
        tpu.wait_dma2 semaphore(%run_scoped3A : memref<!tpu.dma_semaphore, #tpu.memory_space<semaphore_mem>>) src(%arg6 : memref<12800xi32, #tpu.memory_space<vmem>>) dst(%dma_wait3A_75 : memref<12800xi32, #tpu.memory_space<vmem_shared>>)
        tpu.yield
      }) : () -> ()
      "tpu.region"() ({
        %run_scoped3A = tpu.sem_alloc : memref<!tpu.dma_semaphore, #tpu.memory_space<semaphore_mem>>
        %dma_start3A = arith.constant 12800 : i32
        %dma_start3A_70 = tpu.memref_slice %arg7[%dma_start3A] : memref<51200xi32, #tpu.memory_space<vmem_shared>> -> memref<12800xi32, #tpu.memory_space<vmem_shared>>
        %dma_start3A_71 = arith.constant 12800 : i32
        %dma_start3A_72 = tpu.memref_slice %arg7[%dma_start3A_71] : memref<51200xi32, #tpu.memory_space<vmem_shared>> -> memref<12800xi32, #tpu.memory_space<vmem_shared>>
        tpu.enqueue_dma source(%arg6 : memref<12800xi32, #tpu.memory_space<vmem>>) target(%dma_start3A_72 : memref<12800xi32, #tpu.memory_space<vmem_shared>>) target_semaphore(%run_scoped3A : memref<!tpu.dma_semaphore, #tpu.memory_space<semaphore_mem>>)
        %dma_wait3A = arith.constant 12800 : i32
        %dma_wait3A_73 = tpu.memref_slice %arg7[%dma_wait3A] : memref<51200xi32, #tpu.memory_space<vmem_shared>> -> memref<12800xi32, #tpu.memory_space<vmem_shared>>
        %dma_wait3A_74 = arith.constant 12800 : i32
        %dma_wait3A_75 = tpu.memref_slice %arg7[%dma_wait3A_74] : memref<51200xi32, #tpu.memory_space<vmem_shared>> -> memref<12800xi32, #tpu.memory_space<vmem_shared>>
        tpu.wait_dma2 semaphore(%run_scoped3A : memref<!tpu.dma_semaphore, #tpu.memory_space<semaphore_mem>>) src(%arg6 : memref<12800xi32, #tpu.memory_space<vmem>>) dst(%dma_wait3A_75 : memref<12800xi32, #tpu.memory_space<vmem_shared>>)
        tpu.yield
      }) : () -> ()
      "tpu.region"() ({
        %run_scoped3A = tpu.sem_alloc : memref<!tpu.dma_semaphore, #tpu.memory_space<semaphore_mem>>
        %dma_start3A = arith.constant 25600 : i32
        %dma_start3A_70 = tpu.memref_slice %arg7[%dma_start3A] : memref<51200xi32, #tpu.memory_space<vmem_shared>> -> memref<12800xi32, #tpu.memory_space<vmem_shared>>
        %dma_start3A_71 = arith.constant 25600 : i32
        %dma_start3A_72 = tpu.memref_slice %arg7[%dma_start3A_71] : memref<51200xi32, #tpu.memory_space<vmem_shared>> -> memref<12800xi32, #tpu.memory_space<vmem_shared>>
        tpu.enqueue_dma source(%arg6 : memref<12800xi32, #tpu.memory_space<vmem>>) target(%dma_start3A_72 : memref<12800xi32, #tpu.memory_space<vmem_shared>>) target_semaphore(%run_scoped3A : memref<!tpu.dma_semaphore, #tpu.memory_space<semaphore_mem>>)
        %dma_wait3A = arith.constant 25600 : i32
        %dma_wait3A_73 = tpu.memref_slice %arg7[%dma_wait3A] : memref<51200xi32, #tpu.memory_space<vmem_shared>> -> memref<12800xi32, #tpu.memory_space<vmem_shared>>
        %dma_wait3A_74 = arith.constant 25600 : i32
        %dma_wait3A_75 = tpu.memref_slice %arg7[%dma_wait3A_74] : memref<51200xi32, #tpu.memory_space<vmem_shared>> -> memref<12800xi32, #tpu.memory_space<vmem_shared>>
        tpu.wait_dma2 semaphore(%run_scoped3A : memref<!tpu.dma_semaphore, #tpu.memory_space<semaphore_mem>>) src(%arg6 : memref<12800xi32, #tpu.memory_space<vmem>>) dst(%dma_wait3A_75 : memref<12800xi32, #tpu.memory_space<vmem_shared>>)
        tpu.yield
      }) : () -> ()
      "tpu.region"() ({
        %run_scoped3A = tpu.sem_alloc : memref<!tpu.dma_semaphore, #tpu.memory_space<semaphore_mem>>
        %dma_start3A = arith.constant 38400 : i32
        %dma_start3A_70 = tpu.memref_slice %arg7[%dma_start3A] : memref<51200xi32, #tpu.memory_space<vmem_shared>> -> memref<12800xi32, #tpu.memory_space<vmem_shared>>
        %dma_start3A_71 = arith.constant 38400 : i32
        %dma_start3A_72 = tpu.memref_slice %arg7[%dma_start3A_71] : memref<51200xi32, #tpu.memory_space<vmem_shared>> -> memref<12800xi32, #tpu.memory_space<vmem_shared>>
        tpu.enqueue_dma source(%arg6 : memref<12800xi32, #tpu.memory_space<vmem>>) target(%dma_start3A_72 : memref<12800xi32, #tpu.memory_space<vmem_shared>>) target_semaphore(%run_scoped3A : memref<!tpu.dma_semaphore, #tpu.memory_space<semaphore_mem>>)
        %dma_wait3A = arith.constant 38400 : i32
        %dma_wait3A_73 = tpu.memref_slice %arg7[%dma_wait3A] : memref<51200xi32, #tpu.memory_space<vmem_shared>> -> memref<12800xi32, #tpu.memory_space<vmem_shared>>
        %dma_wait3A_74 = arith.constant 38400 : i32
        %dma_wait3A_75 = tpu.memref_slice %arg7[%dma_wait3A_74] : memref<51200xi32, #tpu.memory_space<vmem_shared>> -> memref<12800xi32, #tpu.memory_space<vmem_shared>>
        tpu.wait_dma2 semaphore(%run_scoped3A : memref<!tpu.dma_semaphore, #tpu.memory_space<semaphore_mem>>) src(%arg6 : memref<12800xi32, #tpu.memory_space<vmem>>) dst(%dma_wait3A_75 : memref<12800xi32, #tpu.memory_space<vmem_shared>>)
        tpu.yield
      }) : () -> ()
    } else {
    }
    %barrier3A = arith.constant 0 : index
    tpu.barrier barrier_id(%barrier3A)
    %scan3A = arith.constant 0 : i32
    %scan3A_49 = arith.constant 0 : i32
    %scan3A_50 = arith.constant 196 : i32
    %scan3A_51 = arith.addi %scan3A_49, %scan3A_50 : i32
    %scan3A_52 = arith.constant 1 : i32
    %scan3A_53 = scf.for %scan3A_63 = %scan3A_49 to %scan3A_51 step %scan3A_52 iter_args(%scan3A_64 = %scan3A) -> (i32)  : i32 {
      "tpu.region"() ({
        %run_scoped3A = tpu.sem_alloc : memref<!tpu.dma_semaphore, #tpu.memory_space<semaphore_mem>>
        %dma_start3A = arith.constant 0 : i32
        %dma_start3A_66 = tpu.memref_slice %arg4[%scan3A_63, %dma_start3A] : memref<196x128xi32, #tpu.memory_space<vmem>> -> memref<1x128xi32, #tpu.memory_space<vmem>>
        %dma_start3A_67 = tpu.memref_squeeze %dma_start3A_66 : memref<1x128xi32, #tpu.memory_space<vmem>> -> memref<128xi32, #tpu.memory_space<vmem>>
        %dma_start3A_68 = arith.constant 0 : i32
        %dma_start3A_69 = tpu.memref_slice %arg7[%dma_start3A_68] : memref<51200xi32, #tpu.memory_space<vmem_shared>> -> memref<51200xi32, #tpu.memory_space<vmem_shared>>
        tpu.enqueue_indirect_dma source(%arg5 : memref<128xi32, #tpu.memory_space<vmem>>) target(%dma_start3A_69 : memref<51200xi32, #tpu.memory_space<vmem_shared>>) offsets(%dma_start3A_67 : memref<128xi32, #tpu.memory_space<vmem>>) semaphore(%run_scoped3A : memref<!tpu.dma_semaphore, #tpu.memory_space<semaphore_mem>>) {add = true}
        %dma_wait3A = arith.constant 0 : i32
        %dma_wait3A_70 = tpu.memref_slice %arg4[%scan3A_63, %dma_wait3A] : memref<196x128xi32, #tpu.memory_space<vmem>> -> memref<1x128xi32, #tpu.memory_space<vmem>>
        %dma_wait3A_71 = tpu.memref_squeeze %dma_wait3A_70 : memref<1x128xi32, #tpu.memory_space<vmem>> -> memref<128xi32, #tpu.memory_space<vmem>>
        %dma_wait3A_72 = arith.constant 0 : i32
        %dma_wait3A_73 = tpu.memref_slice %arg7[%dma_wait3A_72] : memref<51200xi32, #tpu.memory_space<vmem_shared>> -> memref<51200xi32, #tpu.memory_space<vmem_shared>>
        tpu.wait_indirect_dma semaphore(%run_scoped3A : memref<!tpu.dma_semaphore, #tpu.memory_space<semaphore_mem>>) src(%arg5 : memref<128xi32, #tpu.memory_space<vmem>>) dst(%dma_wait3A_73 : memref<51200xi32, #tpu.memory_space<vmem_shared>>)
        tpu.yield
      }) : () -> ()
      %scan3A_65 = arith.constant 0 : i32
      scf.yield %scan3A_65 : i32
    }
    %scan3A_54 = arith.constant 196 : i32
    %barrier3A_55 = arith.constant 0 : index
    tpu.barrier barrier_id(%barrier3A_55)
    %mul3A_56 = arith.constant 3200 : i32
    %mul3A_57 = arith.muli %arg1, %mul3A_56 : i32
    %mul3A_58 = arith.constant 51200 : i32
    %mul3A_59 = arith.muli %arg0, %mul3A_58 : i32
    %mul3A_60 = arith.constant 3200 : i32
    %mul3A_61 = arith.muli %arg1, %mul3A_60 : i32
    %add3A_62 = arith.addi %mul3A_59, %mul3A_61 : i32
    "tpu.region"() ({
      %run_scoped3A = tpu.sem_alloc : memref<!tpu.dma_semaphore, #tpu.memory_space<semaphore_mem>>
      %dma_start3A = tpu.memref_slice %arg3[%add3A_62] : memref<102400xi32, #tpu.memory_space<hbm>> -> memref<3200xi32, #tpu.memory_space<hbm>>
      %dma_start3A_63 = tpu.memref_slice %arg7[%mul3A_57] : memref<51200xi32, #tpu.memory_space<vmem_shared>> -> memref<3200xi32, #tpu.memory_space<vmem_shared>>
      tpu.enqueue_dma source(%dma_start3A_63 : memref<3200xi32, #tpu.memory_space<vmem_shared>>) target(%dma_start3A : memref<3200xi32, #tpu.memory_space<hbm>>) target_semaphore(%run_scoped3A : memref<!tpu.dma_semaphore, #tpu.memory_space<semaphore_mem>>)
      %dma_wait3A = tpu.memref_slice %arg3[%add3A_62] : memref<102400xi32, #tpu.memory_space<hbm>> -> memref<3200xi32, #tpu.memory_space<hbm>>
      %dma_wait3A_64 = tpu.memref_slice %arg7[%mul3A_57] : memref<51200xi32, #tpu.memory_space<vmem_shared>> -> memref<3200xi32, #tpu.memory_space<vmem_shared>>
      tpu.wait_dma2 semaphore(%run_scoped3A : memref<!tpu.dma_semaphore, #tpu.memory_space<semaphore_mem>>) src(%dma_wait3A_64 : memref<3200xi32, #tpu.memory_space<vmem_shared>>) dst(%dma_wait3A : memref<3200xi32, #tpu.memory_space<hbm>>)
      tpu.yield
    }) : () -> ()
    return
  }
}

#map = affine_map<(d0, d1) -> (0, 0)>
#map1 = affine_map<(d0, d1) -> (0, 0, 0)>
#map2 = affine_map<(d0, d1) -> (0, 0, 0, 0)>
module attributes {stable_mosaic.version = 14 : i64} {
  func.func @_gather2_body(%arg0: i32, %arg1: i32, %arg2: memref<50000x128xf32, #tpu.memory_space<hbm>>, %arg3: memref<50000x128xf32, #tpu.memory_space<hbm>>, %arg4: memref<32x196x128xi32, #tpu.memory_space<hbm>>, %arg5: memref<32x196x128xi32, #tpu.memory_space<hbm>>, %arg6: memref<32x196x128x128xf32, #tpu.memory_space<hbm>>, %arg7: memref<32x196x128x128xf32, #tpu.memory_space<hbm>>, %arg8: memref<196x128xi32, #tpu.memory_space<vmem>>, %arg9: memref<196x128xi32, #tpu.memory_space<vmem>>, %arg10: memref<128x128xf32, #tpu.memory_space<vmem>>, %arg11: memref<128x128xf32, #tpu.memory_space<vmem>>, %arg12: memref<!tpu.dma_semaphore, #tpu.memory_space<semaphore_mem>>, %arg13: memref<!tpu.dma_semaphore, #tpu.memory_space<semaphore_mem>>) attributes {dimension_semantics = [#tpu.dimension_semantics<core_parallel>, #tpu.dimension_semantics<subcore_parallel>], iteration_bounds = array<i64: 2, 16>, scalar_prefetch = 0 : i64, scratch_operands = 6 : i64, tpu.core_type = #tpu.core_type<sc_vector_subcore>, window_params = [{transform_indices = #map}, {transform_indices = #map}, {transform_indices = #map1}, {transform_indices = #map1}, {transform_indices = #map2}, {transform_indices = #map2}]} {
    %mul3A = arith.constant 16 : i32
    %mul3A_0 = arith.muli %arg0, %mul3A : i32
    %add3A = arith.addi %mul3A_0, %arg1 : i32
    "tpu.region"() ({
      %run_scoped3A = tpu.sem_alloc : memref<!tpu.dma_semaphore, #tpu.memory_space<semaphore_mem>>
      %dma_start3A = arith.constant 0 : i32
      %dma_start3A_7 = arith.constant 0 : i32
      %dma_start3A_8 = tpu.memref_slice %arg4[%add3A, %dma_start3A, %dma_start3A_7] : memref<32x196x128xi32, #tpu.memory_space<hbm>> -> memref<1x196x128xi32, #tpu.memory_space<hbm>>
      %dma_start3A_9 = tpu.memref_squeeze %dma_start3A_8 : memref<1x196x128xi32, #tpu.memory_space<hbm>> -> memref<196x128xi32, #tpu.memory_space<hbm>>
      %dma_start3A_10 = arith.constant 0 : i32
      %dma_start3A_11 = arith.constant 0 : i32
      %dma_start3A_12 = tpu.memref_slice %arg4[%add3A, %dma_start3A_10, %dma_start3A_11] : memref<32x196x128xi32, #tpu.memory_space<hbm>> -> memref<1x196x128xi32, #tpu.memory_space<hbm>>
      %dma_start3A_13 = tpu.memref_squeeze %dma_start3A_12 : memref<1x196x128xi32, #tpu.memory_space<hbm>> -> memref<196x128xi32, #tpu.memory_space<hbm>>
      tpu.enqueue_dma source(%dma_start3A_13 : memref<196x128xi32, #tpu.memory_space<hbm>>) target(%arg8 : memref<196x128xi32, #tpu.memory_space<vmem>>) target_semaphore(%run_scoped3A : memref<!tpu.dma_semaphore, #tpu.memory_space<semaphore_mem>>)
      %dma_wait3A = arith.constant 0 : i32
      %dma_wait3A_14 = arith.constant 0 : i32
      %dma_wait3A_15 = tpu.memref_slice %arg4[%add3A, %dma_wait3A, %dma_wait3A_14] : memref<32x196x128xi32, #tpu.memory_space<hbm>> -> memref<1x196x128xi32, #tpu.memory_space<hbm>>
      %dma_wait3A_16 = tpu.memref_squeeze %dma_wait3A_15 : memref<1x196x128xi32, #tpu.memory_space<hbm>> -> memref<196x128xi32, #tpu.memory_space<hbm>>
      %dma_wait3A_17 = arith.constant 0 : i32
      %dma_wait3A_18 = arith.constant 0 : i32
      %dma_wait3A_19 = tpu.memref_slice %arg4[%add3A, %dma_wait3A_17, %dma_wait3A_18] : memref<32x196x128xi32, #tpu.memory_space<hbm>> -> memref<1x196x128xi32, #tpu.memory_space<hbm>>
      %dma_wait3A_20 = tpu.memref_squeeze %dma_wait3A_19 : memref<1x196x128xi32, #tpu.memory_space<hbm>> -> memref<196x128xi32, #tpu.memory_space<hbm>>
      tpu.wait_dma2 semaphore(%run_scoped3A : memref<!tpu.dma_semaphore, #tpu.memory_space<semaphore_mem>>) src(%dma_wait3A_20 : memref<196x128xi32, #tpu.memory_space<hbm>>) dst(%arg8 : memref<196x128xi32, #tpu.memory_space<vmem>>)
      tpu.yield
    }) : () -> ()
    "tpu.region"() ({
      %run_scoped3A = tpu.sem_alloc : memref<!tpu.dma_semaphore, #tpu.memory_space<semaphore_mem>>
      %dma_start3A = arith.constant 0 : i32
      %dma_start3A_7 = arith.constant 0 : i32
      %dma_start3A_8 = tpu.memref_slice %arg5[%add3A, %dma_start3A, %dma_start3A_7] : memref<32x196x128xi32, #tpu.memory_space<hbm>> -> memref<1x196x128xi32, #tpu.memory_space<hbm>>
      %dma_start3A_9 = tpu.memref_squeeze %dma_start3A_8 : memref<1x196x128xi32, #tpu.memory_space<hbm>> -> memref<196x128xi32, #tpu.memory_space<hbm>>
      %dma_start3A_10 = arith.constant 0 : i32
      %dma_start3A_11 = arith.constant 0 : i32
      %dma_start3A_12 = tpu.memref_slice %arg5[%add3A, %dma_start3A_10, %dma_start3A_11] : memref<32x196x128xi32, #tpu.memory_space<hbm>> -> memref<1x196x128xi32, #tpu.memory_space<hbm>>
      %dma_start3A_13 = tpu.memref_squeeze %dma_start3A_12 : memref<1x196x128xi32, #tpu.memory_space<hbm>> -> memref<196x128xi32, #tpu.memory_space<hbm>>
      tpu.enqueue_dma source(%dma_start3A_13 : memref<196x128xi32, #tpu.memory_space<hbm>>) target(%arg9 : memref<196x128xi32, #tpu.memory_space<vmem>>) target_semaphore(%run_scoped3A : memref<!tpu.dma_semaphore, #tpu.memory_space<semaphore_mem>>)
      %dma_wait3A = arith.constant 0 : i32
      %dma_wait3A_14 = arith.constant 0 : i32
      %dma_wait3A_15 = tpu.memref_slice %arg5[%add3A, %dma_wait3A, %dma_wait3A_14] : memref<32x196x128xi32, #tpu.memory_space<hbm>> -> memref<1x196x128xi32, #tpu.memory_space<hbm>>
      %dma_wait3A_16 = tpu.memref_squeeze %dma_wait3A_15 : memref<1x196x128xi32, #tpu.memory_space<hbm>> -> memref<196x128xi32, #tpu.memory_space<hbm>>
      %dma_wait3A_17 = arith.constant 0 : i32
      %dma_wait3A_18 = arith.constant 0 : i32
      %dma_wait3A_19 = tpu.memref_slice %arg5[%add3A, %dma_wait3A_17, %dma_wait3A_18] : memref<32x196x128xi32, #tpu.memory_space<hbm>> -> memref<1x196x128xi32, #tpu.memory_space<hbm>>
      %dma_wait3A_20 = tpu.memref_squeeze %dma_wait3A_19 : memref<1x196x128xi32, #tpu.memory_space<hbm>> -> memref<196x128xi32, #tpu.memory_space<hbm>>
      tpu.wait_dma2 semaphore(%run_scoped3A : memref<!tpu.dma_semaphore, #tpu.memory_space<semaphore_mem>>) src(%dma_wait3A_20 : memref<196x128xi32, #tpu.memory_space<hbm>>) dst(%arg9 : memref<196x128xi32, #tpu.memory_space<vmem>>)
      tpu.yield
    }) : () -> ()
    %scan3A = arith.constant 0 : i32
    %scan3A_1 = arith.constant 0 : i32
    %scan3A_2 = arith.constant 196 : i32
    %scan3A_3 = arith.addi %scan3A_1, %scan3A_2 : i32
    %scan3A_4 = arith.constant 1 : i32
    %scan3A_5 = scf.for %scan3A_7 = %scan3A_1 to %scan3A_3 step %scan3A_4 iter_args(%scan3A_8 = %scan3A) -> (i32)  : i32 {
      %dma_start3A = arith.constant 0 : i32
      %dma_start3A_9 = tpu.memref_slice %arg8[%scan3A_7, %dma_start3A] : memref<196x128xi32, #tpu.memory_space<vmem>> -> memref<1x128xi32, #tpu.memory_space<vmem>>
      %dma_start3A_10 = tpu.memref_squeeze %dma_start3A_9 : memref<1x128xi32, #tpu.memory_space<vmem>> -> memref<128xi32, #tpu.memory_space<vmem>>
      %dma_start3A_11 = arith.constant 0 : i32
      %dma_start3A_12 = arith.constant 0 : i32
      %dma_start3A_13 = tpu.memref_slice %arg2[%dma_start3A_11, %dma_start3A_12] : memref<50000x128xf32, #tpu.memory_space<hbm>> -> memref<50000x128xf32, #tpu.memory_space<hbm>>
      tpu.enqueue_indirect_dma source(%dma_start3A_13 : memref<50000x128xf32, #tpu.memory_space<hbm>>) target(%arg10 : memref<128x128xf32, #tpu.memory_space<vmem>>) offsets(%dma_start3A_10 : memref<128xi32, #tpu.memory_space<vmem>>) semaphore(%arg12 : memref<!tpu.dma_semaphore, #tpu.memory_space<semaphore_mem>>)
      %dma_start3A_14 = arith.constant 0 : i32
      %dma_start3A_15 = tpu.memref_slice %arg9[%scan3A_7, %dma_start3A_14] : memref<196x128xi32, #tpu.memory_space<vmem>> -> memref<1x128xi32, #tpu.memory_space<vmem>>
      %dma_start3A_16 = tpu.memref_squeeze %dma_start3A_15 : memref<1x128xi32, #tpu.memory_space<vmem>> -> memref<128xi32, #tpu.memory_space<vmem>>
      %dma_start3A_17 = arith.constant 0 : i32
      %dma_start3A_18 = arith.constant 0 : i32
      %dma_start3A_19 = tpu.memref_slice %arg3[%dma_start3A_17, %dma_start3A_18] : memref<50000x128xf32, #tpu.memory_space<hbm>> -> memref<50000x128xf32, #tpu.memory_space<hbm>>
      tpu.enqueue_indirect_dma source(%dma_start3A_19 : memref<50000x128xf32, #tpu.memory_space<hbm>>) target(%arg11 : memref<128x128xf32, #tpu.memory_space<vmem>>) offsets(%dma_start3A_16 : memref<128xi32, #tpu.memory_space<vmem>>) semaphore(%arg13 : memref<!tpu.dma_semaphore, #tpu.memory_space<semaphore_mem>>)
      %dma_wait3A = arith.constant 0 : i32
      %dma_wait3A_20 = tpu.memref_slice %arg8[%scan3A_7, %dma_wait3A] : memref<196x128xi32, #tpu.memory_space<vmem>> -> memref<1x128xi32, #tpu.memory_space<vmem>>
      %dma_wait3A_21 = tpu.memref_squeeze %dma_wait3A_20 : memref<1x128xi32, #tpu.memory_space<vmem>> -> memref<128xi32, #tpu.memory_space<vmem>>
      %dma_wait3A_22 = arith.constant 0 : i32
      %dma_wait3A_23 = arith.constant 0 : i32
      %dma_wait3A_24 = tpu.memref_slice %arg2[%dma_wait3A_22, %dma_wait3A_23] : memref<50000x128xf32, #tpu.memory_space<hbm>> -> memref<50000x128xf32, #tpu.memory_space<hbm>>
      tpu.wait_indirect_dma semaphore(%arg12 : memref<!tpu.dma_semaphore, #tpu.memory_space<semaphore_mem>>) src(%dma_wait3A_24 : memref<50000x128xf32, #tpu.memory_space<hbm>>) dst(%arg10 : memref<128x128xf32, #tpu.memory_space<vmem>>)
      %dma_wait3A_25 = arith.constant 0 : i32
      %dma_wait3A_26 = tpu.memref_slice %arg9[%scan3A_7, %dma_wait3A_25] : memref<196x128xi32, #tpu.memory_space<vmem>> -> memref<1x128xi32, #tpu.memory_space<vmem>>
      %dma_wait3A_27 = tpu.memref_squeeze %dma_wait3A_26 : memref<1x128xi32, #tpu.memory_space<vmem>> -> memref<128xi32, #tpu.memory_space<vmem>>
      %dma_wait3A_28 = arith.constant 0 : i32
      %dma_wait3A_29 = arith.constant 0 : i32
      %dma_wait3A_30 = tpu.memref_slice %arg3[%dma_wait3A_28, %dma_wait3A_29] : memref<50000x128xf32, #tpu.memory_space<hbm>> -> memref<50000x128xf32, #tpu.memory_space<hbm>>
      tpu.wait_indirect_dma semaphore(%arg13 : memref<!tpu.dma_semaphore, #tpu.memory_space<semaphore_mem>>) src(%dma_wait3A_30 : memref<50000x128xf32, #tpu.memory_space<hbm>>) dst(%arg11 : memref<128x128xf32, #tpu.memory_space<vmem>>)
      "tpu.region"() ({
        %run_scoped3A = tpu.sem_alloc : memref<!tpu.dma_semaphore, #tpu.memory_space<semaphore_mem>>
        %dma_start3A_32 = arith.constant 0 : i32
        %dma_start3A_33 = arith.constant 0 : i32
        %dma_start3A_34 = tpu.memref_slice %arg6[%add3A, %scan3A_7, %dma_start3A_32, %dma_start3A_33] : memref<32x196x128x128xf32, #tpu.memory_space<hbm>> -> memref<1x1x128x128xf32, #tpu.memory_space<hbm>>
        %dma_start3A_35 = tpu.memref_squeeze %dma_start3A_34 : memref<1x1x128x128xf32, #tpu.memory_space<hbm>> -> memref<128x128xf32, #tpu.memory_space<hbm>>
        %dma_start3A_36 = arith.constant 0 : i32
        %dma_start3A_37 = arith.constant 0 : i32
        %dma_start3A_38 = tpu.memref_slice %arg6[%add3A, %scan3A_7, %dma_start3A_36, %dma_start3A_37] : memref<32x196x128x128xf32, #tpu.memory_space<hbm>> -> memref<1x1x128x128xf32, #tpu.memory_space<hbm>>
        %dma_start3A_39 = tpu.memref_squeeze %dma_start3A_38 : memref<1x1x128x128xf32, #tpu.memory_space<hbm>> -> memref<128x128xf32, #tpu.memory_space<hbm>>
        tpu.enqueue_dma source(%arg10 : memref<128x128xf32, #tpu.memory_space<vmem>>) target(%dma_start3A_39 : memref<128x128xf32, #tpu.memory_space<hbm>>) target_semaphore(%run_scoped3A : memref<!tpu.dma_semaphore, #tpu.memory_space<semaphore_mem>>)
        %dma_wait3A_40 = arith.constant 0 : i32
        %dma_wait3A_41 = arith.constant 0 : i32
        %dma_wait3A_42 = tpu.memref_slice %arg6[%add3A, %scan3A_7, %dma_wait3A_40, %dma_wait3A_41] : memref<32x196x128x128xf32, #tpu.memory_space<hbm>> -> memref<1x1x128x128xf32, #tpu.memory_space<hbm>>
        %dma_wait3A_43 = tpu.memref_squeeze %dma_wait3A_42 : memref<1x1x128x128xf32, #tpu.memory_space<hbm>> -> memref<128x128xf32, #tpu.memory_space<hbm>>
        %dma_wait3A_44 = arith.constant 0 : i32
        %dma_wait3A_45 = arith.constant 0 : i32
        %dma_wait3A_46 = tpu.memref_slice %arg6[%add3A, %scan3A_7, %dma_wait3A_44, %dma_wait3A_45] : memref<32x196x128x128xf32, #tpu.memory_space<hbm>> -> memref<1x1x128x128xf32, #tpu.memory_space<hbm>>
        %dma_wait3A_47 = tpu.memref_squeeze %dma_wait3A_46 : memref<1x1x128x128xf32, #tpu.memory_space<hbm>> -> memref<128x128xf32, #tpu.memory_space<hbm>>
        tpu.wait_dma2 semaphore(%run_scoped3A : memref<!tpu.dma_semaphore, #tpu.memory_space<semaphore_mem>>) src(%arg10 : memref<128x128xf32, #tpu.memory_space<vmem>>) dst(%dma_wait3A_47 : memref<128x128xf32, #tpu.memory_space<hbm>>)
        tpu.yield
      }) : () -> ()
      "tpu.region"() ({
        %run_scoped3A = tpu.sem_alloc : memref<!tpu.dma_semaphore, #tpu.memory_space<semaphore_mem>>
        %dma_start3A_32 = arith.constant 0 : i32
        %dma_start3A_33 = arith.constant 0 : i32
        %dma_start3A_34 = tpu.memref_slice %arg7[%add3A, %scan3A_7, %dma_start3A_32, %dma_start3A_33] : memref<32x196x128x128xf32, #tpu.memory_space<hbm>> -> memref<1x1x128x128xf32, #tpu.memory_space<hbm>>
        %dma_start3A_35 = tpu.memref_squeeze %dma_start3A_34 : memref<1x1x128x128xf32, #tpu.memory_space<hbm>> -> memref<128x128xf32, #tpu.memory_space<hbm>>
        %dma_start3A_36 = arith.constant 0 : i32
        %dma_start3A_37 = arith.constant 0 : i32
        %dma_start3A_38 = tpu.memref_slice %arg7[%add3A, %scan3A_7, %dma_start3A_36, %dma_start3A_37] : memref<32x196x128x128xf32, #tpu.memory_space<hbm>> -> memref<1x1x128x128xf32, #tpu.memory_space<hbm>>
        %dma_start3A_39 = tpu.memref_squeeze %dma_start3A_38 : memref<1x1x128x128xf32, #tpu.memory_space<hbm>> -> memref<128x128xf32, #tpu.memory_space<hbm>>
        tpu.enqueue_dma source(%arg11 : memref<128x128xf32, #tpu.memory_space<vmem>>) target(%dma_start3A_39 : memref<128x128xf32, #tpu.memory_space<hbm>>) target_semaphore(%run_scoped3A : memref<!tpu.dma_semaphore, #tpu.memory_space<semaphore_mem>>)
        %dma_wait3A_40 = arith.constant 0 : i32
        %dma_wait3A_41 = arith.constant 0 : i32
        %dma_wait3A_42 = tpu.memref_slice %arg7[%add3A, %scan3A_7, %dma_wait3A_40, %dma_wait3A_41] : memref<32x196x128x128xf32, #tpu.memory_space<hbm>> -> memref<1x1x128x128xf32, #tpu.memory_space<hbm>>
        %dma_wait3A_43 = tpu.memref_squeeze %dma_wait3A_42 : memref<1x1x128x128xf32, #tpu.memory_space<hbm>> -> memref<128x128xf32, #tpu.memory_space<hbm>>
        %dma_wait3A_44 = arith.constant 0 : i32
        %dma_wait3A_45 = arith.constant 0 : i32
        %dma_wait3A_46 = tpu.memref_slice %arg7[%add3A, %scan3A_7, %dma_wait3A_44, %dma_wait3A_45] : memref<32x196x128x128xf32, #tpu.memory_space<hbm>> -> memref<1x1x128x128xf32, #tpu.memory_space<hbm>>
        %dma_wait3A_47 = tpu.memref_squeeze %dma_wait3A_46 : memref<1x1x128x128xf32, #tpu.memory_space<hbm>> -> memref<128x128xf32, #tpu.memory_space<hbm>>
        tpu.wait_dma2 semaphore(%run_scoped3A : memref<!tpu.dma_semaphore, #tpu.memory_space<semaphore_mem>>) src(%arg11 : memref<128x128xf32, #tpu.memory_space<vmem>>) dst(%dma_wait3A_47 : memref<128x128xf32, #tpu.memory_space<hbm>>)
        tpu.yield
      }) : () -> ()
      %scan3A_31 = arith.constant 0 : i32
      scf.yield %scan3A_31 : i32
    }
    %scan3A_6 = arith.constant 196 : i32
    return
  }
}

#map = affine_map<(d0, d1) -> (0, 0)>
#map1 = affine_map<(d0, d1) -> (0, 0, 0)>
#map2 = affine_map<(d0, d1) -> (0, 0, 0, 0)>
module attributes {stable_mosaic.version = 14 : i64} {
  func.func @_gather1_body(%arg0: i32, %arg1: i32, %arg2: memref<50000x128xf32, #tpu.memory_space<hbm>>, %arg3: memref<32x196x128xi32, #tpu.memory_space<hbm>>, %arg4: memref<32x196x128x128xf32, #tpu.memory_space<hbm>>, %arg5: memref<196x128xi32, #tpu.memory_space<vmem>>, %arg6: memref<128x128xf32, #tpu.memory_space<vmem>>, %arg7: memref<128x128xf32, #tpu.memory_space<vmem>>, %arg8: memref<!tpu.dma_semaphore, #tpu.memory_space<semaphore_mem>>, %arg9: memref<!tpu.dma_semaphore, #tpu.memory_space<semaphore_mem>>) attributes {dimension_semantics = [#tpu.dimension_semantics<core_parallel>, #tpu.dimension_semantics<subcore_parallel>], iteration_bounds = array<i64: 2, 16>, scalar_prefetch = 0 : i64, scratch_operands = 5 : i64, tpu.core_type = #tpu.core_type<sc_vector_subcore>, window_params = [{transform_indices = #map}, {transform_indices = #map1}, {transform_indices = #map2}]} {
    %mul3A = arith.constant 16 : i32
    %mul3A_0 = arith.muli %arg0, %mul3A : i32
    %add3A = arith.addi %mul3A_0, %arg1 : i32
    "tpu.region"() ({
      %run_scoped3A = tpu.sem_alloc : memref<!tpu.dma_semaphore, #tpu.memory_space<semaphore_mem>>
      %dma_start3A = arith.constant 0 : i32
      %dma_start3A_7 = arith.constant 0 : i32
      %dma_start3A_8 = tpu.memref_slice %arg3[%add3A, %dma_start3A, %dma_start3A_7] : memref<32x196x128xi32, #tpu.memory_space<hbm>> -> memref<1x196x128xi32, #tpu.memory_space<hbm>>
      %dma_start3A_9 = tpu.memref_squeeze %dma_start3A_8 : memref<1x196x128xi32, #tpu.memory_space<hbm>> -> memref<196x128xi32, #tpu.memory_space<hbm>>
      %dma_start3A_10 = arith.constant 0 : i32
      %dma_start3A_11 = arith.constant 0 : i32
      %dma_start3A_12 = tpu.memref_slice %arg3[%add3A, %dma_start3A_10, %dma_start3A_11] : memref<32x196x128xi32, #tpu.memory_space<hbm>> -> memref<1x196x128xi32, #tpu.memory_space<hbm>>
      %dma_start3A_13 = tpu.memref_squeeze %dma_start3A_12 : memref<1x196x128xi32, #tpu.memory_space<hbm>> -> memref<196x128xi32, #tpu.memory_space<hbm>>
      tpu.enqueue_dma source(%dma_start3A_13 : memref<196x128xi32, #tpu.memory_space<hbm>>) target(%arg5 : memref<196x128xi32, #tpu.memory_space<vmem>>) target_semaphore(%run_scoped3A : memref<!tpu.dma_semaphore, #tpu.memory_space<semaphore_mem>>)
      %dma_wait3A = arith.constant 0 : i32
      %dma_wait3A_14 = arith.constant 0 : i32
      %dma_wait3A_15 = tpu.memref_slice %arg3[%add3A, %dma_wait3A, %dma_wait3A_14] : memref<32x196x128xi32, #tpu.memory_space<hbm>> -> memref<1x196x128xi32, #tpu.memory_space<hbm>>
      %dma_wait3A_16 = tpu.memref_squeeze %dma_wait3A_15 : memref<1x196x128xi32, #tpu.memory_space<hbm>> -> memref<196x128xi32, #tpu.memory_space<hbm>>
      %dma_wait3A_17 = arith.constant 0 : i32
      %dma_wait3A_18 = arith.constant 0 : i32
      %dma_wait3A_19 = tpu.memref_slice %arg3[%add3A, %dma_wait3A_17, %dma_wait3A_18] : memref<32x196x128xi32, #tpu.memory_space<hbm>> -> memref<1x196x128xi32, #tpu.memory_space<hbm>>
      %dma_wait3A_20 = tpu.memref_squeeze %dma_wait3A_19 : memref<1x196x128xi32, #tpu.memory_space<hbm>> -> memref<196x128xi32, #tpu.memory_space<hbm>>
      tpu.wait_dma2 semaphore(%run_scoped3A : memref<!tpu.dma_semaphore, #tpu.memory_space<semaphore_mem>>) src(%dma_wait3A_20 : memref<196x128xi32, #tpu.memory_space<hbm>>) dst(%arg5 : memref<196x128xi32, #tpu.memory_space<vmem>>)
      tpu.yield
    }) : () -> ()
    %scan3A = arith.constant 0 : i32
    %scan3A_1 = arith.constant 0 : i32
    %scan3A_2 = arith.constant 98 : i32
    %scan3A_3 = arith.addi %scan3A_1, %scan3A_2 : i32
    %scan3A_4 = arith.constant 1 : i32
    %scan3A_5 = scf.for %scan3A_7 = %scan3A_1 to %scan3A_3 step %scan3A_4 iter_args(%scan3A_8 = %scan3A) -> (i32)  : i32 {
      %mul3A_9 = arith.constant 2 : i32
      %mul3A_10 = arith.muli %mul3A_9, %scan3A_7 : i32
      %dma_start3A = arith.constant 0 : i32
      %dma_start3A_11 = tpu.memref_slice %arg5[%mul3A_10, %dma_start3A] : memref<196x128xi32, #tpu.memory_space<vmem>> -> memref<1x128xi32, #tpu.memory_space<vmem>>
      %dma_start3A_12 = tpu.memref_squeeze %dma_start3A_11 : memref<1x128xi32, #tpu.memory_space<vmem>> -> memref<128xi32, #tpu.memory_space<vmem>>
      %dma_start3A_13 = arith.constant 0 : i32
      %dma_start3A_14 = arith.constant 0 : i32
      %dma_start3A_15 = tpu.memref_slice %arg2[%dma_start3A_13, %dma_start3A_14] : memref<50000x128xf32, #tpu.memory_space<hbm>> -> memref<50000x128xf32, #tpu.memory_space<hbm>>
      tpu.enqueue_indirect_dma source(%dma_start3A_15 : memref<50000x128xf32, #tpu.memory_space<hbm>>) target(%arg6 : memref<128x128xf32, #tpu.memory_space<vmem>>) offsets(%dma_start3A_12 : memref<128xi32, #tpu.memory_space<vmem>>) semaphore(%arg8 : memref<!tpu.dma_semaphore, #tpu.memory_space<semaphore_mem>>)
      %add3A_16 = arith.constant 1 : i32
      %add3A_17 = arith.addi %mul3A_10, %add3A_16 : i32
      %dma_start3A_18 = arith.constant 0 : i32
      %dma_start3A_19 = tpu.memref_slice %arg5[%add3A_17, %dma_start3A_18] : memref<196x128xi32, #tpu.memory_space<vmem>> -> memref<1x128xi32, #tpu.memory_space<vmem>>
      %dma_start3A_20 = tpu.memref_squeeze %dma_start3A_19 : memref<1x128xi32, #tpu.memory_space<vmem>> -> memref<128xi32, #tpu.memory_space<vmem>>
      %dma_start3A_21 = arith.constant 0 : i32
      %dma_start3A_22 = arith.constant 0 : i32
      %dma_start3A_23 = tpu.memref_slice %arg2[%dma_start3A_21, %dma_start3A_22] : memref<50000x128xf32, #tpu.memory_space<hbm>> -> memref<50000x128xf32, #tpu.memory_space<hbm>>
      tpu.enqueue_indirect_dma source(%dma_start3A_23 : memref<50000x128xf32, #tpu.memory_space<hbm>>) target(%arg7 : memref<128x128xf32, #tpu.memory_space<vmem>>) offsets(%dma_start3A_20 : memref<128xi32, #tpu.memory_space<vmem>>) semaphore(%arg9 : memref<!tpu.dma_semaphore, #tpu.memory_space<semaphore_mem>>)
      %dma_wait3A = arith.constant 0 : i32
      %dma_wait3A_24 = tpu.memref_slice %arg5[%mul3A_10, %dma_wait3A] : memref<196x128xi32, #tpu.memory_space<vmem>> -> memref<1x128xi32, #tpu.memory_space<vmem>>
      %dma_wait3A_25 = tpu.memref_squeeze %dma_wait3A_24 : memref<1x128xi32, #tpu.memory_space<vmem>> -> memref<128xi32, #tpu.memory_space<vmem>>
      %dma_wait3A_26 = arith.constant 0 : i32
      %dma_wait3A_27 = arith.constant 0 : i32
      %dma_wait3A_28 = tpu.memref_slice %arg2[%dma_wait3A_26, %dma_wait3A_27] : memref<50000x128xf32, #tpu.memory_space<hbm>> -> memref<50000x128xf32, #tpu.memory_space<hbm>>
      tpu.wait_indirect_dma semaphore(%arg8 : memref<!tpu.dma_semaphore, #tpu.memory_space<semaphore_mem>>) src(%dma_wait3A_28 : memref<50000x128xf32, #tpu.memory_space<hbm>>) dst(%arg6 : memref<128x128xf32, #tpu.memory_space<vmem>>)
      "tpu.region"() ({
        %run_scoped3A = tpu.sem_alloc : memref<!tpu.dma_semaphore, #tpu.memory_space<semaphore_mem>>
        %dma_start3A_38 = arith.constant 0 : i32
        %dma_start3A_39 = arith.constant 0 : i32
        %dma_start3A_40 = tpu.memref_slice %arg4[%add3A, %mul3A_10, %dma_start3A_38, %dma_start3A_39] : memref<32x196x128x128xf32, #tpu.memory_space<hbm>> -> memref<1x1x128x128xf32, #tpu.memory_space<hbm>>
        %dma_start3A_41 = tpu.memref_squeeze %dma_start3A_40 : memref<1x1x128x128xf32, #tpu.memory_space<hbm>> -> memref<128x128xf32, #tpu.memory_space<hbm>>
        %dma_start3A_42 = arith.constant 0 : i32
        %dma_start3A_43 = arith.constant 0 : i32
        %dma_start3A_44 = tpu.memref_slice %arg4[%add3A, %mul3A_10, %dma_start3A_42, %dma_start3A_43] : memref<32x196x128x128xf32, #tpu.memory_space<hbm>> -> memref<1x1x128x128xf32, #tpu.memory_space<hbm>>
        %dma_start3A_45 = tpu.memref_squeeze %dma_start3A_44 : memref<1x1x128x128xf32, #tpu.memory_space<hbm>> -> memref<128x128xf32, #tpu.memory_space<hbm>>
        tpu.enqueue_dma source(%arg6 : memref<128x128xf32, #tpu.memory_space<vmem>>) target(%dma_start3A_45 : memref<128x128xf32, #tpu.memory_space<hbm>>) target_semaphore(%run_scoped3A : memref<!tpu.dma_semaphore, #tpu.memory_space<semaphore_mem>>)
        %dma_wait3A_46 = arith.constant 0 : i32
        %dma_wait3A_47 = arith.constant 0 : i32
        %dma_wait3A_48 = tpu.memref_slice %arg4[%add3A, %mul3A_10, %dma_wait3A_46, %dma_wait3A_47] : memref<32x196x128x128xf32, #tpu.memory_space<hbm>> -> memref<1x1x128x128xf32, #tpu.memory_space<hbm>>
        %dma_wait3A_49 = tpu.memref_squeeze %dma_wait3A_48 : memref<1x1x128x128xf32, #tpu.memory_space<hbm>> -> memref<128x128xf32, #tpu.memory_space<hbm>>
        %dma_wait3A_50 = arith.constant 0 : i32
        %dma_wait3A_51 = arith.constant 0 : i32
        %dma_wait3A_52 = tpu.memref_slice %arg4[%add3A, %mul3A_10, %dma_wait3A_50, %dma_wait3A_51] : memref<32x196x128x128xf32, #tpu.memory_space<hbm>> -> memref<1x1x128x128xf32, #tpu.memory_space<hbm>>
        %dma_wait3A_53 = tpu.memref_squeeze %dma_wait3A_52 : memref<1x1x128x128xf32, #tpu.memory_space<hbm>> -> memref<128x128xf32, #tpu.memory_space<hbm>>
        tpu.wait_dma2 semaphore(%run_scoped3A : memref<!tpu.dma_semaphore, #tpu.memory_space<semaphore_mem>>) src(%arg6 : memref<128x128xf32, #tpu.memory_space<vmem>>) dst(%dma_wait3A_53 : memref<128x128xf32, #tpu.memory_space<hbm>>)
        tpu.yield
      }) : () -> ()
      %dma_wait3A_29 = arith.constant 0 : i32
      %dma_wait3A_30 = tpu.memref_slice %arg5[%add3A_17, %dma_wait3A_29] : memref<196x128xi32, #tpu.memory_space<vmem>> -> memref<1x128xi32, #tpu.memory_space<vmem>>
      %dma_wait3A_31 = tpu.memref_squeeze %dma_wait3A_30 : memref<1x128xi32, #tpu.memory_space<vmem>> -> memref<128xi32, #tpu.memory_space<vmem>>
      %dma_wait3A_32 = arith.constant 0 : i32
      %dma_wait3A_33 = arith.constant 0 : i32
      %dma_wait3A_34 = tpu.memref_slice %arg2[%dma_wait3A_32, %dma_wait3A_33] : memref<50000x128xf32, #tpu.memory_space<hbm>> -> memref<50000x128xf32, #tpu.memory_space<hbm>>
      tpu.wait_indirect_dma semaphore(%arg9 : memref<!tpu.dma_semaphore, #tpu.memory_space<semaphore_mem>>) src(%dma_wait3A_34 : memref<50000x128xf32, #tpu.memory_space<hbm>>) dst(%arg7 : memref<128x128xf32, #tpu.memory_space<vmem>>)
      %add3A_35 = arith.constant 1 : i32
      %add3A_36 = arith.addi %mul3A_10, %add3A_35 : i32
      "tpu.region"() ({
        %run_scoped3A = tpu.sem_alloc : memref<!tpu.dma_semaphore, #tpu.memory_space<semaphore_mem>>
        %dma_start3A_38 = arith.constant 0 : i32
        %dma_start3A_39 = arith.constant 0 : i32
        %dma_start3A_40 = tpu.memref_slice %arg4[%add3A, %add3A_36, %dma_start3A_38, %dma_start3A_39] : memref<32x196x128x128xf32, #tpu.memory_space<hbm>> -> memref<1x1x128x128xf32, #tpu.memory_space<hbm>>
        %dma_start3A_41 = tpu.memref_squeeze %dma_start3A_40 : memref<1x1x128x128xf32, #tpu.memory_space<hbm>> -> memref<128x128xf32, #tpu.memory_space<hbm>>
        %dma_start3A_42 = arith.constant 0 : i32
        %dma_start3A_43 = arith.constant 0 : i32
        %dma_start3A_44 = tpu.memref_slice %arg4[%add3A, %add3A_36, %dma_start3A_42, %dma_start3A_43] : memref<32x196x128x128xf32, #tpu.memory_space<hbm>> -> memref<1x1x128x128xf32, #tpu.memory_space<hbm>>
        %dma_start3A_45 = tpu.memref_squeeze %dma_start3A_44 : memref<1x1x128x128xf32, #tpu.memory_space<hbm>> -> memref<128x128xf32, #tpu.memory_space<hbm>>
        tpu.enqueue_dma source(%arg7 : memref<128x128xf32, #tpu.memory_space<vmem>>) target(%dma_start3A_45 : memref<128x128xf32, #tpu.memory_space<hbm>>) target_semaphore(%run_scoped3A : memref<!tpu.dma_semaphore, #tpu.memory_space<semaphore_mem>>)
        %dma_wait3A_46 = arith.constant 0 : i32
        %dma_wait3A_47 = arith.constant 0 : i32
        %dma_wait3A_48 = tpu.memref_slice %arg4[%add3A, %add3A_36, %dma_wait3A_46, %dma_wait3A_47] : memref<32x196x128x128xf32, #tpu.memory_space<hbm>> -> memref<1x1x128x128xf32, #tpu.memory_space<hbm>>
        %dma_wait3A_49 = tpu.memref_squeeze %dma_wait3A_48 : memref<1x1x128x128xf32, #tpu.memory_space<hbm>> -> memref<128x128xf32, #tpu.memory_space<hbm>>
        %dma_wait3A_50 = arith.constant 0 : i32
        %dma_wait3A_51 = arith.constant 0 : i32
        %dma_wait3A_52 = tpu.memref_slice %arg4[%add3A, %add3A_36, %dma_wait3A_50, %dma_wait3A_51] : memref<32x196x128x128xf32, #tpu.memory_space<hbm>> -> memref<1x1x128x128xf32, #tpu.memory_space<hbm>>
        %dma_wait3A_53 = tpu.memref_squeeze %dma_wait3A_52 : memref<1x1x128x128xf32, #tpu.memory_space<hbm>> -> memref<128x128xf32, #tpu.memory_space<hbm>>
        tpu.wait_dma2 semaphore(%run_scoped3A : memref<!tpu.dma_semaphore, #tpu.memory_space<semaphore_mem>>) src(%arg7 : memref<128x128xf32, #tpu.memory_space<vmem>>) dst(%dma_wait3A_53 : memref<128x128xf32, #tpu.memory_space<hbm>>)
        tpu.yield
      }) : () -> ()
      %scan3A_37 = arith.constant 0 : i32
      scf.yield %scan3A_37 : i32
    }
    %scan3A_6 = arith.constant 98 : i32
    return
  }
}

#map = affine_map<(d0, d1) -> (0, 0)>
#map1 = affine_map<(d0, d1) -> (0, 0, 0)>
#map2 = affine_map<(d0, d1) -> (0, 0, 0, 0)>
module attributes {stable_mosaic.version = 14 : i64} {
  func.func @_gather1_body(%arg0: i32, %arg1: i32, %arg2: memref<800000x128xf32, #tpu.memory_space<hbm>>, %arg3: memref<32x14x128xi32, #tpu.memory_space<hbm>>, %arg4: memref<32x14x128x128xf32, #tpu.memory_space<hbm>>, %arg5: memref<14x128xi32, #tpu.memory_space<vmem>>, %arg6: memref<128x128xf32, #tpu.memory_space<vmem>>, %arg7: memref<128x128xf32, #tpu.memory_space<vmem>>, %arg8: memref<!tpu.dma_semaphore, #tpu.memory_space<semaphore_mem>>, %arg9: memref<!tpu.dma_semaphore, #tpu.memory_space<semaphore_mem>>) attributes {dimension_semantics = [#tpu.dimension_semantics<core_parallel>, #tpu.dimension_semantics<subcore_parallel>], iteration_bounds = array<i64: 2, 16>, scalar_prefetch = 0 : i64, scratch_operands = 5 : i64, tpu.core_type = #tpu.core_type<sc_vector_subcore>, window_params = [{transform_indices = #map}, {transform_indices = #map1}, {transform_indices = #map2}]} {
    %mul3A = arith.constant 16 : i32
    %mul3A_0 = arith.muli %arg0, %mul3A : i32
    %add3A = arith.addi %mul3A_0, %arg1 : i32
    "tpu.region"() ({
      %run_scoped3A = tpu.sem_alloc : memref<!tpu.dma_semaphore, #tpu.memory_space<semaphore_mem>>
      %dma_start3A = arith.constant 0 : i32
      %dma_start3A_7 = arith.constant 0 : i32
      %dma_start3A_8 = tpu.memref_slice %arg3[%add3A, %dma_start3A, %dma_start3A_7] : memref<32x14x128xi32, #tpu.memory_space<hbm>> -> memref<1x14x128xi32, #tpu.memory_space<hbm>>
      %dma_start3A_9 = tpu.memref_squeeze %dma_start3A_8 : memref<1x14x128xi32, #tpu.memory_space<hbm>> -> memref<14x128xi32, #tpu.memory_space<hbm>>
      %dma_start3A_10 = arith.constant 0 : i32
      %dma_start3A_11 = arith.constant 0 : i32
      %dma_start3A_12 = tpu.memref_slice %arg3[%add3A, %dma_start3A_10, %dma_start3A_11] : memref<32x14x128xi32, #tpu.memory_space<hbm>> -> memref<1x14x128xi32, #tpu.memory_space<hbm>>
      %dma_start3A_13 = tpu.memref_squeeze %dma_start3A_12 : memref<1x14x128xi32, #tpu.memory_space<hbm>> -> memref<14x128xi32, #tpu.memory_space<hbm>>
      tpu.enqueue_dma source(%dma_start3A_13 : memref<14x128xi32, #tpu.memory_space<hbm>>) target(%arg5 : memref<14x128xi32, #tpu.memory_space<vmem>>) target_semaphore(%run_scoped3A : memref<!tpu.dma_semaphore, #tpu.memory_space<semaphore_mem>>)
      %dma_wait3A = arith.constant 0 : i32
      %dma_wait3A_14 = arith.constant 0 : i32
      %dma_wait3A_15 = tpu.memref_slice %arg3[%add3A, %dma_wait3A, %dma_wait3A_14] : memref<32x14x128xi32, #tpu.memory_space<hbm>> -> memref<1x14x128xi32, #tpu.memory_space<hbm>>
      %dma_wait3A_16 = tpu.memref_squeeze %dma_wait3A_15 : memref<1x14x128xi32, #tpu.memory_space<hbm>> -> memref<14x128xi32, #tpu.memory_space<hbm>>
      %dma_wait3A_17 = arith.constant 0 : i32
      %dma_wait3A_18 = arith.constant 0 : i32
      %dma_wait3A_19 = tpu.memref_slice %arg3[%add3A, %dma_wait3A_17, %dma_wait3A_18] : memref<32x14x128xi32, #tpu.memory_space<hbm>> -> memref<1x14x128xi32, #tpu.memory_space<hbm>>
      %dma_wait3A_20 = tpu.memref_squeeze %dma_wait3A_19 : memref<1x14x128xi32, #tpu.memory_space<hbm>> -> memref<14x128xi32, #tpu.memory_space<hbm>>
      tpu.wait_dma2 semaphore(%run_scoped3A : memref<!tpu.dma_semaphore, #tpu.memory_space<semaphore_mem>>) src(%dma_wait3A_20 : memref<14x128xi32, #tpu.memory_space<hbm>>) dst(%arg5 : memref<14x128xi32, #tpu.memory_space<vmem>>)
      tpu.yield
    }) : () -> ()
    %scan3A = arith.constant 0 : i32
    %scan3A_1 = arith.constant 0 : i32
    %scan3A_2 = arith.constant 7 : i32
    %scan3A_3 = arith.addi %scan3A_1, %scan3A_2 : i32
    %scan3A_4 = arith.constant 1 : i32
    %scan3A_5 = scf.for %scan3A_7 = %scan3A_1 to %scan3A_3 step %scan3A_4 iter_args(%scan3A_8 = %scan3A) -> (i32)  : i32 {
      %mul3A_9 = arith.constant 2 : i32
      %mul3A_10 = arith.muli %mul3A_9, %scan3A_7 : i32
      %dma_start3A = arith.constant 0 : i32
      %dma_start3A_11 = tpu.memref_slice %arg5[%mul3A_10, %dma_start3A] : memref<14x128xi32, #tpu.memory_space<vmem>> -> memref<1x128xi32, #tpu.memory_space<vmem>>
      %dma_start3A_12 = tpu.memref_squeeze %dma_start3A_11 : memref<1x128xi32, #tpu.memory_space<vmem>> -> memref<128xi32, #tpu.memory_space<vmem>>
      %dma_start3A_13 = arith.constant 0 : i32
      %dma_start3A_14 = arith.constant 0 : i32
      %dma_start3A_15 = tpu.memref_slice %arg2[%dma_start3A_13, %dma_start3A_14] : memref<800000x128xf32, #tpu.memory_space<hbm>> -> memref<800000x128xf32, #tpu.memory_space<hbm>>
      tpu.enqueue_indirect_dma source(%dma_start3A_15 : memref<800000x128xf32, #tpu.memory_space<hbm>>) target(%arg6 : memref<128x128xf32, #tpu.memory_space<vmem>>) offsets(%dma_start3A_12 : memref<128xi32, #tpu.memory_space<vmem>>) semaphore(%arg8 : memref<!tpu.dma_semaphore, #tpu.memory_space<semaphore_mem>>)
      %add3A_16 = arith.constant 1 : i32
      %add3A_17 = arith.addi %mul3A_10, %add3A_16 : i32
      %dma_start3A_18 = arith.constant 0 : i32
      %dma_start3A_19 = tpu.memref_slice %arg5[%add3A_17, %dma_start3A_18] : memref<14x128xi32, #tpu.memory_space<vmem>> -> memref<1x128xi32, #tpu.memory_space<vmem>>
      %dma_start3A_20 = tpu.memref_squeeze %dma_start3A_19 : memref<1x128xi32, #tpu.memory_space<vmem>> -> memref<128xi32, #tpu.memory_space<vmem>>
      %dma_start3A_21 = arith.constant 0 : i32
      %dma_start3A_22 = arith.constant 0 : i32
      %dma_start3A_23 = tpu.memref_slice %arg2[%dma_start3A_21, %dma_start3A_22] : memref<800000x128xf32, #tpu.memory_space<hbm>> -> memref<800000x128xf32, #tpu.memory_space<hbm>>
      tpu.enqueue_indirect_dma source(%dma_start3A_23 : memref<800000x128xf32, #tpu.memory_space<hbm>>) target(%arg7 : memref<128x128xf32, #tpu.memory_space<vmem>>) offsets(%dma_start3A_20 : memref<128xi32, #tpu.memory_space<vmem>>) semaphore(%arg9 : memref<!tpu.dma_semaphore, #tpu.memory_space<semaphore_mem>>)
      %dma_wait3A = arith.constant 0 : i32
      %dma_wait3A_24 = tpu.memref_slice %arg5[%mul3A_10, %dma_wait3A] : memref<14x128xi32, #tpu.memory_space<vmem>> -> memref<1x128xi32, #tpu.memory_space<vmem>>
      %dma_wait3A_25 = tpu.memref_squeeze %dma_wait3A_24 : memref<1x128xi32, #tpu.memory_space<vmem>> -> memref<128xi32, #tpu.memory_space<vmem>>
      %dma_wait3A_26 = arith.constant 0 : i32
      %dma_wait3A_27 = arith.constant 0 : i32
      %dma_wait3A_28 = tpu.memref_slice %arg2[%dma_wait3A_26, %dma_wait3A_27] : memref<800000x128xf32, #tpu.memory_space<hbm>> -> memref<800000x128xf32, #tpu.memory_space<hbm>>
      tpu.wait_indirect_dma semaphore(%arg8 : memref<!tpu.dma_semaphore, #tpu.memory_space<semaphore_mem>>) src(%dma_wait3A_28 : memref<800000x128xf32, #tpu.memory_space<hbm>>) dst(%arg6 : memref<128x128xf32, #tpu.memory_space<vmem>>)
      "tpu.region"() ({
        %run_scoped3A = tpu.sem_alloc : memref<!tpu.dma_semaphore, #tpu.memory_space<semaphore_mem>>
        %dma_start3A_38 = arith.constant 0 : i32
        %dma_start3A_39 = arith.constant 0 : i32
        %dma_start3A_40 = tpu.memref_slice %arg4[%add3A, %mul3A_10, %dma_start3A_38, %dma_start3A_39] : memref<32x14x128x128xf32, #tpu.memory_space<hbm>> -> memref<1x1x128x128xf32, #tpu.memory_space<hbm>>
        %dma_start3A_41 = tpu.memref_squeeze %dma_start3A_40 : memref<1x1x128x128xf32, #tpu.memory_space<hbm>> -> memref<128x128xf32, #tpu.memory_space<hbm>>
        %dma_start3A_42 = arith.constant 0 : i32
        %dma_start3A_43 = arith.constant 0 : i32
        %dma_start3A_44 = tpu.memref_slice %arg4[%add3A, %mul3A_10, %dma_start3A_42, %dma_start3A_43] : memref<32x14x128x128xf32, #tpu.memory_space<hbm>> -> memref<1x1x128x128xf32, #tpu.memory_space<hbm>>
        %dma_start3A_45 = tpu.memref_squeeze %dma_start3A_44 : memref<1x1x128x128xf32, #tpu.memory_space<hbm>> -> memref<128x128xf32, #tpu.memory_space<hbm>>
        tpu.enqueue_dma source(%arg6 : memref<128x128xf32, #tpu.memory_space<vmem>>) target(%dma_start3A_45 : memref<128x128xf32, #tpu.memory_space<hbm>>) target_semaphore(%run_scoped3A : memref<!tpu.dma_semaphore, #tpu.memory_space<semaphore_mem>>)
        %dma_wait3A_46 = arith.constant 0 : i32
        %dma_wait3A_47 = arith.constant 0 : i32
        %dma_wait3A_48 = tpu.memref_slice %arg4[%add3A, %mul3A_10, %dma_wait3A_46, %dma_wait3A_47] : memref<32x14x128x128xf32, #tpu.memory_space<hbm>> -> memref<1x1x128x128xf32, #tpu.memory_space<hbm>>
        %dma_wait3A_49 = tpu.memref_squeeze %dma_wait3A_48 : memref<1x1x128x128xf32, #tpu.memory_space<hbm>> -> memref<128x128xf32, #tpu.memory_space<hbm>>
        %dma_wait3A_50 = arith.constant 0 : i32
        %dma_wait3A_51 = arith.constant 0 : i32
        %dma_wait3A_52 = tpu.memref_slice %arg4[%add3A, %mul3A_10, %dma_wait3A_50, %dma_wait3A_51] : memref<32x14x128x128xf32, #tpu.memory_space<hbm>> -> memref<1x1x128x128xf32, #tpu.memory_space<hbm>>
        %dma_wait3A_53 = tpu.memref_squeeze %dma_wait3A_52 : memref<1x1x128x128xf32, #tpu.memory_space<hbm>> -> memref<128x128xf32, #tpu.memory_space<hbm>>
        tpu.wait_dma2 semaphore(%run_scoped3A : memref<!tpu.dma_semaphore, #tpu.memory_space<semaphore_mem>>) src(%arg6 : memref<128x128xf32, #tpu.memory_space<vmem>>) dst(%dma_wait3A_53 : memref<128x128xf32, #tpu.memory_space<hbm>>)
        tpu.yield
      }) : () -> ()
      %dma_wait3A_29 = arith.constant 0 : i32
      %dma_wait3A_30 = tpu.memref_slice %arg5[%add3A_17, %dma_wait3A_29] : memref<14x128xi32, #tpu.memory_space<vmem>> -> memref<1x128xi32, #tpu.memory_space<vmem>>
      %dma_wait3A_31 = tpu.memref_squeeze %dma_wait3A_30 : memref<1x128xi32, #tpu.memory_space<vmem>> -> memref<128xi32, #tpu.memory_space<vmem>>
      %dma_wait3A_32 = arith.constant 0 : i32
      %dma_wait3A_33 = arith.constant 0 : i32
      %dma_wait3A_34 = tpu.memref_slice %arg2[%dma_wait3A_32, %dma_wait3A_33] : memref<800000x128xf32, #tpu.memory_space<hbm>> -> memref<800000x128xf32, #tpu.memory_space<hbm>>
      tpu.wait_indirect_dma semaphore(%arg9 : memref<!tpu.dma_semaphore, #tpu.memory_space<semaphore_mem>>) src(%dma_wait3A_34 : memref<800000x128xf32, #tpu.memory_space<hbm>>) dst(%arg7 : memref<128x128xf32, #tpu.memory_space<vmem>>)
      %add3A_35 = arith.constant 1 : i32
      %add3A_36 = arith.addi %mul3A_10, %add3A_35 : i32
      "tpu.region"() ({
        %run_scoped3A = tpu.sem_alloc : memref<!tpu.dma_semaphore, #tpu.memory_space<semaphore_mem>>
        %dma_start3A_38 = arith.constant 0 : i32
        %dma_start3A_39 = arith.constant 0 : i32
        %dma_start3A_40 = tpu.memref_slice %arg4[%add3A, %add3A_36, %dma_start3A_38, %dma_start3A_39] : memref<32x14x128x128xf32, #tpu.memory_space<hbm>> -> memref<1x1x128x128xf32, #tpu.memory_space<hbm>>
        %dma_start3A_41 = tpu.memref_squeeze %dma_start3A_40 : memref<1x1x128x128xf32, #tpu.memory_space<hbm>> -> memref<128x128xf32, #tpu.memory_space<hbm>>
        %dma_start3A_42 = arith.constant 0 : i32
        %dma_start3A_43 = arith.constant 0 : i32
        %dma_start3A_44 = tpu.memref_slice %arg4[%add3A, %add3A_36, %dma_start3A_42, %dma_start3A_43] : memref<32x14x128x128xf32, #tpu.memory_space<hbm>> -> memref<1x1x128x128xf32, #tpu.memory_space<hbm>>
        %dma_start3A_45 = tpu.memref_squeeze %dma_start3A_44 : memref<1x1x128x128xf32, #tpu.memory_space<hbm>> -> memref<128x128xf32, #tpu.memory_space<hbm>>
        tpu.enqueue_dma source(%arg7 : memref<128x128xf32, #tpu.memory_space<vmem>>) target(%dma_start3A_45 : memref<128x128xf32, #tpu.memory_space<hbm>>) target_semaphore(%run_scoped3A : memref<!tpu.dma_semaphore, #tpu.memory_space<semaphore_mem>>)
        %dma_wait3A_46 = arith.constant 0 : i32
        %dma_wait3A_47 = arith.constant 0 : i32
        %dma_wait3A_48 = tpu.memref_slice %arg4[%add3A, %add3A_36, %dma_wait3A_46, %dma_wait3A_47] : memref<32x14x128x128xf32, #tpu.memory_space<hbm>> -> memref<1x1x128x128xf32, #tpu.memory_space<hbm>>
        %dma_wait3A_49 = tpu.memref_squeeze %dma_wait3A_48 : memref<1x1x128x128xf32, #tpu.memory_space<hbm>> -> memref<128x128xf32, #tpu.memory_space<hbm>>
        %dma_wait3A_50 = arith.constant 0 : i32
        %dma_wait3A_51 = arith.constant 0 : i32
        %dma_wait3A_52 = tpu.memref_slice %arg4[%add3A, %add3A_36, %dma_wait3A_50, %dma_wait3A_51] : memref<32x14x128x128xf32, #tpu.memory_space<hbm>> -> memref<1x1x128x128xf32, #tpu.memory_space<hbm>>
        %dma_wait3A_53 = tpu.memref_squeeze %dma_wait3A_52 : memref<1x1x128x128xf32, #tpu.memory_space<hbm>> -> memref<128x128xf32, #tpu.memory_space<hbm>>
        tpu.wait_dma2 semaphore(%run_scoped3A : memref<!tpu.dma_semaphore, #tpu.memory_space<semaphore_mem>>) src(%arg7 : memref<128x128xf32, #tpu.memory_space<vmem>>) dst(%dma_wait3A_53 : memref<128x128xf32, #tpu.memory_space<hbm>>)
        tpu.yield
      }) : () -> ()
      %scan3A_37 = arith.constant 0 : i32
      scf.yield %scan3A_37 : i32
    }
    %scan3A_6 = arith.constant 7 : i32
    return
  }
}

#map = affine_map<(d0, d1) -> (0, 0)>
#map1 = affine_map<(d0, d1) -> (0, 0, 0)>
#map2 = affine_map<(d0, d1) -> (0, 0, 0, 0)>
module attributes {stable_mosaic.version = 14 : i64} {
  func.func @_gather1_body(%arg0: i32, %arg1: i32, %arg2: memref<50000x128xf32, #tpu.memory_space<hbm>>, %arg3: memref<32x196x128xi32, #tpu.memory_space<hbm>>, %arg4: memref<32x196x128x128xf32, #tpu.memory_space<hbm>>, %arg5: memref<196x128xi32, #tpu.memory_space<vmem>>, %arg6: memref<128x128xf32, #tpu.memory_space<vmem>>, %arg7: memref<128x128xf32, #tpu.memory_space<vmem>>, %arg8: memref<!tpu.dma_semaphore, #tpu.memory_space<semaphore_mem>>, %arg9: memref<!tpu.dma_semaphore, #tpu.memory_space<semaphore_mem>>) attributes {dimension_semantics = [#tpu.dimension_semantics<core_parallel>, #tpu.dimension_semantics<subcore_parallel>], iteration_bounds = array<i64: 2, 16>, scalar_prefetch = 0 : i64, scratch_operands = 5 : i64, tpu.core_type = #tpu.core_type<sc_vector_subcore>, window_params = [{transform_indices = #map}, {transform_indices = #map1}, {transform_indices = #map2}]} {
    %mul3A = arith.constant 16 : i32
    %mul3A_0 = arith.muli %arg0, %mul3A : i32
    %add3A = arith.addi %mul3A_0, %arg1 : i32
    "tpu.region"() ({
      %run_scoped3A = tpu.sem_alloc : memref<!tpu.dma_semaphore, #tpu.memory_space<semaphore_mem>>
      %dma_start3A = arith.constant 0 : i32
      %dma_start3A_7 = arith.constant 0 : i32
      %dma_start3A_8 = tpu.memref_slice %arg3[%add3A, %dma_start3A, %dma_start3A_7] : memref<32x196x128xi32, #tpu.memory_space<hbm>> -> memref<1x196x128xi32, #tpu.memory_space<hbm>>
      %dma_start3A_9 = tpu.memref_squeeze %dma_start3A_8 : memref<1x196x128xi32, #tpu.memory_space<hbm>> -> memref<196x128xi32, #tpu.memory_space<hbm>>
      %dma_start3A_10 = arith.constant 0 : i32
      %dma_start3A_11 = arith.constant 0 : i32
      %dma_start3A_12 = tpu.memref_slice %arg3[%add3A, %dma_start3A_10, %dma_start3A_11] : memref<32x196x128xi32, #tpu.memory_space<hbm>> -> memref<1x196x128xi32, #tpu.memory_space<hbm>>
      %dma_start3A_13 = tpu.memref_squeeze %dma_start3A_12 : memref<1x196x128xi32, #tpu.memory_space<hbm>> -> memref<196x128xi32, #tpu.memory_space<hbm>>
      tpu.enqueue_dma source(%dma_start3A_13 : memref<196x128xi32, #tpu.memory_space<hbm>>) target(%arg5 : memref<196x128xi32, #tpu.memory_space<vmem>>) target_semaphore(%run_scoped3A : memref<!tpu.dma_semaphore, #tpu.memory_space<semaphore_mem>>)
      %dma_wait3A = arith.constant 0 : i32
      %dma_wait3A_14 = arith.constant 0 : i32
      %dma_wait3A_15 = tpu.memref_slice %arg3[%add3A, %dma_wait3A, %dma_wait3A_14] : memref<32x196x128xi32, #tpu.memory_space<hbm>> -> memref<1x196x128xi32, #tpu.memory_space<hbm>>
      %dma_wait3A_16 = tpu.memref_squeeze %dma_wait3A_15 : memref<1x196x128xi32, #tpu.memory_space<hbm>> -> memref<196x128xi32, #tpu.memory_space<hbm>>
      %dma_wait3A_17 = arith.constant 0 : i32
      %dma_wait3A_18 = arith.constant 0 : i32
      %dma_wait3A_19 = tpu.memref_slice %arg3[%add3A, %dma_wait3A_17, %dma_wait3A_18] : memref<32x196x128xi32, #tpu.memory_space<hbm>> -> memref<1x196x128xi32, #tpu.memory_space<hbm>>
      %dma_wait3A_20 = tpu.memref_squeeze %dma_wait3A_19 : memref<1x196x128xi32, #tpu.memory_space<hbm>> -> memref<196x128xi32, #tpu.memory_space<hbm>>
      tpu.wait_dma2 semaphore(%run_scoped3A : memref<!tpu.dma_semaphore, #tpu.memory_space<semaphore_mem>>) src(%dma_wait3A_20 : memref<196x128xi32, #tpu.memory_space<hbm>>) dst(%arg5 : memref<196x128xi32, #tpu.memory_space<vmem>>)
      tpu.yield
    }) : () -> ()
    %scan3A = arith.constant 0 : i32
    %scan3A_1 = arith.constant 0 : i32
    %scan3A_2 = arith.constant 98 : i32
    %scan3A_3 = arith.addi %scan3A_1, %scan3A_2 : i32
    %scan3A_4 = arith.constant 1 : i32
    %scan3A_5 = scf.for %scan3A_7 = %scan3A_1 to %scan3A_3 step %scan3A_4 iter_args(%scan3A_8 = %scan3A) -> (i32)  : i32 {
      %mul3A_9 = arith.constant 2 : i32
      %mul3A_10 = arith.muli %mul3A_9, %scan3A_7 : i32
      %dma_start3A = arith.constant 0 : i32
      %dma_start3A_11 = tpu.memref_slice %arg5[%mul3A_10, %dma_start3A] : memref<196x128xi32, #tpu.memory_space<vmem>> -> memref<1x128xi32, #tpu.memory_space<vmem>>
      %dma_start3A_12 = tpu.memref_squeeze %dma_start3A_11 : memref<1x128xi32, #tpu.memory_space<vmem>> -> memref<128xi32, #tpu.memory_space<vmem>>
      %dma_start3A_13 = arith.constant 0 : i32
      %dma_start3A_14 = arith.constant 0 : i32
      %dma_start3A_15 = tpu.memref_slice %arg2[%dma_start3A_13, %dma_start3A_14] : memref<50000x128xf32, #tpu.memory_space<hbm>> -> memref<50000x128xf32, #tpu.memory_space<hbm>>
      tpu.enqueue_indirect_dma source(%dma_start3A_15 : memref<50000x128xf32, #tpu.memory_space<hbm>>) target(%arg6 : memref<128x128xf32, #tpu.memory_space<vmem>>) offsets(%dma_start3A_12 : memref<128xi32, #tpu.memory_space<vmem>>) semaphore(%arg8 : memref<!tpu.dma_semaphore, #tpu.memory_space<semaphore_mem>>)
      %add3A_16 = arith.constant 1 : i32
      %add3A_17 = arith.addi %mul3A_10, %add3A_16 : i32
      %dma_start3A_18 = arith.constant 0 : i32
      %dma_start3A_19 = tpu.memref_slice %arg5[%add3A_17, %dma_start3A_18] : memref<196x128xi32, #tpu.memory_space<vmem>> -> memref<1x128xi32, #tpu.memory_space<vmem>>
      %dma_start3A_20 = tpu.memref_squeeze %dma_start3A_19 : memref<1x128xi32, #tpu.memory_space<vmem>> -> memref<128xi32, #tpu.memory_space<vmem>>
      %dma_start3A_21 = arith.constant 0 : i32
      %dma_start3A_22 = arith.constant 0 : i32
      %dma_start3A_23 = tpu.memref_slice %arg2[%dma_start3A_21, %dma_start3A_22] : memref<50000x128xf32, #tpu.memory_space<hbm>> -> memref<50000x128xf32, #tpu.memory_space<hbm>>
      tpu.enqueue_indirect_dma source(%dma_start3A_23 : memref<50000x128xf32, #tpu.memory_space<hbm>>) target(%arg7 : memref<128x128xf32, #tpu.memory_space<vmem>>) offsets(%dma_start3A_20 : memref<128xi32, #tpu.memory_space<vmem>>) semaphore(%arg9 : memref<!tpu.dma_semaphore, #tpu.memory_space<semaphore_mem>>)
      %dma_wait3A = arith.constant 0 : i32
      %dma_wait3A_24 = tpu.memref_slice %arg5[%mul3A_10, %dma_wait3A] : memref<196x128xi32, #tpu.memory_space<vmem>> -> memref<1x128xi32, #tpu.memory_space<vmem>>
      %dma_wait3A_25 = tpu.memref_squeeze %dma_wait3A_24 : memref<1x128xi32, #tpu.memory_space<vmem>> -> memref<128xi32, #tpu.memory_space<vmem>>
      %dma_wait3A_26 = arith.constant 0 : i32
      %dma_wait3A_27 = arith.constant 0 : i32
      %dma_wait3A_28 = tpu.memref_slice %arg2[%dma_wait3A_26, %dma_wait3A_27] : memref<50000x128xf32, #tpu.memory_space<hbm>> -> memref<50000x128xf32, #tpu.memory_space<hbm>>
      tpu.wait_indirect_dma semaphore(%arg8 : memref<!tpu.dma_semaphore, #tpu.memory_space<semaphore_mem>>) src(%dma_wait3A_28 : memref<50000x128xf32, #tpu.memory_space<hbm>>) dst(%arg6 : memref<128x128xf32, #tpu.memory_space<vmem>>)
      "tpu.region"() ({
        %run_scoped3A = tpu.sem_alloc : memref<!tpu.dma_semaphore, #tpu.memory_space<semaphore_mem>>
        %dma_start3A_38 = arith.constant 0 : i32
        %dma_start3A_39 = arith.constant 0 : i32
        %dma_start3A_40 = tpu.memref_slice %arg4[%add3A, %mul3A_10, %dma_start3A_38, %dma_start3A_39] : memref<32x196x128x128xf32, #tpu.memory_space<hbm>> -> memref<1x1x128x128xf32, #tpu.memory_space<hbm>>
        %dma_start3A_41 = tpu.memref_squeeze %dma_start3A_40 : memref<1x1x128x128xf32, #tpu.memory_space<hbm>> -> memref<128x128xf32, #tpu.memory_space<hbm>>
        %dma_start3A_42 = arith.constant 0 : i32
        %dma_start3A_43 = arith.constant 0 : i32
        %dma_start3A_44 = tpu.memref_slice %arg4[%add3A, %mul3A_10, %dma_start3A_42, %dma_start3A_43] : memref<32x196x128x128xf32, #tpu.memory_space<hbm>> -> memref<1x1x128x128xf32, #tpu.memory_space<hbm>>
        %dma_start3A_45 = tpu.memref_squeeze %dma_start3A_44 : memref<1x1x128x128xf32, #tpu.memory_space<hbm>> -> memref<128x128xf32, #tpu.memory_space<hbm>>
        tpu.enqueue_dma source(%arg6 : memref<128x128xf32, #tpu.memory_space<vmem>>) target(%dma_start3A_45 : memref<128x128xf32, #tpu.memory_space<hbm>>) target_semaphore(%run_scoped3A : memref<!tpu.dma_semaphore, #tpu.memory_space<semaphore_mem>>)
        %dma_wait3A_46 = arith.constant 0 : i32
        %dma_wait3A_47 = arith.constant 0 : i32
        %dma_wait3A_48 = tpu.memref_slice %arg4[%add3A, %mul3A_10, %dma_wait3A_46, %dma_wait3A_47] : memref<32x196x128x128xf32, #tpu.memory_space<hbm>> -> memref<1x1x128x128xf32, #tpu.memory_space<hbm>>
        %dma_wait3A_49 = tpu.memref_squeeze %dma_wait3A_48 : memref<1x1x128x128xf32, #tpu.memory_space<hbm>> -> memref<128x128xf32, #tpu.memory_space<hbm>>
        %dma_wait3A_50 = arith.constant 0 : i32
        %dma_wait3A_51 = arith.constant 0 : i32
        %dma_wait3A_52 = tpu.memref_slice %arg4[%add3A, %mul3A_10, %dma_wait3A_50, %dma_wait3A_51] : memref<32x196x128x128xf32, #tpu.memory_space<hbm>> -> memref<1x1x128x128xf32, #tpu.memory_space<hbm>>
        %dma_wait3A_53 = tpu.memref_squeeze %dma_wait3A_52 : memref<1x1x128x128xf32, #tpu.memory_space<hbm>> -> memref<128x128xf32, #tpu.memory_space<hbm>>
        tpu.wait_dma2 semaphore(%run_scoped3A : memref<!tpu.dma_semaphore, #tpu.memory_space<semaphore_mem>>) src(%arg6 : memref<128x128xf32, #tpu.memory_space<vmem>>) dst(%dma_wait3A_53 : memref<128x128xf32, #tpu.memory_space<hbm>>)
        tpu.yield
      }) : () -> ()
      %dma_wait3A_29 = arith.constant 0 : i32
      %dma_wait3A_30 = tpu.memref_slice %arg5[%add3A_17, %dma_wait3A_29] : memref<196x128xi32, #tpu.memory_space<vmem>> -> memref<1x128xi32, #tpu.memory_space<vmem>>
      %dma_wait3A_31 = tpu.memref_squeeze %dma_wait3A_30 : memref<1x128xi32, #tpu.memory_space<vmem>> -> memref<128xi32, #tpu.memory_space<vmem>>
      %dma_wait3A_32 = arith.constant 0 : i32
      %dma_wait3A_33 = arith.constant 0 : i32
      %dma_wait3A_34 = tpu.memref_slice %arg2[%dma_wait3A_32, %dma_wait3A_33] : memref<50000x128xf32, #tpu.memory_space<hbm>> -> memref<50000x128xf32, #tpu.memory_space<hbm>>
      tpu.wait_indirect_dma semaphore(%arg9 : memref<!tpu.dma_semaphore, #tpu.memory_space<semaphore_mem>>) src(%dma_wait3A_34 : memref<50000x128xf32, #tpu.memory_space<hbm>>) dst(%arg7 : memref<128x128xf32, #tpu.memory_space<vmem>>)
      %add3A_35 = arith.constant 1 : i32
      %add3A_36 = arith.addi %mul3A_10, %add3A_35 : i32
      "tpu.region"() ({
        %run_scoped3A = tpu.sem_alloc : memref<!tpu.dma_semaphore, #tpu.memory_space<semaphore_mem>>
        %dma_start3A_38 = arith.constant 0 : i32
        %dma_start3A_39 = arith.constant 0 : i32
        %dma_start3A_40 = tpu.memref_slice %arg4[%add3A, %add3A_36, %dma_start3A_38, %dma_start3A_39] : memref<32x196x128x128xf32, #tpu.memory_space<hbm>> -> memref<1x1x128x128xf32, #tpu.memory_space<hbm>>
        %dma_start3A_41 = tpu.memref_squeeze %dma_start3A_40 : memref<1x1x128x128xf32, #tpu.memory_space<hbm>> -> memref<128x128xf32, #tpu.memory_space<hbm>>
        %dma_start3A_42 = arith.constant 0 : i32
        %dma_start3A_43 = arith.constant 0 : i32
        %dma_start3A_44 = tpu.memref_slice %arg4[%add3A, %add3A_36, %dma_start3A_42, %dma_start3A_43] : memref<32x196x128x128xf32, #tpu.memory_space<hbm>> -> memref<1x1x128x128xf32, #tpu.memory_space<hbm>>
        %dma_start3A_45 = tpu.memref_squeeze %dma_start3A_44 : memref<1x1x128x128xf32, #tpu.memory_space<hbm>> -> memref<128x128xf32, #tpu.memory_space<hbm>>
        tpu.enqueue_dma source(%arg7 : memref<128x128xf32, #tpu.memory_space<vmem>>) target(%dma_start3A_45 : memref<128x128xf32, #tpu.memory_space<hbm>>) target_semaphore(%run_scoped3A : memref<!tpu.dma_semaphore, #tpu.memory_space<semaphore_mem>>)
        %dma_wait3A_46 = arith.constant 0 : i32
        %dma_wait3A_47 = arith.constant 0 : i32
        %dma_wait3A_48 = tpu.memref_slice %arg4[%add3A, %add3A_36, %dma_wait3A_46, %dma_wait3A_47] : memref<32x196x128x128xf32, #tpu.memory_space<hbm>> -> memref<1x1x128x128xf32, #tpu.memory_space<hbm>>
        %dma_wait3A_49 = tpu.memref_squeeze %dma_wait3A_48 : memref<1x1x128x128xf32, #tpu.memory_space<hbm>> -> memref<128x128xf32, #tpu.memory_space<hbm>>
        %dma_wait3A_50 = arith.constant 0 : i32
        %dma_wait3A_51 = arith.constant 0 : i32
        %dma_wait3A_52 = tpu.memref_slice %arg4[%add3A, %add3A_36, %dma_wait3A_50, %dma_wait3A_51] : memref<32x196x128x128xf32, #tpu.memory_space<hbm>> -> memref<1x1x128x128xf32, #tpu.memory_space<hbm>>
        %dma_wait3A_53 = tpu.memref_squeeze %dma_wait3A_52 : memref<1x1x128x128xf32, #tpu.memory_space<hbm>> -> memref<128x128xf32, #tpu.memory_space<hbm>>
        tpu.wait_dma2 semaphore(%run_scoped3A : memref<!tpu.dma_semaphore, #tpu.memory_space<semaphore_mem>>) src(%arg7 : memref<128x128xf32, #tpu.memory_space<vmem>>) dst(%dma_wait3A_53 : memref<128x128xf32, #tpu.memory_space<hbm>>)
        tpu.yield
      }) : () -> ()
      %scan3A_37 = arith.constant 0 : i32
      scf.yield %scan3A_37 : i32
    }
    %scan3A_6 = arith.constant 98 : i32
    return
  }
}

#map = affine_map<(d0, d1) -> (0, 0)>
#map1 = affine_map<(d0, d1) -> (0, 0, 0)>
#map2 = affine_map<(d0, d1) -> (0, 0, 0, 0)>
module attributes {stable_mosaic.version = 14 : i64} {
  func.func @_gather1_body(%arg0: i32, %arg1: i32, %arg2: memref<800000x128xf32, #tpu.memory_space<hbm>>, %arg3: memref<32x14x128xi32, #tpu.memory_space<hbm>>, %arg4: memref<32x14x128x128xf32, #tpu.memory_space<hbm>>, %arg5: memref<14x128xi32, #tpu.memory_space<vmem>>, %arg6: memref<128x128xf32, #tpu.memory_space<vmem>>, %arg7: memref<128x128xf32, #tpu.memory_space<vmem>>, %arg8: memref<!tpu.dma_semaphore, #tpu.memory_space<semaphore_mem>>, %arg9: memref<!tpu.dma_semaphore, #tpu.memory_space<semaphore_mem>>) attributes {dimension_semantics = [#tpu.dimension_semantics<core_parallel>, #tpu.dimension_semantics<subcore_parallel>], iteration_bounds = array<i64: 2, 16>, scalar_prefetch = 0 : i64, scratch_operands = 5 : i64, tpu.core_type = #tpu.core_type<sc_vector_subcore>, window_params = [{transform_indices = #map}, {transform_indices = #map1}, {transform_indices = #map2}]} {
    %mul3A = arith.constant 16 : i32
    %mul3A_0 = arith.muli %arg0, %mul3A : i32
    %add3A = arith.addi %mul3A_0, %arg1 : i32
    "tpu.region"() ({
      %run_scoped3A = tpu.sem_alloc : memref<!tpu.dma_semaphore, #tpu.memory_space<semaphore_mem>>
      %dma_start3A = arith.constant 0 : i32
      %dma_start3A_7 = arith.constant 0 : i32
      %dma_start3A_8 = tpu.memref_slice %arg3[%add3A, %dma_start3A, %dma_start3A_7] : memref<32x14x128xi32, #tpu.memory_space<hbm>> -> memref<1x14x128xi32, #tpu.memory_space<hbm>>
      %dma_start3A_9 = tpu.memref_squeeze %dma_start3A_8 : memref<1x14x128xi32, #tpu.memory_space<hbm>> -> memref<14x128xi32, #tpu.memory_space<hbm>>
      %dma_start3A_10 = arith.constant 0 : i32
      %dma_start3A_11 = arith.constant 0 : i32
      %dma_start3A_12 = tpu.memref_slice %arg3[%add3A, %dma_start3A_10, %dma_start3A_11] : memref<32x14x128xi32, #tpu.memory_space<hbm>> -> memref<1x14x128xi32, #tpu.memory_space<hbm>>
      %dma_start3A_13 = tpu.memref_squeeze %dma_start3A_12 : memref<1x14x128xi32, #tpu.memory_space<hbm>> -> memref<14x128xi32, #tpu.memory_space<hbm>>
      tpu.enqueue_dma source(%dma_start3A_13 : memref<14x128xi32, #tpu.memory_space<hbm>>) target(%arg5 : memref<14x128xi32, #tpu.memory_space<vmem>>) target_semaphore(%run_scoped3A : memref<!tpu.dma_semaphore, #tpu.memory_space<semaphore_mem>>)
      %dma_wait3A = arith.constant 0 : i32
      %dma_wait3A_14 = arith.constant 0 : i32
      %dma_wait3A_15 = tpu.memref_slice %arg3[%add3A, %dma_wait3A, %dma_wait3A_14] : memref<32x14x128xi32, #tpu.memory_space<hbm>> -> memref<1x14x128xi32, #tpu.memory_space<hbm>>
      %dma_wait3A_16 = tpu.memref_squeeze %dma_wait3A_15 : memref<1x14x128xi32, #tpu.memory_space<hbm>> -> memref<14x128xi32, #tpu.memory_space<hbm>>
      %dma_wait3A_17 = arith.constant 0 : i32
      %dma_wait3A_18 = arith.constant 0 : i32
      %dma_wait3A_19 = tpu.memref_slice %arg3[%add3A, %dma_wait3A_17, %dma_wait3A_18] : memref<32x14x128xi32, #tpu.memory_space<hbm>> -> memref<1x14x128xi32, #tpu.memory_space<hbm>>
      %dma_wait3A_20 = tpu.memref_squeeze %dma_wait3A_19 : memref<1x14x128xi32, #tpu.memory_space<hbm>> -> memref<14x128xi32, #tpu.memory_space<hbm>>
      tpu.wait_dma2 semaphore(%run_scoped3A : memref<!tpu.dma_semaphore, #tpu.memory_space<semaphore_mem>>) src(%dma_wait3A_20 : memref<14x128xi32, #tpu.memory_space<hbm>>) dst(%arg5 : memref<14x128xi32, #tpu.memory_space<vmem>>)
      tpu.yield
    }) : () -> ()
    %scan3A = arith.constant 0 : i32
    %scan3A_1 = arith.constant 0 : i32
    %scan3A_2 = arith.constant 7 : i32
    %scan3A_3 = arith.addi %scan3A_1, %scan3A_2 : i32
    %scan3A_4 = arith.constant 1 : i32
    %scan3A_5 = scf.for %scan3A_7 = %scan3A_1 to %scan3A_3 step %scan3A_4 iter_args(%scan3A_8 = %scan3A) -> (i32)  : i32 {
      %mul3A_9 = arith.constant 2 : i32
      %mul3A_10 = arith.muli %mul3A_9, %scan3A_7 : i32
      %dma_start3A = arith.constant 0 : i32
      %dma_start3A_11 = tpu.memref_slice %arg5[%mul3A_10, %dma_start3A] : memref<14x128xi32, #tpu.memory_space<vmem>> -> memref<1x128xi32, #tpu.memory_space<vmem>>
      %dma_start3A_12 = tpu.memref_squeeze %dma_start3A_11 : memref<1x128xi32, #tpu.memory_space<vmem>> -> memref<128xi32, #tpu.memory_space<vmem>>
      %dma_start3A_13 = arith.constant 0 : i32
      %dma_start3A_14 = arith.constant 0 : i32
      %dma_start3A_15 = tpu.memref_slice %arg2[%dma_start3A_13, %dma_start3A_14] : memref<800000x128xf32, #tpu.memory_space<hbm>> -> memref<800000x128xf32, #tpu.memory_space<hbm>>
      tpu.enqueue_indirect_dma source(%dma_start3A_15 : memref<800000x128xf32, #tpu.memory_space<hbm>>) target(%arg6 : memref<128x128xf32, #tpu.memory_space<vmem>>) offsets(%dma_start3A_12 : memref<128xi32, #tpu.memory_space<vmem>>) semaphore(%arg8 : memref<!tpu.dma_semaphore, #tpu.memory_space<semaphore_mem>>)
      %add3A_16 = arith.constant 1 : i32
      %add3A_17 = arith.addi %mul3A_10, %add3A_16 : i32
      %dma_start3A_18 = arith.constant 0 : i32
      %dma_start3A_19 = tpu.memref_slice %arg5[%add3A_17, %dma_start3A_18] : memref<14x128xi32, #tpu.memory_space<vmem>> -> memref<1x128xi32, #tpu.memory_space<vmem>>
      %dma_start3A_20 = tpu.memref_squeeze %dma_start3A_19 : memref<1x128xi32, #tpu.memory_space<vmem>> -> memref<128xi32, #tpu.memory_space<vmem>>
      %dma_start3A_21 = arith.constant 0 : i32
      %dma_start3A_22 = arith.constant 0 : i32
      %dma_start3A_23 = tpu.memref_slice %arg2[%dma_start3A_21, %dma_start3A_22] : memref<800000x128xf32, #tpu.memory_space<hbm>> -> memref<800000x128xf32, #tpu.memory_space<hbm>>
      tpu.enqueue_indirect_dma source(%dma_start3A_23 : memref<800000x128xf32, #tpu.memory_space<hbm>>) target(%arg7 : memref<128x128xf32, #tpu.memory_space<vmem>>) offsets(%dma_start3A_20 : memref<128xi32, #tpu.memory_space<vmem>>) semaphore(%arg9 : memref<!tpu.dma_semaphore, #tpu.memory_space<semaphore_mem>>)
      %dma_wait3A = arith.constant 0 : i32
      %dma_wait3A_24 = tpu.memref_slice %arg5[%mul3A_10, %dma_wait3A] : memref<14x128xi32, #tpu.memory_space<vmem>> -> memref<1x128xi32, #tpu.memory_space<vmem>>
      %dma_wait3A_25 = tpu.memref_squeeze %dma_wait3A_24 : memref<1x128xi32, #tpu.memory_space<vmem>> -> memref<128xi32, #tpu.memory_space<vmem>>
      %dma_wait3A_26 = arith.constant 0 : i32
      %dma_wait3A_27 = arith.constant 0 : i32
      %dma_wait3A_28 = tpu.memref_slice %arg2[%dma_wait3A_26, %dma_wait3A_27] : memref<800000x128xf32, #tpu.memory_space<hbm>> -> memref<800000x128xf32, #tpu.memory_space<hbm>>
      tpu.wait_indirect_dma semaphore(%arg8 : memref<!tpu.dma_semaphore, #tpu.memory_space<semaphore_mem>>) src(%dma_wait3A_28 : memref<800000x128xf32, #tpu.memory_space<hbm>>) dst(%arg6 : memref<128x128xf32, #tpu.memory_space<vmem>>)
      "tpu.region"() ({
        %run_scoped3A = tpu.sem_alloc : memref<!tpu.dma_semaphore, #tpu.memory_space<semaphore_mem>>
        %dma_start3A_38 = arith.constant 0 : i32
        %dma_start3A_39 = arith.constant 0 : i32
        %dma_start3A_40 = tpu.memref_slice %arg4[%add3A, %mul3A_10, %dma_start3A_38, %dma_start3A_39] : memref<32x14x128x128xf32, #tpu.memory_space<hbm>> -> memref<1x1x128x128xf32, #tpu.memory_space<hbm>>
        %dma_start3A_41 = tpu.memref_squeeze %dma_start3A_40 : memref<1x1x128x128xf32, #tpu.memory_space<hbm>> -> memref<128x128xf32, #tpu.memory_space<hbm>>
        %dma_start3A_42 = arith.constant 0 : i32
        %dma_start3A_43 = arith.constant 0 : i32
        %dma_start3A_44 = tpu.memref_slice %arg4[%add3A, %mul3A_10, %dma_start3A_42, %dma_start3A_43] : memref<32x14x128x128xf32, #tpu.memory_space<hbm>> -> memref<1x1x128x128xf32, #tpu.memory_space<hbm>>
        %dma_start3A_45 = tpu.memref_squeeze %dma_start3A_44 : memref<1x1x128x128xf32, #tpu.memory_space<hbm>> -> memref<128x128xf32, #tpu.memory_space<hbm>>
        tpu.enqueue_dma source(%arg6 : memref<128x128xf32, #tpu.memory_space<vmem>>) target(%dma_start3A_45 : memref<128x128xf32, #tpu.memory_space<hbm>>) target_semaphore(%run_scoped3A : memref<!tpu.dma_semaphore, #tpu.memory_space<semaphore_mem>>)
        %dma_wait3A_46 = arith.constant 0 : i32
        %dma_wait3A_47 = arith.constant 0 : i32
        %dma_wait3A_48 = tpu.memref_slice %arg4[%add3A, %mul3A_10, %dma_wait3A_46, %dma_wait3A_47] : memref<32x14x128x128xf32, #tpu.memory_space<hbm>> -> memref<1x1x128x128xf32, #tpu.memory_space<hbm>>
        %dma_wait3A_49 = tpu.memref_squeeze %dma_wait3A_48 : memref<1x1x128x128xf32, #tpu.memory_space<hbm>> -> memref<128x128xf32, #tpu.memory_space<hbm>>
        %dma_wait3A_50 = arith.constant 0 : i32
        %dma_wait3A_51 = arith.constant 0 : i32
        %dma_wait3A_52 = tpu.memref_slice %arg4[%add3A, %mul3A_10, %dma_wait3A_50, %dma_wait3A_51] : memref<32x14x128x128xf32, #tpu.memory_space<hbm>> -> memref<1x1x128x128xf32, #tpu.memory_space<hbm>>
        %dma_wait3A_53 = tpu.memref_squeeze %dma_wait3A_52 : memref<1x1x128x128xf32, #tpu.memory_space<hbm>> -> memref<128x128xf32, #tpu.memory_space<hbm>>
        tpu.wait_dma2 semaphore(%run_scoped3A : memref<!tpu.dma_semaphore, #tpu.memory_space<semaphore_mem>>) src(%arg6 : memref<128x128xf32, #tpu.memory_space<vmem>>) dst(%dma_wait3A_53 : memref<128x128xf32, #tpu.memory_space<hbm>>)
        tpu.yield
      }) : () -> ()
      %dma_wait3A_29 = arith.constant 0 : i32
      %dma_wait3A_30 = tpu.memref_slice %arg5[%add3A_17, %dma_wait3A_29] : memref<14x128xi32, #tpu.memory_space<vmem>> -> memref<1x128xi32, #tpu.memory_space<vmem>>
      %dma_wait3A_31 = tpu.memref_squeeze %dma_wait3A_30 : memref<1x128xi32, #tpu.memory_space<vmem>> -> memref<128xi32, #tpu.memory_space<vmem>>
      %dma_wait3A_32 = arith.constant 0 : i32
      %dma_wait3A_33 = arith.constant 0 : i32
      %dma_wait3A_34 = tpu.memref_slice %arg2[%dma_wait3A_32, %dma_wait3A_33] : memref<800000x128xf32, #tpu.memory_space<hbm>> -> memref<800000x128xf32, #tpu.memory_space<hbm>>
      tpu.wait_indirect_dma semaphore(%arg9 : memref<!tpu.dma_semaphore, #tpu.memory_space<semaphore_mem>>) src(%dma_wait3A_34 : memref<800000x128xf32, #tpu.memory_space<hbm>>) dst(%arg7 : memref<128x128xf32, #tpu.memory_space<vmem>>)
      %add3A_35 = arith.constant 1 : i32
      %add3A_36 = arith.addi %mul3A_10, %add3A_35 : i32
      "tpu.region"() ({
        %run_scoped3A = tpu.sem_alloc : memref<!tpu.dma_semaphore, #tpu.memory_space<semaphore_mem>>
        %dma_start3A_38 = arith.constant 0 : i32
        %dma_start3A_39 = arith.constant 0 : i32
        %dma_start3A_40 = tpu.memref_slice %arg4[%add3A, %add3A_36, %dma_start3A_38, %dma_start3A_39] : memref<32x14x128x128xf32, #tpu.memory_space<hbm>> -> memref<1x1x128x128xf32, #tpu.memory_space<hbm>>
        %dma_start3A_41 = tpu.memref_squeeze %dma_start3A_40 : memref<1x1x128x128xf32, #tpu.memory_space<hbm>> -> memref<128x128xf32, #tpu.memory_space<hbm>>
        %dma_start3A_42 = arith.constant 0 : i32
        %dma_start3A_43 = arith.constant 0 : i32
        %dma_start3A_44 = tpu.memref_slice %arg4[%add3A, %add3A_36, %dma_start3A_42, %dma_start3A_43] : memref<32x14x128x128xf32, #tpu.memory_space<hbm>> -> memref<1x1x128x128xf32, #tpu.memory_space<hbm>>
        %dma_start3A_45 = tpu.memref_squeeze %dma_start3A_44 : memref<1x1x128x128xf32, #tpu.memory_space<hbm>> -> memref<128x128xf32, #tpu.memory_space<hbm>>
        tpu.enqueue_dma source(%arg7 : memref<128x128xf32, #tpu.memory_space<vmem>>) target(%dma_start3A_45 : memref<128x128xf32, #tpu.memory_space<hbm>>) target_semaphore(%run_scoped3A : memref<!tpu.dma_semaphore, #tpu.memory_space<semaphore_mem>>)
        %dma_wait3A_46 = arith.constant 0 : i32
        %dma_wait3A_47 = arith.constant 0 : i32
        %dma_wait3A_48 = tpu.memref_slice %arg4[%add3A, %add3A_36, %dma_wait3A_46, %dma_wait3A_47] : memref<32x14x128x128xf32, #tpu.memory_space<hbm>> -> memref<1x1x128x128xf32, #tpu.memory_space<hbm>>
        %dma_wait3A_49 = tpu.memref_squeeze %dma_wait3A_48 : memref<1x1x128x128xf32, #tpu.memory_space<hbm>> -> memref<128x128xf32, #tpu.memory_space<hbm>>
        %dma_wait3A_50 = arith.constant 0 : i32
        %dma_wait3A_51 = arith.constant 0 : i32
        %dma_wait3A_52 = tpu.memref_slice %arg4[%add3A, %add3A_36, %dma_wait3A_50, %dma_wait3A_51] : memref<32x14x128x128xf32, #tpu.memory_space<hbm>> -> memref<1x1x128x128xf32, #tpu.memory_space<hbm>>
        %dma_wait3A_53 = tpu.memref_squeeze %dma_wait3A_52 : memref<1x1x128x128xf32, #tpu.memory_space<hbm>> -> memref<128x128xf32, #tpu.memory_space<hbm>>
        tpu.wait_dma2 semaphore(%run_scoped3A : memref<!tpu.dma_semaphore, #tpu.memory_space<semaphore_mem>>) src(%arg7 : memref<128x128xf32, #tpu.memory_space<vmem>>) dst(%dma_wait3A_53 : memref<128x128xf32, #tpu.memory_space<hbm>>)
        tpu.yield
      }) : () -> ()
      %scan3A_37 = arith.constant 0 : i32
      scf.yield %scan3A_37 : i32
    }
    %scan3A_6 = arith.constant 7 : i32
    return
  }
}

#map = affine_map<(d0, d1) -> (0, 0)>
#map1 = affine_map<(d0, d1) -> (0, 0, 0)>
#map2 = affine_map<(d0, d1) -> (0, 0, 0, 0)>
module attributes {stable_mosaic.version = 14 : i64} {
  func.func @_gather1_body(%arg0: i32, %arg1: i32, %arg2: memref<50000x128xf32, #tpu.memory_space<hbm>>, %arg3: memref<32x196x128xi32, #tpu.memory_space<hbm>>, %arg4: memref<32x196x128x128xf32, #tpu.memory_space<hbm>>, %arg5: memref<196x128xi32, #tpu.memory_space<vmem>>, %arg6: memref<128x128xf32, #tpu.memory_space<vmem>>, %arg7: memref<128x128xf32, #tpu.memory_space<vmem>>, %arg8: memref<!tpu.dma_semaphore, #tpu.memory_space<semaphore_mem>>, %arg9: memref<!tpu.dma_semaphore, #tpu.memory_space<semaphore_mem>>) attributes {dimension_semantics = [#tpu.dimension_semantics<core_parallel>, #tpu.dimension_semantics<subcore_parallel>], iteration_bounds = array<i64: 2, 16>, scalar_prefetch = 0 : i64, scratch_operands = 5 : i64, tpu.core_type = #tpu.core_type<sc_vector_subcore>, window_params = [{transform_indices = #map}, {transform_indices = #map1}, {transform_indices = #map2}]} {
    %mul3A = arith.constant 16 : i32
    %mul3A_0 = arith.muli %arg0, %mul3A : i32
    %add3A = arith.addi %mul3A_0, %arg1 : i32
    "tpu.region"() ({
      %run_scoped3A = tpu.sem_alloc : memref<!tpu.dma_semaphore, #tpu.memory_space<semaphore_mem>>
      %dma_start3A = arith.constant 0 : i32
      %dma_start3A_7 = arith.constant 0 : i32
      %dma_start3A_8 = tpu.memref_slice %arg3[%add3A, %dma_start3A, %dma_start3A_7] : memref<32x196x128xi32, #tpu.memory_space<hbm>> -> memref<1x196x128xi32, #tpu.memory_space<hbm>>
      %dma_start3A_9 = tpu.memref_squeeze %dma_start3A_8 : memref<1x196x128xi32, #tpu.memory_space<hbm>> -> memref<196x128xi32, #tpu.memory_space<hbm>>
      %dma_start3A_10 = arith.constant 0 : i32
      %dma_start3A_11 = arith.constant 0 : i32
      %dma_start3A_12 = tpu.memref_slice %arg3[%add3A, %dma_start3A_10, %dma_start3A_11] : memref<32x196x128xi32, #tpu.memory_space<hbm>> -> memref<1x196x128xi32, #tpu.memory_space<hbm>>
      %dma_start3A_13 = tpu.memref_squeeze %dma_start3A_12 : memref<1x196x128xi32, #tpu.memory_space<hbm>> -> memref<196x128xi32, #tpu.memory_space<hbm>>
      tpu.enqueue_dma source(%dma_start3A_13 : memref<196x128xi32, #tpu.memory_space<hbm>>) target(%arg5 : memref<196x128xi32, #tpu.memory_space<vmem>>) target_semaphore(%run_scoped3A : memref<!tpu.dma_semaphore, #tpu.memory_space<semaphore_mem>>)
      %dma_wait3A = arith.constant 0 : i32
      %dma_wait3A_14 = arith.constant 0 : i32
      %dma_wait3A_15 = tpu.memref_slice %arg3[%add3A, %dma_wait3A, %dma_wait3A_14] : memref<32x196x128xi32, #tpu.memory_space<hbm>> -> memref<1x196x128xi32, #tpu.memory_space<hbm>>
      %dma_wait3A_16 = tpu.memref_squeeze %dma_wait3A_15 : memref<1x196x128xi32, #tpu.memory_space<hbm>> -> memref<196x128xi32, #tpu.memory_space<hbm>>
      %dma_wait3A_17 = arith.constant 0 : i32
      %dma_wait3A_18 = arith.constant 0 : i32
      %dma_wait3A_19 = tpu.memref_slice %arg3[%add3A, %dma_wait3A_17, %dma_wait3A_18] : memref<32x196x128xi32, #tpu.memory_space<hbm>> -> memref<1x196x128xi32, #tpu.memory_space<hbm>>
      %dma_wait3A_20 = tpu.memref_squeeze %dma_wait3A_19 : memref<1x196x128xi32, #tpu.memory_space<hbm>> -> memref<196x128xi32, #tpu.memory_space<hbm>>
      tpu.wait_dma2 semaphore(%run_scoped3A : memref<!tpu.dma_semaphore, #tpu.memory_space<semaphore_mem>>) src(%dma_wait3A_20 : memref<196x128xi32, #tpu.memory_space<hbm>>) dst(%arg5 : memref<196x128xi32, #tpu.memory_space<vmem>>)
      tpu.yield
    }) : () -> ()
    %scan3A = arith.constant 0 : i32
    %scan3A_1 = arith.constant 0 : i32
    %scan3A_2 = arith.constant 98 : i32
    %scan3A_3 = arith.addi %scan3A_1, %scan3A_2 : i32
    %scan3A_4 = arith.constant 1 : i32
    %scan3A_5 = scf.for %scan3A_7 = %scan3A_1 to %scan3A_3 step %scan3A_4 iter_args(%scan3A_8 = %scan3A) -> (i32)  : i32 {
      %mul3A_9 = arith.constant 2 : i32
      %mul3A_10 = arith.muli %mul3A_9, %scan3A_7 : i32
      %dma_start3A = arith.constant 0 : i32
      %dma_start3A_11 = tpu.memref_slice %arg5[%mul3A_10, %dma_start3A] : memref<196x128xi32, #tpu.memory_space<vmem>> -> memref<1x128xi32, #tpu.memory_space<vmem>>
      %dma_start3A_12 = tpu.memref_squeeze %dma_start3A_11 : memref<1x128xi32, #tpu.memory_space<vmem>> -> memref<128xi32, #tpu.memory_space<vmem>>
      %dma_start3A_13 = arith.constant 0 : i32
      %dma_start3A_14 = arith.constant 0 : i32
      %dma_start3A_15 = tpu.memref_slice %arg2[%dma_start3A_13, %dma_start3A_14] : memref<50000x128xf32, #tpu.memory_space<hbm>> -> memref<50000x128xf32, #tpu.memory_space<hbm>>
      tpu.enqueue_indirect_dma source(%dma_start3A_15 : memref<50000x128xf32, #tpu.memory_space<hbm>>) target(%arg6 : memref<128x128xf32, #tpu.memory_space<vmem>>) offsets(%dma_start3A_12 : memref<128xi32, #tpu.memory_space<vmem>>) semaphore(%arg8 : memref<!tpu.dma_semaphore, #tpu.memory_space<semaphore_mem>>)
      %add3A_16 = arith.constant 1 : i32
      %add3A_17 = arith.addi %mul3A_10, %add3A_16 : i32
      %dma_start3A_18 = arith.constant 0 : i32
      %dma_start3A_19 = tpu.memref_slice %arg5[%add3A_17, %dma_start3A_18] : memref<196x128xi32, #tpu.memory_space<vmem>> -> memref<1x128xi32, #tpu.memory_space<vmem>>
      %dma_start3A_20 = tpu.memref_squeeze %dma_start3A_19 : memref<1x128xi32, #tpu.memory_space<vmem>> -> memref<128xi32, #tpu.memory_space<vmem>>
      %dma_start3A_21 = arith.constant 0 : i32
      %dma_start3A_22 = arith.constant 0 : i32
      %dma_start3A_23 = tpu.memref_slice %arg2[%dma_start3A_21, %dma_start3A_22] : memref<50000x128xf32, #tpu.memory_space<hbm>> -> memref<50000x128xf32, #tpu.memory_space<hbm>>
      tpu.enqueue_indirect_dma source(%dma_start3A_23 : memref<50000x128xf32, #tpu.memory_space<hbm>>) target(%arg7 : memref<128x128xf32, #tpu.memory_space<vmem>>) offsets(%dma_start3A_20 : memref<128xi32, #tpu.memory_space<vmem>>) semaphore(%arg9 : memref<!tpu.dma_semaphore, #tpu.memory_space<semaphore_mem>>)
      %dma_wait3A = arith.constant 0 : i32
      %dma_wait3A_24 = tpu.memref_slice %arg5[%mul3A_10, %dma_wait3A] : memref<196x128xi32, #tpu.memory_space<vmem>> -> memref<1x128xi32, #tpu.memory_space<vmem>>
      %dma_wait3A_25 = tpu.memref_squeeze %dma_wait3A_24 : memref<1x128xi32, #tpu.memory_space<vmem>> -> memref<128xi32, #tpu.memory_space<vmem>>
      %dma_wait3A_26 = arith.constant 0 : i32
      %dma_wait3A_27 = arith.constant 0 : i32
      %dma_wait3A_28 = tpu.memref_slice %arg2[%dma_wait3A_26, %dma_wait3A_27] : memref<50000x128xf32, #tpu.memory_space<hbm>> -> memref<50000x128xf32, #tpu.memory_space<hbm>>
      tpu.wait_indirect_dma semaphore(%arg8 : memref<!tpu.dma_semaphore, #tpu.memory_space<semaphore_mem>>) src(%dma_wait3A_28 : memref<50000x128xf32, #tpu.memory_space<hbm>>) dst(%arg6 : memref<128x128xf32, #tpu.memory_space<vmem>>)
      "tpu.region"() ({
        %run_scoped3A = tpu.sem_alloc : memref<!tpu.dma_semaphore, #tpu.memory_space<semaphore_mem>>
        %dma_start3A_38 = arith.constant 0 : i32
        %dma_start3A_39 = arith.constant 0 : i32
        %dma_start3A_40 = tpu.memref_slice %arg4[%add3A, %mul3A_10, %dma_start3A_38, %dma_start3A_39] : memref<32x196x128x128xf32, #tpu.memory_space<hbm>> -> memref<1x1x128x128xf32, #tpu.memory_space<hbm>>
        %dma_start3A_41 = tpu.memref_squeeze %dma_start3A_40 : memref<1x1x128x128xf32, #tpu.memory_space<hbm>> -> memref<128x128xf32, #tpu.memory_space<hbm>>
        %dma_start3A_42 = arith.constant 0 : i32
        %dma_start3A_43 = arith.constant 0 : i32
        %dma_start3A_44 = tpu.memref_slice %arg4[%add3A, %mul3A_10, %dma_start3A_42, %dma_start3A_43] : memref<32x196x128x128xf32, #tpu.memory_space<hbm>> -> memref<1x1x128x128xf32, #tpu.memory_space<hbm>>
        %dma_start3A_45 = tpu.memref_squeeze %dma_start3A_44 : memref<1x1x128x128xf32, #tpu.memory_space<hbm>> -> memref<128x128xf32, #tpu.memory_space<hbm>>
        tpu.enqueue_dma source(%arg6 : memref<128x128xf32, #tpu.memory_space<vmem>>) target(%dma_start3A_45 : memref<128x128xf32, #tpu.memory_space<hbm>>) target_semaphore(%run_scoped3A : memref<!tpu.dma_semaphore, #tpu.memory_space<semaphore_mem>>)
        %dma_wait3A_46 = arith.constant 0 : i32
        %dma_wait3A_47 = arith.constant 0 : i32
        %dma_wait3A_48 = tpu.memref_slice %arg4[%add3A, %mul3A_10, %dma_wait3A_46, %dma_wait3A_47] : memref<32x196x128x128xf32, #tpu.memory_space<hbm>> -> memref<1x1x128x128xf32, #tpu.memory_space<hbm>>
        %dma_wait3A_49 = tpu.memref_squeeze %dma_wait3A_48 : memref<1x1x128x128xf32, #tpu.memory_space<hbm>> -> memref<128x128xf32, #tpu.memory_space<hbm>>
        %dma_wait3A_50 = arith.constant 0 : i32
        %dma_wait3A_51 = arith.constant 0 : i32
        %dma_wait3A_52 = tpu.memref_slice %arg4[%add3A, %mul3A_10, %dma_wait3A_50, %dma_wait3A_51] : memref<32x196x128x128xf32, #tpu.memory_space<hbm>> -> memref<1x1x128x128xf32, #tpu.memory_space<hbm>>
        %dma_wait3A_53 = tpu.memref_squeeze %dma_wait3A_52 : memref<1x1x128x128xf32, #tpu.memory_space<hbm>> -> memref<128x128xf32, #tpu.memory_space<hbm>>
        tpu.wait_dma2 semaphore(%run_scoped3A : memref<!tpu.dma_semaphore, #tpu.memory_space<semaphore_mem>>) src(%arg6 : memref<128x128xf32, #tpu.memory_space<vmem>>) dst(%dma_wait3A_53 : memref<128x128xf32, #tpu.memory_space<hbm>>)
        tpu.yield
      }) : () -> ()
      %dma_wait3A_29 = arith.constant 0 : i32
      %dma_wait3A_30 = tpu.memref_slice %arg5[%add3A_17, %dma_wait3A_29] : memref<196x128xi32, #tpu.memory_space<vmem>> -> memref<1x128xi32, #tpu.memory_space<vmem>>
      %dma_wait3A_31 = tpu.memref_squeeze %dma_wait3A_30 : memref<1x128xi32, #tpu.memory_space<vmem>> -> memref<128xi32, #tpu.memory_space<vmem>>
      %dma_wait3A_32 = arith.constant 0 : i32
      %dma_wait3A_33 = arith.constant 0 : i32
      %dma_wait3A_34 = tpu.memref_slice %arg2[%dma_wait3A_32, %dma_wait3A_33] : memref<50000x128xf32, #tpu.memory_space<hbm>> -> memref<50000x128xf32, #tpu.memory_space<hbm>>
      tpu.wait_indirect_dma semaphore(%arg9 : memref<!tpu.dma_semaphore, #tpu.memory_space<semaphore_mem>>) src(%dma_wait3A_34 : memref<50000x128xf32, #tpu.memory_space<hbm>>) dst(%arg7 : memref<128x128xf32, #tpu.memory_space<vmem>>)
      %add3A_35 = arith.constant 1 : i32
      %add3A_36 = arith.addi %mul3A_10, %add3A_35 : i32
      "tpu.region"() ({
        %run_scoped3A = tpu.sem_alloc : memref<!tpu.dma_semaphore, #tpu.memory_space<semaphore_mem>>
        %dma_start3A_38 = arith.constant 0 : i32
        %dma_start3A_39 = arith.constant 0 : i32
        %dma_start3A_40 = tpu.memref_slice %arg4[%add3A, %add3A_36, %dma_start3A_38, %dma_start3A_39] : memref<32x196x128x128xf32, #tpu.memory_space<hbm>> -> memref<1x1x128x128xf32, #tpu.memory_space<hbm>>
        %dma_start3A_41 = tpu.memref_squeeze %dma_start3A_40 : memref<1x1x128x128xf32, #tpu.memory_space<hbm>> -> memref<128x128xf32, #tpu.memory_space<hbm>>
        %dma_start3A_42 = arith.constant 0 : i32
        %dma_start3A_43 = arith.constant 0 : i32
        %dma_start3A_44 = tpu.memref_slice %arg4[%add3A, %add3A_36, %dma_start3A_42, %dma_start3A_43] : memref<32x196x128x128xf32, #tpu.memory_space<hbm>> -> memref<1x1x128x128xf32, #tpu.memory_space<hbm>>
        %dma_start3A_45 = tpu.memref_squeeze %dma_start3A_44 : memref<1x1x128x128xf32, #tpu.memory_space<hbm>> -> memref<128x128xf32, #tpu.memory_space<hbm>>
        tpu.enqueue_dma source(%arg7 : memref<128x128xf32, #tpu.memory_space<vmem>>) target(%dma_start3A_45 : memref<128x128xf32, #tpu.memory_space<hbm>>) target_semaphore(%run_scoped3A : memref<!tpu.dma_semaphore, #tpu.memory_space<semaphore_mem>>)
        %dma_wait3A_46 = arith.constant 0 : i32
        %dma_wait3A_47 = arith.constant 0 : i32
        %dma_wait3A_48 = tpu.memref_slice %arg4[%add3A, %add3A_36, %dma_wait3A_46, %dma_wait3A_47] : memref<32x196x128x128xf32, #tpu.memory_space<hbm>> -> memref<1x1x128x128xf32, #tpu.memory_space<hbm>>
        %dma_wait3A_49 = tpu.memref_squeeze %dma_wait3A_48 : memref<1x1x128x128xf32, #tpu.memory_space<hbm>> -> memref<128x128xf32, #tpu.memory_space<hbm>>
        %dma_wait3A_50 = arith.constant 0 : i32
        %dma_wait3A_51 = arith.constant 0 : i32
        %dma_wait3A_52 = tpu.memref_slice %arg4[%add3A, %add3A_36, %dma_wait3A_50, %dma_wait3A_51] : memref<32x196x128x128xf32, #tpu.memory_space<hbm>> -> memref<1x1x128x128xf32, #tpu.memory_space<hbm>>
        %dma_wait3A_53 = tpu.memref_squeeze %dma_wait3A_52 : memref<1x1x128x128xf32, #tpu.memory_space<hbm>> -> memref<128x128xf32, #tpu.memory_space<hbm>>
        tpu.wait_dma2 semaphore(%run_scoped3A : memref<!tpu.dma_semaphore, #tpu.memory_space<semaphore_mem>>) src(%arg7 : memref<128x128xf32, #tpu.memory_space<vmem>>) dst(%dma_wait3A_53 : memref<128x128xf32, #tpu.memory_space<hbm>>)
        tpu.yield
      }) : () -> ()
      %scan3A_37 = arith.constant 0 : i32
      scf.yield %scan3A_37 : i32
    }
    %scan3A_6 = arith.constant 98 : i32
    return
  }
}

#map = affine_map<(d0, d1) -> (0, 0)>
#map1 = affine_map<(d0, d1) -> (0, 0, 0)>
#map2 = affine_map<(d0, d1) -> (0, 0, 0, 0)>
module attributes {stable_mosaic.version = 14 : i64} {
  func.func @_gather1_body(%arg0: i32, %arg1: i32, %arg2: memref<800000x128xf32, #tpu.memory_space<hbm>>, %arg3: memref<32x14x128xi32, #tpu.memory_space<hbm>>, %arg4: memref<32x14x128x128xf32, #tpu.memory_space<hbm>>, %arg5: memref<14x128xi32, #tpu.memory_space<vmem>>, %arg6: memref<128x128xf32, #tpu.memory_space<vmem>>, %arg7: memref<128x128xf32, #tpu.memory_space<vmem>>, %arg8: memref<!tpu.dma_semaphore, #tpu.memory_space<semaphore_mem>>, %arg9: memref<!tpu.dma_semaphore, #tpu.memory_space<semaphore_mem>>) attributes {dimension_semantics = [#tpu.dimension_semantics<core_parallel>, #tpu.dimension_semantics<subcore_parallel>], iteration_bounds = array<i64: 2, 16>, scalar_prefetch = 0 : i64, scratch_operands = 5 : i64, tpu.core_type = #tpu.core_type<sc_vector_subcore>, window_params = [{transform_indices = #map}, {transform_indices = #map1}, {transform_indices = #map2}]} {
    %mul3A = arith.constant 16 : i32
    %mul3A_0 = arith.muli %arg0, %mul3A : i32
    %add3A = arith.addi %mul3A_0, %arg1 : i32
    "tpu.region"() ({
      %run_scoped3A = tpu.sem_alloc : memref<!tpu.dma_semaphore, #tpu.memory_space<semaphore_mem>>
      %dma_start3A = arith.constant 0 : i32
      %dma_start3A_7 = arith.constant 0 : i32
      %dma_start3A_8 = tpu.memref_slice %arg3[%add3A, %dma_start3A, %dma_start3A_7] : memref<32x14x128xi32, #tpu.memory_space<hbm>> -> memref<1x14x128xi32, #tpu.memory_space<hbm>>
      %dma_start3A_9 = tpu.memref_squeeze %dma_start3A_8 : memref<1x14x128xi32, #tpu.memory_space<hbm>> -> memref<14x128xi32, #tpu.memory_space<hbm>>
      %dma_start3A_10 = arith.constant 0 : i32
      %dma_start3A_11 = arith.constant 0 : i32
      %dma_start3A_12 = tpu.memref_slice %arg3[%add3A, %dma_start3A_10, %dma_start3A_11] : memref<32x14x128xi32, #tpu.memory_space<hbm>> -> memref<1x14x128xi32, #tpu.memory_space<hbm>>
      %dma_start3A_13 = tpu.memref_squeeze %dma_start3A_12 : memref<1x14x128xi32, #tpu.memory_space<hbm>> -> memref<14x128xi32, #tpu.memory_space<hbm>>
      tpu.enqueue_dma source(%dma_start3A_13 : memref<14x128xi32, #tpu.memory_space<hbm>>) target(%arg5 : memref<14x128xi32, #tpu.memory_space<vmem>>) target_semaphore(%run_scoped3A : memref<!tpu.dma_semaphore, #tpu.memory_space<semaphore_mem>>)
      %dma_wait3A = arith.constant 0 : i32
      %dma_wait3A_14 = arith.constant 0 : i32
      %dma_wait3A_15 = tpu.memref_slice %arg3[%add3A, %dma_wait3A, %dma_wait3A_14] : memref<32x14x128xi32, #tpu.memory_space<hbm>> -> memref<1x14x128xi32, #tpu.memory_space<hbm>>
      %dma_wait3A_16 = tpu.memref_squeeze %dma_wait3A_15 : memref<1x14x128xi32, #tpu.memory_space<hbm>> -> memref<14x128xi32, #tpu.memory_space<hbm>>
      %dma_wait3A_17 = arith.constant 0 : i32
      %dma_wait3A_18 = arith.constant 0 : i32
      %dma_wait3A_19 = tpu.memref_slice %arg3[%add3A, %dma_wait3A_17, %dma_wait3A_18] : memref<32x14x128xi32, #tpu.memory_space<hbm>> -> memref<1x14x128xi32, #tpu.memory_space<hbm>>
      %dma_wait3A_20 = tpu.memref_squeeze %dma_wait3A_19 : memref<1x14x128xi32, #tpu.memory_space<hbm>> -> memref<14x128xi32, #tpu.memory_space<hbm>>
      tpu.wait_dma2 semaphore(%run_scoped3A : memref<!tpu.dma_semaphore, #tpu.memory_space<semaphore_mem>>) src(%dma_wait3A_20 : memref<14x128xi32, #tpu.memory_space<hbm>>) dst(%arg5 : memref<14x128xi32, #tpu.memory_space<vmem>>)
      tpu.yield
    }) : () -> ()
    %scan3A = arith.constant 0 : i32
    %scan3A_1 = arith.constant 0 : i32
    %scan3A_2 = arith.constant 7 : i32
    %scan3A_3 = arith.addi %scan3A_1, %scan3A_2 : i32
    %scan3A_4 = arith.constant 1 : i32
    %scan3A_5 = scf.for %scan3A_7 = %scan3A_1 to %scan3A_3 step %scan3A_4 iter_args(%scan3A_8 = %scan3A) -> (i32)  : i32 {
      %mul3A_9 = arith.constant 2 : i32
      %mul3A_10 = arith.muli %mul3A_9, %scan3A_7 : i32
      %dma_start3A = arith.constant 0 : i32
      %dma_start3A_11 = tpu.memref_slice %arg5[%mul3A_10, %dma_start3A] : memref<14x128xi32, #tpu.memory_space<vmem>> -> memref<1x128xi32, #tpu.memory_space<vmem>>
      %dma_start3A_12 = tpu.memref_squeeze %dma_start3A_11 : memref<1x128xi32, #tpu.memory_space<vmem>> -> memref<128xi32, #tpu.memory_space<vmem>>
      %dma_start3A_13 = arith.constant 0 : i32
      %dma_start3A_14 = arith.constant 0 : i32
      %dma_start3A_15 = tpu.memref_slice %arg2[%dma_start3A_13, %dma_start3A_14] : memref<800000x128xf32, #tpu.memory_space<hbm>> -> memref<800000x128xf32, #tpu.memory_space<hbm>>
      tpu.enqueue_indirect_dma source(%dma_start3A_15 : memref<800000x128xf32, #tpu.memory_space<hbm>>) target(%arg6 : memref<128x128xf32, #tpu.memory_space<vmem>>) offsets(%dma_start3A_12 : memref<128xi32, #tpu.memory_space<vmem>>) semaphore(%arg8 : memref<!tpu.dma_semaphore, #tpu.memory_space<semaphore_mem>>)
      %add3A_16 = arith.constant 1 : i32
      %add3A_17 = arith.addi %mul3A_10, %add3A_16 : i32
      %dma_start3A_18 = arith.constant 0 : i32
      %dma_start3A_19 = tpu.memref_slice %arg5[%add3A_17, %dma_start3A_18] : memref<14x128xi32, #tpu.memory_space<vmem>> -> memref<1x128xi32, #tpu.memory_space<vmem>>
      %dma_start3A_20 = tpu.memref_squeeze %dma_start3A_19 : memref<1x128xi32, #tpu.memory_space<vmem>> -> memref<128xi32, #tpu.memory_space<vmem>>
      %dma_start3A_21 = arith.constant 0 : i32
      %dma_start3A_22 = arith.constant 0 : i32
      %dma_start3A_23 = tpu.memref_slice %arg2[%dma_start3A_21, %dma_start3A_22] : memref<800000x128xf32, #tpu.memory_space<hbm>> -> memref<800000x128xf32, #tpu.memory_space<hbm>>
      tpu.enqueue_indirect_dma source(%dma_start3A_23 : memref<800000x128xf32, #tpu.memory_space<hbm>>) target(%arg7 : memref<128x128xf32, #tpu.memory_space<vmem>>) offsets(%dma_start3A_20 : memref<128xi32, #tpu.memory_space<vmem>>) semaphore(%arg9 : memref<!tpu.dma_semaphore, #tpu.memory_space<semaphore_mem>>)
      %dma_wait3A = arith.constant 0 : i32
      %dma_wait3A_24 = tpu.memref_slice %arg5[%mul3A_10, %dma_wait3A] : memref<14x128xi32, #tpu.memory_space<vmem>> -> memref<1x128xi32, #tpu.memory_space<vmem>>
      %dma_wait3A_25 = tpu.memref_squeeze %dma_wait3A_24 : memref<1x128xi32, #tpu.memory_space<vmem>> -> memref<128xi32, #tpu.memory_space<vmem>>
      %dma_wait3A_26 = arith.constant 0 : i32
      %dma_wait3A_27 = arith.constant 0 : i32
      %dma_wait3A_28 = tpu.memref_slice %arg2[%dma_wait3A_26, %dma_wait3A_27] : memref<800000x128xf32, #tpu.memory_space<hbm>> -> memref<800000x128xf32, #tpu.memory_space<hbm>>
      tpu.wait_indirect_dma semaphore(%arg8 : memref<!tpu.dma_semaphore, #tpu.memory_space<semaphore_mem>>) src(%dma_wait3A_28 : memref<800000x128xf32, #tpu.memory_space<hbm>>) dst(%arg6 : memref<128x128xf32, #tpu.memory_space<vmem>>)
      "tpu.region"() ({
        %run_scoped3A = tpu.sem_alloc : memref<!tpu.dma_semaphore, #tpu.memory_space<semaphore_mem>>
        %dma_start3A_38 = arith.constant 0 : i32
        %dma_start3A_39 = arith.constant 0 : i32
        %dma_start3A_40 = tpu.memref_slice %arg4[%add3A, %mul3A_10, %dma_start3A_38, %dma_start3A_39] : memref<32x14x128x128xf32, #tpu.memory_space<hbm>> -> memref<1x1x128x128xf32, #tpu.memory_space<hbm>>
        %dma_start3A_41 = tpu.memref_squeeze %dma_start3A_40 : memref<1x1x128x128xf32, #tpu.memory_space<hbm>> -> memref<128x128xf32, #tpu.memory_space<hbm>>
        %dma_start3A_42 = arith.constant 0 : i32
        %dma_start3A_43 = arith.constant 0 : i32
        %dma_start3A_44 = tpu.memref_slice %arg4[%add3A, %mul3A_10, %dma_start3A_42, %dma_start3A_43] : memref<32x14x128x128xf32, #tpu.memory_space<hbm>> -> memref<1x1x128x128xf32, #tpu.memory_space<hbm>>
        %dma_start3A_45 = tpu.memref_squeeze %dma_start3A_44 : memref<1x1x128x128xf32, #tpu.memory_space<hbm>> -> memref<128x128xf32, #tpu.memory_space<hbm>>
        tpu.enqueue_dma source(%arg6 : memref<128x128xf32, #tpu.memory_space<vmem>>) target(%dma_start3A_45 : memref<128x128xf32, #tpu.memory_space<hbm>>) target_semaphore(%run_scoped3A : memref<!tpu.dma_semaphore, #tpu.memory_space<semaphore_mem>>)
        %dma_wait3A_46 = arith.constant 0 : i32
        %dma_wait3A_47 = arith.constant 0 : i32
        %dma_wait3A_48 = tpu.memref_slice %arg4[%add3A, %mul3A_10, %dma_wait3A_46, %dma_wait3A_47] : memref<32x14x128x128xf32, #tpu.memory_space<hbm>> -> memref<1x1x128x128xf32, #tpu.memory_space<hbm>>
        %dma_wait3A_49 = tpu.memref_squeeze %dma_wait3A_48 : memref<1x1x128x128xf32, #tpu.memory_space<hbm>> -> memref<128x128xf32, #tpu.memory_space<hbm>>
        %dma_wait3A_50 = arith.constant 0 : i32
        %dma_wait3A_51 = arith.constant 0 : i32
        %dma_wait3A_52 = tpu.memref_slice %arg4[%add3A, %mul3A_10, %dma_wait3A_50, %dma_wait3A_51] : memref<32x14x128x128xf32, #tpu.memory_space<hbm>> -> memref<1x1x128x128xf32, #tpu.memory_space<hbm>>
        %dma_wait3A_53 = tpu.memref_squeeze %dma_wait3A_52 : memref<1x1x128x128xf32, #tpu.memory_space<hbm>> -> memref<128x128xf32, #tpu.memory_space<hbm>>
        tpu.wait_dma2 semaphore(%run_scoped3A : memref<!tpu.dma_semaphore, #tpu.memory_space<semaphore_mem>>) src(%arg6 : memref<128x128xf32, #tpu.memory_space<vmem>>) dst(%dma_wait3A_53 : memref<128x128xf32, #tpu.memory_space<hbm>>)
        tpu.yield
      }) : () -> ()
      %dma_wait3A_29 = arith.constant 0 : i32
      %dma_wait3A_30 = tpu.memref_slice %arg5[%add3A_17, %dma_wait3A_29] : memref<14x128xi32, #tpu.memory_space<vmem>> -> memref<1x128xi32, #tpu.memory_space<vmem>>
      %dma_wait3A_31 = tpu.memref_squeeze %dma_wait3A_30 : memref<1x128xi32, #tpu.memory_space<vmem>> -> memref<128xi32, #tpu.memory_space<vmem>>
      %dma_wait3A_32 = arith.constant 0 : i32
      %dma_wait3A_33 = arith.constant 0 : i32
      %dma_wait3A_34 = tpu.memref_slice %arg2[%dma_wait3A_32, %dma_wait3A_33] : memref<800000x128xf32, #tpu.memory_space<hbm>> -> memref<800000x128xf32, #tpu.memory_space<hbm>>
      tpu.wait_indirect_dma semaphore(%arg9 : memref<!tpu.dma_semaphore, #tpu.memory_space<semaphore_mem>>) src(%dma_wait3A_34 : memref<800000x128xf32, #tpu.memory_space<hbm>>) dst(%arg7 : memref<128x128xf32, #tpu.memory_space<vmem>>)
      %add3A_35 = arith.constant 1 : i32
      %add3A_36 = arith.addi %mul3A_10, %add3A_35 : i32
      "tpu.region"() ({
        %run_scoped3A = tpu.sem_alloc : memref<!tpu.dma_semaphore, #tpu.memory_space<semaphore_mem>>
        %dma_start3A_38 = arith.constant 0 : i32
        %dma_start3A_39 = arith.constant 0 : i32
        %dma_start3A_40 = tpu.memref_slice %arg4[%add3A, %add3A_36, %dma_start3A_38, %dma_start3A_39] : memref<32x14x128x128xf32, #tpu.memory_space<hbm>> -> memref<1x1x128x128xf32, #tpu.memory_space<hbm>>
        %dma_start3A_41 = tpu.memref_squeeze %dma_start3A_40 : memref<1x1x128x128xf32, #tpu.memory_space<hbm>> -> memref<128x128xf32, #tpu.memory_space<hbm>>
        %dma_start3A_42 = arith.constant 0 : i32
        %dma_start3A_43 = arith.constant 0 : i32
        %dma_start3A_44 = tpu.memref_slice %arg4[%add3A, %add3A_36, %dma_start3A_42, %dma_start3A_43] : memref<32x14x128x128xf32, #tpu.memory_space<hbm>> -> memref<1x1x128x128xf32, #tpu.memory_space<hbm>>
        %dma_start3A_45 = tpu.memref_squeeze %dma_start3A_44 : memref<1x1x128x128xf32, #tpu.memory_space<hbm>> -> memref<128x128xf32, #tpu.memory_space<hbm>>
        tpu.enqueue_dma source(%arg7 : memref<128x128xf32, #tpu.memory_space<vmem>>) target(%dma_start3A_45 : memref<128x128xf32, #tpu.memory_space<hbm>>) target_semaphore(%run_scoped3A : memref<!tpu.dma_semaphore, #tpu.memory_space<semaphore_mem>>)
        %dma_wait3A_46 = arith.constant 0 : i32
        %dma_wait3A_47 = arith.constant 0 : i32
        %dma_wait3A_48 = tpu.memref_slice %arg4[%add3A, %add3A_36, %dma_wait3A_46, %dma_wait3A_47] : memref<32x14x128x128xf32, #tpu.memory_space<hbm>> -> memref<1x1x128x128xf32, #tpu.memory_space<hbm>>
        %dma_wait3A_49 = tpu.memref_squeeze %dma_wait3A_48 : memref<1x1x128x128xf32, #tpu.memory_space<hbm>> -> memref<128x128xf32, #tpu.memory_space<hbm>>
        %dma_wait3A_50 = arith.constant 0 : i32
        %dma_wait3A_51 = arith.constant 0 : i32
        %dma_wait3A_52 = tpu.memref_slice %arg4[%add3A, %add3A_36, %dma_wait3A_50, %dma_wait3A_51] : memref<32x14x128x128xf32, #tpu.memory_space<hbm>> -> memref<1x1x128x128xf32, #tpu.memory_space<hbm>>
        %dma_wait3A_53 = tpu.memref_squeeze %dma_wait3A_52 : memref<1x1x128x128xf32, #tpu.memory_space<hbm>> -> memref<128x128xf32, #tpu.memory_space<hbm>>
        tpu.wait_dma2 semaphore(%run_scoped3A : memref<!tpu.dma_semaphore, #tpu.memory_space<semaphore_mem>>) src(%arg7 : memref<128x128xf32, #tpu.memory_space<vmem>>) dst(%dma_wait3A_53 : memref<128x128xf32, #tpu.memory_space<hbm>>)
        tpu.yield
      }) : () -> ()
      %scan3A_37 = arith.constant 0 : i32
      scf.yield %scan3A_37 : i32
    }
    %scan3A_6 = arith.constant 7 : i32
    return
  }
}

module attributes {stable_mosaic.version = 14 : i64} {
  func.func @_bprep_body(%arg0: i32, %arg1: memref<2000x3xf32, #tpu.memory_space<vmem>>, %arg2: memref<3x128xf32, #tpu.memory_space<vmem>>, %arg3: memref<2000x128xf32, #tpu.memory_space<vmem>>) attributes {dimension_semantics = [#tpu.dimension_semantics<arbitrary>], iteration_bounds = array<i64: 25>, scalar_prefetch = 0 : i64, scratch_operands = 0 : i64, tpu.core_type = #tpu.core_type<tc>, window_params = [{transform_indices = @transform_0, window_bounds = array<i64: 2000, 3>}, {pipeline_mode = #tpu.pipeline_mode<synchronous>, transform_indices = @transform_1, window_bounds = array<i64: 3, 128>}, {transform_indices = @transform_2, window_bounds = array<i64: 2000, 128>}]} {
    %get3A = arith.constant 0 : index
    %get3A_0 = arith.constant 0 : index
    %get3A_1 = vector.load %arg1[%get3A, %get3A_0] : memref<2000x3xf32, #tpu.memory_space<vmem>>, vector<2000x3xf32>
    %get3A_2 = arith.constant 0 : index
    %get3A_3 = arith.constant 0 : index
    %get3A_4 = vector.load %arg2[%get3A_2, %get3A_3] : memref<3x128xf32, #tpu.memory_space<vmem>>, vector<3x128xf32>
    %dot_general3A = arith.constant dense<0.000000e+00> : vector<2000x128xf32>
    %dot_general3A_5 = tpu.matmul %get3A_1, %get3A_4, %dot_general3A {dimension_numbers = #tpu.dot_dimension_numbers<[1], [0], [0], [1], [0, 0, 1, 1], [], []>, transpose_lhs_hint = false} : vector<2000x3xf32>, vector<3x128xf32>, vector<2000x128xf32> -> vector<2000x128xf32>
    %swap3A = arith.constant 0 : index
    %swap3A_6 = arith.constant 0 : index
    %swap3A_7 = vector.load %arg3[%swap3A, %swap3A_6] : memref<2000x128xf32, #tpu.memory_space<vmem>>, vector<2000x128xf32>
    tpu.vector_store %arg3[%swap3A, %swap3A_6], %dot_general3A_5 {strides = array<i32>} : memref<2000x128xf32, #tpu.memory_space<vmem>>, vector<2000x128xf32>,
    return
  }
  func.func @transform_0(%arg0: i32) -> (i32, i32) {
    %c0_i32 = arith.constant 0 : i32
    %c0_i32_0 = arith.constant 0 : i32
    return %arg0, %c0_i32 : i32, i32
  }
  func.func @transform_1(%arg0: i32) -> (i32, i32) {
    %c0_i32 = arith.constant 0 : i32
    %c0_i32_0 = arith.constant 0 : i32
    %c0_i32_1 = arith.constant 0 : i32
    return %c0_i32, %c0_i32_0 : i32, i32
  }
  func.func @transform_2(%arg0: i32) -> (i32, i32) {
    %c0_i32 = arith.constant 0 : i32
    %c0_i32_0 = arith.constant 0 : i32
    return %arg0, %c0_i32 : i32, i32
  }
}

module attributes {stable_mosaic.version = 14 : i64} {
  func.func @_aprep_body(%arg0: i32, %arg1: memref<2000x3xf32, #tpu.memory_space<vmem>>, %arg2: memref<2000x128xf32, #tpu.memory_space<vmem>>, %arg3: memref<3x128xf32, #tpu.memory_space<vmem>>, %arg4: memref<1x128xf32, #tpu.memory_space<vmem>>, %arg5: memref<2000x128xf32, #tpu.memory_space<vmem>>) attributes {dimension_semantics = [#tpu.dimension_semantics<arbitrary>], iteration_bounds = array<i64: 25>, scalar_prefetch = 0 : i64, scratch_operands = 0 : i64, tpu.core_type = #tpu.core_type<tc>, window_params = [{transform_indices = @transform_0, window_bounds = array<i64: 2000, 3>}, {transform_indices = @transform_1, window_bounds = array<i64: 2000, 128>}, {pipeline_mode = #tpu.pipeline_mode<synchronous>, transform_indices = @transform_2, window_bounds = array<i64: 3, 128>}, {pipeline_mode = #tpu.pipeline_mode<synchronous>, transform_indices = @transform_3, window_bounds = array<i64: 1, 128>}, {transform_indices = @transform_4, window_bounds = array<i64: 2000, 128>}]} {
    %get3A = arith.constant 0 : index
    %get3A_0 = arith.constant 0 : index
    %get3A_1 = vector.load %arg1[%get3A, %get3A_0] : memref<2000x3xf32, #tpu.memory_space<vmem>>, vector<2000x3xf32>
    %get3A_2 = arith.constant 0 : index
    %get3A_3 = arith.constant 0 : index
    %get3A_4 = vector.load %arg3[%get3A_2, %get3A_3] : memref<3x128xf32, #tpu.memory_space<vmem>>, vector<3x128xf32>
    %dot_general3A = arith.constant dense<0.000000e+00> : vector<2000x128xf32>
    %dot_general3A_5 = tpu.matmul %get3A_1, %get3A_4, %dot_general3A {dimension_numbers = #tpu.dot_dimension_numbers<[1], [0], [0], [1], [0, 0, 1, 1], [], []>, transpose_lhs_hint = false} : vector<2000x3xf32>, vector<3x128xf32>, vector<2000x128xf32> -> vector<2000x128xf32>
    %get3A_6 = arith.constant 0 : index
    %get3A_7 = arith.constant 0 : index
    %get3A_8 = vector.load %arg2[%get3A_6, %get3A_7] : memref<2000x128xf32, #tpu.memory_space<vmem>>, vector<2000x128xf32>
    %add3A = arith.addf %dot_general3A_5, %get3A_8 : vector<2000x128xf32>
    %get3A_9 = arith.constant 0 : index
    %get3A_10 = arith.constant 0 : index
    %get3A_11 = vector.load %arg4[%get3A_9, %get3A_10] : memref<1x128xf32, #tpu.memory_space<vmem>>, vector<1x128xf32>
    %add3A_12 = vector.broadcast %get3A_11 : vector<1x128xf32> to vector<2000x128xf32>
    %add3A_13 = arith.addf %add3A, %add3A_12 : vector<2000x128xf32>
    %swap3A = arith.constant 0 : index
    %swap3A_14 = arith.constant 0 : index
    %swap3A_15 = vector.load %arg5[%swap3A, %swap3A_14] : memref<2000x128xf32, #tpu.memory_space<vmem>>, vector<2000x128xf32>
    tpu.vector_store %arg5[%swap3A, %swap3A_14], %add3A_13 {strides = array<i32>} : memref<2000x128xf32, #tpu.memory_space<vmem>>, vector<2000x128xf32>,
    return
  }
  func.func @transform_0(%arg0: i32) -> (i32, i32) {
    %c0_i32 = arith.constant 0 : i32
    %c0_i32_0 = arith.constant 0 : i32
    return %arg0, %c0_i32 : i32, i32
  }
  func.func @transform_1(%arg0: i32) -> (i32, i32) {
    %c0_i32 = arith.constant 0 : i32
    %c0_i32_0 = arith.constant 0 : i32
    return %arg0, %c0_i32 : i32, i32
  }
  func.func @transform_2(%arg0: i32) -> (i32, i32) {
    %c0_i32 = arith.constant 0 : i32
    %c0_i32_0 = arith.constant 0 : i32
    %c0_i32_1 = arith.constant 0 : i32
    return %c0_i32, %c0_i32_0 : i32, i32
  }
  func.func @transform_3(%arg0: i32) -> (i32, i32) {
    %c0_i32 = arith.constant 0 : i32
    %c0_i32_0 = arith.constant 0 : i32
    %c0_i32_1 = arith.constant 0 : i32
    return %c0_i32, %c0_i32_0 : i32, i32
  }
  func.func @transform_4(%arg0: i32) -> (i32, i32) {
    %c0_i32 = arith.constant 0 : i32
    %c0_i32_0 = arith.constant 0 : i32
    return %arg0, %c0_i32 : i32, i32
  }
}

module attributes {stable_mosaic.version = 14 : i64} {
  func.func @_edge_body(%arg0: i32, %arg1: memref<3200x1xi32, #tpu.memory_space<vmem>>, %arg2: memref<3200x128xf32, #tpu.memory_space<vmem>>, %arg3: memref<3200x128xf32, #tpu.memory_space<vmem>>, %arg4: memref<64x64xf32, #tpu.memory_space<vmem>>, %arg5: memref<1x1xi32, #tpu.memory_space<vmem>>, %arg6: memref<8x64xf32, #tpu.memory_space<vmem>>, %arg7: memref<3200x128xf32, #tpu.memory_space<vmem>>, %arg8: memref<1x1xi32, #tpu.memory_space<vmem>>, %arg9: memref<8x64xf32, #tpu.memory_space<vmem>>, %arg10: memref<1x1xi32, #tpu.memory_space<vmem>>, %arg11: memref<8x64xf32, #tpu.memory_space<vmem>>) attributes {dimension_semantics = [#tpu.dimension_semantics<arbitrary>], iteration_bounds = array<i64: 250>, scalar_prefetch = 0 : i64, scratch_operands = 2 : i64, tpu.core_type = #tpu.core_type<tc>, window_params = [{transform_indices = @transform_0, window_bounds = array<i64: 3200, 1>}, {transform_indices = @transform_1, window_bounds = array<i64: 3200, 128>}, {transform_indices = @transform_2, window_bounds = array<i64: 3200, 128>}, {pipeline_mode = #tpu.pipeline_mode<synchronous>, transform_indices = @transform_3, window_bounds = array<i64: 64, 64>}, {pipeline_mode = #tpu.pipeline_mode<synchronous>, transform_indices = @transform_4, window_bounds = array<i64: 1, 1>}, {pipeline_mode = #tpu.pipeline_mode<synchronous>, transform_indices = @transform_5, window_bounds = array<i64: 8, 64>}, {transform_indices = @transform_6, window_bounds = array<i64: 3200, 128>}, {pipeline_mode = #tpu.pipeline_mode<synchronous>, transform_indices = @transform_7, window_bounds = array<i64: 1, 1>}, {pipeline_mode = #tpu.pipeline_mode<synchronous>, transform_indices = @transform_8, window_bounds = array<i64: 8, 64>}]} {
    %get3A = arith.constant 0 : index
    %get3A_0 = arith.constant 0 : index
    %get3A_1 = vector.load %arg2[%get3A, %get3A_0] : memref<3200x128xf32, #tpu.memory_space<vmem>>, vector<3200x64xf32>
    %get3A_2 = arith.constant 0 : index
    %get3A_3 = arith.constant 0 : index
    %get3A_4 = vector.load %arg3[%get3A_2, %get3A_3] : memref<3200x128xf32, #tpu.memory_space<vmem>>, vector<3200x64xf32>
    %sub3A = arith.subf %get3A_1, %get3A_4 : vector<3200x64xf32>
    %max3A = arith.constant 0.000000e+00 : f32
    %max3A_5 = vector.broadcast %max3A : f32 to vector<3200x64xf32>
    %max3A_6 = arith.maximumf %sub3A, %max3A_5 : vector<3200x64xf32>
    %get3A_7 = arith.constant 0 : index
    %get3A_8 = arith.constant 0 : index
    %get3A_9 = vector.load %arg4[%get3A_7, %get3A_8] : memref<64x64xf32, #tpu.memory_space<vmem>>, vector<64x64xf32>
    %dot_general3A = arith.constant dense<0.000000e+00> : vector<3200x64xf32>
    %dot_general3A_10 = tpu.matmul %max3A_6, %get3A_9, %dot_general3A {dimension_numbers = #tpu.dot_dimension_numbers<[1], [0], [0], [1], [0, 0, 1, 1], [], []>, transpose_lhs_hint = false} : vector<3200x64xf32>, vector<64x64xf32>, vector<3200x64xf32> -> vector<3200x64xf32>
    %get3A_11 = arith.constant 0 : index
    %get3A_12 = arith.constant 0 : index
    %get3A_13 = vector.load %arg1[%get3A_11, %get3A_12] : memref<3200x1xi32, #tpu.memory_space<vmem>>, vector<3200x1xi32>
    %iota3A = tpu.iota {dimensions = array<i32: 0>} : vector<3200x1xi32>
    %ge3A = arith.constant 1 : i32
    %ge3A_14 = vector.broadcast %ge3A : i32 to vector<3200x1xi32>
    %ge3A_15 = arith.cmpi sge, %iota3A, %ge3A_14 : vector<3200x1xi32>
    %roll3A = arith.constant 1 : i32
    %roll3A_16 = tpu.dynamic_rotate %get3A_13 by %roll3A dim 0 : vector<3200x1xi32>, i32 -> vector<3200x1xi32>
    %jit3A = arith.constant -1 : i32
    %broadcast_in_dim3A = vector.broadcast %jit3A : i32 to vector<3200x1xi32>
    %select_n3A = arith.select %ge3A_15, %roll3A_16, %broadcast_in_dim3A : vector<3200x1xi1>, vector<3200x1xi32>
    %roll3A_17 = arith.constant 1 : i32
    %roll3A_18 = tpu.dynamic_rotate %dot_general3A_10 by %roll3A_17 dim 0 : vector<3200x64xf32>, i32 -> vector<3200x64xf32>
    %eq3A = arith.cmpi eq, %select_n3A, %get3A_13 : vector<3200x1xi32>
    %max3A_19 = arith.maximumf %dot_general3A_10, %roll3A_18 : vector<3200x64xf32>
    %broadcast_in_dim3A_20 = vector.shape_cast %eq3A : vector<3200x1xi1> to vector<3200x1xi1>
    %broadcast_in_dim3A_21 = vector.broadcast %broadcast_in_dim3A_20 : vector<3200x1xi1> to vector<3200x64xi1>
    %select_n3A_22 = arith.select %broadcast_in_dim3A_21, %max3A_19, %dot_general3A_10 : vector<3200x64xi1>, vector<3200x64xf32>
    %ge3A_23 = arith.constant 2 : i32
    %ge3A_24 = vector.broadcast %ge3A_23 : i32 to vector<3200x1xi32>
    %ge3A_25 = arith.cmpi sge, %iota3A, %ge3A_24 : vector<3200x1xi32>
    %roll3A_26 = arith.constant 2 : i32
    %roll3A_27 = tpu.dynamic_rotate %get3A_13 by %roll3A_26 dim 0 : vector<3200x1xi32>, i32 -> vector<3200x1xi32>
    %jit3A_28 = arith.constant -1 : i32
    %broadcast_in_dim3A_29 = vector.broadcast %jit3A_28 : i32 to vector<3200x1xi32>
    %select_n3A_30 = arith.select %ge3A_25, %roll3A_27, %broadcast_in_dim3A_29 : vector<3200x1xi1>, vector<3200x1xi32>
    %roll3A_31 = arith.constant 2 : i32
    %roll3A_32 = tpu.dynamic_rotate %select_n3A_22 by %roll3A_31 dim 0 : vector<3200x64xf32>, i32 -> vector<3200x64xf32>
    %eq3A_33 = arith.cmpi eq, %select_n3A_30, %get3A_13 : vector<3200x1xi32>
    %max3A_34 = arith.maximumf %select_n3A_22, %roll3A_32 : vector<3200x64xf32>
    %broadcast_in_dim3A_35 = vector.shape_cast %eq3A_33 : vector<3200x1xi1> to vector<3200x1xi1>
    %broadcast_in_dim3A_36 = vector.broadcast %broadcast_in_dim3A_35 : vector<3200x1xi1> to vector<3200x64xi1>
    %select_n3A_37 = arith.select %broadcast_in_dim3A_36, %max3A_34, %select_n3A_22 : vector<3200x64xi1>, vector<3200x64xf32>
    %ge3A_38 = arith.constant 4 : i32
    %ge3A_39 = vector.broadcast %ge3A_38 : i32 to vector<3200x1xi32>
    %ge3A_40 = arith.cmpi sge, %iota3A, %ge3A_39 : vector<3200x1xi32>
    %roll3A_41 = arith.constant 4 : i32
    %roll3A_42 = tpu.dynamic_rotate %get3A_13 by %roll3A_41 dim 0 : vector<3200x1xi32>, i32 -> vector<3200x1xi32>
    %jit3A_43 = arith.constant -1 : i32
    %broadcast_in_dim3A_44 = vector.broadcast %jit3A_43 : i32 to vector<3200x1xi32>
    %select_n3A_45 = arith.select %ge3A_40, %roll3A_42, %broadcast_in_dim3A_44 : vector<3200x1xi1>, vector<3200x1xi32>
    %roll3A_46 = arith.constant 4 : i32
    %roll3A_47 = tpu.dynamic_rotate %select_n3A_37 by %roll3A_46 dim 0 : vector<3200x64xf32>, i32 -> vector<3200x64xf32>
    %eq3A_48 = arith.cmpi eq, %select_n3A_45, %get3A_13 : vector<3200x1xi32>
    %max3A_49 = arith.maximumf %select_n3A_37, %roll3A_47 : vector<3200x64xf32>
    %broadcast_in_dim3A_50 = vector.shape_cast %eq3A_48 : vector<3200x1xi1> to vector<3200x1xi1>
    %broadcast_in_dim3A_51 = vector.broadcast %broadcast_in_dim3A_50 : vector<3200x1xi1> to vector<3200x64xi1>
    %select_n3A_52 = arith.select %broadcast_in_dim3A_51, %max3A_49, %select_n3A_37 : vector<3200x64xi1>, vector<3200x64xf32>
    %ge3A_53 = arith.constant 8 : i32
    %ge3A_54 = vector.broadcast %ge3A_53 : i32 to vector<3200x1xi32>
    %ge3A_55 = arith.cmpi sge, %iota3A, %ge3A_54 : vector<3200x1xi32>
    %roll3A_56 = arith.constant 8 : i32
    %roll3A_57 = tpu.dynamic_rotate %get3A_13 by %roll3A_56 dim 0 : vector<3200x1xi32>, i32 -> vector<3200x1xi32>
    %jit3A_58 = arith.constant -1 : i32
    %broadcast_in_dim3A_59 = vector.broadcast %jit3A_58 : i32 to vector<3200x1xi32>
    %select_n3A_60 = arith.select %ge3A_55, %roll3A_57, %broadcast_in_dim3A_59 : vector<3200x1xi1>, vector<3200x1xi32>
    %roll3A_61 = arith.constant 8 : i32
    %roll3A_62 = tpu.dynamic_rotate %select_n3A_52 by %roll3A_61 dim 0 : vector<3200x64xf32>, i32 -> vector<3200x64xf32>
    %eq3A_63 = arith.cmpi eq, %select_n3A_60, %get3A_13 : vector<3200x1xi32>
    %max3A_64 = arith.maximumf %select_n3A_52, %roll3A_62 : vector<3200x64xf32>
    %broadcast_in_dim3A_65 = vector.shape_cast %eq3A_63 : vector<3200x1xi1> to vector<3200x1xi1>
    %broadcast_in_dim3A_66 = vector.broadcast %broadcast_in_dim3A_65 : vector<3200x1xi1> to vector<3200x64xi1>
    %select_n3A_67 = arith.select %broadcast_in_dim3A_66, %max3A_64, %select_n3A_52 : vector<3200x64xi1>, vector<3200x64xf32>
    %ge3A_68 = arith.constant 16 : i32
    %ge3A_69 = vector.broadcast %ge3A_68 : i32 to vector<3200x1xi32>
    %ge3A_70 = arith.cmpi sge, %iota3A, %ge3A_69 : vector<3200x1xi32>
    %roll3A_71 = arith.constant 16 : i32
    %roll3A_72 = tpu.dynamic_rotate %get3A_13 by %roll3A_71 dim 0 : vector<3200x1xi32>, i32 -> vector<3200x1xi32>
    %jit3A_73 = arith.constant -1 : i32
    %broadcast_in_dim3A_74 = vector.broadcast %jit3A_73 : i32 to vector<3200x1xi32>
    %select_n3A_75 = arith.select %ge3A_70, %roll3A_72, %broadcast_in_dim3A_74 : vector<3200x1xi1>, vector<3200x1xi32>
    %roll3A_76 = arith.constant 16 : i32
    %roll3A_77 = tpu.dynamic_rotate %select_n3A_67 by %roll3A_76 dim 0 : vector<3200x64xf32>, i32 -> vector<3200x64xf32>
    %eq3A_78 = arith.cmpi eq, %select_n3A_75, %get3A_13 : vector<3200x1xi32>
    %max3A_79 = arith.maximumf %select_n3A_67, %roll3A_77 : vector<3200x64xf32>
    %broadcast_in_dim3A_80 = vector.shape_cast %eq3A_78 : vector<3200x1xi1> to vector<3200x1xi1>
    %broadcast_in_dim3A_81 = vector.broadcast %broadcast_in_dim3A_80 : vector<3200x1xi1> to vector<3200x64xi1>
    %select_n3A_82 = arith.select %broadcast_in_dim3A_81, %max3A_79, %select_n3A_67 : vector<3200x64xi1>, vector<3200x64xf32>
    %ge3A_83 = arith.constant 32 : i32
    %ge3A_84 = vector.broadcast %ge3A_83 : i32 to vector<3200x1xi32>
    %ge3A_85 = arith.cmpi sge, %iota3A, %ge3A_84 : vector<3200x1xi32>
    %roll3A_86 = arith.constant 32 : i32
    %roll3A_87 = tpu.dynamic_rotate %get3A_13 by %roll3A_86 dim 0 : vector<3200x1xi32>, i32 -> vector<3200x1xi32>
    %jit3A_88 = arith.constant -1 : i32
    %broadcast_in_dim3A_89 = vector.broadcast %jit3A_88 : i32 to vector<3200x1xi32>
    %select_n3A_90 = arith.select %ge3A_85, %roll3A_87, %broadcast_in_dim3A_89 : vector<3200x1xi1>, vector<3200x1xi32>
    %roll3A_91 = arith.constant 32 : i32
    %roll3A_92 = tpu.dynamic_rotate %select_n3A_82 by %roll3A_91 dim 0 : vector<3200x64xf32>, i32 -> vector<3200x64xf32>
    %eq3A_93 = arith.cmpi eq, %select_n3A_90, %get3A_13 : vector<3200x1xi32>
    %max3A_94 = arith.maximumf %select_n3A_82, %roll3A_92 : vector<3200x64xf32>
    %broadcast_in_dim3A_95 = vector.shape_cast %eq3A_93 : vector<3200x1xi1> to vector<3200x1xi1>
    %broadcast_in_dim3A_96 = vector.broadcast %broadcast_in_dim3A_95 : vector<3200x1xi1> to vector<3200x64xi1>
    %select_n3A_97 = arith.select %broadcast_in_dim3A_96, %max3A_94, %select_n3A_82 : vector<3200x64xi1>, vector<3200x64xf32>
    %ge3A_98 = arith.constant 64 : i32
    %ge3A_99 = vector.broadcast %ge3A_98 : i32 to vector<3200x1xi32>
    %ge3A_100 = arith.cmpi sge, %iota3A, %ge3A_99 : vector<3200x1xi32>
    %roll3A_101 = arith.constant 64 : i32
    %roll3A_102 = tpu.dynamic_rotate %get3A_13 by %roll3A_101 dim 0 : vector<3200x1xi32>, i32 -> vector<3200x1xi32>
    %jit3A_103 = arith.constant -1 : i32
    %broadcast_in_dim3A_104 = vector.broadcast %jit3A_103 : i32 to vector<3200x1xi32>
    %select_n3A_105 = arith.select %ge3A_100, %roll3A_102, %broadcast_in_dim3A_104 : vector<3200x1xi1>, vector<3200x1xi32>
    %roll3A_106 = arith.constant 64 : i32
    %roll3A_107 = tpu.dynamic_rotate %select_n3A_97 by %roll3A_106 dim 0 : vector<3200x64xf32>, i32 -> vector<3200x64xf32>
    %eq3A_108 = arith.cmpi eq, %select_n3A_105, %get3A_13 : vector<3200x1xi32>
    %max3A_109 = arith.maximumf %select_n3A_97, %roll3A_107 : vector<3200x64xf32>
    %broadcast_in_dim3A_110 = vector.shape_cast %eq3A_108 : vector<3200x1xi1> to vector<3200x1xi1>
    %broadcast_in_dim3A_111 = vector.broadcast %broadcast_in_dim3A_110 : vector<3200x1xi1> to vector<3200x64xi1>
    %select_n3A_112 = arith.select %broadcast_in_dim3A_111, %max3A_109, %select_n3A_97 : vector<3200x64xi1>, vector<3200x64xf32>
    %ge3A_113 = arith.constant 128 : i32
    %ge3A_114 = vector.broadcast %ge3A_113 : i32 to vector<3200x1xi32>
    %ge3A_115 = arith.cmpi sge, %iota3A, %ge3A_114 : vector<3200x1xi32>
    %roll3A_116 = arith.constant 128 : i32
    %roll3A_117 = tpu.dynamic_rotate %get3A_13 by %roll3A_116 dim 0 : vector<3200x1xi32>, i32 -> vector<3200x1xi32>
    %jit3A_118 = arith.constant -1 : i32
    %broadcast_in_dim3A_119 = vector.broadcast %jit3A_118 : i32 to vector<3200x1xi32>
    %select_n3A_120 = arith.select %ge3A_115, %roll3A_117, %broadcast_in_dim3A_119 : vector<3200x1xi1>, vector<3200x1xi32>
    %roll3A_121 = arith.constant 128 : i32
    %roll3A_122 = tpu.dynamic_rotate %select_n3A_112 by %roll3A_121 dim 0 : vector<3200x64xf32>, i32 -> vector<3200x64xf32>
    %eq3A_123 = arith.cmpi eq, %select_n3A_120, %get3A_13 : vector<3200x1xi32>
    %max3A_124 = arith.maximumf %select_n3A_112, %roll3A_122 : vector<3200x64xf32>
    %broadcast_in_dim3A_125 = vector.shape_cast %eq3A_123 : vector<3200x1xi1> to vector<3200x1xi1>
    %broadcast_in_dim3A_126 = vector.broadcast %broadcast_in_dim3A_125 : vector<3200x1xi1> to vector<3200x64xi1>
    %select_n3A_127 = arith.select %broadcast_in_dim3A_126, %max3A_124, %select_n3A_112 : vector<3200x64xi1>, vector<3200x64xf32>
    %ge3A_128 = arith.constant 256 : i32
    %ge3A_129 = vector.broadcast %ge3A_128 : i32 to vector<3200x1xi32>
    %ge3A_130 = arith.cmpi sge, %iota3A, %ge3A_129 : vector<3200x1xi32>
    %roll3A_131 = arith.constant 256 : i32
    %roll3A_132 = tpu.dynamic_rotate %get3A_13 by %roll3A_131 dim 0 : vector<3200x1xi32>, i32 -> vector<3200x1xi32>
    %jit3A_133 = arith.constant -1 : i32
    %broadcast_in_dim3A_134 = vector.broadcast %jit3A_133 : i32 to vector<3200x1xi32>
    %select_n3A_135 = arith.select %ge3A_130, %roll3A_132, %broadcast_in_dim3A_134 : vector<3200x1xi1>, vector<3200x1xi32>
    %roll3A_136 = arith.constant 256 : i32
    %roll3A_137 = tpu.dynamic_rotate %select_n3A_127 by %roll3A_136 dim 0 : vector<3200x64xf32>, i32 -> vector<3200x64xf32>
    %eq3A_138 = arith.cmpi eq, %select_n3A_135, %get3A_13 : vector<3200x1xi32>
    %max3A_139 = arith.maximumf %select_n3A_127, %roll3A_137 : vector<3200x64xf32>
    %broadcast_in_dim3A_140 = vector.shape_cast %eq3A_138 : vector<3200x1xi1> to vector<3200x1xi1>
    %broadcast_in_dim3A_141 = vector.broadcast %broadcast_in_dim3A_140 : vector<3200x1xi1> to vector<3200x64xi1>
    %select_n3A_142 = arith.select %broadcast_in_dim3A_141, %max3A_139, %select_n3A_127 : vector<3200x64xi1>, vector<3200x64xf32>
    %ge3A_143 = arith.constant 512 : i32
    %ge3A_144 = vector.broadcast %ge3A_143 : i32 to vector<3200x1xi32>
    %ge3A_145 = arith.cmpi sge, %iota3A, %ge3A_144 : vector<3200x1xi32>
    %roll3A_146 = arith.constant 512 : i32
    %roll3A_147 = tpu.dynamic_rotate %get3A_13 by %roll3A_146 dim 0 : vector<3200x1xi32>, i32 -> vector<3200x1xi32>
    %jit3A_148 = arith.constant -1 : i32
    %broadcast_in_dim3A_149 = vector.broadcast %jit3A_148 : i32 to vector<3200x1xi32>
    %select_n3A_150 = arith.select %ge3A_145, %roll3A_147, %broadcast_in_dim3A_149 : vector<3200x1xi1>, vector<3200x1xi32>
    %roll3A_151 = arith.constant 512 : i32
    %roll3A_152 = tpu.dynamic_rotate %select_n3A_142 by %roll3A_151 dim 0 : vector<3200x64xf32>, i32 -> vector<3200x64xf32>
    %eq3A_153 = arith.cmpi eq, %select_n3A_150, %get3A_13 : vector<3200x1xi32>
    %max3A_154 = arith.maximumf %select_n3A_142, %roll3A_152 : vector<3200x64xf32>
    %broadcast_in_dim3A_155 = vector.shape_cast %eq3A_153 : vector<3200x1xi1> to vector<3200x1xi1>
    %broadcast_in_dim3A_156 = vector.broadcast %broadcast_in_dim3A_155 : vector<3200x1xi1> to vector<3200x64xi1>
    %select_n3A_157 = arith.select %broadcast_in_dim3A_156, %max3A_154, %select_n3A_142 : vector<3200x64xi1>, vector<3200x64xf32>
    %ge3A_158 = arith.constant 1024 : i32
    %ge3A_159 = vector.broadcast %ge3A_158 : i32 to vector<3200x1xi32>
    %ge3A_160 = arith.cmpi sge, %iota3A, %ge3A_159 : vector<3200x1xi32>
    %roll3A_161 = arith.constant 1024 : i32
    %roll3A_162 = tpu.dynamic_rotate %get3A_13 by %roll3A_161 dim 0 : vector<3200x1xi32>, i32 -> vector<3200x1xi32>
    %jit3A_163 = arith.constant -1 : i32
    %broadcast_in_dim3A_164 = vector.broadcast %jit3A_163 : i32 to vector<3200x1xi32>
    %select_n3A_165 = arith.select %ge3A_160, %roll3A_162, %broadcast_in_dim3A_164 : vector<3200x1xi1>, vector<3200x1xi32>
    %roll3A_166 = arith.constant 1024 : i32
    %roll3A_167 = tpu.dynamic_rotate %select_n3A_157 by %roll3A_166 dim 0 : vector<3200x64xf32>, i32 -> vector<3200x64xf32>
    %eq3A_168 = arith.cmpi eq, %select_n3A_165, %get3A_13 : vector<3200x1xi32>
    %max3A_169 = arith.maximumf %select_n3A_157, %roll3A_167 : vector<3200x64xf32>
    %broadcast_in_dim3A_170 = vector.shape_cast %eq3A_168 : vector<3200x1xi1> to vector<3200x1xi1>
    %broadcast_in_dim3A_171 = vector.broadcast %broadcast_in_dim3A_170 : vector<3200x1xi1> to vector<3200x64xi1>
    %select_n3A_172 = arith.select %broadcast_in_dim3A_171, %max3A_169, %select_n3A_157 : vector<3200x64xi1>, vector<3200x64xf32>
    %ge3A_173 = arith.constant 2048 : i32
    %ge3A_174 = vector.broadcast %ge3A_173 : i32 to vector<3200x1xi32>
    %ge3A_175 = arith.cmpi sge, %iota3A, %ge3A_174 : vector<3200x1xi32>
    %roll3A_176 = arith.constant 2048 : i32
    %roll3A_177 = tpu.dynamic_rotate %get3A_13 by %roll3A_176 dim 0 : vector<3200x1xi32>, i32 -> vector<3200x1xi32>
    %jit3A_178 = arith.constant -1 : i32
    %broadcast_in_dim3A_179 = vector.broadcast %jit3A_178 : i32 to vector<3200x1xi32>
    %select_n3A_180 = arith.select %ge3A_175, %roll3A_177, %broadcast_in_dim3A_179 : vector<3200x1xi1>, vector<3200x1xi32>
    %roll3A_181 = arith.constant 2048 : i32
    %roll3A_182 = tpu.dynamic_rotate %select_n3A_172 by %roll3A_181 dim 0 : vector<3200x64xf32>, i32 -> vector<3200x64xf32>
    %eq3A_183 = arith.cmpi eq, %select_n3A_180, %get3A_13 : vector<3200x1xi32>
    %max3A_184 = arith.maximumf %select_n3A_172, %roll3A_182 : vector<3200x64xf32>
    %broadcast_in_dim3A_185 = vector.shape_cast %eq3A_183 : vector<3200x1xi1> to vector<3200x1xi1>
    %broadcast_in_dim3A_186 = vector.broadcast %broadcast_in_dim3A_185 : vector<3200x1xi1> to vector<3200x64xi1>
    %select_n3A_187 = arith.select %broadcast_in_dim3A_186, %max3A_184, %select_n3A_172 : vector<3200x64xi1>, vector<3200x64xf32>
    %eq3A_188 = arith.constant 0 : i32
    %eq3A_189 = arith.cmpi eq, %arg0, %eq3A_188 : i32
    %convert_element_type3A = arith.extui %eq3A_189 : i1 to i32
    %cond3A = arith.constant 0 : i32
    %cond3A_190 = arith.cmpi ne, %convert_element_type3A, %cond3A : i32
    scf.if %cond3A_190 {
      %get3A_220 = arith.constant 0 : index
      %get3A_221 = arith.constant 0 : index
      %get3A_222 = vector.load %arg5[%get3A_220, %get3A_221] : memref<1x1xi32, #tpu.memory_space<vmem>>, vector<1x1xi32>
      %swap3A_223 = arith.constant 0 : index
      %swap3A_224 = arith.constant 0 : index
      %swap3A_225 = vector.load %arg10[%swap3A_223, %swap3A_224] : memref<1x1xi32, #tpu.memory_space<vmem>>, vector<1x1xi32>
      tpu.vector_store %arg10[%swap3A_223, %swap3A_224], %get3A_222 {strides = array<i32>} : memref<1x1xi32, #tpu.memory_space<vmem>>, vector<1x1xi32>,
      %get3A_226 = arith.constant 0 : index
      %get3A_227 = arith.constant 0 : index
      %get3A_228 = vector.load %arg6[%get3A_226, %get3A_227] : memref<8x64xf32, #tpu.memory_space<vmem>>, vector<8x64xf32>
      %swap3A_229 = arith.constant 0 : index
      %swap3A_230 = arith.constant 0 : index
      %swap3A_231 = vector.load %arg11[%swap3A_229, %swap3A_230] : memref<8x64xf32, #tpu.memory_space<vmem>>, vector<8x64xf32>
      tpu.vector_store %arg11[%swap3A_229, %swap3A_230], %get3A_228 {strides = array<i32>} : memref<8x64xf32, #tpu.memory_space<vmem>>, vector<8x64xf32>,
    } else {
    }
    %get3A_191 = arith.constant 0 : index
    %get3A_192 = arith.constant 0 : index
    %get3A_193 = vector.load %arg10[%get3A_191, %get3A_192] : memref<1x1xi32, #tpu.memory_space<vmem>>, vector<1x1xi32>
    %eq3A_194 = vector.broadcast %get3A_193 : vector<1x1xi32> to vector<3200x1xi32>
    %eq3A_195 = arith.cmpi eq, %get3A_13, %eq3A_194 : vector<3200x1xi32>
    %get3A_196 = arith.constant 0 : index
    %get3A_197 = arith.constant 0 : index
    %get3A_198 = vector.load %arg11[%get3A_196, %get3A_197] : memref<8x64xf32, #tpu.memory_space<vmem>>, vector<1x64xf32>
    %max3A_199 = vector.broadcast %get3A_198 : vector<1x64xf32> to vector<3200x64xf32>
    %max3A_200 = arith.maximumf %select_n3A_187, %max3A_199 : vector<3200x64xf32>
    %broadcast_in_dim3A_201 = vector.shape_cast %eq3A_195 : vector<3200x1xi1> to vector<3200x1xi1>
    %broadcast_in_dim3A_202 = vector.broadcast %broadcast_in_dim3A_201 : vector<3200x1xi1> to vector<3200x64xi1>
    %select_n3A_203 = arith.select %broadcast_in_dim3A_202, %max3A_200, %select_n3A_187 : vector<3200x64xi1>, vector<3200x64xf32>
    %broadcast_in_dim3A_204 = arith.constant 0.000000e+00 : f32
    %broadcast_in_dim3A_205 = vector.broadcast %broadcast_in_dim3A_204 : f32 to vector<3200x64xf32>
    %concatenate3A = tpu.concatenate %select_n3A_203, %broadcast_in_dim3A_205 in 1 : vector<3200x64xf32>, vector<3200x64xf32> -> vector<3200x128xf32>
    %swap3A = arith.constant 0 : index
    %swap3A_206 = arith.constant 0 : index
    %swap3A_207 = vector.load %arg7[%swap3A, %swap3A_206] : memref<3200x128xf32, #tpu.memory_space<vmem>>, vector<3200x128xf32>
    tpu.vector_store %arg7[%swap3A, %swap3A_206], %concatenate3A {strides = array<i32>} : memref<3200x128xf32, #tpu.memory_space<vmem>>, vector<3200x128xf32>,
    %slice3A = vector.extract_strided_slice %get3A_13 {offsets = [3199, 0], sizes = [1, 1], strides = [1, 1]} : vector<3200x1xi32> to vector<1x1xi32>
    %swap3A_208 = arith.constant 0 : index
    %swap3A_209 = arith.constant 0 : index
    %swap3A_210 = vector.load %arg10[%swap3A_208, %swap3A_209] : memref<1x1xi32, #tpu.memory_space<vmem>>, vector<1x1xi32>
    tpu.vector_store %arg10[%swap3A_208, %swap3A_209], %slice3A {strides = array<i32>} : memref<1x1xi32, #tpu.memory_space<vmem>>, vector<1x1xi32>,
    %slice3A_211 = vector.extract_strided_slice %select_n3A_203 {offsets = [3199, 0], sizes = [1, 64], strides = [1, 1]} : vector<3200x64xf32> to vector<1x64xf32>
    %swap3A_212 = arith.constant 0 : index
    %swap3A_213 = arith.constant 0 : index
    %swap3A_214 = vector.load %arg11[%swap3A_212, %swap3A_213] : memref<8x64xf32, #tpu.memory_space<vmem>>, vector<1x64xf32>
    tpu.vector_store %arg11[%swap3A_212, %swap3A_213], %slice3A_211 {strides = array<i32>} : memref<8x64xf32, #tpu.memory_space<vmem>>, vector<1x64xf32>,
    %eq3A_215 = arith.constant 249 : i32
    %eq3A_216 = arith.cmpi eq, %arg0, %eq3A_215 : i32
    %convert_element_type3A_217 = arith.extui %eq3A_216 : i1 to i32
    %cond3A_218 = arith.constant 0 : i32
    %cond3A_219 = arith.cmpi ne, %convert_element_type3A_217, %cond3A_218 : i32
    scf.if %cond3A_219 {
      %get3A_220 = arith.constant 0 : index
      %get3A_221 = arith.constant 0 : index
      %get3A_222 = vector.load %arg10[%get3A_220, %get3A_221] : memref<1x1xi32, #tpu.memory_space<vmem>>, vector<1x1xi32>
      %swap3A_223 = arith.constant 0 : index
      %swap3A_224 = arith.constant 0 : index
      %swap3A_225 = vector.load %arg8[%swap3A_223, %swap3A_224] : memref<1x1xi32, #tpu.memory_space<vmem>>, vector<1x1xi32>
      tpu.vector_store %arg8[%swap3A_223, %swap3A_224], %get3A_222 {strides = array<i32>} : memref<1x1xi32, #tpu.memory_space<vmem>>, vector<1x1xi32>,
      %get3A_226 = arith.constant 0 : index
      %get3A_227 = arith.constant 0 : index
      %get3A_228 = vector.load %arg11[%get3A_226, %get3A_227] : memref<8x64xf32, #tpu.memory_space<vmem>>, vector<8x64xf32>
      %swap3A_229 = arith.constant 0 : index
      %swap3A_230 = arith.constant 0 : index
      %swap3A_231 = vector.load %arg9[%swap3A_229, %swap3A_230] : memref<8x64xf32, #tpu.memory_space<vmem>>, vector<8x64xf32>
      tpu.vector_store %arg9[%swap3A_229, %swap3A_230], %get3A_228 {strides = array<i32>} : memref<8x64xf32, #tpu.memory_space<vmem>>, vector<8x64xf32>,
    } else {
    }
    return
  }
  func.func @transform_0(%arg0: i32) -> (i32, i32) {
    %add3A = arith.constant 0 : i32
    %add3A_0 = arith.addi %arg0, %add3A : i32
    %c0_i32 = arith.constant 0 : i32
    %c0_i32_1 = arith.constant 0 : i32
    return %add3A_0, %c0_i32 : i32, i32
  }
  func.func @transform_1(%arg0: i32) -> (i32, i32) {
    %c0_i32 = arith.constant 0 : i32
    %c0_i32_0 = arith.constant 0 : i32
    return %arg0, %c0_i32 : i32, i32
  }
  func.func @transform_2(%arg0: i32) -> (i32, i32) {
    %add3A = arith.constant 0 : i32
    %add3A_0 = arith.addi %arg0, %add3A : i32
    %c0_i32 = arith.constant 0 : i32
    %c0_i32_1 = arith.constant 0 : i32
    return %add3A_0, %c0_i32 : i32, i32
  }
  func.func @transform_3(%arg0: i32) -> (i32, i32) {
    %c0_i32 = arith.constant 0 : i32
    %c0_i32_0 = arith.constant 0 : i32
    %c0_i32_1 = arith.constant 0 : i32
    return %c0_i32, %c0_i32_0 : i32, i32
  }
  func.func @transform_4(%arg0: i32) -> (i32, i32) {
    %c0_i32 = arith.constant 0 : i32
    %c0_i32_0 = arith.constant 0 : i32
    %c0_i32_1 = arith.constant 0 : i32
    return %c0_i32, %c0_i32_0 : i32, i32
  }
  func.func @transform_5(%arg0: i32) -> (i32, i32) {
    %c0_i32 = arith.constant 0 : i32
    %c0_i32_0 = arith.constant 0 : i32
    %c0_i32_1 = arith.constant 0 : i32
    return %c0_i32, %c0_i32_0 : i32, i32
  }
  func.func @transform_6(%arg0: i32) -> (i32, i32) {
    %c0_i32 = arith.constant 0 : i32
    %c0_i32_0 = arith.constant 0 : i32
    return %arg0, %c0_i32 : i32, i32
  }
  func.func @transform_7(%arg0: i32) -> (i32, i32) {
    %c0_i32 = arith.constant 0 : i32
    %c0_i32_0 = arith.constant 0 : i32
    %c0_i32_1 = arith.constant 0 : i32
    return %c0_i32, %c0_i32_0 : i32, i32
  }
  func.func @transform_8(%arg0: i32) -> (i32, i32) {
    %c0_i32 = arith.constant 0 : i32
    %c0_i32_0 = arith.constant 0 : i32
    %c0_i32_1 = arith.constant 0 : i32
    return %c0_i32, %c0_i32_0 : i32, i32
  }
}

module attributes {stable_mosaic.version = 14 : i64} {
  func.func @_aprep_body(%arg0: i32, %arg1: memref<2000x128xf32, #tpu.memory_space<vmem>>, %arg2: memref<2000x128xf32, #tpu.memory_space<vmem>>, %arg3: memref<128x128xf32, #tpu.memory_space<vmem>>, %arg4: memref<1x128xf32, #tpu.memory_space<vmem>>, %arg5: memref<2000x128xf32, #tpu.memory_space<vmem>>) attributes {dimension_semantics = [#tpu.dimension_semantics<arbitrary>], iteration_bounds = array<i64: 25>, scalar_prefetch = 0 : i64, scratch_operands = 0 : i64, tpu.core_type = #tpu.core_type<tc>, window_params = [{transform_indices = @transform_0, window_bounds = array<i64: 2000, 128>}, {transform_indices = @transform_1, window_bounds = array<i64: 2000, 128>}, {pipeline_mode = #tpu.pipeline_mode<synchronous>, transform_indices = @transform_2, window_bounds = array<i64: 128, 128>}, {pipeline_mode = #tpu.pipeline_mode<synchronous>, transform_indices = @transform_3, window_bounds = array<i64: 1, 128>}, {transform_indices = @transform_4, window_bounds = array<i64: 2000, 128>}]} {
    %get3A = arith.constant 0 : index
    %get3A_0 = arith.constant 0 : index
    %get3A_1 = vector.load %arg1[%get3A, %get3A_0] : memref<2000x128xf32, #tpu.memory_space<vmem>>, vector<2000x128xf32>
    %get3A_2 = arith.constant 0 : index
    %get3A_3 = arith.constant 0 : index
    %get3A_4 = vector.load %arg3[%get3A_2, %get3A_3] : memref<128x128xf32, #tpu.memory_space<vmem>>, vector<128x128xf32>
    %dot_general3A = arith.constant dense<0.000000e+00> : vector<2000x128xf32>
    %dot_general3A_5 = tpu.matmul %get3A_1, %get3A_4, %dot_general3A {dimension_numbers = #tpu.dot_dimension_numbers<[1], [0], [0], [1], [0, 0, 1, 1], [], []>, transpose_lhs_hint = false} : vector<2000x128xf32>, vector<128x128xf32>, vector<2000x128xf32> -> vector<2000x128xf32>
    %get3A_6 = arith.constant 0 : index
    %get3A_7 = arith.constant 0 : index
    %get3A_8 = vector.load %arg2[%get3A_6, %get3A_7] : memref<2000x128xf32, #tpu.memory_space<vmem>>, vector<2000x128xf32>
    %add3A = arith.addf %dot_general3A_5, %get3A_8 : vector<2000x128xf32>
    %get3A_9 = arith.constant 0 : index
    %get3A_10 = arith.constant 0 : index
    %get3A_11 = vector.load %arg4[%get3A_9, %get3A_10] : memref<1x128xf32, #tpu.memory_space<vmem>>, vector<1x128xf32>
    %add3A_12 = vector.broadcast %get3A_11 : vector<1x128xf32> to vector<2000x128xf32>
    %add3A_13 = arith.addf %add3A, %add3A_12 : vector<2000x128xf32>
    %swap3A = arith.constant 0 : index
    %swap3A_14 = arith.constant 0 : index
    %swap3A_15 = vector.load %arg5[%swap3A, %swap3A_14] : memref<2000x128xf32, #tpu.memory_space<vmem>>, vector<2000x128xf32>
    tpu.vector_store %arg5[%swap3A, %swap3A_14], %add3A_13 {strides = array<i32>} : memref<2000x128xf32, #tpu.memory_space<vmem>>, vector<2000x128xf32>,
    return
  }
  func.func @transform_0(%arg0: i32) -> (i32, i32) {
    %c0_i32 = arith.constant 0 : i32
    %c0_i32_0 = arith.constant 0 : i32
    return %arg0, %c0_i32 : i32, i32
  }
  func.func @transform_1(%arg0: i32) -> (i32, i32) {
    %c0_i32 = arith.constant 0 : i32
    %c0_i32_0 = arith.constant 0 : i32
    return %arg0, %c0_i32 : i32, i32
  }
  func.func @transform_2(%arg0: i32) -> (i32, i32) {
    %c0_i32 = arith.constant 0 : i32
    %c0_i32_0 = arith.constant 0 : i32
    %c0_i32_1 = arith.constant 0 : i32
    return %c0_i32, %c0_i32_0 : i32, i32
  }
  func.func @transform_3(%arg0: i32) -> (i32, i32) {
    %c0_i32 = arith.constant 0 : i32
    %c0_i32_0 = arith.constant 0 : i32
    %c0_i32_1 = arith.constant 0 : i32
    return %c0_i32, %c0_i32_0 : i32, i32
  }
  func.func @transform_4(%arg0: i32) -> (i32, i32) {
    %c0_i32 = arith.constant 0 : i32
    %c0_i32_0 = arith.constant 0 : i32
    return %arg0, %c0_i32 : i32, i32
  }
}

module attributes {stable_mosaic.version = 14 : i64} {
  func.func @_pool_body(%arg0: i32, %arg1: memref<2000x128xf32, #tpu.memory_space<vmem>>, %arg2: memref<2000x1xi32, #tpu.memory_space<vmem>>, %arg3: memref<64x1xf32, #tpu.memory_space<vmem>>, %arg4: memref<1x1xf32, #tpu.memory_space<vmem>>, %arg5: memref<64x1xf32, #tpu.memory_space<vmem>>, %arg6: memref<1x1xf32, #tpu.memory_space<vmem>>, %arg7: memref<64x1xf32, #tpu.memory_space<vmem>>, %arg8: memref<64x1xf32, #tpu.memory_space<vmem>>, %arg9: memref<64x72xf32, #tpu.memory_space<vmem>>) attributes {dimension_semantics = [#tpu.dimension_semantics<arbitrary>], iteration_bounds = array<i64: 25>, scalar_prefetch = 0 : i64, scratch_operands = 1 : i64, tpu.core_type = #tpu.core_type<tc>, window_params = [{transform_indices = @transform_0, window_bounds = array<i64: 2000, 128>}, {transform_indices = @transform_1, window_bounds = array<i64: 2000, 1>}, {pipeline_mode = #tpu.pipeline_mode<synchronous>, transform_indices = @transform_2, window_bounds = array<i64: 64, 1>}, {pipeline_mode = #tpu.pipeline_mode<synchronous>, transform_indices = @transform_3, window_bounds = array<i64: 1, 1>}, {pipeline_mode = #tpu.pipeline_mode<synchronous>, transform_indices = @transform_4, window_bounds = array<i64: 64, 1>}, {pipeline_mode = #tpu.pipeline_mode<synchronous>, transform_indices = @transform_5, window_bounds = array<i64: 1, 1>}, {pipeline_mode = #tpu.pipeline_mode<synchronous>, transform_indices = @transform_6, window_bounds = array<i64: 64, 1>}, {pipeline_mode = #tpu.pipeline_mode<synchronous>, transform_indices = @transform_7, window_bounds = array<i64: 64, 1>}]} {
    %eq3A = arith.constant 0 : i32
    %eq3A_0 = arith.cmpi eq, %arg0, %eq3A : i32
    %convert_element_type3A = arith.extui %eq3A_0 : i1 to i32
    %cond3A = arith.constant 0 : i32
    %cond3A_1 = arith.cmpi ne, %convert_element_type3A, %cond3A : i32
    scf.if %cond3A_1 {
      %broadcast_in_dim3A_23 = arith.constant 0.000000e+00 : f32
      %broadcast_in_dim3A_24 = vector.broadcast %broadcast_in_dim3A_23 : f32 to vector<64x72xf32>
      %swap3A_25 = arith.constant 0 : index
      %swap3A_26 = arith.constant 0 : index
      %swap3A_27 = vector.load %arg9[%swap3A_25, %swap3A_26] : memref<64x72xf32, #tpu.memory_space<vmem>>, vector<64x72xf32>
      tpu.vector_store %arg9[%swap3A_25, %swap3A_26], %broadcast_in_dim3A_24 {strides = array<i32>} : memref<64x72xf32, #tpu.memory_space<vmem>>, vector<64x72xf32>,
    } else {
    }
    %get3A = arith.constant 0 : index
    %get3A_2 = arith.constant 0 : index
    %get3A_3 = vector.load %arg2[%get3A, %get3A_2] : memref<2000x1xi32, #tpu.memory_space<vmem>>, vector<2000x1xi32>
    %iota3A = tpu.iota {dimensions = array<i32: 1>} : vector<2000x64xi32>
    %eq3A_4 = vector.broadcast %get3A_3 : vector<2000x1xi32> to vector<2000x64xi32>
    %eq3A_5 = arith.cmpi eq, %eq3A_4, %iota3A : vector<2000x64xi32>
    %convert_element_type3A_6 = arith.extui %eq3A_5 : vector<2000x64xi1> to vector<2000x64xi32>
    %convert_element_type3A_7 = arith.sitofp %convert_element_type3A_6 : vector<2000x64xi32> to vector<2000x64xf32>
    %get3A_8 = arith.constant 0 : index
    %get3A_9 = arith.constant 0 : index
    %get3A_10 = vector.load %arg1[%get3A_8, %get3A_9] : memref<2000x128xf32, #tpu.memory_space<vmem>>, vector<2000x64xf32>
    %broadcast_in_dim3A = arith.constant 1.000000e+00 : f32
    %broadcast_in_dim3A_11 = vector.broadcast %broadcast_in_dim3A : f32 to vector<2000x8xf32>
    %concatenate3A = tpu.concatenate %get3A_10, %broadcast_in_dim3A_11 in 1 : vector<2000x64xf32>, vector<2000x8xf32> -> vector<2000x72xf32>
    %get3A_12 = arith.constant 0 : index
    %get3A_13 = arith.constant 0 : index
    %get3A_14 = vector.load %arg9[%get3A_12, %get3A_13] : memref<64x72xf32, #tpu.memory_space<vmem>>, vector<64x72xf32>
    %dot_general3A = arith.constant dense<0.000000e+00> : vector<64x72xf32>
    %dot_general3A_15 = tpu.matmul %convert_element_type3A_7, %concatenate3A, %dot_general3A {dimension_numbers = #tpu.dot_dimension_numbers<[0], [0], [1], [1], [0, 1, 1, 1], [], []>, transpose_lhs_hint = false} : vector<2000x64xf32>, vector<2000x72xf32>, vector<64x72xf32> -> vector<64x72xf32>
    %add3A = arith.addf %get3A_14, %dot_general3A_15 : vector<64x72xf32>
    %swap3A = arith.constant 0 : index
    %swap3A_16 = arith.constant 0 : index
    %swap3A_17 = vector.load %arg9[%swap3A, %swap3A_16] : memref<64x72xf32, #tpu.memory_space<vmem>>, vector<64x72xf32>
    tpu.vector_store %arg9[%swap3A, %swap3A_16], %add3A {strides = array<i32>} : memref<64x72xf32, #tpu.memory_space<vmem>>, vector<64x72xf32>,
    %eq3A_18 = arith.constant 24 : i32
    %eq3A_19 = arith.cmpi eq, %arg0, %eq3A_18 : i32
    %convert_element_type3A_20 = arith.extui %eq3A_19 : i1 to i32
    %cond3A_21 = arith.constant 0 : i32
    %cond3A_22 = arith.cmpi ne, %convert_element_type3A_20, %cond3A_21 : i32
    scf.if %cond3A_22 {
      %get3A_23 = arith.constant 0 : index
      %get3A_24 = arith.constant 0 : index
      %get3A_25 = vector.load %arg9[%get3A_23, %get3A_24] : memref<64x72xf32, #tpu.memory_space<vmem>>, vector<64x72xf32>
      %slice3A = vector.extract_strided_slice %get3A_25 {offsets = [0, 0], sizes = [64, 64], strides = [1, 1]} : vector<64x72xf32> to vector<64x64xf32>
      %slice3A_26 = vector.extract_strided_slice %get3A_25 {offsets = [0, 64], sizes = [64, 1], strides = [1, 1]} : vector<64x72xf32> to vector<64x1xf32>
      %max3A = arith.constant 1.000000e+00 : f32
      %max3A_27 = vector.broadcast %max3A : f32 to vector<64x1xf32>
      %max3A_28 = arith.maximumf %slice3A_26, %max3A_27 : vector<64x1xf32>
      %div3A = vector.broadcast %max3A_28 : vector<64x1xf32> to vector<64x64xf32>
      %div3A_29 = arith.divf %slice3A, %div3A : vector<64x64xf32>
      %get3A_30 = arith.constant 0 : index
      %get3A_31 = arith.constant 0 : index
      %get3A_32 = vector.load %arg3[%get3A_30, %get3A_31] : memref<64x1xf32, #tpu.memory_space<vmem>>, vector<64x1xf32>
      %dot_general3A_33 = arith.constant dense<0.000000e+00> : vector<64x1xf32>
      %dot_general3A_34 = tpu.matmul %div3A_29, %get3A_32, %dot_general3A_33 {dimension_numbers = #tpu.dot_dimension_numbers<[1], [0], [0], [1], [0, 0, 1, 1], [], []>, transpose_lhs_hint = false} : vector<64x64xf32>, vector<64x1xf32>, vector<64x1xf32> -> vector<64x1xf32>
      %get3A_35 = arith.constant 0 : index
      %get3A_36 = arith.constant 0 : index
      %get3A_37 = vector.load %arg4[%get3A_35, %get3A_36] : memref<1x1xf32, #tpu.memory_space<vmem>>, vector<1x1xf32>
      %add3A_38 = vector.broadcast %get3A_37 : vector<1x1xf32> to vector<64x1xf32>
      %add3A_39 = arith.addf %dot_general3A_34, %add3A_38 : vector<64x1xf32>
      %swap3A_40 = arith.constant 0 : index
      %swap3A_41 = arith.constant 0 : index
      %swap3A_42 = vector.load %arg7[%swap3A_40, %swap3A_41] : memref<64x1xf32, #tpu.memory_space<vmem>>, vector<64x1xf32>
      tpu.vector_store %arg7[%swap3A_40, %swap3A_41], %add3A_39 {strides = array<i32>} : memref<64x1xf32, #tpu.memory_space<vmem>>, vector<64x1xf32>,
      %get3A_43 = arith.constant 0 : index
      %get3A_44 = arith.constant 0 : index
      %get3A_45 = vector.load %arg5[%get3A_43, %get3A_44] : memref<64x1xf32, #tpu.memory_space<vmem>>, vector<64x1xf32>
      %dot_general3A_46 = arith.constant dense<0.000000e+00> : vector<64x1xf32>
      %dot_general3A_47 = tpu.matmul %div3A_29, %get3A_45, %dot_general3A_46 {dimension_numbers = #tpu.dot_dimension_numbers<[1], [0], [0], [1], [0, 0, 1, 1], [], []>, transpose_lhs_hint = false} : vector<64x64xf32>, vector<64x1xf32>, vector<64x1xf32> -> vector<64x1xf32>
      %get3A_48 = arith.constant 0 : index
      %get3A_49 = arith.constant 0 : index
      %get3A_50 = vector.load %arg6[%get3A_48, %get3A_49] : memref<1x1xf32, #tpu.memory_space<vmem>>, vector<1x1xf32>
      %add3A_51 = vector.broadcast %get3A_50 : vector<1x1xf32> to vector<64x1xf32>
      %add3A_52 = arith.addf %dot_general3A_47, %add3A_51 : vector<64x1xf32>
      %swap3A_53 = arith.constant 0 : index
      %swap3A_54 = arith.constant 0 : index
      %swap3A_55 = vector.load %arg8[%swap3A_53, %swap3A_54] : memref<64x1xf32, #tpu.memory_space<vmem>>, vector<64x1xf32>
      tpu.vector_store %arg8[%swap3A_53, %swap3A_54], %add3A_52 {strides = array<i32>} : memref<64x1xf32, #tpu.memory_space<vmem>>, vector<64x1xf32>,
    } else {
    }
    return
  }
  func.func @transform_0(%arg0: i32) -> (i32, i32) {
    %c0_i32 = arith.constant 0 : i32
    %c0_i32_0 = arith.constant 0 : i32
    return %arg0, %c0_i32 : i32, i32
  }
  func.func @transform_1(%arg0: i32) -> (i32, i32) {
    %c0_i32 = arith.constant 0 : i32
    %c0_i32_0 = arith.constant 0 : i32
    return %arg0, %c0_i32 : i32, i32
  }
  func.func @transform_2(%arg0: i32) -> (i32, i32) {
    %c0_i32 = arith.constant 0 : i32
    %c0_i32_0 = arith.constant 0 : i32
    %c0_i32_1 = arith.constant 0 : i32
    return %c0_i32, %c0_i32_0 : i32, i32
  }
  func.func @transform_3(%arg0: i32) -> (i32, i32) {
    %c0_i32 = arith.constant 0 : i32
    %c0_i32_0 = arith.constant 0 : i32
    %c0_i32_1 = arith.constant 0 : i32
    return %c0_i32, %c0_i32_0 : i32, i32
  }
  func.func @transform_4(%arg0: i32) -> (i32, i32) {
    %c0_i32 = arith.constant 0 : i32
    %c0_i32_0 = arith.constant 0 : i32
    %c0_i32_1 = arith.constant 0 : i32
    return %c0_i32, %c0_i32_0 : i32, i32
  }
  func.func @transform_5(%arg0: i32) -> (i32, i32) {
    %c0_i32 = arith.constant 0 : i32
    %c0_i32_0 = arith.constant 0 : i32
    %c0_i32_1 = arith.constant 0 : i32
    return %c0_i32, %c0_i32_0 : i32, i32
  }
  func.func @transform_6(%arg0: i32) -> (i32, i32) {
    %c0_i32 = arith.constant 0 : i32
    %c0_i32_0 = arith.constant 0 : i32
    %c0_i32_1 = arith.constant 0 : i32
    return %c0_i32, %c0_i32_0 : i32, i32
  }
  func.func @transform_7(%arg0: i32) -> (i32, i32) {
    %c0_i32 = arith.constant 0 : i32
    %c0_i32_0 = arith.constant 0 : i32
    %c0_i32_1 = arith.constant 0 : i32
    return %c0_i32, %c0_i32_0 : i32, i32
  }
}

</mosaic_0001>

<sc_bundles>
// kernel: kernel.21.cloned.1.call-start
scs
__scs_entry_jumppad:
0x0: {  	(pc) =	sbr.rel $0x88, $3  }
0x1: {  	(tag) =	ssettag $0x0;
	lr =	simm.s32 $0x1  }
0x2: {  	[smem:$0x3F92] =	sst lr;
	_ =	strace $0xD0000000  }
0x3: {  	_ = 	snop  }
0x4: {  	_ = 	snop  }
0x5: {  	_ = 	snop  }
0x6: {  	_ = 	snop  }
0x7: {  	_ = 	snop  }
__scs_overlays_trampoline_lowered:
0x8: {  	[smem:$0x3FA1] =	sst s0  }
0x9: {  	[smem:$0x3FA2] =	sst s1  }
0xa: {  	[smem:$0x3FA3] =	sst s2  }
0xb: {  	[smem:$0x3FA4] =	sst s3  }
0xc: {  	[smem:$0x3FA5] =	sst s4  }
0xd: {  	[smem:$0x3FA6] =	sst s5  }
0xe: {  	[smem:$0x3FA7] =	sst s6  }
0xf: {  	[smem:$0x3FA8] =	sst s7  }
0x10: {  	[smem:$0x3FA9] =	sst s8  }
0x11: {  	[smem:$0x3FAA] =	sst s9;
	s0 =	simm.s32 @!p0 $0x0  }
0x12: {  	s1 =	sld [smem:$0x3F90];
	s0 =	simm.s32 @p0 $0x1  }
0x13: {  	[smem:$0x3FAB] =	sst s0;
	s0 =	simm.s32 @!p1 $0x0  }
0x14: {  	s2 =	sld [smem:$0x3F8F];
	s0 =	simm.s32 @p1 $0x1  }
0x15: {  	[smem:$0x3FAC] =	sst s0;
	s0 =	simm.s32 @!p2 $0x0  }
0x16: {  	s3 =	sld [smem:$0x3FDB];
	s0 =	simm.s32 @p2 $0x1  }
0x17: {  	s4 =	simm.s32 $0x1BF5;
	[smem:$0x3FAE] =	sst s0  }
0x18: {  	s0 =	sld [smem:$0x3F91];
	_ =	swait.ge [sflag:s4], $0x0  }
0x19: {  	s7 =	sld [smem:$0x3F92]  }
0x1a: {  	s8 =	sadd.s32 $0xFFFFE003, lr  }
0x1b: {  	s9 =	sadd.s32 $0xFFFFFEF7, lr;
	s5 =	simm.s32 $0xFFFFFFFF;
	p2 =	slt.u32 s8, $0xFFFFF086  }
0x1c: {  	p1 =	slt.u32 s9, $0xF7A;
	s5 =	simm.s32 @!p2 $0x0  }
0x1d: {  	s5 =	simm.s32 @p1 $0x1;
	p0 =	seq.s32 s7, s2  }
0x1e: {  	s7 =	smul.u32 @!p0 $0xF7A, s2;
	p2 =	seq.s32 @!p0 s5, $0x0  }
0x1f: {  	s9 =	smul.u32 $0xF7A, s1;
	s8 =	simm.s32 @!p0 $0x1BF5;
	p2 =	por !p2, p0  }
0x20: {  	[sflag:s8] =	ssyncset.s32 @!p0 $0xFFFFF086;
	s6 =	sadd.s32 @!p0 s3, s7;
	s7 =	simm.s32 @!p0 $0x108  }
0x21: {  	s3 =	sadd.s32 s3, s9;
	s6 =	sadd.s32 @!p0 $0x88, s6;
	s7 =	simm.s32 @p2 $0x1082  }
0x22: {  	[simem:s7], [sflag:s8] =	dma.local @!p0 [hbm:s6], $0xF7A  }
0x23: {  	s9 =	sor.u32 $0xD0000000, s2;
	s6 =	simm.s32 $0x108;
	_ =	swait.ge @!p0 [sflag:s8], $0x0  }
0x24: {  	s3 =	sadd.s32 $0x88, s3;
	s6 =	simm.s32 @!p1 $0x1082;
	[sflag:s4] =	ssyncset.s32 $0xFFFFF086  }
0x25: {  	[simem:s6], [sflag:s4] =	dma.local [hbm:s3], $0xF7A  }
0x26: {  	[smem:$0x3F92] =	sst s1;
	(tag) =	ssettag s2;
	_ =	strace s9  }
0x27: {  	s1 =	sld [smem:$0x3FA2]  }
0x28: {  	s2 =	sld [smem:$0x3FA3]  }
0x29: {  	s4 =	sld [smem:$0x3FA5]  }
0x2a: {  	p0 =	seq.s32 s5, $0x0;
	s5 =	sld [smem:$0x3FA6]  }
0x2b: {  	s6 =	sld [smem:$0x3FA7]  }
0x2c: {  	s7 =	sld [smem:$0x3FA8]  }
0x2d: {  	s3 =	simm.s32 $0x108;
	s8 =	sld [smem:$0x3FA9]  }
0x2e: {  	s3 =	simm.s32 @!p0 $0x1082;
	s9 =	sld [smem:$0x3FAA]  }
0x2f: {  	lr =	sadd.s32 s0, s3;
	s0 =	sld [smem:$0x3FA1]  }
0x30: {  	s3 =	sld [smem:$0x3FA4]  }
0x31: {  	[smem:$0x3FAD] =	sst s10  }
0x32: {  	s10 =	sld [smem:$0x3FAB];
	_ =	sdelay $0x3  }
0x33: {  	p0 =	seq.s32 s10, $0x1;
	s10 =	sld [smem:$0x3FAD];
	_ =	sdelay $0x3  }
0x34: {  	[smem:$0x3FAD] =	sst s10  }
0x35: {  	s10 =	sld [smem:$0x3FAC];
	_ =	sdelay $0x3  }
0x36: {  	p1 =	seq.s32 s10, $0x1;
	s10 =	sld [smem:$0x3FAD];
	_ =	sdelay $0x3  }
0x37: {  	[smem:$0x3FAD] =	sst s10  }
0x38: {  	s10 =	sld [smem:$0x3FAE]  }
0x39: {  	_ = 	snop;
	(pc) =	sbr.ind lr, $3  }
0x3a: {  	_ = 	snop  }
0x3b: {  	_ = 	snop  }
0x3c: {  	p2 =	seq.s32 s10, $0x1;
	s10 =	sld [smem:$0x3FAD]  }
0x3d: {  	_ =	shalt  }
0x3e: {  	_ =	shalt  }
0x3f: {  	_ =	shalt  }
0x40: {  	_ =	shalt  }
0x41: {  	_ =	shalt  }
0x42: {  	_ =	shalt  }
0x43: {  	_ =	shalt  }
0x44: {  	_ =	shalt  }
0x45: {  	_ =	shalt  }
0x46: {  	_ =	shalt  }
0x47: {  	_ =	shalt  }
0x48: {  	_ =	shalt  }
0x49: {  	_ =	shalt  }
0x4a: {  	_ =	shalt  }
0x4b: {  	_ =	shalt  }
0x4c: {  	_ =	shalt  }
0x4d: {  	_ =	shalt  }
0x4e: {  	_ =	shalt  }
0x4f: {  	_ =	shalt  }
0x50: {  	_ =	shalt  }
0x51: {  	_ =	shalt  }
0x52: {  	_ =	shalt  }
0x53: {  	_ =	shalt  }
0x54: {  	_ =	shalt  }
0x55: {  	_ =	shalt  }
0x56: {  	_ =	shalt  }
0x57: {  	_ =	shalt  }
0x58: {  	_ =	shalt  }
0x59: {  	_ =	shalt  }
0x5a: {  	_ =	shalt  }
0x5b: {  	_ =	shalt  }
0x5c: {  	_ =	shalt  }
0x5d: {  	_ =	shalt  }
0x5e: {  	_ =	shalt  }
0x5f: {  	_ =	shalt  }
0x60: {  	_ =	shalt  }
0x61: {  	_ =	shalt  }
0x62: {  	_ =	shalt  }
0x63: {  	_ =	shalt  }
0x64: {  	_ =	shalt  }
0x65: {  	_ =	shalt  }
0x66: {  	_ =	shalt  }
0x67: {  	_ =	shalt  }
0x68: {  	_ =	shalt  }
0x69: {  	_ =	shalt  }
0x6a: {  	_ =	shalt  }
0x6b: {  	_ =	shalt  }
0x6c: {  	_ =	shalt  }
0x6d: {  	_ =	shalt  }
0x6e: {  	_ =	shalt  }
0x6f: {  	_ =	shalt  }
0x70: {  	_ =	shalt  }
0x71: {  	_ =	shalt  }
0x72: {  	_ =	shalt  }
0x73: {  	_ =	shalt  }
0x74: {  	_ =	shalt  }
0x75: {  	_ =	shalt  }
0x76: {  	_ =	shalt  }
0x77: {  	_ =	shalt  }
0x78: {  	_ =	shalt  }
0x79: {  	_ =	shalt  }
0x7a: {  	_ =	shalt  }
0x7b: {  	_ =	shalt  }
0x7c: {  	_ =	shalt  }
0x7d: {  	_ =	shalt  }
0x7e: {  	_ =	shalt  }
0x7f: {  	_ =	shalt  }
0x80: {  	_ =	shalt  }
0x81: {  	_ =	shalt  }
0x82: {  	_ =	shalt  }
0x83: {  	_ =	shalt  }
0x84: {  	_ =	shalt  }
0x85: {  	_ =	shalt  }
0x86: {  	_ =	shalt  }
0x87: {  	_ =	shalt  }
.Lfunc_end0:
.L_simem_size_0:
called_computation_lowered:
.L_overlay_start_0:
0x88: {  	s2 =	sld [smem:$0x3FD9]  }
0x89: {  	s3 =	sld [smem:$0x3FFE];
	_ =	sdelay $0x1  }
0x8a: {  	s1 =	srdreg.scid  }
0x8b: {  	s0 =	sand.u32 $0x1, s1  }
0x8c: {  	s16 =	sshll.u32 s0, $0xA;
	s2 =	sadd.s32 s3, s2  }
0x8d: {  	s2 =	sadd.s32 s2, s16  }
0x8e: {  	[smem:$0x3FB9] =	sst s2  }
0x8f: {  	_ = 	snop  }
0x90: {  	(tm) =	ssettm $0x1  }
0x91: {  	s17 =	sld [smem:$0x3FFB];
	_ =	sdelay $0x3  }
0x92: {  	_ =	strace s17  }
0x93: {  	s2 =	sld [smem:$0x3FFC];
	_ =	sdelay $0x3  }
0x94: {  	_ =	strace s2  }
0x95: {  	s2 =	sld [smem:$0x3FFD];
	_ =	sdelay $0x3  }
0x96: {  	_ =	strace s2  }
0x97: {  	_ =	strace $0x8FFFFFFF  }
0x98: {  	s18 =	sld [smem:$0x3FDB];
	_ =	sdelay $0x1  }
0x99: {  	s19 =	simm.s32 $_scs_section_size  }
0x9a: {  	s4 =	simm.s32 $_size__tile_overlayer_lowered;
	s5 =	simm.s32 $_tile_overlayer_lowered  }
0x9b: {  	s22 =	simm.s32 $0x1BFF;
	s21 =	sshll.u32 s5, $0x1;
	s2 =	sadd.s32 s19, s18  }
0x9c: {  	s6 =	simm.s32 $0x0;
	s20 =	sshll.u32 s4, $0x1;
	s4 =	sadd.s32 s21, s2  }
0x9d: {  	[timem:s6], [sflag:s22] =	dma.local [hbm:s4], s20  }
0x9e: {  	_ =	swait.ge [sflag:s22], s20  }
0x9f: {  	s3 =	ssub.s32 $0x0, s20;
	[sflag:s22] =	ssyncset.done $0x0  }
0xa0: {  	[sflag:s22] =	ssyncadd.s32 s3;
	_ =	sdelay $0x1  }
0xa1: {  	s23 =	simm.s32 $0x1B8B  }
0xa2: {  	_ =	swait.ge [sflag:s23], $0x1  }
0xa3: {  	[sflag:s23] =	ssyncset.done $0x0  }
0xa4: {  	s25 =	simm.s32 $0x1B8E;
	s24 =	sld [smem:$0x3FFE];
	[sflag:s23] =	ssyncadd.s32 $0xFFFFFFFF  }
0xa5: {  	s26 =	simm.s32 $execute0_lowered;
	[smem:$0x3FD2] =	sst s25  }
0xa6: {  	s4 =	sshll.u32 s26, $0x1;
	_ =	strace $0x80000046;
	[dreg:$0x1] =	wrdreg $0xFFFFFFFF  }
0xa7: {  	s28 =	simm.s32 $_size_execute0_lowered;
	s2 =	sadd.s32 s2, s4;
	[dreg:$0x0] =	wrdreg $0x0  }
0xa8: {  	s4 =	sshll.u32 s28, $0x1;
	[dreg:$0x2] =	wrdreg s2  }
0xa9: {  	[dreg:$0x3] =	wrdreg s4  }
0xaa: {  	[dreg:$0x4] =	wrdreg $0xC0  }
0xab: {  	_ =	task [dreg:s6], $0x5FFFF  }
0xac: {  	[dreg:$0x1] =	wrdreg $0xFFFFFFFF  }
0xad: {  	[dreg:$0x0] =	wrdreg $0x60  }
0xae: {  	[dreg:$0x2] =	wrdreg s24  }
0xaf: {  	[dreg:$0x3] =	wrdreg $0xF6800  }
0xb0: {  	[dreg:$0x4] =	wrdreg $0x9  }
0xb1: {  	_ =	task.clear_ibuf [dreg:s6], $0x5FFFF;
	_ =	strace $0x90000046  }
0xb2: {  	s29 =	simm.s32 $0x9;
	_ =	strace $0x80000048  }
0xb3: {  	_ =	swait.ge [sflag:s29], $0x1  }
0xb4: {  	[sflag:s29] =	ssyncadd.s32 $0xFFFFFFFF  }
0xb5: {  	_ =	strace $0x90000048  }
0xb6: {  	_ =	sfence  }
0xb7: {  	s30 =	sld [smem:$0x0];
	_ =	sdelay $0x2  }
0xb8: {  	s31 =	sshll.u32 s1, $0xD;
	s1 =	sshrl.u32 s1, $0x2  }
0xb9: {  	s3 =	sand.u32 $0x4000, s31;
	s1 =	sadd.s32 s1, s30  }
0xba: {  	s0 =	sor.u32 s3, s0;
	s1 =	sshll.u32 s1, $0x11  }
0xbb: {  	s0 =	sor.u32 s1, s0  }
0xbc: {  	s0 =	sadd.s32 $0x8F2B, s0  }
0xbd: {  	[sflag:s0] =	ssyncadd.remote.s32 $0x1  }
0xbe: {  	_ =	sfence.sel $0xFFFF  }
0xbf: {  	[dreg:$0x0] =	wrdreg $0xFFFFFFFF;
	(pc) =	sbr.abs _section_cstart, $3  }
0xc0: {  	[dreg:$0x1] =	wrdreg $0xFFFFFFFF  }
0xc1: {  	_ =	task.clear_ibuf [dreg:s6], $0x2FFFF;
	_ =	strace $0x9FFFFFFF  }
0xc2: {  	(tm) =	ssettm $0x7FFFFFFF  }
0xc3: {  	_ =	shalt  }
tec
execute0_lowered:
.L_overlay_start_1:
0x0: {  	(tag) =	ssettag $0x1  }
0x1: {  	s3 =	rddreg [dreg:$0x0]  }
0x2: {  	s1 =	rddreg [dreg:$0x1]  }
0x3: {  	s2 =	srdreg.scid;
	s0 =	rddreg [dreg:$0x2]  }
0x4: {  	s13 =	stileid.u32;
	s11 =	simm.s32 $0x80;
	s12 =	simm.s32 $0xC400  }
0x5: {  	s15 =	simm.s32 $0x0;
	s4 =	sand.u32 $0x1, s2;
	s2 =	simm.s32 $0x0  }
0x6: {  	s8 =	smul.u32 $0xC80, s13;
	p0 =	sne.s32 s13, $0x0;
	s5 =	sshll.u32 s4, $0x4  }
0x7: {  	s6 =	smul.u32 $0xC800, s4;
	[smem:$0x7FF] =	sst s2;
	s4 =	ssub.s32 $0x2, s4  }
0x8: {  	s5 =	sor.u32 s13, s5;
	_ =	strace $0x80000047;
	s7 =	sshrl.u32 s4, $0x1  }
0x9: {  	s14 =	sadd.s32 s8, s1;
	s13 =	sshll.u32 s13, $0x6;
	s5 =	smul.u32 $0x1880, s5  }
0xa: {  	s6 =	sadd.s32 s8, s6;
	s10 =	ssub.s32 s4, s7;
	s4 =	sadd.s32 $0x3200, s1  }
0xb: {  	s13 =	sor.u32 $0x1C01, s13;
	s14 =	sshrl.u32 s14, $0x3;
	s6 =	sshrl.u32 s6, $0x3  }
0xc: {  	s8 =	smax.u32 s10, $0x1;
	s10 =	simm.s32 $0xC480;
	s5 =	sadd.s32 s5, s3  }
0xd: {  	s9 =	sadd.s32 s6, s3;
	s6 =	sadd.s32 $0x9600, s1;
	s3 =	sadd.s32 $0x4400, s5  }
0xe: {  	v0 =	vimm.s32 $0x1;
	v1 =	vimm.s32 $0x0;
	s5 =	sadd.s32 $0x6400, s1;
	s7 =	sadd.s32 $0x35400, s9;
	s9 =	simm.s32 $0x1  }
.LBB2_1:
0xf: {  	[tilespmem:s2], [sflag:$0x1] =	stream.linear.gather [hbm4b:s3+s2], $0xC380, $0x38;
	[tilespmem:$0x10300] =	vst v63  }
0x10: {  	_ =	swait.ge [sflag:s9], $0xC380  }
0x11: {  	[sflag:s9] =	ssyncset.done $0x0  }
0x12: {  	[sflag:s9] =	ssyncadd.s32 $0xFFFF3C80  }
0x13: {  	[tilespmem:$0xC400] =	vst v0  }
0x14: {  	[tilespmem:$0xC410] =	vst v0  }
0x15: {  	[tilespmem:$0xC420] =	vst v0  }
.Ltmp0:
0x16: {  	[tilespmem:$0xC430] =	vst v0;
	(pc) =	sbr.rel @p0 .LBB2_5-.Ltmp0, $4  }
0x17: {  	[tilespmem:$0xC440] =	vst v0  }
0x18: {  	[tilespmem:$0xC450] =	vst v0  }
0x19: {  	[tilespmem:$0xC460] =	vst v0  }
0x1a: {  	[tilespmem:$0xC470] =	vst v0  }
0x1b: {  	s16 =	simm.s32 $0x40;
	s17 =	simm.s32 $0x0  }
.LBB2_3:
0x1c: {  	p1 =	sne.s32 s16, $0xC7C0;
	[tilespmem:s17+$0xC480] =	vst v1;
	s17 =	smov.u32 s16;
	s16 =	sadd.s32 $0x40, s16  }
.Ltmp1:
0x1d: {  	(pc) =	sbr.rel @p1 .LBB2_3-.Ltmp1, $2  }
0x1e: {  	_ =	sdelay $0x2  }
0x1f: {  	s17 =	sshra.s32 s17, $0x2  }
0x20: {  	[tilespmem:s17+$0xC480] =	vst v1  }
0x21: {  	[spmem:s1] =	stream.linear.scatter [tilespmem:s10], [sflag:$0x1], $0x3200, $0x38;
	[tilespmem:$0x10300] =	vst v63  }
0x22: {  	_ =	swait.ge [sflag:s9], $0x3200  }
0x23: {  	[sflag:s9] =	ssyncset.done $0x0  }
0x24: {  	[sflag:s9] =	ssyncadd.s32 $0xFFFFCE00  }
0x25: {  	[spmem:s4] =	stream.linear.scatter [tilespmem:s10], [sflag:$0x1], $0x3200, $0x38;
	[tilespmem:$0x10300] =	vst v63  }
0x26: {  	_ =	swait.ge [sflag:s9], $0x3200  }
0x27: {  	[sflag:s9] =	ssyncset.done $0x0  }
0x28: {  	[sflag:s9] =	ssyncadd.s32 $0xFFFFCE00  }
0x29: {  	[spmem:s5] =	stream.linear.scatter [tilespmem:s10], [sflag:$0x1], $0x3200, $0x38;
	[tilespmem:$0x10300] =	vst v63  }
0x2a: {  	_ =	swait.ge [sflag:s9], $0x3200  }
0x2b: {  	[sflag:s9] =	ssyncset.done $0x0  }
0x2c: {  	[sflag:s9] =	ssyncadd.s32 $0xFFFFCE00  }
0x2d: {  	[spmem:s6] =	stream.linear.scatter [tilespmem:s10], [sflag:$0x1], $0x3200, $0x38;
	[tilespmem:$0x10300] =	vst v63  }
0x2e: {  	_ =	swait.ge [sflag:s9], $0x3200  }
0x2f: {  	[sflag:s9] =	ssyncset.done $0x0  }
0x30: {  	[sflag:s9] =	ssyncadd.s32 $0xFFFFCE00  }
.LBB2_5:
0x31: {  	[bflag:$0x0] =	sbarrier.arrive $0xFFFF;
	s16 =	simm.s32 $0x0  }
0x32: {  	[spmem:s1] =	stream.indirect.scatter.add.s32 [tilespmem:s12], [sflag:$0x1], $0x1, s16, s11, $0xb8;
	[tilespmem:$0x10300] =	vst v63  }
0x33: {  	_ =	swait.ge [sflag:s9], $0x80  }
0x34: {  	s16 =	simm.s32 $0x200;
	[sflag:s9] =	ssyncset.done $0x0  }
.LBB2_6:
0x35: {  	s17 =	sshra.s32 s16, $0x2;
	[sflag:s9] =	ssyncadd.s32 $0xFFFFFF80;
	p1 =	sne.s32 s16, $0x30C00  }
0x36: {  	[spmem:s1] =	stream.indirect.scatter.add.s32 [tilespmem:s12], [sflag:$0x1], $0x1, s17, s11, $0xb8;
	[tilespmem:$0x10300] =	vst v63  }
.Ltmp2:
0x37: {  	_ = 	snop;
	(pc) =	sbr.rel @p1 .LBB2_6-.Ltmp2, $4  }
0x38: {  	_ = 	snop  }
0x39: {  	s16 =	sadd.s32 $0x200, s16  }
0x3a: {  	_ =	swait.ge [sflag:s9], $0x80  }
0x3b: {  	[sflag:s9] =	ssyncset.done $0x0  }
0x3c: {  	s15 =	sadd.s32 $0x1, s15  }
0x3d: {  	[sflag:s9] =	ssyncadd.s32 $0xFFFFFF80;
	p1 =	sne.s32 s15, s8  }
.Ltmp3:
0x3e: {  	[bflag:$0x0] =	sbarrier.arrive $0xFFFF;
	(pc) =	sbr.rel @p1 .LBB2_1-.Ltmp3, $4  }
0x3f: {  	[hbm:s7], [sflag:s13] =	dma.local [spmem:s14], $0x190  }
0x40: {  	_ =	swait.ge [sflag:s9], $0x190  }
0x41: {  	[sflag:s9] =	ssyncset.done $0x0  }
0x42: {  	[sflag:s9] =	ssyncadd.s32 $0xFFFFFE70  }
0x43: {  	_ =	sfence.sel $0x180000  }
0x44: {  	[bflag:$0x0] =	sbarrier.arrive $0xFFFF  }
0x45: {  	_ =	strace $0x90000047  }
0x46: {  	s0 =	sadd.s32 @!p0 $0x100000, s0;
	[bflag:$0x2] =	sbarrier.arrive $0xFFFF  }
0x47: {  	[sflag:s0] =	ssyncadd.tile.s32 @!p0 $0x1;
	_ =	shalt  }
.Lfunc_end2:
_tile_overlayer_lowered:
.L_overlay_start_2:
0x48: {  	(tag) =	ssettag $0x2  }
0x49: {  	s0 =	rddreg [dreg:$0x0];
	s2 =	stileid.u32  }
0x4a: {  	s1 =	rddreg [dreg:$0x1];
	p0 =	sne.s32 s2, $0x0  }
0x4b: {  	s3 =	rddreg [dreg:$0x2];
	[bflag:$0x3] =	sbarrier.arrive $0xFFFF;
	s2 =	simm.s32 @!p0 $0x1C01  }
0x4c: {  	[timem:s3], [sflag:s2] =	dma.local @!p0 [hbm:s0], s1  }
0x4d: {  	s0 =	simm.s32 @!p0 $0x1  }
0x4e: {  	_ =	swait.ge @!p0 [sflag:s0], s1  }
0x4f: {  	s1 =	ssub.s32 @!p0 $0x0, s1;
	[sflag:s0] =	ssyncset.done @!p0 $0x0  }
0x50: {  	[sflag:s0] =	ssyncadd.s32 @!p0 s1  }
0x51: {  	[bflag:$0x3] =	sbarrier.arrive $0xFFFF  }
0x52: {  	_ =	shalt  }

// kernel: kernel.24.cloned.1.call-start
scs
__scs_entry_jumppad:
0x0: {  	(pc) =	sbr.rel $0x88, $3  }
0x1: {  	(tag) =	ssettag $0x0;
	lr =	simm.s32 $0x1  }
0x2: {  	[smem:$0x3F92] =	sst lr;
	_ =	strace $0xD0000000  }
0x3: {  	_ = 	snop  }
0x4: {  	_ = 	snop  }
0x5: {  	_ = 	snop  }
0x6: {  	_ = 	snop  }
0x7: {  	_ = 	snop  }
__scs_overlays_trampoline_lowered:
0x8: {  	[smem:$0x3FA1] =	sst s0  }
0x9: {  	[smem:$0x3FA2] =	sst s1  }
0xa: {  	[smem:$0x3FA3] =	sst s2  }
0xb: {  	[smem:$0x3FA4] =	sst s3  }
0xc: {  	[smem:$0x3FA5] =	sst s4  }
0xd: {  	[smem:$0x3FA6] =	sst s5  }
0xe: {  	[smem:$0x3FA7] =	sst s6  }
0xf: {  	[smem:$0x3FA8] =	sst s7  }
0x10: {  	[smem:$0x3FA9] =	sst s8  }
0x11: {  	[smem:$0x3FAA] =	sst s9;
	s0 =	simm.s32 @!p0 $0x0  }
0x12: {  	s1 =	sld [smem:$0x3F90];
	s0 =	simm.s32 @p0 $0x1  }
0x13: {  	[smem:$0x3FAB] =	sst s0;
	s0 =	simm.s32 @!p1 $0x0  }
0x14: {  	s2 =	sld [smem:$0x3F8F];
	s0 =	simm.s32 @p1 $0x1  }
0x15: {  	[smem:$0x3FAC] =	sst s0;
	s0 =	simm.s32 @!p2 $0x0  }
0x16: {  	s3 =	sld [smem:$0x3FDB];
	s0 =	simm.s32 @p2 $0x1  }
0x17: {  	s4 =	simm.s32 $0x1BF5;
	[smem:$0x3FAE] =	sst s0  }
0x18: {  	s0 =	sld [smem:$0x3F91];
	_ =	swait.ge [sflag:s4], $0x0  }
0x19: {  	s7 =	sld [smem:$0x3F92]  }
0x1a: {  	s8 =	sadd.s32 $0xFFFFE003, lr  }
0x1b: {  	s9 =	sadd.s32 $0xFFFFFEF7, lr;
	s5 =	simm.s32 $0xFFFFFFFF;
	p2 =	slt.u32 s8, $0xFFFFF086  }
0x1c: {  	p1 =	slt.u32 s9, $0xF7A;
	s5 =	simm.s32 @!p2 $0x0  }
0x1d: {  	s5 =	simm.s32 @p1 $0x1;
	p0 =	seq.s32 s7, s2  }
0x1e: {  	s7 =	smul.u32 @!p0 $0xF7A, s2;
	p2 =	seq.s32 @!p0 s5, $0x0  }
0x1f: {  	s9 =	smul.u32 $0xF7A, s1;
	s8 =	simm.s32 @!p0 $0x1BF5;
	p2 =	por !p2, p0  }
0x20: {  	[sflag:s8] =	ssyncset.s32 @!p0 $0xFFFFF086;
	s6 =	sadd.s32 @!p0 s3, s7;
	s7 =	simm.s32 @!p0 $0x108  }
0x21: {  	s3 =	sadd.s32 s3, s9;
	s6 =	sadd.s32 @!p0 $0x88, s6;
	s7 =	simm.s32 @p2 $0x1082  }
0x22: {  	[simem:s7], [sflag:s8] =	dma.local @!p0 [hbm:s6], $0xF7A  }
0x23: {  	s9 =	sor.u32 $0xD0000000, s2;
	s6 =	simm.s32 $0x108;
	_ =	swait.ge @!p0 [sflag:s8], $0x0  }
0x24: {  	s3 =	sadd.s32 $0x88, s3;
	s6 =	simm.s32 @!p1 $0x1082;
	[sflag:s4] =	ssyncset.s32 $0xFFFFF086  }
0x25: {  	[simem:s6], [sflag:s4] =	dma.local [hbm:s3], $0xF7A  }
0x26: {  	[smem:$0x3F92] =	sst s1;
	(tag) =	ssettag s2;
	_ =	strace s9  }
0x27: {  	s1 =	sld [smem:$0x3FA2]  }
0x28: {  	s2 =	sld [smem:$0x3FA3]  }
0x29: {  	s4 =	sld [smem:$0x3FA5]  }
0x2a: {  	p0 =	seq.s32 s5, $0x0;
	s5 =	sld [smem:$0x3FA6]  }
0x2b: {  	s6 =	sld [smem:$0x3FA7]  }
0x2c: {  	s7 =	sld [smem:$0x3FA8]  }
0x2d: {  	s3 =	simm.s32 $0x108;
	s8 =	sld [smem:$0x3FA9]  }
0x2e: {  	s3 =	simm.s32 @!p0 $0x1082;
	s9 =	sld [smem:$0x3FAA]  }
0x2f: {  	lr =	sadd.s32 s0, s3;
	s0 =	sld [smem:$0x3FA1]  }
0x30: {  	s3 =	sld [smem:$0x3FA4]  }
0x31: {  	[smem:$0x3FAD] =	sst s10  }
0x32: {  	s10 =	sld [smem:$0x3FAB];
	_ =	sdelay $0x3  }
0x33: {  	p0 =	seq.s32 s10, $0x1;
	s10 =	sld [smem:$0x3FAD];
	_ =	sdelay $0x3  }
0x34: {  	[smem:$0x3FAD] =	sst s10  }
0x35: {  	s10 =	sld [smem:$0x3FAC];
	_ =	sdelay $0x3  }
0x36: {  	p1 =	seq.s32 s10, $0x1;
	s10 =	sld [smem:$0x3FAD];
	_ =	sdelay $0x3  }
0x37: {  	[smem:$0x3FAD] =	sst s10  }
0x38: {  	s10 =	sld [smem:$0x3FAE]  }
0x39: {  	_ = 	snop;
	(pc) =	sbr.ind lr, $3  }
0x3a: {  	_ = 	snop  }
0x3b: {  	_ = 	snop  }
0x3c: {  	p2 =	seq.s32 s10, $0x1;
	s10 =	sld [smem:$0x3FAD]  }
0x3d: {  	_ =	shalt  }
0x3e: {  	_ =	shalt  }
0x3f: {  	_ =	shalt  }
0x40: {  	_ =	shalt  }
0x41: {  	_ =	shalt  }
0x42: {  	_ =	shalt  }
0x43: {  	_ =	shalt  }
0x44: {  	_ =	shalt  }
0x45: {  	_ =	shalt  }
0x46: {  	_ =	shalt  }
0x47: {  	_ =	shalt  }
0x48: {  	_ =	shalt  }
0x49: {  	_ =	shalt  }
0x4a: {  	_ =	shalt  }
0x4b: {  	_ =	shalt  }
0x4c: {  	_ =	shalt  }
0x4d: {  	_ =	shalt  }
0x4e: {  	_ =	shalt  }
0x4f: {  	_ =	shalt  }
0x50: {  	_ =	shalt  }
0x51: {  	_ =	shalt  }
0x52: {  	_ =	shalt  }
0x53: {  	_ =	shalt  }
0x54: {  	_ =	shalt  }
0x55: {  	_ =	shalt  }
0x56: {  	_ =	shalt  }
0x57: {  	_ =	shalt  }
0x58: {  	_ =	shalt  }
0x59: {  	_ =	shalt  }
0x5a: {  	_ =	shalt  }
0x5b: {  	_ =	shalt  }
0x5c: {  	_ =	shalt  }
0x5d: {  	_ =	shalt  }
0x5e: {  	_ =	shalt  }
0x5f: {  	_ =	shalt  }
0x60: {  	_ =	shalt  }
0x61: {  	_ =	shalt  }
0x62: {  	_ =	shalt  }
0x63: {  	_ =	shalt  }
0x64: {  	_ =	shalt  }
0x65: {  	_ =	shalt  }
0x66: {  	_ =	shalt  }
0x67: {  	_ =	shalt  }
0x68: {  	_ =	shalt  }
0x69: {  	_ =	shalt  }
0x6a: {  	_ =	shalt  }
0x6b: {  	_ =	shalt  }
0x6c: {  	_ =	shalt  }
0x6d: {  	_ =	shalt  }
0x6e: {  	_ =	shalt  }
0x6f: {  	_ =	shalt  }
0x70: {  	_ =	shalt  }
0x71: {  	_ =	shalt  }
0x72: {  	_ =	shalt  }
0x73: {  	_ =	shalt  }
0x74: {  	_ =	shalt  }
0x75: {  	_ =	shalt  }
0x76: {  	_ =	shalt  }
0x77: {  	_ =	shalt  }
0x78: {  	_ =	shalt  }
0x79: {  	_ =	shalt  }
0x7a: {  	_ =	shalt  }
0x7b: {  	_ =	shalt  }
0x7c: {  	_ =	shalt  }
0x7d: {  	_ =	shalt  }
0x7e: {  	_ =	shalt  }
0x7f: {  	_ =	shalt  }
0x80: {  	_ =	shalt  }
0x81: {  	_ =	shalt  }
0x82: {  	_ =	shalt  }
0x83: {  	_ =	shalt  }
0x84: {  	_ =	shalt  }
0x85: {  	_ =	shalt  }
0x86: {  	_ =	shalt  }
0x87: {  	_ =	shalt  }
.Lfunc_end0:
.L_simem_size_0:
called_computation.1_lowered:
.L_overlay_start_0:
0x88: {  	s2 =	sld [smem:$0x3FD9]  }
0x89: {  	s3 =	sld [smem:$0x3FFE];
	_ =	sdelay $0x1  }
0x8a: {  	s1 =	srdreg.scid  }
0x8b: {  	s0 =	sand.u32 $0x1, s1  }
0x8c: {  	s16 =	sshll.u32 s0, $0xA;
	s2 =	sadd.s32 s3, s2  }
0x8d: {  	s2 =	sadd.s32 s2, s16  }
0x8e: {  	[smem:$0x3FB9] =	sst s2  }
0x8f: {  	_ = 	snop  }
0x90: {  	(tm) =	ssettm $0x1  }
0x91: {  	s17 =	sld [smem:$0x3FFB];
	_ =	sdelay $0x3  }
0x92: {  	_ =	strace s17  }
0x93: {  	s2 =	sld [smem:$0x3FFC];
	_ =	sdelay $0x3  }
0x94: {  	_ =	strace s2  }
0x95: {  	s2 =	sld [smem:$0x3FFD];
	_ =	sdelay $0x3  }
0x96: {  	_ =	strace s2  }
0x97: {  	_ =	strace $0x8FFFFFFF  }
0x98: {  	s18 =	sld [smem:$0x3FDB];
	_ =	sdelay $0x1  }
0x99: {  	s19 =	simm.s32 $_scs_section_size  }
0x9a: {  	s4 =	simm.s32 $_size__tile_overlayer_lowered;
	s5 =	simm.s32 $_tile_overlayer_lowered  }
0x9b: {  	s22 =	simm.s32 $0x1BFF;
	s21 =	sshll.u32 s5, $0x1;
	s2 =	sadd.s32 s19, s18  }
0x9c: {  	s6 =	simm.s32 $0x0;
	s20 =	sshll.u32 s4, $0x1;
	s4 =	sadd.s32 s21, s2  }
0x9d: {  	[timem:s6], [sflag:s22] =	dma.local [hbm:s4], s20  }
0x9e: {  	_ =	swait.ge [sflag:s22], s20  }
0x9f: {  	s3 =	ssub.s32 $0x0, s20;
	[sflag:s22] =	ssyncset.done $0x0  }
0xa0: {  	[sflag:s22] =	ssyncadd.s32 s3;
	_ =	sdelay $0x1  }
0xa1: {  	s23 =	simm.s32 $0x1B8B  }
0xa2: {  	_ =	swait.ge [sflag:s23], $0x1  }
0xa3: {  	[sflag:s23] =	ssyncset.done $0x0  }
0xa4: {  	s25 =	simm.s32 $0x1B8E;
	s24 =	sld [smem:$0x3FFE];
	[sflag:s23] =	ssyncadd.s32 $0xFFFFFFFF  }
0xa5: {  	s26 =	simm.s32 $execute0_lowered;
	[smem:$0x3FD2] =	sst s25  }
0xa6: {  	s4 =	sshll.u32 s26, $0x1;
	_ =	strace $0x80000049;
	[dreg:$0x1] =	wrdreg $0xFFFFFFFF  }
0xa7: {  	s28 =	simm.s32 $_size_execute0_lowered;
	s2 =	sadd.s32 s2, s4;
	[dreg:$0x0] =	wrdreg $0x0  }
0xa8: {  	s4 =	sshll.u32 s28, $0x1;
	[dreg:$0x2] =	wrdreg s2  }
0xa9: {  	[dreg:$0x3] =	wrdreg s4  }
0xaa: {  	[dreg:$0x4] =	wrdreg $0xC0  }
0xab: {  	_ =	task [dreg:s6], $0x5FFFF  }
0xac: {  	[dreg:$0x1] =	wrdreg $0xFFFFFFFF  }
0xad: {  	[dreg:$0x0] =	wrdreg $0x60  }
0xae: {  	[dreg:$0x2] =	wrdreg s24  }
0xaf: {  	[dreg:$0x3] =	wrdreg $0x9  }
0xb0: {  	_ =	task.clear_ibuf [dreg:s6], $0x4FFFF;
	_ =	strace $0x90000049  }
0xb1: {  	s29 =	simm.s32 $0x9;
	_ =	strace $0x8000004B  }
0xb2: {  	_ =	swait.ge [sflag:s29], $0x1  }
0xb3: {  	[sflag:s29] =	ssyncadd.s32 $0xFFFFFFFF  }
0xb4: {  	_ =	strace $0x9000004B  }
0xb5: {  	_ =	sfence  }
0xb6: {  	s30 =	sld [smem:$0x0];
	_ =	sdelay $0x2  }
0xb7: {  	s31 =	sshll.u32 s1, $0xD;
	s1 =	sshrl.u32 s1, $0x2  }
0xb8: {  	s3 =	sand.u32 $0x4000, s31;
	s1 =	sadd.s32 s1, s30  }
0xb9: {  	s0 =	sor.u32 s3, s0;
	s1 =	sshll.u32 s1, $0x11  }
0xba: {  	s0 =	sor.u32 s1, s0  }
0xbb: {  	s0 =	sadd.s32 $0x8F2B, s0  }
0xbc: {  	[sflag:s0] =	ssyncadd.remote.s32 $0x1  }
0xbd: {  	_ =	sfence.sel $0xFFFF  }
0xbe: {  	[dreg:$0x0] =	wrdreg $0xFFFFFFFF;
	(pc) =	sbr.abs _section_cstart, $3  }
0xbf: {  	[dreg:$0x1] =	wrdreg $0xFFFFFFFF  }
0xc0: {  	_ =	task.clear_ibuf [dreg:s6], $0x2FFFF;
	_ =	strace $0x9FFFFFFF  }
0xc1: {  	(tm) =	ssettm $0x7FFFFFFF  }
tec
execute0_lowered:
.L_overlay_start_1:
0x0: {  	(tag) =	ssettag $0x1  }
0x1: {  	s0 =	srdreg.scid;
	s6 =	rddreg [dreg:$0x0]  }
0x2: {  	s1 =	stileid.u32;
	s2 =	simm.s32 $0x0;
	s5 =	sand.u32 $0x1, s0  }
0x3: {  	s11 =	simm.s32 $0x80;
	s12 =	simm.s32 $0xC800;
	s3 =	sshll.u32 s5, $0x4  }
0x4: {  	s13 =	simm.s32 $0xC880;
	s14 =	simm.s32 $0x1;
	s3 =	sor.u32 s1, s3  }
0x5: {  	s15 =	simm.s32 $0x2;
	s0 =	rddreg [dreg:$0x1];
	s3 =	smul.u32 $0x6400, s3  }
0x6: {  	s16 =	simm.s32 $0x0;
	[smem:$0x7FF] =	sst s2;
	s4 =	sadd.s32 $0x4400, s6  }
0x7: {  	_ =	strace $0x8000004A;
	s8 =	ssub.s32 $0x2, s5;
	s7 =	sshrl.u32 s3, $0x3  }
0x8: {  	s5 =	sadd.s32 $0x5E00, s6;
	s31 =	sshrl.u32 s8, $0x1;
	s9 =	sadd.s32 s7, s6  }
0x9: {  	s10 =	ssub.s32 s8, s31;
	s6 =	sadd.s32 $0x1EE00, s6;
	s7 =	sadd.s32 $0x38600, s9  }
0xa: {  	s8 =	sadd.s32 $0x51600, s9;
	s9 =	smax.u32 s10, $0x1;
	s10 =	simm.s32 $0x3  }
.LBB2_1:
0xb: {  	[tilespmem:s2], [sflag:$0x3] =	stream.linear.gather [hbm4b:s7+s2], $0x6200, $0x38;
	[tilespmem:$0xC900] =	vst v63  }
0xc: {  	_ =	swait.ge [sflag:s10], $0x6200  }
0xd: {  	[sflag:s10] =	ssyncset.done $0x0  }
0xe: {  	s17 =	simm.s32 $0x6400;
	[sflag:s10] =	ssyncadd.s32 $0xFFFF9E00  }
0xf: {  	[tilespmem:s17], [sflag:$0x3] =	stream.linear.gather [hbm4b:s8+s2], $0x6200, $0x38;
	[tilespmem:$0xC900] =	vst v63  }
0x10: {  	_ =	swait.ge [sflag:s10], $0x6200  }
0x11: {  	[sflag:s10] =	ssyncset.done $0x0  }
0x12: {  	[sflag:s10] =	ssyncadd.s32 $0xFFFF9E00  }
0x13: {  	[tilespmem:s12], [sflag:$0x1] =	stream.indirect.gather [hbm4b:s4+s11], $0x1, s2, s11, $0xb8;
	[tilespmem:$0xC900] =	vst v63  }
0x14: {  	_ = 	snop  }
0x15: {  	[tilespmem:s13], [sflag:$0x2] =	stream.indirect.gather [hbm4b:s4+s11], $0x1, s17, s11, $0xb8;
	[tilespmem:$0xC900] =	vst v63  }
0x16: {  	_ =	swait.ge [sflag:s14], $0x80  }
0x17: {  	s18 =	sand.u32 $0x7C00, s2;
	[sflag:s14] =	ssyncset.done $0x0  }
0x18: {  	s19 =	sand.u32 $0x380, s2;
	s18 =	sadd.s32 s3, s18;
	[sflag:s14] =	ssyncadd.s32 $0xFFFFFF80  }
0x19: {  	s18 =	sor.u32 s19, s18;
	_ =	swait.ge [sflag:s15], $0x80  }
0x1a: {  	s18 =	sshrl.u32 s18, $0x3;
	[sflag:s15] =	ssyncset.done $0x0  }
0x1b: {  	s31 =	sadd.s32 s5, s18;
	[sflag:s15] =	ssyncadd.s32 $0xFFFFFF80  }
0x1c: {  	[hbm4b:s31+s2] =	stream.linear.scatter [tilespmem:s12], [sflag:$0x3], $0x80, $0x38;
	[tilespmem:$0xC900] =	vst v63  }
0x1d: {  	_ =	swait.ge [sflag:s10], $0x80  }
0x1e: {  	[sflag:s10] =	ssyncset.done $0x0  }
0x1f: {  	s18 =	sadd.s32 s6, s18;
	[sflag:s10] =	ssyncadd.s32 $0xFFFFFF80  }
0x20: {  	[hbm4b:s18+s2] =	stream.linear.scatter [tilespmem:s13], [sflag:$0x3], $0x80, $0x38;
	[tilespmem:$0xC900] =	vst v63  }
0x21: {  	_ =	swait.ge [sflag:s10], $0x80  }
0x22: {  	s19 =	simm.s32 $0x0;
	s18 =	simm.s32 $0x80;
	[sflag:s10] =	ssyncset.done $0x0  }
.LBB2_2:
0x23: {  	[sflag:s10] =	ssyncadd.s32 $0xFFFFFF80;
	s19 =	sadd.s32 $0x80, s19;
	s17 =	sadd.s32 $0x80, s17  }
0x24: {  	[tilespmem:s12], [sflag:$0x1] =	stream.indirect.gather [hbm4b:s4+s11], $0x1, s19, s11, $0xb8;
	[tilespmem:$0xC900] =	vst v63  }
0x25: {  	p0 =	sne.s32 s18, $0x6180;
	s20 =	smov.u32 s18;
	s18 =	sadd.s32 $0x80, s18  }
0x26: {  	[tilespmem:s13], [sflag:$0x2] =	stream.indirect.gather [hbm4b:s4+s11], $0x1, s17, s11, $0xb8;
	[tilespmem:$0xC900] =	vst v63  }
0x27: {  	_ =	swait.ge [sflag:s14], $0x80  }
0x28: {  	s21 =	sand.u32 $0x7C00, s20;
	[sflag:s14] =	ssyncset.done $0x0  }
0x29: {  	s20 =	sand.u32 $0x380, s20;
	s21 =	sadd.s32 s3, s21;
	[sflag:s14] =	ssyncadd.s32 $0xFFFFFF80  }
0x2a: {  	s20 =	sor.u32 s20, s21;
	_ =	swait.ge [sflag:s15], $0x80  }
0x2b: {  	s20 =	sshrl.u32 s20, $0x3;
	[sflag:s15] =	ssyncset.done $0x0  }
0x2c: {  	s21 =	sadd.s32 s5, s20;
	[sflag:s15] =	ssyncadd.s32 $0xFFFFFF80  }
0x2d: {  	[hbm4b:s21+s2] =	stream.linear.scatter [tilespmem:s12], [sflag:$0x3], $0x80, $0x38;
	[tilespmem:$0xC900] =	vst v63  }
0x2e: {  	_ =	swait.ge [sflag:s10], $0x80  }
.Ltmp0:
0x2f: {  	[sflag:s10] =	ssyncset.done $0x0;
	(pc) =	sbr.rel @p0 .LBB2_2-.Ltmp0, $4  }
0x30: {  	s20 =	sadd.s32 s6, s20;
	[sflag:s10] =	ssyncadd.s32 $0xFFFFFF80  }
0x31: {  	[hbm4b:s20+s2] =	stream.linear.scatter [tilespmem:s13], [sflag:$0x3], $0x80, $0x38;
	[tilespmem:$0xC900] =	vst v63  }
0x32: {  	_ =	swait.ge [sflag:s10], $0x80  }
0x33: {  	[sflag:s10] =	ssyncset.done $0x0  }
0x34: {  	s16 =	sadd.s32 $0x1, s16  }
0x35: {  	p0 =	sne.s32 s16, s9  }
.Ltmp1:
0x36: {  	_ = 	snop;
	(pc) =	sbr.rel @p0 .LBB2_1-.Ltmp1, $2  }
0x37: {  	_ =	sdelay $0x2  }
0x38: {  	[sflag:s10] =	ssyncadd.s32 $0xFFFFFF80  }
0x39: {  	_ =	sfence.sel $0x180000  }
0x3a: {  	[bflag:$0x0] =	sbarrier.arrive $0xFFFF  }
0x3b: {  	p0 =	sne.s32 s1, $0x0;
	_ =	strace $0x9000004A  }
0x3c: {  	s0 =	sadd.s32 @!p0 $0x100000, s0;
	[bflag:$0x2] =	sbarrier.arrive $0xFFFF  }
0x3d: {  	[sflag:s0] =	ssyncadd.tile.s32 @!p0 $0x1;
	_ =	shalt  }
.Lfunc_end2:
_tile_overlayer_lowered:
.L_overlay_start_2:
0x3e: {  	(tag) =	ssettag $0x2  }
0x3f: {  	s0 =	rddreg [dreg:$0x0];
	s2 =	stileid.u32  }
0x40: {  	s1 =	rddreg [dreg:$0x1];
	p0 =	sne.s32 s2, $0x0  }
0x41: {  	s3 =	rddreg [dreg:$0x2];
	[bflag:$0x3] =	sbarrier.arrive $0xFFFF;
	s2 =	simm.s32 @!p0 $0x1C03  }
0x42: {  	[timem:s3], [sflag:s2] =	dma.local @!p0 [hbm:s0], s1  }
0x43: {  	s0 =	simm.s32 @!p0 $0x3  }
0x44: {  	_ =	swait.ge @!p0 [sflag:s0], s1  }
0x45: {  	s1 =	ssub.s32 @!p0 $0x0, s1;
	[sflag:s0] =	ssyncset.done @!p0 $0x0  }
0x46: {  	[sflag:s0] =	ssyncadd.s32 @!p0 s1  }
0x47: {  	[bflag:$0x3] =	sbarrier.arrive $0xFFFF  }
0x48: {  	_ =	shalt  }

// kernel: kernel.27.cloned.1.call-start
scs
__scs_entry_jumppad:
0x0: {  	(pc) =	sbr.rel $0x88, $3  }
0x1: {  	(tag) =	ssettag $0x0;
	lr =	simm.s32 $0x1  }
0x2: {  	[smem:$0x3F92] =	sst lr;
	_ =	strace $0xD0000000  }
0x3: {  	_ = 	snop  }
0x4: {  	_ = 	snop  }
0x5: {  	_ = 	snop  }
0x6: {  	_ = 	snop  }
0x7: {  	_ = 	snop  }
__scs_overlays_trampoline_lowered:
0x8: {  	[smem:$0x3FA1] =	sst s0  }
0x9: {  	[smem:$0x3FA2] =	sst s1  }
0xa: {  	[smem:$0x3FA3] =	sst s2  }
0xb: {  	[smem:$0x3FA4] =	sst s3  }
0xc: {  	[smem:$0x3FA5] =	sst s4  }
0xd: {  	[smem:$0x3FA6] =	sst s5  }
0xe: {  	[smem:$0x3FA7] =	sst s6  }
0xf: {  	[smem:$0x3FA8] =	sst s7  }
0x10: {  	[smem:$0x3FA9] =	sst s8  }
0x11: {  	[smem:$0x3FAA] =	sst s9;
	s0 =	simm.s32 @!p0 $0x0  }
0x12: {  	s1 =	sld [smem:$0x3F90];
	s0 =	simm.s32 @p0 $0x1  }
0x13: {  	[smem:$0x3FAB] =	sst s0;
	s0 =	simm.s32 @!p1 $0x0  }
0x14: {  	s2 =	sld [smem:$0x3F8F];
	s0 =	simm.s32 @p1 $0x1  }
0x15: {  	[smem:$0x3FAC] =	sst s0;
	s0 =	simm.s32 @!p2 $0x0  }
0x16: {  	s3 =	sld [smem:$0x3FDB];
	s0 =	simm.s32 @p2 $0x1  }
0x17: {  	s4 =	simm.s32 $0x1BF5;
	[smem:$0x3FAE] =	sst s0  }
0x18: {  	s0 =	sld [smem:$0x3F91];
	_ =	swait.ge [sflag:s4], $0x0  }
0x19: {  	s7 =	sld [smem:$0x3F92]  }
0x1a: {  	s8 =	sadd.s32 $0xFFFFE003, lr  }
0x1b: {  	s9 =	sadd.s32 $0xFFFFFEF7, lr;
	s5 =	simm.s32 $0xFFFFFFFF;
	p2 =	slt.u32 s8, $0xFFFFF086  }
0x1c: {  	p1 =	slt.u32 s9, $0xF7A;
	s5 =	simm.s32 @!p2 $0x0  }
0x1d: {  	s5 =	simm.s32 @p1 $0x1;
	p0 =	seq.s32 s7, s2  }
0x1e: {  	s7 =	smul.u32 @!p0 $0xF7A, s2;
	p2 =	seq.s32 @!p0 s5, $0x0  }
0x1f: {  	s9 =	smul.u32 $0xF7A, s1;
	s8 =	simm.s32 @!p0 $0x1BF5;
	p2 =	por !p2, p0  }
0x20: {  	[sflag:s8] =	ssyncset.s32 @!p0 $0xFFFFF086;
	s6 =	sadd.s32 @!p0 s3, s7;
	s7 =	simm.s32 @!p0 $0x108  }
0x21: {  	s3 =	sadd.s32 s3, s9;
	s6 =	sadd.s32 @!p0 $0x88, s6;
	s7 =	simm.s32 @p2 $0x1082  }
0x22: {  	[simem:s7], [sflag:s8] =	dma.local @!p0 [hbm:s6], $0xF7A  }
0x23: {  	s9 =	sor.u32 $0xD0000000, s2;
	s6 =	simm.s32 $0x108;
	_ =	swait.ge @!p0 [sflag:s8], $0x0  }
0x24: {  	s3 =	sadd.s32 $0x88, s3;
	s6 =	simm.s32 @!p1 $0x1082;
	[sflag:s4] =	ssyncset.s32 $0xFFFFF086  }
0x25: {  	[simem:s6], [sflag:s4] =	dma.local [hbm:s3], $0xF7A  }
0x26: {  	[smem:$0x3F92] =	sst s1;
	(tag) =	ssettag s2;
	_ =	strace s9  }
0x27: {  	s1 =	sld [smem:$0x3FA2]  }
0x28: {  	s2 =	sld [smem:$0x3FA3]  }
0x29: {  	s4 =	sld [smem:$0x3FA5]  }
0x2a: {  	p0 =	seq.s32 s5, $0x0;
	s5 =	sld [smem:$0x3FA6]  }
0x2b: {  	s6 =	sld [smem:$0x3FA7]  }
0x2c: {  	s7 =	sld [smem:$0x3FA8]  }
0x2d: {  	s3 =	simm.s32 $0x108;
	s8 =	sld [smem:$0x3FA9]  }
0x2e: {  	s3 =	simm.s32 @!p0 $0x1082;
	s9 =	sld [smem:$0x3FAA]  }
0x2f: {  	lr =	sadd.s32 s0, s3;
	s0 =	sld [smem:$0x3FA1]  }
0x30: {  	s3 =	sld [smem:$0x3FA4]  }
0x31: {  	[smem:$0x3FAD] =	sst s10  }
0x32: {  	s10 =	sld [smem:$0x3FAB];
	_ =	sdelay $0x3  }
0x33: {  	p0 =	seq.s32 s10, $0x1;
	s10 =	sld [smem:$0x3FAD];
	_ =	sdelay $0x3  }
0x34: {  	[smem:$0x3FAD] =	sst s10  }
0x35: {  	s10 =	sld [smem:$0x3FAC];
	_ =	sdelay $0x3  }
0x36: {  	p1 =	seq.s32 s10, $0x1;
	s10 =	sld [smem:$0x3FAD];
	_ =	sdelay $0x3  }
0x37: {  	[smem:$0x3FAD] =	sst s10  }
0x38: {  	s10 =	sld [smem:$0x3FAE]  }
0x39: {  	_ = 	snop;
	(pc) =	sbr.ind lr, $3  }
0x3a: {  	_ = 	snop  }
0x3b: {  	_ = 	snop  }
0x3c: {  	p2 =	seq.s32 s10, $0x1;
	s10 =	sld [smem:$0x3FAD]  }
0x3d: {  	_ =	shalt  }
0x3e: {  	_ =	shalt  }
0x3f: {  	_ =	shalt  }
0x40: {  	_ =	shalt  }
0x41: {  	_ =	shalt  }
0x42: {  	_ =	shalt  }
0x43: {  	_ =	shalt  }
0x44: {  	_ =	shalt  }
0x45: {  	_ =	shalt  }
0x46: {  	_ =	shalt  }
0x47: {  	_ =	shalt  }
0x48: {  	_ =	shalt  }
0x49: {  	_ =	shalt  }
0x4a: {  	_ =	shalt  }
0x4b: {  	_ =	shalt  }
0x4c: {  	_ =	shalt  }
0x4d: {  	_ =	shalt  }
0x4e: {  	_ =	shalt  }
0x4f: {  	_ =	shalt  }
0x50: {  	_ =	shalt  }
0x51: {  	_ =	shalt  }
0x52: {  	_ =	shalt  }
0x53: {  	_ =	shalt  }
0x54: {  	_ =	shalt  }
0x55: {  	_ =	shalt  }
0x56: {  	_ =	shalt  }
0x57: {  	_ =	shalt  }
0x58: {  	_ =	shalt  }
0x59: {  	_ =	shalt  }
0x5a: {  	_ =	shalt  }
0x5b: {  	_ =	shalt  }
0x5c: {  	_ =	shalt  }
0x5d: {  	_ =	shalt  }
0x5e: {  	_ =	shalt  }
0x5f: {  	_ =	shalt  }
0x60: {  	_ =	shalt  }
0x61: {  	_ =	shalt  }
0x62: {  	_ =	shalt  }
0x63: {  	_ =	shalt  }
0x64: {  	_ =	shalt  }
0x65: {  	_ =	shalt  }
0x66: {  	_ =	shalt  }
0x67: {  	_ =	shalt  }
0x68: {  	_ =	shalt  }
0x69: {  	_ =	shalt  }
0x6a: {  	_ =	shalt  }
0x6b: {  	_ =	shalt  }
0x6c: {  	_ =	shalt  }
0x6d: {  	_ =	shalt  }
0x6e: {  	_ =	shalt  }
0x6f: {  	_ =	shalt  }
0x70: {  	_ =	shalt  }
0x71: {  	_ =	shalt  }
0x72: {  	_ =	shalt  }
0x73: {  	_ =	shalt  }
0x74: {  	_ =	shalt  }
0x75: {  	_ =	shalt  }
0x76: {  	_ =	shalt  }
0x77: {  	_ =	shalt  }
0x78: {  	_ =	shalt  }
0x79: {  	_ =	shalt  }
0x7a: {  	_ =	shalt  }
0x7b: {  	_ =	shalt  }
0x7c: {  	_ =	shalt  }
0x7d: {  	_ =	shalt  }
0x7e: {  	_ =	shalt  }
0x7f: {  	_ =	shalt  }
0x80: {  	_ =	shalt  }
0x81: {  	_ =	shalt  }
0x82: {  	_ =	shalt  }
0x83: {  	_ =	shalt  }
0x84: {  	_ =	shalt  }
0x85: {  	_ =	shalt  }
0x86: {  	_ =	shalt  }
0x87: {  	_ =	shalt  }
.Lfunc_end0:
.L_simem_size_0:
called_computation.2_lowered:
.L_overlay_start_0:
0x88: {  	s2 =	sld [smem:$0x3FD9]  }
0x89: {  	s3 =	sld [smem:$0x3FFE];
	_ =	sdelay $0x1  }
0x8a: {  	s1 =	srdreg.scid  }
0x8b: {  	s0 =	sand.u32 $0x1, s1  }
0x8c: {  	s16 =	sshll.u32 s0, $0xA;
	s2 =	sadd.s32 s3, s2  }
0x8d: {  	s2 =	sadd.s32 s2, s16  }
0x8e: {  	[smem:$0x3FB9] =	sst s2  }
0x8f: {  	_ = 	snop  }
0x90: {  	(tm) =	ssettm $0x1  }
0x91: {  	s17 =	sld [smem:$0x3FFB];
	_ =	sdelay $0x3  }
0x92: {  	_ =	strace s17  }
0x93: {  	s2 =	sld [smem:$0x3FFC];
	_ =	sdelay $0x3  }
0x94: {  	_ =	strace s2  }
0x95: {  	s2 =	sld [smem:$0x3FFD];
	_ =	sdelay $0x3  }
0x96: {  	_ =	strace s2  }
0x97: {  	_ =	strace $0x8FFFFFFF  }
0x98: {  	s18 =	sld [smem:$0x3FDB];
	_ =	sdelay $0x1  }
0x99: {  	s19 =	simm.s32 $_scs_section_size  }
0x9a: {  	s4 =	simm.s32 $_size__tile_overlayer_lowered;
	s5 =	simm.s32 $_tile_overlayer_lowered  }
0x9b: {  	s22 =	simm.s32 $0x1BFF;
	s21 =	sshll.u32 s5, $0x1;
	s2 =	sadd.s32 s19, s18  }
0x9c: {  	s6 =	simm.s32 $0x0;
	s20 =	sshll.u32 s4, $0x1;
	s4 =	sadd.s32 s21, s2  }
0x9d: {  	[timem:s6], [sflag:s22] =	dma.local [hbm:s4], s20  }
0x9e: {  	_ =	swait.ge [sflag:s22], s20  }
0x9f: {  	s3 =	ssub.s32 $0x0, s20;
	[sflag:s22] =	ssyncset.done $0x0  }
0xa0: {  	[sflag:s22] =	ssyncadd.s32 s3;
	_ =	sdelay $0x1  }
0xa1: {  	s23 =	simm.s32 $0x1B8B  }
0xa2: {  	_ =	swait.ge [sflag:s23], $0x1  }
0xa3: {  	[sflag:s23] =	ssyncset.done $0x0  }
0xa4: {  	s25 =	simm.s32 $0x1B8E;
	s24 =	sld [smem:$0x3FFE];
	[sflag:s23] =	ssyncadd.s32 $0xFFFFFFFF  }
0xa5: {  	s26 =	simm.s32 $execute0_lowered;
	[smem:$0x3FD2] =	sst s25  }
0xa6: {  	s4 =	sshll.u32 s26, $0x1;
	_ =	strace $0x8000004C;
	[dreg:$0x1] =	wrdreg $0xFFFFFFFF  }
0xa7: {  	s28 =	simm.s32 $_size_execute0_lowered;
	s2 =	sadd.s32 s2, s4;
	[dreg:$0x0] =	wrdreg $0x0  }
0xa8: {  	s4 =	sshll.u32 s28, $0x1;
	[dreg:$0x2] =	wrdreg s2  }
0xa9: {  	[dreg:$0x3] =	wrdreg s4  }
0xaa: {  	[dreg:$0x4] =	wrdreg $0xC0  }
0xab: {  	_ =	task [dreg:s6], $0x5FFFF  }
0xac: {  	[dreg:$0x1] =	wrdreg $0xFFFFFFFF  }
0xad: {  	[dreg:$0x0] =	wrdreg $0x60  }
0xae: {  	[dreg:$0x2] =	wrdreg s24  }
0xaf: {  	[dreg:$0x3] =	wrdreg $0x96800  }
0xb0: {  	[dreg:$0x4] =	wrdreg $0x9  }
0xb1: {  	_ =	task.clear_ibuf [dreg:s6], $0x5FFFF;
	_ =	strace $0x9000004C  }
0xb2: {  	s29 =	simm.s32 $0x9;
	_ =	strace $0x8000004E  }
0xb3: {  	_ =	swait.ge [sflag:s29], $0x1  }
0xb4: {  	[sflag:s29] =	ssyncadd.s32 $0xFFFFFFFF  }
0xb5: {  	_ =	strace $0x9000004E  }
0xb6: {  	_ =	sfence  }
0xb7: {  	s30 =	sld [smem:$0x0];
	_ =	sdelay $0x2  }
0xb8: {  	s31 =	sshll.u32 s1, $0xD;
	s1 =	sshrl.u32 s1, $0x2  }
0xb9: {  	s3 =	sand.u32 $0x4000, s31;
	s1 =	sadd.s32 s1, s30  }
0xba: {  	s0 =	sor.u32 s3, s0;
	s1 =	sshll.u32 s1, $0x11  }
0xbb: {  	s0 =	sor.u32 s1, s0  }
0xbc: {  	s0 =	sadd.s32 $0x8F2B, s0  }
0xbd: {  	[sflag:s0] =	ssyncadd.remote.s32 $0x1  }
0xbe: {  	_ =	sfence.sel $0xFFFF  }
0xbf: {  	[dreg:$0x0] =	wrdreg $0xFFFFFFFF;
	(pc) =	sbr.abs _section_cstart, $3  }
0xc0: {  	[dreg:$0x1] =	wrdreg $0xFFFFFFFF  }
0xc1: {  	_ =	task.clear_ibuf [dreg:s6], $0x2FFFF;
	_ =	strace $0x9FFFFFFF  }
0xc2: {  	(tm) =	ssettm $0x7FFFFFFF  }
0xc3: {  	_ =	shalt  }
tec
execute0_lowered:
.L_overlay_start_1:
0x0: {  	(tag) =	ssettag $0x1  }
0x1: {  	s3 =	rddreg [dreg:$0x0]  }
0x2: {  	s1 =	rddreg [dreg:$0x1]  }
0x3: {  	s2 =	srdreg.scid;
	s0 =	rddreg [dreg:$0x2]  }
0x4: {  	s13 =	stileid.u32;
	s11 =	simm.s32 $0x80;
	s12 =	simm.s32 $0x6400  }
0x5: {  	s15 =	simm.s32 $0x0;
	s4 =	sand.u32 $0x1, s2;
	s2 =	simm.s32 $0x0  }
0x6: {  	s8 =	smul.u32 $0xC80, s13;
	p0 =	sne.s32 s13, $0x0;
	s5 =	sshll.u32 s4, $0x4  }
0x7: {  	s6 =	smul.u32 $0xC800, s4;
	[smem:$0x7FF] =	sst s2;
	s4 =	ssub.s32 $0x2, s4  }
0x8: {  	s5 =	sor.u32 s13, s5;
	_ =	strace $0x8000004D;
	s7 =	sshrl.u32 s4, $0x1  }
0x9: {  	s14 =	sadd.s32 s8, s1;
	s13 =	sshll.u32 s13, $0x6;
	s5 =	smul.u32 $0xC80, s5  }
0xa: {  	s6 =	sadd.s32 s8, s6;
	s10 =	ssub.s32 s4, s7;
	s4 =	sadd.s32 $0x3200, s1  }
0xb: {  	s13 =	sor.u32 $0x1C01, s13;
	s14 =	sshrl.u32 s14, $0x3;
	s6 =	sshrl.u32 s6, $0x3  }
0xc: {  	s8 =	smax.u32 s10, $0x1;
	s10 =	simm.s32 $0x6480;
	s5 =	sadd.s32 s5, s3  }
0xd: {  	s9 =	sadd.s32 s6, s3;
	s6 =	sadd.s32 $0x9600, s1;
	s3 =	sadd.s32 $0x37E00, s5  }
0xe: {  	v0 =	vimm.s32 $0x1;
	v1 =	vimm.s32 $0x0;
	s5 =	sadd.s32 $0x6400, s1;
	s7 =	sadd.s32 $0x50E00, s9;
	s9 =	simm.s32 $0x1  }
.LBB2_1:
0xf: {  	[tilespmem:s2], [sflag:$0x1] =	stream.linear.gather [hbm4b:s3+s2], $0x6200, $0x38;
	[tilespmem:$0xA300] =	vst v63  }
0x10: {  	_ =	swait.ge [sflag:s9], $0x6200  }
0x11: {  	[sflag:s9] =	ssyncset.done $0x0  }
0x12: {  	[sflag:s9] =	ssyncadd.s32 $0xFFFF9E00  }
0x13: {  	[tilespmem:$0x6400] =	vst v0  }
0x14: {  	[tilespmem:$0x6410] =	vst v0  }
0x15: {  	[tilespmem:$0x6420] =	vst v0  }
.Ltmp0:
0x16: {  	[tilespmem:$0x6430] =	vst v0;
	(pc) =	sbr.rel @p0 .LBB2_5-.Ltmp0, $4  }
0x17: {  	[tilespmem:$0x6440] =	vst v0  }
0x18: {  	[tilespmem:$0x6450] =	vst v0  }
0x19: {  	[tilespmem:$0x6460] =	vst v0  }
0x1a: {  	[tilespmem:$0x6470] =	vst v0  }
0x1b: {  	s16 =	simm.s32 $0x40;
	s17 =	simm.s32 $0x0  }
.LBB2_3:
0x1c: {  	p1 =	sne.s32 s16, $0xC7C0;
	[tilespmem:s17+$0x6480] =	vst v1;
	s17 =	smov.u32 s16;
	s16 =	sadd.s32 $0x40, s16  }
.Ltmp1:
0x1d: {  	(pc) =	sbr.rel @p1 .LBB2_3-.Ltmp1, $2  }
0x1e: {  	_ =	sdelay $0x2  }
0x1f: {  	s17 =	sshra.s32 s17, $0x2  }
0x20: {  	[tilespmem:s17+$0x6480] =	vst v1  }
0x21: {  	[spmem:s1] =	stream.linear.scatter [tilespmem:s10], [sflag:$0x1], $0x3200, $0x38;
	[tilespmem:$0xA300] =	vst v63  }
0x22: {  	_ =	swait.ge [sflag:s9], $0x3200  }
0x23: {  	[sflag:s9] =	ssyncset.done $0x0  }
0x24: {  	[sflag:s9] =	ssyncadd.s32 $0xFFFFCE00  }
0x25: {  	[spmem:s4] =	stream.linear.scatter [tilespmem:s10], [sflag:$0x1], $0x3200, $0x38;
	[tilespmem:$0xA300] =	vst v63  }
0x26: {  	_ =	swait.ge [sflag:s9], $0x3200  }
0x27: {  	[sflag:s9] =	ssyncset.done $0x0  }
0x28: {  	[sflag:s9] =	ssyncadd.s32 $0xFFFFCE00  }
0x29: {  	[spmem:s5] =	stream.linear.scatter [tilespmem:s10], [sflag:$0x1], $0x3200, $0x38;
	[tilespmem:$0xA300] =	vst v63  }
0x2a: {  	_ =	swait.ge [sflag:s9], $0x3200  }
0x2b: {  	[sflag:s9] =	ssyncset.done $0x0  }
0x2c: {  	[sflag:s9] =	ssyncadd.s32 $0xFFFFCE00  }
0x2d: {  	[spmem:s6] =	stream.linear.scatter [tilespmem:s10], [sflag:$0x1], $0x3200, $0x38;
	[tilespmem:$0xA300] =	vst v63  }
0x2e: {  	_ =	swait.ge [sflag:s9], $0x3200  }
0x2f: {  	[sflag:s9] =	ssyncset.done $0x0  }
0x30: {  	[sflag:s9] =	ssyncadd.s32 $0xFFFFCE00  }
.LBB2_5:
0x31: {  	[bflag:$0x0] =	sbarrier.arrive $0xFFFF;
	s16 =	simm.s32 $0x0  }
0x32: {  	[spmem:s1] =	stream.indirect.scatter.add.s32 [tilespmem:s12], [sflag:$0x1], $0x1, s16, s11, $0xb8;
	[tilespmem:$0xA300] =	vst v63  }
0x33: {  	_ =	swait.ge [sflag:s9], $0x80  }
0x34: {  	s16 =	simm.s32 $0x200;
	[sflag:s9] =	ssyncset.done $0x0  }
.LBB2_6:
0x35: {  	s17 =	sshra.s32 s16, $0x2;
	[sflag:s9] =	ssyncadd.s32 $0xFFFFFF80;
	p1 =	sne.s32 s16, $0x18600  }
0x36: {  	[spmem:s1] =	stream.indirect.scatter.add.s32 [tilespmem:s12], [sflag:$0x1], $0x1, s17, s11, $0xb8;
	[tilespmem:$0xA300] =	vst v63  }
.Ltmp2:
0x37: {  	_ = 	snop;
	(pc) =	sbr.rel @p1 .LBB2_6-.Ltmp2, $4  }
0x38: {  	_ = 	snop  }
0x39: {  	s16 =	sadd.s32 $0x200, s16  }
0x3a: {  	_ =	swait.ge [sflag:s9], $0x80  }
0x3b: {  	[sflag:s9] =	ssyncset.done $0x0  }
0x3c: {  	s15 =	sadd.s32 $0x1, s15  }
0x3d: {  	[sflag:s9] =	ssyncadd.s32 $0xFFFFFF80;
	p1 =	sne.s32 s15, s8  }
.Ltmp3:
0x3e: {  	[bflag:$0x0] =	sbarrier.arrive $0xFFFF;
	(pc) =	sbr.rel @p1 .LBB2_1-.Ltmp3, $4  }
0x3f: {  	[hbm:s7], [sflag:s13] =	dma.local [spmem:s14], $0x190  }
0x40: {  	_ =	swait.ge [sflag:s9], $0x190  }
0x41: {  	[sflag:s9] =	ssyncset.done $0x0  }
0x42: {  	[sflag:s9] =	ssyncadd.s32 $0xFFFFFE70  }
0x43: {  	_ =	sfence.sel $0x180000  }
0x44: {  	[bflag:$0x0] =	sbarrier.arrive $0xFFFF  }
0x45: {  	_ =	strace $0x9000004D  }
0x46: {  	s0 =	sadd.s32 @!p0 $0x100000, s0;
	[bflag:$0x2] =	sbarrier.arrive $0xFFFF  }
0x47: {  	[sflag:s0] =	ssyncadd.tile.s32 @!p0 $0x1;
	_ =	shalt  }
.Lfunc_end2:
_tile_overlayer_lowered:
.L_overlay_start_2:
0x48: {  	(tag) =	ssettag $0x2  }
0x49: {  	s0 =	rddreg [dreg:$0x0];
	s2 =	stileid.u32  }
0x4a: {  	s1 =	rddreg [dreg:$0x1];
	p0 =	sne.s32 s2, $0x0  }
0x4b: {  	s3 =	rddreg [dreg:$0x2];
	[bflag:$0x3] =	sbarrier.arrive $0xFFFF;
	s2 =	simm.s32 @!p0 $0x1C01  }
0x4c: {  	[timem:s3], [sflag:s2] =	dma.local @!p0 [hbm:s0], s1  }
0x4d: {  	s0 =	simm.s32 @!p0 $0x1  }
0x4e: {  	_ =	swait.ge @!p0 [sflag:s0], s1  }
0x4f: {  	s1 =	ssub.s32 @!p0 $0x0, s1;
	[sflag:s0] =	ssyncset.done @!p0 $0x0  }
0x50: {  	[sflag:s0] =	ssyncadd.s32 @!p0 s1  }
0x51: {  	[bflag:$0x3] =	sbarrier.arrive $0xFFFF  }
0x52: {  	_ =	shalt  }

// kernel: kernel.30.cloned.1.call-start
scs
__scs_entry_jumppad:
0x0: {  	(pc) =	sbr.rel $0x88, $3  }
0x1: {  	(tag) =	ssettag $0x0;
	lr =	simm.s32 $0x1  }
0x2: {  	[smem:$0x3F92] =	sst lr;
	_ =	strace $0xD0000000  }
0x3: {  	_ = 	snop  }
0x4: {  	_ = 	snop  }
0x5: {  	_ = 	snop  }
0x6: {  	_ = 	snop  }
0x7: {  	_ = 	snop  }
__scs_overlays_trampoline_lowered:
0x8: {  	[smem:$0x3FA1] =	sst s0  }
0x9: {  	[smem:$0x3FA2] =	sst s1  }
0xa: {  	[smem:$0x3FA3] =	sst s2  }
0xb: {  	[smem:$0x3FA4] =	sst s3  }
0xc: {  	[smem:$0x3FA5] =	sst s4  }
0xd: {  	[smem:$0x3FA6] =	sst s5  }
0xe: {  	[smem:$0x3FA7] =	sst s6  }
0xf: {  	[smem:$0x3FA8] =	sst s7  }
0x10: {  	[smem:$0x3FA9] =	sst s8  }
0x11: {  	[smem:$0x3FAA] =	sst s9;
	s0 =	simm.s32 @!p0 $0x0  }
0x12: {  	s1 =	sld [smem:$0x3F90];
	s0 =	simm.s32 @p0 $0x1  }
0x13: {  	[smem:$0x3FAB] =	sst s0;
	s0 =	simm.s32 @!p1 $0x0  }
0x14: {  	s2 =	sld [smem:$0x3F8F];
	s0 =	simm.s32 @p1 $0x1  }
0x15: {  	[smem:$0x3FAC] =	sst s0;
	s0 =	simm.s32 @!p2 $0x0  }
0x16: {  	s3 =	sld [smem:$0x3FDB];
	s0 =	simm.s32 @p2 $0x1  }
0x17: {  	s4 =	simm.s32 $0x1BF5;
	[smem:$0x3FAE] =	sst s0  }
0x18: {  	s0 =	sld [smem:$0x3F91];
	_ =	swait.ge [sflag:s4], $0x0  }
0x19: {  	s7 =	sld [smem:$0x3F92]  }
0x1a: {  	s8 =	sadd.s32 $0xFFFFE003, lr  }
0x1b: {  	s9 =	sadd.s32 $0xFFFFFEF7, lr;
	s5 =	simm.s32 $0xFFFFFFFF;
	p2 =	slt.u32 s8, $0xFFFFF086  }
0x1c: {  	p1 =	slt.u32 s9, $0xF7A;
	s5 =	simm.s32 @!p2 $0x0  }
0x1d: {  	s5 =	simm.s32 @p1 $0x1;
	p0 =	seq.s32 s7, s2  }
0x1e: {  	s7 =	smul.u32 @!p0 $0xF7A, s2;
	p2 =	seq.s32 @!p0 s5, $0x0  }
0x1f: {  	s9 =	smul.u32 $0xF7A, s1;
	s8 =	simm.s32 @!p0 $0x1BF5;
	p2 =	por !p2, p0  }
0x20: {  	[sflag:s8] =	ssyncset.s32 @!p0 $0xFFFFF086;
	s6 =	sadd.s32 @!p0 s3, s7;
	s7 =	simm.s32 @!p0 $0x108  }
0x21: {  	s3 =	sadd.s32 s3, s9;
	s6 =	sadd.s32 @!p0 $0x88, s6;
	s7 =	simm.s32 @p2 $0x1082  }
0x22: {  	[simem:s7], [sflag:s8] =	dma.local @!p0 [hbm:s6], $0xF7A  }
0x23: {  	s9 =	sor.u32 $0xD0000000, s2;
	s6 =	simm.s32 $0x108;
	_ =	swait.ge @!p0 [sflag:s8], $0x0  }
0x24: {  	s3 =	sadd.s32 $0x88, s3;
	s6 =	simm.s32 @!p1 $0x1082;
	[sflag:s4] =	ssyncset.s32 $0xFFFFF086  }
0x25: {  	[simem:s6], [sflag:s4] =	dma.local [hbm:s3], $0xF7A  }
0x26: {  	[smem:$0x3F92] =	sst s1;
	(tag) =	ssettag s2;
	_ =	strace s9  }
0x27: {  	s1 =	sld [smem:$0x3FA2]  }
0x28: {  	s2 =	sld [smem:$0x3FA3]  }
0x29: {  	s4 =	sld [smem:$0x3FA5]  }
0x2a: {  	p0 =	seq.s32 s5, $0x0;
	s5 =	sld [smem:$0x3FA6]  }
0x2b: {  	s6 =	sld [smem:$0x3FA7]  }
0x2c: {  	s7 =	sld [smem:$0x3FA8]  }
0x2d: {  	s3 =	simm.s32 $0x108;
	s8 =	sld [smem:$0x3FA9]  }
0x2e: {  	s3 =	simm.s32 @!p0 $0x1082;
	s9 =	sld [smem:$0x3FAA]  }
0x2f: {  	lr =	sadd.s32 s0, s3;
	s0 =	sld [smem:$0x3FA1]  }
0x30: {  	s3 =	sld [smem:$0x3FA4]  }
0x31: {  	[smem:$0x3FAD] =	sst s10  }
0x32: {  	s10 =	sld [smem:$0x3FAB];
	_ =	sdelay $0x3  }
0x33: {  	p0 =	seq.s32 s10, $0x1;
	s10 =	sld [smem:$0x3FAD];
	_ =	sdelay $0x3  }
0x34: {  	[smem:$0x3FAD] =	sst s10  }
0x35: {  	s10 =	sld [smem:$0x3FAC];
	_ =	sdelay $0x3  }
0x36: {  	p1 =	seq.s32 s10, $0x1;
	s10 =	sld [smem:$0x3FAD];
	_ =	sdelay $0x3  }
0x37: {  	[smem:$0x3FAD] =	sst s10  }
0x38: {  	s10 =	sld [smem:$0x3FAE]  }
0x39: {  	_ = 	snop;
	(pc) =	sbr.ind lr, $3  }
0x3a: {  	_ = 	snop  }
0x3b: {  	_ = 	snop  }
0x3c: {  	p2 =	seq.s32 s10, $0x1;
	s10 =	sld [smem:$0x3FAD]  }
0x3d: {  	_ =	shalt  }
0x3e: {  	_ =	shalt  }
0x3f: {  	_ =	shalt  }
0x40: {  	_ =	shalt  }
0x41: {  	_ =	shalt  }
0x42: {  	_ =	shalt  }
0x43: {  	_ =	shalt  }
0x44: {  	_ =	shalt  }
0x45: {  	_ =	shalt  }
0x46: {  	_ =	shalt  }
0x47: {  	_ =	shalt  }
0x48: {  	_ =	shalt  }
0x49: {  	_ =	shalt  }
0x4a: {  	_ =	shalt  }
0x4b: {  	_ =	shalt  }
0x4c: {  	_ =	shalt  }
0x4d: {  	_ =	shalt  }
0x4e: {  	_ =	shalt  }
0x4f: {  	_ =	shalt  }
0x50: {  	_ =	shalt  }
0x51: {  	_ =	shalt  }
0x52: {  	_ =	shalt  }
0x53: {  	_ =	shalt  }
0x54: {  	_ =	shalt  }
0x55: {  	_ =	shalt  }
0x56: {  	_ =	shalt  }
0x57: {  	_ =	shalt  }
0x58: {  	_ =	shalt  }
0x59: {  	_ =	shalt  }
0x5a: {  	_ =	shalt  }
0x5b: {  	_ =	shalt  }
0x5c: {  	_ =	shalt  }
0x5d: {  	_ =	shalt  }
0x5e: {  	_ =	shalt  }
0x5f: {  	_ =	shalt  }
0x60: {  	_ =	shalt  }
0x61: {  	_ =	shalt  }
0x62: {  	_ =	shalt  }
0x63: {  	_ =	shalt  }
0x64: {  	_ =	shalt  }
0x65: {  	_ =	shalt  }
0x66: {  	_ =	shalt  }
0x67: {  	_ =	shalt  }
0x68: {  	_ =	shalt  }
0x69: {  	_ =	shalt  }
0x6a: {  	_ =	shalt  }
0x6b: {  	_ =	shalt  }
0x6c: {  	_ =	shalt  }
0x6d: {  	_ =	shalt  }
0x6e: {  	_ =	shalt  }
0x6f: {  	_ =	shalt  }
0x70: {  	_ =	shalt  }
0x71: {  	_ =	shalt  }
0x72: {  	_ =	shalt  }
0x73: {  	_ =	shalt  }
0x74: {  	_ =	shalt  }
0x75: {  	_ =	shalt  }
0x76: {  	_ =	shalt  }
0x77: {  	_ =	shalt  }
0x78: {  	_ =	shalt  }
0x79: {  	_ =	shalt  }
0x7a: {  	_ =	shalt  }
0x7b: {  	_ =	shalt  }
0x7c: {  	_ =	shalt  }
0x7d: {  	_ =	shalt  }
0x7e: {  	_ =	shalt  }
0x7f: {  	_ =	shalt  }
0x80: {  	_ =	shalt  }
0x81: {  	_ =	shalt  }
0x82: {  	_ =	shalt  }
0x83: {  	_ =	shalt  }
0x84: {  	_ =	shalt  }
0x85: {  	_ =	shalt  }
0x86: {  	_ =	shalt  }
0x87: {  	_ =	shalt  }
.Lfunc_end0:
.L_simem_size_0:
called_computation.3_lowered:
.L_overlay_start_0:
0x88: {  	s2 =	sld [smem:$0x3FD9]  }
0x89: {  	s3 =	sld [smem:$0x3FFE];
	_ =	sdelay $0x1  }
0x8a: {  	s1 =	srdreg.scid  }
0x8b: {  	s0 =	sand.u32 $0x1, s1  }
0x8c: {  	s17 =	sshll.u32 s0, $0xA;
	s2 =	sadd.s32 s3, s2  }
0x8d: {  	s2 =	sadd.s32 s2, s17  }
0x8e: {  	[smem:$0x3FB9] =	sst s2  }
0x8f: {  	_ = 	snop  }
0x90: {  	(tm) =	ssettm $0x1  }
0x91: {  	s18 =	sld [smem:$0x3FFB];
	_ =	sdelay $0x3  }
0x92: {  	_ =	strace s18  }
0x93: {  	s2 =	sld [smem:$0x3FFC];
	_ =	sdelay $0x3  }
0x94: {  	_ =	strace s2  }
0x95: {  	s2 =	sld [smem:$0x3FFD];
	_ =	sdelay $0x3  }
0x96: {  	_ =	strace s2  }
0x97: {  	_ =	strace $0x8FFFFFFF  }
0x98: {  	s19 =	sld [smem:$0x3FDB];
	_ =	sdelay $0x1  }
0x99: {  	s20 =	simm.s32 $_scs_section_size  }
0x9a: {  	s4 =	simm.s32 $_size__tile_overlayer_lowered;
	s5 =	simm.s32 $_tile_overlayer_lowered  }
0x9b: {  	s6 =	simm.s32 $0x1BFF;
	s21 =	sshll.u32 s5, $0x1;
	s3 =	sadd.s32 s20, s19  }
0x9c: {  	s22 =	simm.s32 $0x0;
	s4 =	sshll.u32 s4, $0x1;
	s5 =	sadd.s32 s21, s3  }
0x9d: {  	[timem:s22], [sflag:s6] =	dma.local [hbm:s5], s4  }
0x9e: {  	_ =	swait.ge [sflag:s6], s4  }
0x9f: {  	s4 =	ssub.s32 $0x0, s4;
	[sflag:s6] =	ssyncset.done $0x0  }
0xa0: {  	[sflag:s6] =	ssyncadd.s32 s4;
	_ =	sdelay $0x1  }
0xa1: {  	s23 =	simm.s32 $0x1B8B  }
0xa2: {  	_ =	swait.ge [sflag:s23], $0x1  }
0xa3: {  	[sflag:s23] =	ssyncset.done $0x0  }
0xa4: {  	[sflag:s23] =	ssyncadd.s32 $0xFFFFFFFF  }
0xa5: {  	s4 =	sld [smem:$0x0]  }
0xa6: {  	s5 =	sand.u32 $0xFFFFFFFE, s1  }
0xa7: {  	p0 =	sne.s32 s1, s5  }
0xa8: {  	s5 =	sshll.u32 @p0 s5, $0xE  }
0xa9: {  	s5 =	sadd.s32 @p0 $0x11B8D, s5;
	s6 =	sshll.u32 @p0 s4, $0x11  }
0xaa: {  	s5 =	sor.u32 @p0 s6, s5  }
0xab: {  	[sflag:s5] =	ssyncadd.remote.s32 @p0 $0x1;
	_ =	sdelay $0x1  }
0xac: {  	s5 =	simm.s32 @p0 $0x1B8D  }
0xad: {  	_ =	swait.eq @p0 [sflag:s5], $0x1  }
0xae: {  	[sflag:s5] =	ssyncadd.s32 @p0 $0xFFFFFFFF  }
0xaf: {  	s6 =	sshll.u32 @!p0 s1, $0xE  }
0xb0: {  	s6 =	sor.u32 @!p0 $0x4000, s6;
	s5 =	simm.s32 @!p0 $0x1B8D  }
0xb1: {  	s4 =	sshll.u32 @!p0 s4, $0x11;
	s6 =	sadd.s32 @!p0 $0x11B8D, s6;
	_ =	swait.eq @!p0 [sflag:s5], $0x1  }
0xb2: {  	s4 =	sor.u32 @!p0 s4, s6;
	[sflag:s5] =	ssyncadd.s32 @!p0 $0xFFFFFFFF  }
0xb3: {  	s25 =	simm.s32 $0x1B8E;
	s24 =	sld [smem:$0x3FFE];
	[sflag:s4] =	ssyncadd.remote.s32 @!p0 $0x1  }
0xb4: {  	s26 =	simm.s32 $execute0_lowered;
	[smem:$0x3FD2] =	sst s25  }
0xb5: {  	s5 =	sshll.u32 s26, $0x1;
	_ =	strace $0x8000004F;
	[dreg:$0x1] =	wrdreg $0xFFFFFFFF  }
0xb6: {  	s28 =	simm.s32 $_size_execute0_lowered;
	s3 =	sadd.s32 s3, s5;
	[dreg:$0x0] =	wrdreg $0x0  }
0xb7: {  	s5 =	sshll.u32 s28, $0x1;
	[dreg:$0x2] =	wrdreg s3  }
0xb8: {  	[dreg:$0x3] =	wrdreg s5  }
0xb9: {  	[dreg:$0x4] =	wrdreg $0xC0  }
0xba: {  	_ =	task [dreg:s22], $0x5FFFF  }
0xbb: {  	[dreg:$0x1] =	wrdreg $0xFFFFFFFF  }
0xbc: {  	[dreg:$0x0] =	wrdreg $0x60  }
0xbd: {  	[dreg:$0x2] =	wrdreg s24  }
0xbe: {  	[dreg:$0x3] =	wrdreg $0xA  }
0xbf: {  	_ =	task.clear_ibuf [dreg:s22], $0x4FFFF;
	_ =	strace $0x9000004F  }
0xc0: {  	s29 =	simm.s32 $0xA;
	_ =	strace $0x80000051  }
0xc1: {  	_ =	swait.ge [sflag:s29], $0x1  }
0xc2: {  	[sflag:s29] =	ssyncadd.s32 $0xFFFFFFFF  }
0xc3: {  	_ =	strace $0x90000051  }
0xc4: {  	_ =	sfence  }
0xc5: {  	s30 =	sld [smem:$0x0];
	_ =	sdelay $0x2  }
0xc6: {  	s31 =	sshll.u32 s1, $0xD;
	s1 =	sshrl.u32 s1, $0x2  }
0xc7: {  	s4 =	sand.u32 $0x4000, s31;
	s1 =	sadd.s32 s1, s30  }
0xc8: {  	s0 =	sor.u32 s4, s0;
	s1 =	sshll.u32 s1, $0x11  }
0xc9: {  	s0 =	sor.u32 s1, s0  }
0xca: {  	s0 =	sadd.s32 $0x8F2B, s0  }
0xcb: {  	[sflag:s0] =	ssyncadd.remote.s32 $0x1  }
0xcc: {  	_ =	sfence.sel $0xFFFF  }
0xcd: {  	[dreg:$0x0] =	wrdreg $0xFFFFFFFF;
	(pc) =	sbr.abs _section_cstart, $3  }
0xce: {  	[dreg:$0x1] =	wrdreg $0xFFFFFFFF  }
0xcf: {  	_ =	task.clear_ibuf [dreg:s22], $0x2FFFF;
	_ =	strace $0x9FFFFFFF  }
0xd0: {  	(tm) =	ssettm $0x7FFFFFFF  }
0xd1: {  	_ =	shalt  }
tec
execute0_lowered:
.L_overlay_start_1:
0x0: {  	(tag) =	ssettag $0x1  }
0x1: {  	s5 =	rddreg [dreg:$0x0]  }
0x2: {  	s1 =	srdreg.scid;
	s0 =	rddreg [dreg:$0x1];
	s2 =	simm.s32 $0x0  }
0x3: {  	s11 =	simm.s32 $0x80;
	s12 =	simm.s32 $0xC800;
	s13 =	simm.s32 $0x10800  }
0x4: {  	s14 =	simm.s32 $0x1;
	s15 =	simm.s32 $0x2;
	s4 =	sand.u32 $0x1, s1  }
0x5: {  	s16 =	simm.s32 $0x0;
	s1 =	stileid.u32;
	s6 =	smul.u32 $0x3100000, s4  }
0x6: {  	[smem:$0x7FF] =	sst s2;
	s7 =	sshll.u32 s4, $0x4;
	s8 =	smul.u32 $0x310000, s1  }
0x7: {  	s3 =	sadd.s32 $0x1DAC00, s5;
	_ =	strace $0x80000050;
	s7 =	sor.u32 s1, s7  }
0x8: {  	s30 =	ssub.s32 $0x2, s4;
	s7 =	smul.u32 $0xC80, s7;
	s6 =	sadd.s32 s8, s6  }
0x9: {  	s4 =	sadd.s32 $0x117600, s5;
	s9 =	sshrl.u32 s30, $0x1;
	s6 =	sshrl.u32 s6, $0x3  }
0xa: {  	s31 =	ssub.s32 s30, s9;
	s7 =	sadd.s32 s7, s5;
	s10 =	sadd.s32 s6, s5  }
0xb: {  	s9 =	simm.s32 $0x3;
	s5 =	sadd.s32 $0x1D400, s7;
	s7 =	sadd.s32 $0xEF7200, s10  }
0xc: {  	s6 =	smax.u32 s31, $0x1;
	s8 =	sadd.s32 $0x2B7200, s10;
	s10 =	simm.s32 $0x6400  }
.LBB2_1:
0xd: {  	[tilespmem:s2], [sflag:$0x3] =	stream.linear.gather [hbm4b:s5+s2], $0x6200, $0x38;
	[tilespmem:$0x14800] =	vst v63  }
0xe: {  	_ =	swait.ge [sflag:s9], $0x6200  }
0xf: {  	[sflag:s9] =	ssyncset.done $0x0  }
0x10: {  	[sflag:s9] =	ssyncadd.s32 $0xFFFF9E00  }
0x11: {  	[tilespmem:s10], [sflag:$0x3] =	stream.linear.gather [hbm4b:s5+s2], $0x6200, $0x38;
	[tilespmem:$0x14800] =	vst v63  }
0x12: {  	_ =	swait.ge [sflag:s9], $0x6200  }
0x13: {  	[sflag:s9] =	ssyncset.done $0x0  }
0x14: {  	s17 =	simm.s32 $0x0;
	[sflag:s9] =	ssyncadd.s32 $0xFFFF9E00  }
0x15: {  	[tilespmem:s12], [sflag:$0x1] =	stream.indirect.gather [hbm4b:s3+s11], $0x80, s17, s11, $0xb8;
	[tilespmem:$0x14800] =	vst v63  }
0x16: {  	s31 =	simm.s32 $0x6400  }
0x17: {  	[tilespmem:s13], [sflag:$0x2] =	stream.indirect.gather [hbm4b:s4+s11], $0x80, s31, s11, $0xb8;
	[tilespmem:$0x14800] =	vst v63  }
0x18: {  	_ =	swait.ge [sflag:s14], $0x4000  }
0x19: {  	[sflag:s14] =	ssyncset.done $0x0  }
0x1a: {  	[sflag:s14] =	ssyncadd.s32 $0xFFFFC000  }
0x1b: {  	_ =	swait.ge [sflag:s15], $0x4000  }
0x1c: {  	[sflag:s15] =	ssyncset.done $0x0  }
0x1d: {  	[sflag:s15] =	ssyncadd.s32 $0xFFFFC000  }
0x1e: {  	[hbm4b:s8+s2] =	stream.linear.scatter [tilespmem:s12], [sflag:$0x3], $0x4000, $0x38;
	[tilespmem:$0x14800] =	vst v63  }
0x1f: {  	_ =	swait.ge [sflag:s9], $0x4000  }
0x20: {  	[sflag:s9] =	ssyncset.done $0x0  }
0x21: {  	[sflag:s9] =	ssyncadd.s32 $0xFFFFC000  }
0x22: {  	[hbm4b:s7+s2] =	stream.linear.scatter [tilespmem:s13], [sflag:$0x3], $0x4000, $0x38;
	[tilespmem:$0x14800] =	vst v63  }
0x23: {  	s19 =	simm.s32 $0x200;
	s20 =	simm.s32 $0x400;
	_ =	swait.ge [sflag:s9], $0x4000  }
0x24: {  	s18 =	sadd.s32 $0x800, s8;
	s17 =	sadd.s32 $0x800, s7;
	[sflag:s9] =	ssyncset.done $0x0  }
.LBB2_2:
0x25: {  	s21 =	sshra.s32 s19, $0x2  }
0x26: {  	[sflag:s9] =	ssyncadd.s32 $0xFFFFC000;
	s19 =	smov.u32 s20;
	s22 =	sadd.s32 $0x200, s20  }
0x27: {  	[tilespmem:s12], [sflag:$0x1] =	stream.indirect.gather [hbm4b:s3+s11], $0x80, s21, s11, $0xb8;
	[tilespmem:$0x14800] =	vst v63  }
0x28: {  	p0 =	sne.s32 s20, $0x18600;
	s20 =	sadd.s32 $0x6400, s21  }
0x29: {  	[tilespmem:s13], [sflag:$0x2] =	stream.indirect.gather [hbm4b:s4+s11], $0x80, s20, s11, $0xb8;
	[tilespmem:$0x14800] =	vst v63  }
0x2a: {  	_ =	swait.ge [sflag:s14], $0x4000  }
0x2b: {  	[sflag:s14] =	ssyncset.done $0x0  }
0x2c: {  	[sflag:s14] =	ssyncadd.s32 $0xFFFFC000  }
0x2d: {  	_ =	swait.ge [sflag:s15], $0x4000  }
0x2e: {  	[sflag:s15] =	ssyncset.done $0x0  }
0x2f: {  	[sflag:s15] =	ssyncadd.s32 $0xFFFFC000  }
0x30: {  	[hbm4b:s18+s2] =	stream.linear.scatter [tilespmem:s12], [sflag:$0x3], $0x4000, $0x38;
	[tilespmem:$0x14800] =	vst v63  }
0x31: {  	_ =	swait.ge [sflag:s9], $0x4000  }
.Ltmp0:
0x32: {  	[sflag:s9] =	ssyncset.done $0x0;
	(pc) =	sbr.rel @p0 .LBB2_2-.Ltmp0, $4  }
0x33: {  	[sflag:s9] =	ssyncadd.s32 $0xFFFFC000  }
0x34: {  	[hbm4b:s17+s2] =	stream.linear.scatter [tilespmem:s13], [sflag:$0x3], $0x4000, $0x38;
	[tilespmem:$0x14800] =	vst v63  }
0x35: {  	s20 =	smov.u32 s22;
	_ =	swait.ge [sflag:s9], $0x4000  }
0x36: {  	s18 =	sadd.s32 $0x800, s18;
	s17 =	sadd.s32 $0x800, s17;
	[sflag:s9] =	ssyncset.done $0x0  }
0x37: {  	s19 =	sshra.s32 s19, $0x2;
	[sflag:s9] =	ssyncadd.s32 $0xFFFFC000  }
0x38: {  	[tilespmem:s12], [sflag:$0x1] =	stream.indirect.gather [hbm4b:s3+s11], $0x80, s19, s11, $0xb8;
	[tilespmem:$0x14800] =	vst v63  }
0x39: {  	s19 =	sadd.s32 $0x6400, s19  }
0x3a: {  	[tilespmem:s13], [sflag:$0x2] =	stream.indirect.gather [hbm4b:s4+s11], $0x80, s19, s11, $0xb8;
	[tilespmem:$0x14800] =	vst v63  }
0x3b: {  	_ =	swait.ge [sflag:s14], $0x4000  }
0x3c: {  	[sflag:s14] =	ssyncset.done $0x0  }
0x3d: {  	[sflag:s14] =	ssyncadd.s32 $0xFFFFC000  }
0x3e: {  	_ =	swait.ge [sflag:s15], $0x4000  }
0x3f: {  	[sflag:s15] =	ssyncset.done $0x0  }
0x40: {  	[sflag:s15] =	ssyncadd.s32 $0xFFFFC000  }
0x41: {  	[hbm4b:s18+s2] =	stream.linear.scatter [tilespmem:s12], [sflag:$0x3], $0x4000, $0x38;
	[tilespmem:$0x14800] =	vst v63  }
0x42: {  	s16 =	sadd.s32 $0x1, s16;
	_ =	swait.ge [sflag:s9], $0x4000  }
0x43: {  	p0 =	sne.s32 s16, s6;
	[sflag:s9] =	ssyncset.done $0x0  }
.Ltmp1:
0x44: {  	[sflag:s9] =	ssyncadd.s32 $0xFFFFC000;
	(pc) =	sbr.rel @p0 .LBB2_1-.Ltmp1, $4  }
0x45: {  	[hbm4b:s17+s2] =	stream.linear.scatter [tilespmem:s13], [sflag:$0x3], $0x4000, $0x38;
	[tilespmem:$0x14800] =	vst v63  }
0x46: {  	_ =	swait.ge [sflag:s9], $0x4000  }
0x47: {  	[sflag:s9] =	ssyncset.done $0x0  }
0x48: {  	[sflag:s9] =	ssyncadd.s32 $0xFFFFC000  }
0x49: {  	_ =	sfence.sel $0x180000  }
0x4a: {  	[bflag:$0x0] =	sbarrier.arrive $0xFFFF  }
0x4b: {  	p0 =	sne.s32 s1, $0x0;
	_ =	strace $0x90000050  }
0x4c: {  	s0 =	sadd.s32 @!p0 $0x100000, s0;
	[bflag:$0x2] =	sbarrier.arrive $0xFFFF  }
0x4d: {  	[sflag:s0] =	ssyncadd.tile.s32 @!p0 $0x1;
	_ =	shalt  }
.Lfunc_end2:
_tile_overlayer_lowered:
.L_overlay_start_2:
0x4e: {  	(tag) =	ssettag $0x2  }
0x4f: {  	s0 =	rddreg [dreg:$0x0];
	s2 =	stileid.u32  }
0x50: {  	s1 =	rddreg [dreg:$0x1];
	p0 =	sne.s32 s2, $0x0  }
0x51: {  	s3 =	rddreg [dreg:$0x2];
	[bflag:$0x3] =	sbarrier.arrive $0xFFFF;
	s2 =	simm.s32 @!p0 $0x1C03  }
0x52: {  	[timem:s3], [sflag:s2] =	dma.local @!p0 [hbm:s0], s1  }
0x53: {  	s0 =	simm.s32 @!p0 $0x3  }
0x54: {  	_ =	swait.ge @!p0 [sflag:s0], s1  }
0x55: {  	s1 =	ssub.s32 @!p0 $0x0, s1;
	[sflag:s0] =	ssyncset.done @!p0 $0x0  }
0x56: {  	[sflag:s0] =	ssyncadd.s32 @!p0 s1  }
0x57: {  	[bflag:$0x3] =	sbarrier.arrive $0xFFFF  }
0x58: {  	_ =	shalt  }

// kernel: kernel.33.cloned.1.call-start
scs
__scs_entry_jumppad:
0x0: {  	(pc) =	sbr.rel $0x88, $3  }
0x1: {  	(tag) =	ssettag $0x0;
	lr =	simm.s32 $0x1  }
0x2: {  	[smem:$0x3F92] =	sst lr;
	_ =	strace $0xD0000000  }
0x3: {  	_ = 	snop  }
0x4: {  	_ = 	snop  }
0x5: {  	_ = 	snop  }
0x6: {  	_ = 	snop  }
0x7: {  	_ = 	snop  }
__scs_overlays_trampoline_lowered:
0x8: {  	[smem:$0x3FA1] =	sst s0  }
0x9: {  	[smem:$0x3FA2] =	sst s1  }
0xa: {  	[smem:$0x3FA3] =	sst s2  }
0xb: {  	[smem:$0x3FA4] =	sst s3  }
0xc: {  	[smem:$0x3FA5] =	sst s4  }
0xd: {  	[smem:$0x3FA6] =	sst s5  }
0xe: {  	[smem:$0x3FA7] =	sst s6  }
0xf: {  	[smem:$0x3FA8] =	sst s7  }
0x10: {  	[smem:$0x3FA9] =	sst s8  }
0x11: {  	[smem:$0x3FAA] =	sst s9;
	s0 =	simm.s32 @!p0 $0x0  }
0x12: {  	s1 =	sld [smem:$0x3F90];
	s0 =	simm.s32 @p0 $0x1  }
0x13: {  	[smem:$0x3FAB] =	sst s0;
	s0 =	simm.s32 @!p1 $0x0  }
0x14: {  	s2 =	sld [smem:$0x3F8F];
	s0 =	simm.s32 @p1 $0x1  }
0x15: {  	[smem:$0x3FAC] =	sst s0;
	s0 =	simm.s32 @!p2 $0x0  }
0x16: {  	s3 =	sld [smem:$0x3FDB];
	s0 =	simm.s32 @p2 $0x1  }
0x17: {  	s4 =	simm.s32 $0x1BF5;
	[smem:$0x3FAE] =	sst s0  }
0x18: {  	s0 =	sld [smem:$0x3F91];
	_ =	swait.ge [sflag:s4], $0x0  }
0x19: {  	s7 =	sld [smem:$0x3F92]  }
0x1a: {  	s8 =	sadd.s32 $0xFFFFE003, lr  }
0x1b: {  	s9 =	sadd.s32 $0xFFFFFEF7, lr;
	s5 =	simm.s32 $0xFFFFFFFF;
	p2 =	slt.u32 s8, $0xFFFFF086  }
0x1c: {  	p1 =	slt.u32 s9, $0xF7A;
	s5 =	simm.s32 @!p2 $0x0  }
0x1d: {  	s5 =	simm.s32 @p1 $0x1;
	p0 =	seq.s32 s7, s2  }
0x1e: {  	s7 =	smul.u32 @!p0 $0xF7A, s2;
	p2 =	seq.s32 @!p0 s5, $0x0  }
0x1f: {  	s9 =	smul.u32 $0xF7A, s1;
	s8 =	simm.s32 @!p0 $0x1BF5;
	p2 =	por !p2, p0  }
0x20: {  	[sflag:s8] =	ssyncset.s32 @!p0 $0xFFFFF086;
	s6 =	sadd.s32 @!p0 s3, s7;
	s7 =	simm.s32 @!p0 $0x108  }
0x21: {  	s3 =	sadd.s32 s3, s9;
	s6 =	sadd.s32 @!p0 $0x88, s6;
	s7 =	simm.s32 @p2 $0x1082  }
0x22: {  	[simem:s7], [sflag:s8] =	dma.local @!p0 [hbm:s6], $0xF7A  }
0x23: {  	s9 =	sor.u32 $0xD0000000, s2;
	s6 =	simm.s32 $0x108;
	_ =	swait.ge @!p0 [sflag:s8], $0x0  }
0x24: {  	s3 =	sadd.s32 $0x88, s3;
	s6 =	simm.s32 @!p1 $0x1082;
	[sflag:s4] =	ssyncset.s32 $0xFFFFF086  }
0x25: {  	[simem:s6], [sflag:s4] =	dma.local [hbm:s3], $0xF7A  }
0x26: {  	[smem:$0x3F92] =	sst s1;
	(tag) =	ssettag s2;
	_ =	strace s9  }
0x27: {  	s1 =	sld [smem:$0x3FA2]  }
0x28: {  	s2 =	sld [smem:$0x3FA3]  }
0x29: {  	s4 =	sld [smem:$0x3FA5]  }
0x2a: {  	p0 =	seq.s32 s5, $0x0;
	s5 =	sld [smem:$0x3FA6]  }
0x2b: {  	s6 =	sld [smem:$0x3FA7]  }
0x2c: {  	s7 =	sld [smem:$0x3FA8]  }
0x2d: {  	s3 =	simm.s32 $0x108;
	s8 =	sld [smem:$0x3FA9]  }
0x2e: {  	s3 =	simm.s32 @!p0 $0x1082;
	s9 =	sld [smem:$0x3FAA]  }
0x2f: {  	lr =	sadd.s32 s0, s3;
	s0 =	sld [smem:$0x3FA1]  }
0x30: {  	s3 =	sld [smem:$0x3FA4]  }
0x31: {  	[smem:$0x3FAD] =	sst s10  }
0x32: {  	s10 =	sld [smem:$0x3FAB];
	_ =	sdelay $0x3  }
0x33: {  	p0 =	seq.s32 s10, $0x1;
	s10 =	sld [smem:$0x3FAD];
	_ =	sdelay $0x3  }
0x34: {  	[smem:$0x3FAD] =	sst s10  }
0x35: {  	s10 =	sld [smem:$0x3FAC];
	_ =	sdelay $0x3  }
0x36: {  	p1 =	seq.s32 s10, $0x1;
	s10 =	sld [smem:$0x3FAD];
	_ =	sdelay $0x3  }
0x37: {  	[smem:$0x3FAD] =	sst s10  }
0x38: {  	s10 =	sld [smem:$0x3FAE]  }
0x39: {  	_ = 	snop;
	(pc) =	sbr.ind lr, $3  }
0x3a: {  	_ = 	snop  }
0x3b: {  	_ = 	snop  }
0x3c: {  	p2 =	seq.s32 s10, $0x1;
	s10 =	sld [smem:$0x3FAD]  }
0x3d: {  	_ =	shalt  }
0x3e: {  	_ =	shalt  }
0x3f: {  	_ =	shalt  }
0x40: {  	_ =	shalt  }
0x41: {  	_ =	shalt  }
0x42: {  	_ =	shalt  }
0x43: {  	_ =	shalt  }
0x44: {  	_ =	shalt  }
0x45: {  	_ =	shalt  }
0x46: {  	_ =	shalt  }
0x47: {  	_ =	shalt  }
0x48: {  	_ =	shalt  }
0x49: {  	_ =	shalt  }
0x4a: {  	_ =	shalt  }
0x4b: {  	_ =	shalt  }
0x4c: {  	_ =	shalt  }
0x4d: {  	_ =	shalt  }
0x4e: {  	_ =	shalt  }
0x4f: {  	_ =	shalt  }
0x50: {  	_ =	shalt  }
0x51: {  	_ =	shalt  }
0x52: {  	_ =	shalt  }
0x53: {  	_ =	shalt  }
0x54: {  	_ =	shalt  }
0x55: {  	_ =	shalt  }
0x56: {  	_ =	shalt  }
0x57: {  	_ =	shalt  }
0x58: {  	_ =	shalt  }
0x59: {  	_ =	shalt  }
0x5a: {  	_ =	shalt  }
0x5b: {  	_ =	shalt  }
0x5c: {  	_ =	shalt  }
0x5d: {  	_ =	shalt  }
0x5e: {  	_ =	shalt  }
0x5f: {  	_ =	shalt  }
0x60: {  	_ =	shalt  }
0x61: {  	_ =	shalt  }
0x62: {  	_ =	shalt  }
0x63: {  	_ =	shalt  }
0x64: {  	_ =	shalt  }
0x65: {  	_ =	shalt  }
0x66: {  	_ =	shalt  }
0x67: {  	_ =	shalt  }
0x68: {  	_ =	shalt  }
0x69: {  	_ =	shalt  }
0x6a: {  	_ =	shalt  }
0x6b: {  	_ =	shalt  }
0x6c: {  	_ =	shalt  }
0x6d: {  	_ =	shalt  }
0x6e: {  	_ =	shalt  }
0x6f: {  	_ =	shalt  }
0x70: {  	_ =	shalt  }
0x71: {  	_ =	shalt  }
0x72: {  	_ =	shalt  }
0x73: {  	_ =	shalt  }
0x74: {  	_ =	shalt  }
0x75: {  	_ =	shalt  }
0x76: {  	_ =	shalt  }
0x77: {  	_ =	shalt  }
0x78: {  	_ =	shalt  }
0x79: {  	_ =	shalt  }
0x7a: {  	_ =	shalt  }
0x7b: {  	_ =	shalt  }
0x7c: {  	_ =	shalt  }
0x7d: {  	_ =	shalt  }
0x7e: {  	_ =	shalt  }
0x7f: {  	_ =	shalt  }
0x80: {  	_ =	shalt  }
0x81: {  	_ =	shalt  }
0x82: {  	_ =	shalt  }
0x83: {  	_ =	shalt  }
0x84: {  	_ =	shalt  }
0x85: {  	_ =	shalt  }
0x86: {  	_ =	shalt  }
0x87: {  	_ =	shalt  }
.Lfunc_end0:
.L_simem_size_0:
called_computation.4_lowered:
.L_overlay_start_0:
0x88: {  	s2 =	sld [smem:$0x3FD9]  }
0x89: {  	s3 =	sld [smem:$0x3FFE];
	_ =	sdelay $0x1  }
0x8a: {  	s1 =	srdreg.scid  }
0x8b: {  	s0 =	sand.u32 $0x1, s1  }
0x8c: {  	s17 =	sshll.u32 s0, $0xA;
	s2 =	sadd.s32 s3, s2  }
0x8d: {  	s2 =	sadd.s32 s2, s17  }
0x8e: {  	[smem:$0x3FB9] =	sst s2  }
0x8f: {  	_ = 	snop  }
0x90: {  	(tm) =	ssettm $0x1  }
0x91: {  	s18 =	sld [smem:$0x3FFB];
	_ =	sdelay $0x3  }
0x92: {  	_ =	strace s18  }
0x93: {  	s2 =	sld [smem:$0x3FFC];
	_ =	sdelay $0x3  }
0x94: {  	_ =	strace s2  }
0x95: {  	s2 =	sld [smem:$0x3FFD];
	_ =	sdelay $0x3  }
0x96: {  	_ =	strace s2  }
0x97: {  	_ =	strace $0x8FFFFFFF  }
0x98: {  	s19 =	sld [smem:$0x3FDB];
	_ =	sdelay $0x1  }
0x99: {  	s20 =	simm.s32 $_scs_section_size  }
0x9a: {  	s4 =	simm.s32 $_size__tile_overlayer_lowered;
	s5 =	simm.s32 $_tile_overlayer_lowered  }
0x9b: {  	s6 =	simm.s32 $0x1BFF;
	s21 =	sshll.u32 s5, $0x1;
	s3 =	sadd.s32 s20, s19  }
0x9c: {  	s22 =	simm.s32 $0x0;
	s4 =	sshll.u32 s4, $0x1;
	s5 =	sadd.s32 s21, s3  }
0x9d: {  	[timem:s22], [sflag:s6] =	dma.local [hbm:s5], s4  }
0x9e: {  	_ =	swait.ge [sflag:s6], s4  }
0x9f: {  	s4 =	ssub.s32 $0x0, s4;
	[sflag:s6] =	ssyncset.done $0x0  }
0xa0: {  	[sflag:s6] =	ssyncadd.s32 s4;
	_ =	sdelay $0x1  }
0xa1: {  	s23 =	simm.s32 $0x1B8B  }
0xa2: {  	_ =	swait.ge [sflag:s23], $0x1  }
0xa3: {  	[sflag:s23] =	ssyncset.done $0x0  }
0xa4: {  	[sflag:s23] =	ssyncadd.s32 $0xFFFFFFFF  }
0xa5: {  	s4 =	sld [smem:$0x0]  }
0xa6: {  	s5 =	sand.u32 $0xFFFFFFFE, s1  }
0xa7: {  	p0 =	sne.s32 s1, s5  }
0xa8: {  	s5 =	sshll.u32 @p0 s5, $0xE  }
0xa9: {  	s5 =	sadd.s32 @p0 $0x11B8D, s5;
	s6 =	sshll.u32 @p0 s4, $0x11  }
0xaa: {  	s5 =	sor.u32 @p0 s6, s5  }
0xab: {  	[sflag:s5] =	ssyncadd.remote.s32 @p0 $0x1;
	_ =	sdelay $0x1  }
0xac: {  	s5 =	simm.s32 @p0 $0x1B8D  }
0xad: {  	_ =	swait.eq @p0 [sflag:s5], $0x1  }
0xae: {  	[sflag:s5] =	ssyncadd.s32 @p0 $0xFFFFFFFF  }
0xaf: {  	s6 =	sshll.u32 @!p0 s1, $0xE  }
0xb0: {  	s6 =	sor.u32 @!p0 $0x4000, s6;
	s5 =	simm.s32 @!p0 $0x1B8D  }
0xb1: {  	s4 =	sshll.u32 @!p0 s4, $0x11;
	s6 =	sadd.s32 @!p0 $0x11B8D, s6;
	_ =	swait.eq @!p0 [sflag:s5], $0x1  }
0xb2: {  	s4 =	sor.u32 @!p0 s4, s6;
	[sflag:s5] =	ssyncadd.s32 @!p0 $0xFFFFFFFF  }
0xb3: {  	s25 =	simm.s32 $0x1B8E;
	s24 =	sld [smem:$0x3FFE];
	[sflag:s4] =	ssyncadd.remote.s32 @!p0 $0x1  }
0xb4: {  	s26 =	simm.s32 $execute0_lowered;
	[smem:$0x3FD2] =	sst s25  }
0xb5: {  	s5 =	sshll.u32 s26, $0x1;
	_ =	strace $0x80000052;
	[dreg:$0x1] =	wrdreg $0xFFFFFFFF  }
0xb6: {  	s28 =	simm.s32 $_size_execute0_lowered;
	s3 =	sadd.s32 s3, s5;
	[dreg:$0x0] =	wrdreg $0x0  }
0xb7: {  	s5 =	sshll.u32 s28, $0x1;
	[dreg:$0x2] =	wrdreg s3  }
0xb8: {  	[dreg:$0x3] =	wrdreg s5  }
0xb9: {  	[dreg:$0x4] =	wrdreg $0xC0  }
0xba: {  	_ =	task [dreg:s22], $0x5FFFF  }
0xbb: {  	[dreg:$0x1] =	wrdreg $0xFFFFFFFF  }
0xbc: {  	[dreg:$0x0] =	wrdreg $0x60  }
0xbd: {  	[dreg:$0x2] =	wrdreg s24  }
0xbe: {  	[dreg:$0x3] =	wrdreg $0xB  }
0xbf: {  	_ =	task.clear_ibuf [dreg:s22], $0x4FFFF;
	_ =	strace $0x90000052  }
0xc0: {  	s29 =	simm.s32 $0xB;
	_ =	strace $0x80000054  }
0xc1: {  	_ =	swait.ge [sflag:s29], $0x1  }
0xc2: {  	[sflag:s29] =	ssyncadd.s32 $0xFFFFFFFF  }
0xc3: {  	_ =	strace $0x90000054  }
0xc4: {  	_ =	sfence  }
0xc5: {  	s30 =	sld [smem:$0x0];
	_ =	sdelay $0x2  }
0xc6: {  	s31 =	sshll.u32 s1, $0xD;
	s1 =	sshrl.u32 s1, $0x2  }
0xc7: {  	s4 =	sand.u32 $0x4000, s31;
	s1 =	sadd.s32 s1, s30  }
0xc8: {  	s0 =	sor.u32 s4, s0;
	s1 =	sshll.u32 s1, $0x11  }
0xc9: {  	s0 =	sor.u32 s1, s0  }
0xca: {  	s0 =	sadd.s32 $0x8F2B, s0  }
0xcb: {  	[sflag:s0] =	ssyncadd.remote.s32 $0x1  }
0xcc: {  	_ =	sfence.sel $0xFFFF  }
0xcd: {  	[dreg:$0x0] =	wrdreg $0xFFFFFFFF;
	(pc) =	sbr.abs _section_cstart, $3  }
0xce: {  	[dreg:$0x1] =	wrdreg $0xFFFFFFFF  }
0xcf: {  	_ =	task.clear_ibuf [dreg:s22], $0x2FFFF;
	_ =	strace $0x9FFFFFFF  }
0xd0: {  	(tm) =	ssettm $0x7FFFFFFF  }
0xd1: {  	_ =	shalt  }
tec
execute0_lowered:
.L_overlay_start_1:
0x0: {  	(tag) =	ssettag $0x1  }
0x1: {  	s0 =	srdreg.scid  }
0x2: {  	s5 =	rddreg [dreg:$0x0];
	s2 =	simm.s32 $0x0;
	s10 =	simm.s32 $0x6400  }
0x3: {  	s11 =	simm.s32 $0xA400;
	s12 =	simm.s32 $0x1;
	s13 =	simm.s32 $0x2  }
0x4: {  	s14 =	simm.s32 $0x0;
	s4 =	sand.u32 $0x1, s0;
	s0 =	stileid.u32  }
0x5: {  	[smem:$0x7FF] =	sst s2;
	s9 =	sadd.s32 $0x1BFA800, s5;
	s7 =	smul.u32 $0x3100000, s4  }
0x6: {  	s1 =	sshll.u32 s4, $0x4;
	s8 =	smul.u32 $0x310000, s0;
	s4 =	ssub.s32 $0x2, s4  }
0x7: {  	s3 =	sor.u32 s0, s1;
	s1 =	rddreg [dreg:$0x1];
	_ =	strace $0x80000053  }
0x8: {  	s29 =	sshrl.u32 s4, $0x1;
	s6 =	smul.u32 $0xC80, s3;
	s7 =	sadd.s32 s8, s7  }
0x9: {  	s3 =	sadd.s32 $0x1B37200, s5;
	s8 =	simm.s32 $0x3;
	s30 =	sor.u32 $0x4000, s7  }
0xa: {  	s7 =	sshrl.u32 s7, $0x3;
	s6 =	sadd.s32 s6, s5;
	s5 =	ssub.s32 s4, s29  }
0xb: {  	s31 =	sshrl.u32 s30, $0x3;
	s4 =	sadd.s32 $0x29E200, s6;
	s5 =	smax.u32 s5, $0x1  }
0xc: {  	s6 =	sadd.s32 s7, s9;
	s7 =	sadd.s32 s31, s9;
	s9 =	simm.s32 $0x80  }
.LBB2_1:
0xd: {  	[tilespmem:s2], [sflag:$0x3] =	stream.linear.gather [hbm4b:s4+s2], $0x6200, $0x38;
	[tilespmem:$0xE400] =	vst v63  }
0xe: {  	_ =	swait.ge [sflag:s8], $0x6200  }
0xf: {  	[sflag:s8] =	ssyncset.done $0x0  }
0x10: {  	[sflag:s8] =	ssyncadd.s32 $0xFFFF9E00  }
0x11: {  	[tilespmem:s10], [sflag:$0x1] =	stream.indirect.gather [hbm4b:s3+s9], $0x80, s2, s9, $0xb8;
	[tilespmem:$0xE400] =	vst v63  }
0x12: {  	s15 =	simm.s32 $0x80  }
0x13: {  	[tilespmem:s11], [sflag:$0x2] =	stream.indirect.gather [hbm4b:s3+s9], $0x80, s15, s9, $0xb8;
	[tilespmem:$0xE400] =	vst v63  }
0x14: {  	_ =	swait.ge [sflag:s12], $0x4000  }
0x15: {  	[sflag:s12] =	ssyncset.done $0x0  }
0x16: {  	s30 =	sadd.s32 $0x0, s6;
	[sflag:s12] =	ssyncadd.s32 $0xFFFFC000  }
0x17: {  	[hbm4b:s30+s2] =	stream.linear.scatter [tilespmem:s10], [sflag:$0x3], $0x4000, $0x38;
	[tilespmem:$0xE400] =	vst v63  }
0x18: {  	_ =	swait.ge [sflag:s8], $0x4000  }
0x19: {  	[sflag:s8] =	ssyncset.done $0x0  }
0x1a: {  	[sflag:s8] =	ssyncadd.s32 $0xFFFFC000  }
0x1b: {  	_ =	swait.ge [sflag:s13], $0x4000  }
0x1c: {  	[sflag:s13] =	ssyncset.done $0x0  }
0x1d: {  	s31 =	sadd.s32 $0x0, s7;
	[sflag:s13] =	ssyncadd.s32 $0xFFFFC000  }
0x1e: {  	[hbm4b:s31+s2] =	stream.linear.scatter [tilespmem:s11], [sflag:$0x3], $0x4000, $0x38;
	[tilespmem:$0xE400] =	vst v63  }
0x1f: {  	_ =	swait.ge [sflag:s8], $0x4000  }
0x20: {  	s16 =	simm.s32 $0x0;
	s15 =	simm.s32 $0x1000;
	[sflag:s8] =	ssyncset.done $0x0  }
.LBB2_2:
0x21: {  	p0 =	sne.s32 s15, $0x61000;
	[sflag:s8] =	ssyncadd.s32 $0xFFFFC000;
	s16 =	sadd.s32 $0x100, s16  }
0x22: {  	[tilespmem:s10], [sflag:$0x1] =	stream.indirect.gather [hbm4b:s3+s9], $0x80, s16, s9, $0xb8;
	[tilespmem:$0xE400] =	vst v63  }
0x23: {  	s18 =	smov.u32 s15;
	s15 =	sadd.s32 $0x1000, s15;
	s17 =	sadd.s32 $0x80, s16  }
0x24: {  	[tilespmem:s11], [sflag:$0x2] =	stream.indirect.gather [hbm4b:s3+s9], $0x80, s17, s9, $0xb8;
	[tilespmem:$0xE400] =	vst v63  }
0x25: {  	_ =	swait.ge [sflag:s12], $0x4000  }
0x26: {  	[sflag:s12] =	ssyncset.done $0x0  }
0x27: {  	s17 =	sadd.s32 s18, s6;
	[sflag:s12] =	ssyncadd.s32 $0xFFFFC000  }
0x28: {  	[hbm4b:s17+s2] =	stream.linear.scatter [tilespmem:s10], [sflag:$0x3], $0x4000, $0x38;
	[tilespmem:$0xE400] =	vst v63  }
0x29: {  	_ =	swait.ge [sflag:s8], $0x4000  }
0x2a: {  	[sflag:s8] =	ssyncset.done $0x0  }
0x2b: {  	[sflag:s8] =	ssyncadd.s32 $0xFFFFC000  }
0x2c: {  	_ =	swait.ge [sflag:s13], $0x4000  }
.Ltmp0:
0x2d: {  	[sflag:s13] =	ssyncset.done $0x0;
	(pc) =	sbr.rel @p0 .LBB2_2-.Ltmp0, $4  }
0x2e: {  	s17 =	sadd.s32 s18, s7;
	[sflag:s13] =	ssyncadd.s32 $0xFFFFC000  }
0x2f: {  	[hbm4b:s17+s2] =	stream.linear.scatter [tilespmem:s11], [sflag:$0x3], $0x4000, $0x38;
	[tilespmem:$0xE400] =	vst v63  }
0x30: {  	_ =	swait.ge [sflag:s8], $0x4000  }
0x31: {  	[sflag:s8] =	ssyncset.done $0x0  }
0x32: {  	s14 =	sadd.s32 $0x1, s14  }
0x33: {  	p0 =	sne.s32 s14, s5  }
.Ltmp1:
0x34: {  	_ = 	snop;
	(pc) =	sbr.rel @p0 .LBB2_1-.Ltmp1, $2  }
0x35: {  	_ =	sdelay $0x2  }
0x36: {  	[sflag:s8] =	ssyncadd.s32 $0xFFFFC000  }
0x37: {  	_ =	sfence.sel $0x180000  }
0x38: {  	[bflag:$0x0] =	sbarrier.arrive $0xFFFF  }
0x39: {  	p0 =	sne.s32 s0, $0x0;
	_ =	strace $0x90000053  }
0x3a: {  	s0 =	sadd.s32 @!p0 $0x100000, s1;
	[bflag:$0x2] =	sbarrier.arrive $0xFFFF  }
0x3b: {  	[sflag:s0] =	ssyncadd.tile.s32 @!p0 $0x1;
	_ =	shalt  }
.Lfunc_end2:
_tile_overlayer_lowered:
.L_overlay_start_2:
0x3c: {  	(tag) =	ssettag $0x2  }
0x3d: {  	s0 =	rddreg [dreg:$0x0];
	s2 =	stileid.u32  }
0x3e: {  	s1 =	rddreg [dreg:$0x1];
	p0 =	sne.s32 s2, $0x0  }
0x3f: {  	s3 =	rddreg [dreg:$0x2];
	[bflag:$0x3] =	sbarrier.arrive $0xFFFF;
	s2 =	simm.s32 @!p0 $0x1C03  }
0x40: {  	[timem:s3], [sflag:s2] =	dma.local @!p0 [hbm:s0], s1  }
0x41: {  	s0 =	simm.s32 @!p0 $0x3  }
0x42: {  	_ =	swait.ge @!p0 [sflag:s0], s1  }
0x43: {  	s1 =	ssub.s32 @!p0 $0x0, s1;
	[sflag:s0] =	ssyncset.done @!p0 $0x0  }
0x44: {  	[sflag:s0] =	ssyncadd.s32 @!p0 s1  }
0x45: {  	[bflag:$0x3] =	sbarrier.arrive $0xFFFF  }
0x46: {  	_ =	shalt  }

// kernel: kernel.36.cloned.1.call-start
scs
__scs_entry_jumppad:
0x0: {  	(pc) =	sbr.rel $0x88, $3  }
0x1: {  	(tag) =	ssettag $0x0;
	lr =	simm.s32 $0x1  }
0x2: {  	[smem:$0x3F92] =	sst lr;
	_ =	strace $0xD0000000  }
0x3: {  	_ = 	snop  }
0x4: {  	_ = 	snop  }
0x5: {  	_ = 	snop  }
0x6: {  	_ = 	snop  }
0x7: {  	_ = 	snop  }
__scs_overlays_trampoline_lowered:
0x8: {  	[smem:$0x3FA1] =	sst s0  }
0x9: {  	[smem:$0x3FA2] =	sst s1  }
0xa: {  	[smem:$0x3FA3] =	sst s2  }
0xb: {  	[smem:$0x3FA4] =	sst s3  }
0xc: {  	[smem:$0x3FA5] =	sst s4  }
0xd: {  	[smem:$0x3FA6] =	sst s5  }
0xe: {  	[smem:$0x3FA7] =	sst s6  }
0xf: {  	[smem:$0x3FA8] =	sst s7  }
0x10: {  	[smem:$0x3FA9] =	sst s8  }
0x11: {  	[smem:$0x3FAA] =	sst s9;
	s0 =	simm.s32 @!p0 $0x0  }
0x12: {  	s1 =	sld [smem:$0x3F90];
	s0 =	simm.s32 @p0 $0x1  }
0x13: {  	[smem:$0x3FAB] =	sst s0;
	s0 =	simm.s32 @!p1 $0x0  }
0x14: {  	s2 =	sld [smem:$0x3F8F];
	s0 =	simm.s32 @p1 $0x1  }
0x15: {  	[smem:$0x3FAC] =	sst s0;
	s0 =	simm.s32 @!p2 $0x0  }
0x16: {  	s3 =	sld [smem:$0x3FDB];
	s0 =	simm.s32 @p2 $0x1  }
0x17: {  	s4 =	simm.s32 $0x1BF5;
	[smem:$0x3FAE] =	sst s0  }
0x18: {  	s0 =	sld [smem:$0x3F91];
	_ =	swait.ge [sflag:s4], $0x0  }
0x19: {  	s7 =	sld [smem:$0x3F92]  }
0x1a: {  	s8 =	sadd.s32 $0xFFFFE003, lr  }
0x1b: {  	s9 =	sadd.s32 $0xFFFFFEF7, lr;
	s5 =	simm.s32 $0xFFFFFFFF;
	p2 =	slt.u32 s8, $0xFFFFF086  }
0x1c: {  	p1 =	slt.u32 s9, $0xF7A;
	s5 =	simm.s32 @!p2 $0x0  }
0x1d: {  	s5 =	simm.s32 @p1 $0x1;
	p0 =	seq.s32 s7, s2  }
0x1e: {  	s7 =	smul.u32 @!p0 $0xF7A, s2;
	p2 =	seq.s32 @!p0 s5, $0x0  }
0x1f: {  	s9 =	smul.u32 $0xF7A, s1;
	s8 =	simm.s32 @!p0 $0x1BF5;
	p2 =	por !p2, p0  }
0x20: {  	[sflag:s8] =	ssyncset.s32 @!p0 $0xFFFFF086;
	s6 =	sadd.s32 @!p0 s3, s7;
	s7 =	simm.s32 @!p0 $0x108  }
0x21: {  	s3 =	sadd.s32 s3, s9;
	s6 =	sadd.s32 @!p0 $0x88, s6;
	s7 =	simm.s32 @p2 $0x1082  }
0x22: {  	[simem:s7], [sflag:s8] =	dma.local @!p0 [hbm:s6], $0xF7A  }
0x23: {  	s9 =	sor.u32 $0xD0000000, s2;
	s6 =	simm.s32 $0x108;
	_ =	swait.ge @!p0 [sflag:s8], $0x0  }
0x24: {  	s3 =	sadd.s32 $0x88, s3;
	s6 =	simm.s32 @!p1 $0x1082;
	[sflag:s4] =	ssyncset.s32 $0xFFFFF086  }
0x25: {  	[simem:s6], [sflag:s4] =	dma.local [hbm:s3], $0xF7A  }
0x26: {  	[smem:$0x3F92] =	sst s1;
	(tag) =	ssettag s2;
	_ =	strace s9  }
0x27: {  	s1 =	sld [smem:$0x3FA2]  }
0x28: {  	s2 =	sld [smem:$0x3FA3]  }
0x29: {  	s4 =	sld [smem:$0x3FA5]  }
0x2a: {  	p0 =	seq.s32 s5, $0x0;
	s5 =	sld [smem:$0x3FA6]  }
0x2b: {  	s6 =	sld [smem:$0x3FA7]  }
0x2c: {  	s7 =	sld [smem:$0x3FA8]  }
0x2d: {  	s3 =	simm.s32 $0x108;
	s8 =	sld [smem:$0x3FA9]  }
0x2e: {  	s3 =	simm.s32 @!p0 $0x1082;
	s9 =	sld [smem:$0x3FAA]  }
0x2f: {  	lr =	sadd.s32 s0, s3;
	s0 =	sld [smem:$0x3FA1]  }
0x30: {  	s3 =	sld [smem:$0x3FA4]  }
0x31: {  	[smem:$0x3FAD] =	sst s10  }
0x32: {  	s10 =	sld [smem:$0x3FAB];
	_ =	sdelay $0x3  }
0x33: {  	p0 =	seq.s32 s10, $0x1;
	s10 =	sld [smem:$0x3FAD];
	_ =	sdelay $0x3  }
0x34: {  	[smem:$0x3FAD] =	sst s10  }
0x35: {  	s10 =	sld [smem:$0x3FAC];
	_ =	sdelay $0x3  }
0x36: {  	p1 =	seq.s32 s10, $0x1;
	s10 =	sld [smem:$0x3FAD];
	_ =	sdelay $0x3  }
0x37: {  	[smem:$0x3FAD] =	sst s10  }
0x38: {  	s10 =	sld [smem:$0x3FAE]  }
0x39: {  	_ = 	snop;
	(pc) =	sbr.ind lr, $3  }
0x3a: {  	_ = 	snop  }
0x3b: {  	_ = 	snop  }
0x3c: {  	p2 =	seq.s32 s10, $0x1;
	s10 =	sld [smem:$0x3FAD]  }
0x3d: {  	_ =	shalt  }
0x3e: {  	_ =	shalt  }
0x3f: {  	_ =	shalt  }
0x40: {  	_ =	shalt  }
0x41: {  	_ =	shalt  }
0x42: {  	_ =	shalt  }
0x43: {  	_ =	shalt  }
0x44: {  	_ =	shalt  }
0x45: {  	_ =	shalt  }
0x46: {  	_ =	shalt  }
0x47: {  	_ =	shalt  }
0x48: {  	_ =	shalt  }
0x49: {  	_ =	shalt  }
0x4a: {  	_ =	shalt  }
0x4b: {  	_ =	shalt  }
0x4c: {  	_ =	shalt  }
0x4d: {  	_ =	shalt  }
0x4e: {  	_ =	shalt  }
0x4f: {  	_ =	shalt  }
0x50: {  	_ =	shalt  }
0x51: {  	_ =	shalt  }
0x52: {  	_ =	shalt  }
0x53: {  	_ =	shalt  }
0x54: {  	_ =	shalt  }
0x55: {  	_ =	shalt  }
0x56: {  	_ =	shalt  }
0x57: {  	_ =	shalt  }
0x58: {  	_ =	shalt  }
0x59: {  	_ =	shalt  }
0x5a: {  	_ =	shalt  }
0x5b: {  	_ =	shalt  }
0x5c: {  	_ =	shalt  }
0x5d: {  	_ =	shalt  }
0x5e: {  	_ =	shalt  }
0x5f: {  	_ =	shalt  }
0x60: {  	_ =	shalt  }
0x61: {  	_ =	shalt  }
0x62: {  	_ =	shalt  }
0x63: {  	_ =	shalt  }
0x64: {  	_ =	shalt  }
0x65: {  	_ =	shalt  }
0x66: {  	_ =	shalt  }
0x67: {  	_ =	shalt  }
0x68: {  	_ =	shalt  }
0x69: {  	_ =	shalt  }
0x6a: {  	_ =	shalt  }
0x6b: {  	_ =	shalt  }
0x6c: {  	_ =	shalt  }
0x6d: {  	_ =	shalt  }
0x6e: {  	_ =	shalt  }
0x6f: {  	_ =	shalt  }
0x70: {  	_ =	shalt  }
0x71: {  	_ =	shalt  }
0x72: {  	_ =	shalt  }
0x73: {  	_ =	shalt  }
0x74: {  	_ =	shalt  }
0x75: {  	_ =	shalt  }
0x76: {  	_ =	shalt  }
0x77: {  	_ =	shalt  }
0x78: {  	_ =	shalt  }
0x79: {  	_ =	shalt  }
0x7a: {  	_ =	shalt  }
0x7b: {  	_ =	shalt  }
0x7c: {  	_ =	shalt  }
0x7d: {  	_ =	shalt  }
0x7e: {  	_ =	shalt  }
0x7f: {  	_ =	shalt  }
0x80: {  	_ =	shalt  }
0x81: {  	_ =	shalt  }
0x82: {  	_ =	shalt  }
0x83: {  	_ =	shalt  }
0x84: {  	_ =	shalt  }
0x85: {  	_ =	shalt  }
0x86: {  	_ =	shalt  }
0x87: {  	_ =	shalt  }
.Lfunc_end0:
.L_simem_size_0:
called_computation.5_lowered:
.L_overlay_start_0:
0x88: {  	s2 =	sld [smem:$0x3FD9]  }
0x89: {  	s3 =	sld [smem:$0x3FFE];
	_ =	sdelay $0x1  }
0x8a: {  	s1 =	srdreg.scid  }
0x8b: {  	s0 =	sand.u32 $0x1, s1  }
0x8c: {  	s16 =	sshll.u32 s0, $0xA;
	s2 =	sadd.s32 s3, s2  }
0x8d: {  	s2 =	sadd.s32 s2, s16  }
0x8e: {  	[smem:$0x3FB9] =	sst s2  }
0x8f: {  	_ = 	snop  }
0x90: {  	(tm) =	ssettm $0x1  }
0x91: {  	s17 =	sld [smem:$0x3FFB];
	_ =	sdelay $0x3  }
0x92: {  	_ =	strace s17  }
0x93: {  	s2 =	sld [smem:$0x3FFC];
	_ =	sdelay $0x3  }
0x94: {  	_ =	strace s2  }
0x95: {  	s2 =	sld [smem:$0x3FFD];
	_ =	sdelay $0x3  }
0x96: {  	_ =	strace s2  }
0x97: {  	_ =	strace $0x8FFFFFFF  }
0x98: {  	s18 =	sld [smem:$0x3FDB];
	_ =	sdelay $0x1  }
0x99: {  	s19 =	simm.s32 $_scs_section_size  }
0x9a: {  	s4 =	simm.s32 $_size__tile_overlayer_lowered;
	s5 =	simm.s32 $_tile_overlayer_lowered  }
0x9b: {  	s22 =	simm.s32 $0x1BFF;
	s21 =	sshll.u32 s5, $0x1;
	s2 =	sadd.s32 s19, s18  }
0x9c: {  	s6 =	simm.s32 $0x0;
	s20 =	sshll.u32 s4, $0x1;
	s4 =	sadd.s32 s21, s2  }
0x9d: {  	[timem:s6], [sflag:s22] =	dma.local [hbm:s4], s20  }
0x9e: {  	_ =	swait.ge [sflag:s22], s20  }
0x9f: {  	s3 =	ssub.s32 $0x0, s20;
	[sflag:s22] =	ssyncset.done $0x0  }
0xa0: {  	[sflag:s22] =	ssyncadd.s32 s3;
	_ =	sdelay $0x1  }
0xa1: {  	s23 =	simm.s32 $0x1B8B  }
0xa2: {  	_ =	swait.ge [sflag:s23], $0x1  }
0xa3: {  	[sflag:s23] =	ssyncset.done $0x0  }
0xa4: {  	s25 =	simm.s32 $0x1B8E;
	s24 =	sld [smem:$0x3FFE];
	[sflag:s23] =	ssyncadd.s32 $0xFFFFFFFF  }
0xa5: {  	s26 =	simm.s32 $execute0_lowered;
	[smem:$0x3FD2] =	sst s25  }
0xa6: {  	s4 =	sshll.u32 s26, $0x1;
	_ =	strace $0x80000055;
	[dreg:$0x1] =	wrdreg $0xFFFFFFFF  }
0xa7: {  	s28 =	simm.s32 $_size_execute0_lowered;
	s2 =	sadd.s32 s2, s4;
	[dreg:$0x0] =	wrdreg $0x0  }
0xa8: {  	s4 =	sshll.u32 s28, $0x1;
	[dreg:$0x2] =	wrdreg s2  }
0xa9: {  	[dreg:$0x3] =	wrdreg s4  }
0xaa: {  	[dreg:$0x4] =	wrdreg $0xC0  }
0xab: {  	_ =	task [dreg:s6], $0x5FFFF  }
0xac: {  	[dreg:$0x1] =	wrdreg $0xFFFFFFFF  }
0xad: {  	[dreg:$0x0] =	wrdreg $0x60  }
0xae: {  	[dreg:$0x2] =	wrdreg s24  }
0xaf: {  	[dreg:$0x3] =	wrdreg $0x9  }
0xb0: {  	_ =	task.clear_ibuf [dreg:s6], $0x4FFFF;
	_ =	strace $0x90000055  }
0xb1: {  	s29 =	simm.s32 $0x9;
	_ =	strace $0x80000057  }
0xb2: {  	_ =	swait.ge [sflag:s29], $0x1  }
0xb3: {  	[sflag:s29] =	ssyncadd.s32 $0xFFFFFFFF  }
0xb4: {  	_ =	strace $0x90000057  }
0xb5: {  	_ =	sfence  }
0xb6: {  	s30 =	sld [smem:$0x0];
	_ =	sdelay $0x2  }
0xb7: {  	s31 =	sshll.u32 s1, $0xD;
	s1 =	sshrl.u32 s1, $0x2  }
0xb8: {  	s3 =	sand.u32 $0x4000, s31;
	s1 =	sadd.s32 s1, s30  }
0xb9: {  	s0 =	sor.u32 s3, s0;
	s1 =	sshll.u32 s1, $0x11  }
0xba: {  	s0 =	sor.u32 s1, s0  }
0xbb: {  	s0 =	sadd.s32 $0x8F2B, s0  }
0xbc: {  	[sflag:s0] =	ssyncadd.remote.s32 $0x1  }
0xbd: {  	_ =	sfence.sel $0xFFFF  }
0xbe: {  	[dreg:$0x0] =	wrdreg $0xFFFFFFFF;
	(pc) =	sbr.abs _section_cstart, $3  }
0xbf: {  	[dreg:$0x1] =	wrdreg $0xFFFFFFFF  }
0xc0: {  	_ =	task.clear_ibuf [dreg:s6], $0x2FFFF;
	_ =	strace $0x9FFFFFFF  }
0xc1: {  	(tm) =	ssettm $0x7FFFFFFF  }
tec
execute0_lowered:
.L_overlay_start_1:
0x0: {  	(tag) =	ssettag $0x1  }
0x1: {  	s0 =	srdreg.scid  }
0x2: {  	s2 =	stileid.u32;
	s3 =	rddreg [dreg:$0x0]  }
0x3: {  	s10 =	simm.s32 $0x80;
	s9 =	simm.s32 $0x800;
	s6 =	simm.s32 $0x4800  }
0x4: {  	s11 =	simm.s32 $0x1;
	s8 =	simm.s32 $0x2;
	s30 =	simm.s32 $0x100  }
0x5: {  	s31 =	simm.s32 $0x180;
	s28 =	simm.s32 $0x200;
	s29 =	simm.s32 $0x280  }
0x6: {  	p0 =	por $0x0, $0x0;
	s19 =	simm.s32 $0x500;
	s0 =	sand.u32 $0x1, s0  }
0x7: {  	s20 =	simm.s32 $0x580;
	s15 =	simm.s32 $0x600;
	s1 =	sshll.u32 s0, $0x4  }
0x8: {  	s16 =	simm.s32 $0x680;
	s0 =	ssub.s32 $0x2, s0;
	s1 =	sor.u32 s2, s1  }
0x9: {  	s2 =	simm.s32 $0x0;
	s5 =	sshrl.u32 s0, $0x1;
	s4 =	smul.u32 $0x38000, s1  }
0xa: {  	s1 =	sshll.u32 s1, $0x8;
	[smem:$0x7FF] =	sst s2;
	s0 =	ssub.s32 s0, s5  }
0xb: {  	s1 =	sadd.s32 s1, s3;
	_ =	strace $0x80000056;
	s0 =	smax.u32 s0, $0x1  }
0xc: {  	s4 =	sshrl.u32 s4, $0x3;
	s1 =	sadd.s32 $0x7800, s1;
	p1 =	sne.s32 s0, $0x1  }
0xd: {  	s4 =	sadd.s32 s4, s3;
	[dreg:$0x2] =	wrdreg s1;
	s3 =	sadd.s32 $0x347A800, s3  }
0xe: {  	s1 =	sadd.s32 $0xFFFFFFFF, s0;
	s22 =	sadd.s32 $0x9800, s4;
	s23 =	sadd.s32 $0xA000, s4  }
0xf: {  	s24 =	sadd.s32 $0xA800, s4;
	s25 =	sadd.s32 $0xB000, s4;
	s0 =	rddreg [dreg:$0x2]  }
0x10: {  	s26 =	sadd.s32 $0xB800, s4;
	s21 =	sadd.s32 $0xC800, s4;
	[dreg:$0x3] =	wrdreg s22  }
0x11: {  	s18 =	sadd.s32 $0xD000, s4;
	s17 =	sadd.s32 $0xD800, s4;
	[dreg:$0x4] =	wrdreg s23  }
.Ltmp0:
0x12: {  	s14 =	sadd.s32 $0xE000, s4;
	[dreg:$0x5] =	wrdreg s24;
	(pc) =	sbr.rel @!p1 .LBB2_3-.Ltmp0, $4  }
0x13: {  	s13 =	sadd.s32 $0xE800, s4;
	s12 =	sadd.s32 $0xF000, s4;
	[dreg:$0x6] =	wrdreg s25  }
0x14: {  	s7 =	sadd.s32 $0xF800, s4;
	s5 =	sadd.s32 $0x10000, s4;
	[dreg:$0x7] =	wrdreg s26  }
0x15: {  	s22 =	sadd.s32 $0xC000, s4;
	s4 =	simm.s32 $0x3;
	s25 =	simm.s32 $0x300  }
0x16: {  	s26 =	simm.s32 $0x380;
	s23 =	simm.s32 $0x400;
	s24 =	simm.s32 $0x480  }
0x17: {  	[tilespmem:s2], [sflag:$0x3] =	stream.linear.gather [hbm4b:s0+s2], $0x700, $0x38;
	[tilespmem:$0x8800] =	vst v63  }
0x18: {  	_ =	swait.ge [sflag:s4], $0x700  }
0x19: {  	[sflag:s4] =	ssyncset.done $0x0  }
0x1a: {  	[sflag:s4] =	ssyncadd.s32 $0xFFFFF900  }
0x1b: {  	[tilespmem:s9], [sflag:$0x1] =	stream.indirect.gather [hbm4b:s3+s10], $0x80, s2, s10, $0xb8;
	[tilespmem:$0x8800] =	vst v63  }
0x1c: {  	_ = 	snop  }
0x1d: {  	[tilespmem:s6], [sflag:$0x2] =	stream.indirect.gather [hbm4b:s3+s10], $0x80, s10, s10, $0xb8;
	[tilespmem:$0x8800] =	vst v63  }
0x1e: {  	_ =	swait.ge [sflag:s11], $0x4000  }
0x1f: {  	[sflag:s11] =	ssyncset.done $0x0  }
0x20: {  	s0 =	rddreg [dreg:$0x3];
	[sflag:s11] =	ssyncadd.s32 $0xFFFFC000  }
0x21: {  	[hbm4b:s0+s2] =	stream.linear.scatter [tilespmem:s9], [sflag:$0x3], $0x4000, $0x38;
	[tilespmem:$0x8800] =	vst v63  }
0x22: {  	_ =	swait.ge [sflag:s4], $0x4000  }
0x23: {  	[sflag:s4] =	ssyncset.done $0x0  }
0x24: {  	[sflag:s4] =	ssyncadd.s32 $0xFFFFC000  }
0x25: {  	_ =	swait.ge [sflag:s8], $0x4000  }
0x26: {  	[sflag:s8] =	ssyncset.done $0x0  }
0x27: {  	s0 =	rddreg [dreg:$0x4];
	[sflag:s8] =	ssyncadd.s32 $0xFFFFC000  }
0x28: {  	[hbm4b:s0+s2] =	stream.linear.scatter [tilespmem:s6], [sflag:$0x3], $0x4000, $0x38;
	[tilespmem:$0x8800] =	vst v63  }
0x29: {  	_ =	swait.ge [sflag:s4], $0x4000  }
0x2a: {  	[sflag:s4] =	ssyncset.done $0x0  }
0x2b: {  	[sflag:s4] =	ssyncadd.s32 $0xFFFFC000  }
0x2c: {  	[tilespmem:s9], [sflag:$0x1] =	stream.indirect.gather [hbm4b:s3+s10], $0x80, s30, s10, $0xb8;
	[tilespmem:$0x8800] =	vst v63  }
0x2d: {  	_ = 	snop  }
0x2e: {  	[tilespmem:s6], [sflag:$0x2] =	stream.indirect.gather [hbm4b:s3+s10], $0x80, s31, s10, $0xb8;
	[tilespmem:$0x8800] =	vst v63  }
0x2f: {  	_ =	swait.ge [sflag:s11], $0x4000  }
0x30: {  	[sflag:s11] =	ssyncset.done $0x0  }
0x31: {  	s0 =	rddreg [dreg:$0x5];
	[sflag:s11] =	ssyncadd.s32 $0xFFFFC000  }
0x32: {  	[hbm4b:s0+s2] =	stream.linear.scatter [tilespmem:s9], [sflag:$0x3], $0x4000, $0x38;
	[tilespmem:$0x8800] =	vst v63  }
0x33: {  	_ =	swait.ge [sflag:s4], $0x4000  }
0x34: {  	[sflag:s4] =	ssyncset.done $0x0  }
0x35: {  	[sflag:s4] =	ssyncadd.s32 $0xFFFFC000  }
0x36: {  	_ =	swait.ge [sflag:s8], $0x4000  }
0x37: {  	[sflag:s8] =	ssyncset.done $0x0  }
0x38: {  	s0 =	rddreg [dreg:$0x6];
	[sflag:s8] =	ssyncadd.s32 $0xFFFFC000  }
0x39: {  	[hbm4b:s0+s2] =	stream.linear.scatter [tilespmem:s6], [sflag:$0x3], $0x4000, $0x38;
	[tilespmem:$0x8800] =	vst v63  }
0x3a: {  	_ =	swait.ge [sflag:s4], $0x4000  }
0x3b: {  	[sflag:s4] =	ssyncset.done $0x0  }
0x3c: {  	[sflag:s4] =	ssyncadd.s32 $0xFFFFC000  }
0x3d: {  	[tilespmem:s9], [sflag:$0x1] =	stream.indirect.gather [hbm4b:s3+s10], $0x80, s28, s10, $0xb8;
	[tilespmem:$0x8800] =	vst v63  }
0x3e: {  	_ = 	snop  }
0x3f: {  	[tilespmem:s6], [sflag:$0x2] =	stream.indirect.gather [hbm4b:s3+s10], $0x80, s29, s10, $0xb8;
	[tilespmem:$0x8800] =	vst v63  }
0x40: {  	_ =	swait.ge [sflag:s11], $0x4000  }
0x41: {  	[sflag:s11] =	ssyncset.done $0x0  }
0x42: {  	s0 =	rddreg [dreg:$0x7];
	[sflag:s11] =	ssyncadd.s32 $0xFFFFC000  }
0x43: {  	[hbm4b:s0+s2] =	stream.linear.scatter [tilespmem:s9], [sflag:$0x3], $0x4000, $0x38;
	[tilespmem:$0x8800] =	vst v63  }
0x44: {  	_ =	swait.ge [sflag:s4], $0x4000  }
0x45: {  	[sflag:s4] =	ssyncset.done $0x0  }
0x46: {  	[sflag:s4] =	ssyncadd.s32 $0xFFFFC000  }
0x47: {  	_ =	swait.ge [sflag:s8], $0x4000  }
0x48: {  	[sflag:s8] =	ssyncset.done $0x0  }
0x49: {  	[sflag:s8] =	ssyncadd.s32 $0xFFFFC000  }
0x4a: {  	[hbm4b:s22+s2] =	stream.linear.scatter [tilespmem:s6], [sflag:$0x3], $0x4000, $0x38;
	[tilespmem:$0x8800] =	vst v63  }
0x4b: {  	_ =	swait.ge [sflag:s4], $0x4000  }
0x4c: {  	[sflag:s4] =	ssyncset.done $0x0  }
0x4d: {  	[sflag:s4] =	ssyncadd.s32 $0xFFFFC000  }
0x4e: {  	[tilespmem:s9], [sflag:$0x1] =	stream.indirect.gather [hbm4b:s3+s10], $0x80, s25, s10, $0xb8;
	[tilespmem:$0x8800] =	vst v63  }
0x4f: {  	_ = 	snop  }
0x50: {  	[tilespmem:s6], [sflag:$0x2] =	stream.indirect.gather [hbm4b:s3+s10], $0x80, s26, s10, $0xb8;
	[tilespmem:$0x8800] =	vst v63  }
0x51: {  	_ =	swait.ge [sflag:s11], $0x4000  }
0x52: {  	[sflag:s11] =	ssyncset.done $0x0  }
0x53: {  	[sflag:s11] =	ssyncadd.s32 $0xFFFFC000  }
0x54: {  	[hbm4b:s21+s2] =	stream.linear.scatter [tilespmem:s9], [sflag:$0x3], $0x4000, $0x38;
	[tilespmem:$0x8800] =	vst v63  }
0x55: {  	_ =	swait.ge [sflag:s4], $0x4000  }
0x56: {  	[sflag:s4] =	ssyncset.done $0x0  }
0x57: {  	[sflag:s4] =	ssyncadd.s32 $0xFFFFC000  }
0x58: {  	_ =	swait.ge [sflag:s8], $0x4000  }
0x59: {  	[sflag:s8] =	ssyncset.done $0x0  }
0x5a: {  	[sflag:s8] =	ssyncadd.s32 $0xFFFFC000  }
0x5b: {  	[hbm4b:s18+s2] =	stream.linear.scatter [tilespmem:s6], [sflag:$0x3], $0x4000, $0x38;
	[tilespmem:$0x8800] =	vst v63  }
0x5c: {  	_ =	swait.ge [sflag:s4], $0x4000  }
0x5d: {  	[sflag:s4] =	ssyncset.done $0x0  }
0x5e: {  	[sflag:s4] =	ssyncadd.s32 $0xFFFFC000  }
0x5f: {  	[tilespmem:s9], [sflag:$0x1] =	stream.indirect.gather [hbm4b:s3+s10], $0x80, s23, s10, $0xb8;
	[tilespmem:$0x8800] =	vst v63  }
0x60: {  	_ = 	snop  }
0x61: {  	[tilespmem:s6], [sflag:$0x2] =	stream.indirect.gather [hbm4b:s3+s10], $0x80, s24, s10, $0xb8;
	[tilespmem:$0x8800] =	vst v63  }
0x62: {  	_ =	swait.ge [sflag:s11], $0x4000  }
0x63: {  	[sflag:s11] =	ssyncset.done $0x0  }
0x64: {  	[sflag:s11] =	ssyncadd.s32 $0xFFFFC000  }
0x65: {  	[hbm4b:s17+s2] =	stream.linear.scatter [tilespmem:s9], [sflag:$0x3], $0x4000, $0x38;
	[tilespmem:$0x8800] =	vst v63  }
0x66: {  	_ =	swait.ge [sflag:s4], $0x4000  }
0x67: {  	[sflag:s4] =	ssyncset.done $0x0  }
0x68: {  	[sflag:s4] =	ssyncadd.s32 $0xFFFFC000  }
0x69: {  	_ =	swait.ge [sflag:s8], $0x4000  }
0x6a: {  	[sflag:s8] =	ssyncset.done $0x0  }
0x6b: {  	[sflag:s8] =	ssyncadd.s32 $0xFFFFC000  }
0x6c: {  	[hbm4b:s14+s2] =	stream.linear.scatter [tilespmem:s6], [sflag:$0x3], $0x4000, $0x38;
	[tilespmem:$0x8800] =	vst v63  }
0x6d: {  	_ =	swait.ge [sflag:s4], $0x4000  }
0x6e: {  	[sflag:s4] =	ssyncset.done $0x0  }
0x6f: {  	[sflag:s4] =	ssyncadd.s32 $0xFFFFC000  }
0x70: {  	[tilespmem:s9], [sflag:$0x1] =	stream.indirect.gather [hbm4b:s3+s10], $0x80, s19, s10, $0xb8;
	[tilespmem:$0x8800] =	vst v63  }
0x71: {  	_ = 	snop  }
0x72: {  	[tilespmem:s6], [sflag:$0x2] =	stream.indirect.gather [hbm4b:s3+s10], $0x80, s20, s10, $0xb8;
	[tilespmem:$0x8800] =	vst v63  }
0x73: {  	_ =	swait.ge [sflag:s11], $0x4000  }
0x74: {  	[sflag:s11] =	ssyncset.done $0x0  }
0x75: {  	[sflag:s11] =	ssyncadd.s32 $0xFFFFC000  }
0x76: {  	[hbm4b:s13+s2] =	stream.linear.scatter [tilespmem:s9], [sflag:$0x3], $0x4000, $0x38;
	[tilespmem:$0x8800] =	vst v63  }
0x77: {  	_ =	swait.ge [sflag:s4], $0x4000  }
0x78: {  	[sflag:s4] =	ssyncset.done $0x0  }
0x79: {  	[sflag:s4] =	ssyncadd.s32 $0xFFFFC000  }
0x7a: {  	_ =	swait.ge [sflag:s8], $0x4000  }
0x7b: {  	[sflag:s8] =	ssyncset.done $0x0  }
0x7c: {  	[sflag:s8] =	ssyncadd.s32 $0xFFFFC000  }
0x7d: {  	[hbm4b:s12+s2] =	stream.linear.scatter [tilespmem:s6], [sflag:$0x3], $0x4000, $0x38;
	[tilespmem:$0x8800] =	vst v63  }
0x7e: {  	_ =	swait.ge [sflag:s4], $0x4000  }
0x7f: {  	[sflag:s4] =	ssyncset.done $0x0  }
0x80: {  	[sflag:s4] =	ssyncadd.s32 $0xFFFFC000  }
0x81: {  	[tilespmem:s9], [sflag:$0x1] =	stream.indirect.gather [hbm4b:s3+s10], $0x80, s15, s10, $0xb8;
	[tilespmem:$0x8800] =	vst v63  }
0x82: {  	_ = 	snop  }
0x83: {  	[tilespmem:s6], [sflag:$0x2] =	stream.indirect.gather [hbm4b:s3+s10], $0x80, s16, s10, $0xb8;
	[tilespmem:$0x8800] =	vst v63  }
0x84: {  	_ =	swait.ge [sflag:s11], $0x4000  }
0x85: {  	[sflag:s11] =	ssyncset.done $0x0  }
0x86: {  	[sflag:s11] =	ssyncadd.s32 $0xFFFFC000  }
0x87: {  	[hbm4b:s7+s2] =	stream.linear.scatter [tilespmem:s9], [sflag:$0x3], $0x4000, $0x38;
	[tilespmem:$0x8800] =	vst v63  }
0x88: {  	_ =	swait.ge [sflag:s4], $0x4000  }
0x89: {  	[sflag:s4] =	ssyncset.done $0x0  }
0x8a: {  	[sflag:s4] =	ssyncadd.s32 $0xFFFFC000  }
0x8b: {  	p1 =	sne.s32 s1, $0x1;
	_ =	swait.ge [sflag:s8], $0x4000  }
.Ltmp1:
0x8c: {  	[sflag:s8] =	ssyncset.done $0x0;
	(pc) =	sbr.rel @!p1 .LBB2_3-.Ltmp1, $4  }
0x8d: {  	[sflag:s8] =	ssyncadd.s32 $0xFFFFC000  }
0x8e: {  	[hbm4b:s5+s2] =	stream.linear.scatter [tilespmem:s6], [sflag:$0x3], $0x4000, $0x38;
	[tilespmem:$0x8800] =	vst v63  }
0x8f: {  	s1 =	sadd.s32 $0xFFFFFFFF, s1;
	_ =	swait.ge [sflag:s4], $0x4000  }
0x90: {  	p0 =	por $0x1, $0x1;
	s0 =	rddreg [dreg:$0x2];
	[sflag:s4] =	ssyncset.done $0x0  }
.LBB2_2:
0x91: {  	[sflag:s4] =	ssyncadd.s32 $0xFFFFC000  }
0x92: {  	[tilespmem:s2], [sflag:$0x3] =	stream.linear.gather [hbm4b:s0+s2], $0x700, $0x38;
	[tilespmem:$0x8800] =	vst v63  }
0x93: {  	_ =	swait.ge [sflag:s4], $0x700  }
0x94: {  	[sflag:s4] =	ssyncset.done $0x0  }
0x95: {  	[sflag:s4] =	ssyncadd.s32 $0xFFFFF900  }
0x96: {  	[tilespmem:s9], [sflag:$0x1] =	stream.indirect.gather [hbm4b:s3+s10], $0x80, s2, s10, $0xb8;
	[tilespmem:$0x8800] =	vst v63  }
0x97: {  	_ = 	snop  }
0x98: {  	[tilespmem:s6], [sflag:$0x2] =	stream.indirect.gather [hbm4b:s3+s10], $0x80, s10, s10, $0xb8;
	[tilespmem:$0x8800] =	vst v63  }
0x99: {  	_ =	swait.ge [sflag:s11], $0x4000  }
0x9a: {  	[sflag:s11] =	ssyncset.done $0x0  }
0x9b: {  	s0 =	rddreg [dreg:$0x3];
	[sflag:s11] =	ssyncadd.s32 $0xFFFFC000  }
0x9c: {  	[hbm4b:s0+s2] =	stream.linear.scatter [tilespmem:s9], [sflag:$0x3], $0x4000, $0x38;
	[tilespmem:$0x8800] =	vst v63  }
0x9d: {  	_ =	swait.ge [sflag:s4], $0x4000  }
0x9e: {  	[sflag:s4] =	ssyncset.done $0x0  }
0x9f: {  	[sflag:s4] =	ssyncadd.s32 $0xFFFFC000  }
0xa0: {  	_ =	swait.ge [sflag:s8], $0x4000  }
0xa1: {  	[sflag:s8] =	ssyncset.done $0x0  }
0xa2: {  	s0 =	rddreg [dreg:$0x4];
	[sflag:s8] =	ssyncadd.s32 $0xFFFFC000  }
0xa3: {  	[hbm4b:s0+s2] =	stream.linear.scatter [tilespmem:s6], [sflag:$0x3], $0x4000, $0x38;
	[tilespmem:$0x8800] =	vst v63  }
0xa4: {  	_ =	swait.ge [sflag:s4], $0x4000  }
0xa5: {  	[sflag:s4] =	ssyncset.done $0x0  }
0xa6: {  	[sflag:s4] =	ssyncadd.s32 $0xFFFFC000  }
0xa7: {  	[tilespmem:s9], [sflag:$0x1] =	stream.indirect.gather [hbm4b:s3+s10], $0x80, s30, s10, $0xb8;
	[tilespmem:$0x8800] =	vst v63  }
0xa8: {  	_ = 	snop  }
0xa9: {  	[tilespmem:s6], [sflag:$0x2] =	stream.indirect.gather [hbm4b:s3+s10], $0x80, s31, s10, $0xb8;
	[tilespmem:$0x8800] =	vst v63  }
0xaa: {  	_ =	swait.ge [sflag:s11], $0x4000  }
0xab: {  	[sflag:s11] =	ssyncset.done $0x0  }
0xac: {  	s0 =	rddreg [dreg:$0x5];
	[sflag:s11] =	ssyncadd.s32 $0xFFFFC000  }
0xad: {  	[hbm4b:s0+s2] =	stream.linear.scatter [tilespmem:s9], [sflag:$0x3], $0x4000, $0x38;
	[tilespmem:$0x8800] =	vst v63  }
0xae: {  	_ =	swait.ge [sflag:s4], $0x4000  }
0xaf: {  	[sflag:s4] =	ssyncset.done $0x0  }
0xb0: {  	[sflag:s4] =	ssyncadd.s32 $0xFFFFC000  }
0xb1: {  	_ =	swait.ge [sflag:s8], $0x4000  }
0xb2: {  	[sflag:s8] =	ssyncset.done $0x0  }
0xb3: {  	s0 =	rddreg [dreg:$0x6];
	[sflag:s8] =	ssyncadd.s32 $0xFFFFC000  }
0xb4: {  	[hbm4b:s0+s2] =	stream.linear.scatter [tilespmem:s6], [sflag:$0x3], $0x4000, $0x38;
	[tilespmem:$0x8800] =	vst v63  }
0xb5: {  	_ =	swait.ge [sflag:s4], $0x4000  }
0xb6: {  	[sflag:s4] =	ssyncset.done $0x0  }
0xb7: {  	[sflag:s4] =	ssyncadd.s32 $0xFFFFC000  }
0xb8: {  	[tilespmem:s9], [sflag:$0x1] =	stream.indirect.gather [hbm4b:s3+s10], $0x80, s28, s10, $0xb8;
	[tilespmem:$0x8800] =	vst v63  }
0xb9: {  	_ = 	snop  }
0xba: {  	[tilespmem:s6], [sflag:$0x2] =	stream.indirect.gather [hbm4b:s3+s10], $0x80, s29, s10, $0xb8;
	[tilespmem:$0x8800] =	vst v63  }
0xbb: {  	_ =	swait.ge [sflag:s11], $0x4000  }
0xbc: {  	[sflag:s11] =	ssyncset.done $0x0  }
0xbd: {  	s0 =	rddreg [dreg:$0x7];
	[sflag:s11] =	ssyncadd.s32 $0xFFFFC000  }
0xbe: {  	[hbm4b:s0+s2] =	stream.linear.scatter [tilespmem:s9], [sflag:$0x3], $0x4000, $0x38;
	[tilespmem:$0x8800] =	vst v63  }
0xbf: {  	_ =	swait.ge [sflag:s4], $0x4000  }
0xc0: {  	[sflag:s4] =	ssyncset.done $0x0  }
0xc1: {  	[sflag:s4] =	ssyncadd.s32 $0xFFFFC000  }
0xc2: {  	_ =	swait.ge [sflag:s8], $0x4000  }
0xc3: {  	[sflag:s8] =	ssyncset.done $0x0  }
0xc4: {  	[sflag:s8] =	ssyncadd.s32 $0xFFFFC000  }
0xc5: {  	[hbm4b:s22+s2] =	stream.linear.scatter [tilespmem:s6], [sflag:$0x3], $0x4000, $0x38;
	[tilespmem:$0x8800] =	vst v63  }
0xc6: {  	_ =	swait.ge [sflag:s4], $0x4000  }
0xc7: {  	[sflag:s4] =	ssyncset.done $0x0  }
0xc8: {  	[sflag:s4] =	ssyncadd.s32 $0xFFFFC000  }
0xc9: {  	[tilespmem:s9], [sflag:$0x1] =	stream.indirect.gather [hbm4b:s3+s10], $0x80, s25, s10, $0xb8;
	[tilespmem:$0x8800] =	vst v63  }
0xca: {  	_ = 	snop  }
0xcb: {  	[tilespmem:s6], [sflag:$0x2] =	stream.indirect.gather [hbm4b:s3+s10], $0x80, s26, s10, $0xb8;
	[tilespmem:$0x8800] =	vst v63  }
0xcc: {  	_ =	swait.ge [sflag:s11], $0x4000  }
0xcd: {  	[sflag:s11] =	ssyncset.done $0x0  }
0xce: {  	[sflag:s11] =	ssyncadd.s32 $0xFFFFC000  }
0xcf: {  	[hbm4b:s21+s2] =	stream.linear.scatter [tilespmem:s9], [sflag:$0x3], $0x4000, $0x38;
	[tilespmem:$0x8800] =	vst v63  }
0xd0: {  	_ =	swait.ge [sflag:s4], $0x4000  }
0xd1: {  	[sflag:s4] =	ssyncset.done $0x0  }
0xd2: {  	[sflag:s4] =	ssyncadd.s32 $0xFFFFC000  }
0xd3: {  	_ =	swait.ge [sflag:s8], $0x4000  }
0xd4: {  	[sflag:s8] =	ssyncset.done $0x0  }
0xd5: {  	[sflag:s8] =	ssyncadd.s32 $0xFFFFC000  }
0xd6: {  	[hbm4b:s18+s2] =	stream.linear.scatter [tilespmem:s6], [sflag:$0x3], $0x4000, $0x38;
	[tilespmem:$0x8800] =	vst v63  }
0xd7: {  	_ =	swait.ge [sflag:s4], $0x4000  }
0xd8: {  	[sflag:s4] =	ssyncset.done $0x0  }
0xd9: {  	[sflag:s4] =	ssyncadd.s32 $0xFFFFC000  }
0xda: {  	[tilespmem:s9], [sflag:$0x1] =	stream.indirect.gather [hbm4b:s3+s10], $0x80, s23, s10, $0xb8;
	[tilespmem:$0x8800] =	vst v63  }
0xdb: {  	_ = 	snop  }
0xdc: {  	[tilespmem:s6], [sflag:$0x2] =	stream.indirect.gather [hbm4b:s3+s10], $0x80, s24, s10, $0xb8;
	[tilespmem:$0x8800] =	vst v63  }
0xdd: {  	_ =	swait.ge [sflag:s11], $0x4000  }
0xde: {  	[sflag:s11] =	ssyncset.done $0x0  }
0xdf: {  	[sflag:s11] =	ssyncadd.s32 $0xFFFFC000  }
0xe0: {  	[hbm4b:s17+s2] =	stream.linear.scatter [tilespmem:s9], [sflag:$0x3], $0x4000, $0x38;
	[tilespmem:$0x8800] =	vst v63  }
0xe1: {  	_ =	swait.ge [sflag:s4], $0x4000  }
0xe2: {  	[sflag:s4] =	ssyncset.done $0x0  }
0xe3: {  	[sflag:s4] =	ssyncadd.s32 $0xFFFFC000  }
0xe4: {  	_ =	swait.ge [sflag:s8], $0x4000  }
0xe5: {  	[sflag:s8] =	ssyncset.done $0x0  }
0xe6: {  	[sflag:s8] =	ssyncadd.s32 $0xFFFFC000  }
0xe7: {  	[hbm4b:s14+s2] =	stream.linear.scatter [tilespmem:s6], [sflag:$0x3], $0x4000, $0x38;
	[tilespmem:$0x8800] =	vst v63  }
0xe8: {  	_ =	swait.ge [sflag:s4], $0x4000  }
0xe9: {  	[sflag:s4] =	ssyncset.done $0x0  }
0xea: {  	[sflag:s4] =	ssyncadd.s32 $0xFFFFC000  }
0xeb: {  	[tilespmem:s9], [sflag:$0x1] =	stream.indirect.gather [hbm4b:s3+s10], $0x80, s19, s10, $0xb8;
	[tilespmem:$0x8800] =	vst v63  }
0xec: {  	_ = 	snop  }
0xed: {  	[tilespmem:s6], [sflag:$0x2] =	stream.indirect.gather [hbm4b:s3+s10], $0x80, s20, s10, $0xb8;
	[tilespmem:$0x8800] =	vst v63  }
0xee: {  	_ =	swait.ge [sflag:s11], $0x4000  }
0xef: {  	[sflag:s11] =	ssyncset.done $0x0  }
0xf0: {  	[sflag:s11] =	ssyncadd.s32 $0xFFFFC000  }
0xf1: {  	[hbm4b:s13+s2] =	stream.linear.scatter [tilespmem:s9], [sflag:$0x3], $0x4000, $0x38;
	[tilespmem:$0x8800] =	vst v63  }
0xf2: {  	_ =	swait.ge [sflag:s4], $0x4000  }
0xf3: {  	[sflag:s4] =	ssyncset.done $0x0  }
0xf4: {  	[sflag:s4] =	ssyncadd.s32 $0xFFFFC000  }
0xf5: {  	_ =	swait.ge [sflag:s8], $0x4000  }
0xf6: {  	[sflag:s8] =	ssyncset.done $0x0  }
0xf7: {  	[sflag:s8] =	ssyncadd.s32 $0xFFFFC000  }
0xf8: {  	[hbm4b:s12+s2] =	stream.linear.scatter [tilespmem:s6], [sflag:$0x3], $0x4000, $0x38;
	[tilespmem:$0x8800] =	vst v63  }
0xf9: {  	_ =	swait.ge [sflag:s4], $0x4000  }
0xfa: {  	[sflag:s4] =	ssyncset.done $0x0  }
0xfb: {  	[sflag:s4] =	ssyncadd.s32 $0xFFFFC000  }
0xfc: {  	[tilespmem:s9], [sflag:$0x1] =	stream.indirect.gather [hbm4b:s3+s10], $0x80, s15, s10, $0xb8;
	[tilespmem:$0x8800] =	vst v63  }
0xfd: {  	_ = 	snop  }
0xfe: {  	[tilespmem:s6], [sflag:$0x2] =	stream.indirect.gather [hbm4b:s3+s10], $0x80, s16, s10, $0xb8;
	[tilespmem:$0x8800] =	vst v63  }
0xff: {  	_ =	swait.ge [sflag:s11], $0x4000  }
0x100: {  	[sflag:s11] =	ssyncset.done $0x0  }
0x101: {  	[sflag:s11] =	ssyncadd.s32 $0xFFFFC000  }
0x102: {  	[hbm4b:s7+s2] =	stream.linear.scatter [tilespmem:s9], [sflag:$0x3], $0x4000, $0x38;
	[tilespmem:$0x8800] =	vst v63  }
0x103: {  	_ =	swait.ge [sflag:s4], $0x4000  }
0x104: {  	[sflag:s4] =	ssyncset.done $0x0  }
0x105: {  	[sflag:s4] =	ssyncadd.s32 $0xFFFFC000  }
0x106: {  	p1 =	sne.s32 s1, $0x1;
	_ =	swait.ge [sflag:s8], $0x4000  }
.Ltmp2:
0x107: {  	[sflag:s8] =	ssyncset.done $0x0;
	(pc) =	sbr.rel @p1 .LBB2_2-.Ltmp2, $4  }
0x108: {  	[sflag:s8] =	ssyncadd.s32 $0xFFFFC000  }
0x109: {  	[hbm4b:s5+s2] =	stream.linear.scatter [tilespmem:s6], [sflag:$0x3], $0x4000, $0x38;
	[tilespmem:$0x8800] =	vst v63  }
0x10a: {  	_ =	swait.ge [sflag:s4], $0x4000  }
0x10b: {  	s1 =	sadd.s32 $0xFFFFFFFF, s1;
	s0 =	rddreg [dreg:$0x2];
	[sflag:s4] =	ssyncset.done $0x0  }
.LBB2_3:
0x10c: {  	[sflag:s4] =	ssyncadd.s32 @p0 $0xFFFFC000  }
0x10d: {  	[tilespmem:s2], [sflag:$0x3] =	stream.linear.gather [hbm4b:s0+s2], $0x700, $0x38;
	[tilespmem:$0x8800] =	vst v63  }
0x10e: {  	_ =	swait.ge [sflag:s4], $0x700  }
0x10f: {  	[sflag:s4] =	ssyncset.done $0x0  }
0x110: {  	[sflag:s4] =	ssyncadd.s32 $0xFFFFF900  }
0x111: {  	[tilespmem:s9], [sflag:$0x1] =	stream.indirect.gather [hbm4b:s3+s10], $0x80, s2, s10, $0xb8;
	[tilespmem:$0x8800] =	vst v63  }
0x112: {  	_ = 	snop  }
0x113: {  	[tilespmem:s6], [sflag:$0x2] =	stream.indirect.gather [hbm4b:s3+s10], $0x80, s10, s10, $0xb8;
	[tilespmem:$0x8800] =	vst v63  }
0x114: {  	_ =	swait.ge [sflag:s11], $0x4000  }
0x115: {  	[sflag:s11] =	ssyncset.done $0x0  }
0x116: {  	s1 =	rddreg [dreg:$0x3];
	[sflag:s11] =	ssyncadd.s32 $0xFFFFC000  }
0x117: {  	[hbm4b:s1+s2] =	stream.linear.scatter [tilespmem:s9], [sflag:$0x3], $0x4000, $0x38;
	[tilespmem:$0x8800] =	vst v63  }
0x118: {  	_ =	swait.ge [sflag:s4], $0x4000  }
0x119: {  	[sflag:s4] =	ssyncset.done $0x0  }
0x11a: {  	[sflag:s4] =	ssyncadd.s32 $0xFFFFC000  }
0x11b: {  	_ =	swait.ge [sflag:s8], $0x4000  }
0x11c: {  	[sflag:s8] =	ssyncset.done $0x0  }
0x11d: {  	s1 =	rddreg [dreg:$0x4];
	[sflag:s8] =	ssyncadd.s32 $0xFFFFC000  }
0x11e: {  	[hbm4b:s1+s2] =	stream.linear.scatter [tilespmem:s6], [sflag:$0x3], $0x4000, $0x38;
	[tilespmem:$0x8800] =	vst v63  }
0x11f: {  	_ =	swait.ge [sflag:s4], $0x4000  }
0x120: {  	[sflag:s4] =	ssyncset.done $0x0  }
0x121: {  	[sflag:s4] =	ssyncadd.s32 $0xFFFFC000  }
0x122: {  	[tilespmem:s9], [sflag:$0x1] =	stream.indirect.gather [hbm4b:s3+s10], $0x80, s30, s10, $0xb8;
	[tilespmem:$0x8800] =	vst v63  }
0x123: {  	_ = 	snop  }
0x124: {  	[tilespmem:s6], [sflag:$0x2] =	stream.indirect.gather [hbm4b:s3+s10], $0x80, s31, s10, $0xb8;
	[tilespmem:$0x8800] =	vst v63  }
0x125: {  	_ =	swait.ge [sflag:s11], $0x4000  }
0x126: {  	[sflag:s11] =	ssyncset.done $0x0  }
0x127: {  	s31 =	rddreg [dreg:$0x5];
	[sflag:s11] =	ssyncadd.s32 $0xFFFFC000  }
0x128: {  	[hbm4b:s31+s2] =	stream.linear.scatter [tilespmem:s9], [sflag:$0x3], $0x4000, $0x38;
	[tilespmem:$0x8800] =	vst v63  }
0x129: {  	_ =	swait.ge [sflag:s4], $0x4000  }
0x12a: {  	[sflag:s4] =	ssyncset.done $0x0  }
0x12b: {  	[sflag:s4] =	ssyncadd.s32 $0xFFFFC000  }
0x12c: {  	_ =	swait.ge [sflag:s8], $0x4000  }
0x12d: {  	[sflag:s8] =	ssyncset.done $0x0  }
0x12e: {  	s1 =	rddreg [dreg:$0x6];
	[sflag:s8] =	ssyncadd.s32 $0xFFFFC000  }
0x12f: {  	[hbm4b:s1+s2] =	stream.linear.scatter [tilespmem:s6], [sflag:$0x3], $0x4000, $0x38;
	[tilespmem:$0x8800] =	vst v63  }
0x130: {  	_ =	swait.ge [sflag:s4], $0x4000  }
0x131: {  	[sflag:s4] =	ssyncset.done $0x0  }
0x132: {  	[sflag:s4] =	ssyncadd.s32 $0xFFFFC000  }
0x133: {  	[tilespmem:s9], [sflag:$0x1] =	stream.indirect.gather [hbm4b:s3+s10], $0x80, s28, s10, $0xb8;
	[tilespmem:$0x8800] =	vst v63  }
0x134: {  	_ = 	snop  }
0x135: {  	[tilespmem:s6], [sflag:$0x2] =	stream.indirect.gather [hbm4b:s3+s10], $0x80, s29, s10, $0xb8;
	[tilespmem:$0x8800] =	vst v63  }
0x136: {  	_ =	swait.ge [sflag:s11], $0x4000  }
0x137: {  	[sflag:s11] =	ssyncset.done $0x0  }
0x138: {  	s30 =	rddreg [dreg:$0x7];
	[sflag:s11] =	ssyncadd.s32 $0xFFFFC000  }
0x139: {  	[hbm4b:s30+s2] =	stream.linear.scatter [tilespmem:s9], [sflag:$0x3], $0x4000, $0x38;
	[tilespmem:$0x8800] =	vst v63  }
0x13a: {  	_ =	swait.ge [sflag:s4], $0x4000  }
0x13b: {  	[sflag:s4] =	ssyncset.done $0x0  }
0x13c: {  	[sflag:s4] =	ssyncadd.s32 $0xFFFFC000  }
0x13d: {  	_ =	swait.ge [sflag:s8], $0x4000  }
0x13e: {  	[sflag:s8] =	ssyncset.done $0x0  }
0x13f: {  	[sflag:s8] =	ssyncadd.s32 $0xFFFFC000  }
0x140: {  	[hbm4b:s22+s2] =	stream.linear.scatter [tilespmem:s6], [sflag:$0x3], $0x4000, $0x38;
	[tilespmem:$0x8800] =	vst v63  }
0x141: {  	_ =	swait.ge [sflag:s4], $0x4000  }
0x142: {  	[sflag:s4] =	ssyncset.done $0x0  }
0x143: {  	[sflag:s4] =	ssyncadd.s32 $0xFFFFC000  }
0x144: {  	[tilespmem:s9], [sflag:$0x1] =	stream.indirect.gather [hbm4b:s3+s10], $0x80, s25, s10, $0xb8;
	[tilespmem:$0x8800] =	vst v63  }
0x145: {  	_ = 	snop  }
0x146: {  	[tilespmem:s6], [sflag:$0x2] =	stream.indirect.gather [hbm4b:s3+s10], $0x80, s26, s10, $0xb8;
	[tilespmem:$0x8800] =	vst v63  }
0x147: {  	_ =	swait.ge [sflag:s11], $0x4000  }
0x148: {  	[sflag:s11] =	ssyncset.done $0x0  }
0x149: {  	[sflag:s11] =	ssyncadd.s32 $0xFFFFC000  }
0x14a: {  	[hbm4b:s21+s2] =	stream.linear.scatter [tilespmem:s9], [sflag:$0x3], $0x4000, $0x38;
	[tilespmem:$0x8800] =	vst v63  }
0x14b: {  	_ =	swait.ge [sflag:s4], $0x4000  }
0x14c: {  	[sflag:s4] =	ssyncset.done $0x0  }
0x14d: {  	[sflag:s4] =	ssyncadd.s32 $0xFFFFC000  }
0x14e: {  	_ =	swait.ge [sflag:s8], $0x4000  }
0x14f: {  	[sflag:s8] =	ssyncset.done $0x0  }
0x150: {  	[sflag:s8] =	ssyncadd.s32 $0xFFFFC000  }
0x151: {  	[hbm4b:s18+s2] =	stream.linear.scatter [tilespmem:s6], [sflag:$0x3], $0x4000, $0x38;
	[tilespmem:$0x8800] =	vst v63  }
0x152: {  	_ =	swait.ge [sflag:s4], $0x4000  }
0x153: {  	[sflag:s4] =	ssyncset.done $0x0  }
0x154: {  	[sflag:s4] =	ssyncadd.s32 $0xFFFFC000  }
0x155: {  	[tilespmem:s9], [sflag:$0x1] =	stream.indirect.gather [hbm4b:s3+s10], $0x80, s23, s10, $0xb8;
	[tilespmem:$0x8800] =	vst v63  }
0x156: {  	_ = 	snop  }
0x157: {  	[tilespmem:s6], [sflag:$0x2] =	stream.indirect.gather [hbm4b:s3+s10], $0x80, s24, s10, $0xb8;
	[tilespmem:$0x8800] =	vst v63  }
0x158: {  	_ =	swait.ge [sflag:s11], $0x4000  }
0x159: {  	[sflag:s11] =	ssyncset.done $0x0  }
0x15a: {  	[sflag:s11] =	ssyncadd.s32 $0xFFFFC000  }
0x15b: {  	[hbm4b:s17+s2] =	stream.linear.scatter [tilespmem:s9], [sflag:$0x3], $0x4000, $0x38;
	[tilespmem:$0x8800] =	vst v63  }
0x15c: {  	_ =	swait.ge [sflag:s4], $0x4000  }
0x15d: {  	[sflag:s4] =	ssyncset.done $0x0  }
0x15e: {  	[sflag:s4] =	ssyncadd.s32 $0xFFFFC000  }
0x15f: {  	_ =	swait.ge [sflag:s8], $0x4000  }
0x160: {  	[sflag:s8] =	ssyncset.done $0x0  }
0x161: {  	[sflag:s8] =	ssyncadd.s32 $0xFFFFC000  }
0x162: {  	[hbm4b:s14+s2] =	stream.linear.scatter [tilespmem:s6], [sflag:$0x3], $0x4000, $0x38;
	[tilespmem:$0x8800] =	vst v63  }
0x163: {  	_ =	swait.ge [sflag:s4], $0x4000  }
0x164: {  	[sflag:s4] =	ssyncset.done $0x0  }
0x165: {  	[sflag:s4] =	ssyncadd.s32 $0xFFFFC000  }
0x166: {  	[tilespmem:s9], [sflag:$0x1] =	stream.indirect.gather [hbm4b:s3+s10], $0x80, s19, s10, $0xb8;
	[tilespmem:$0x8800] =	vst v63  }
0x167: {  	_ = 	snop  }
0x168: {  	[tilespmem:s6], [sflag:$0x2] =	stream.indirect.gather [hbm4b:s3+s10], $0x80, s20, s10, $0xb8;
	[tilespmem:$0x8800] =	vst v63  }
0x169: {  	_ =	swait.ge [sflag:s11], $0x4000  }
0x16a: {  	[sflag:s11] =	ssyncset.done $0x0  }
0x16b: {  	[sflag:s11] =	ssyncadd.s32 $0xFFFFC000  }
0x16c: {  	[hbm4b:s13+s2] =	stream.linear.scatter [tilespmem:s9], [sflag:$0x3], $0x4000, $0x38;
	[tilespmem:$0x8800] =	vst v63  }
0x16d: {  	_ =	swait.ge [sflag:s4], $0x4000  }
0x16e: {  	[sflag:s4] =	ssyncset.done $0x0  }
0x16f: {  	[sflag:s4] =	ssyncadd.s32 $0xFFFFC000  }
0x170: {  	_ =	swait.ge [sflag:s8], $0x4000  }
0x171: {  	[sflag:s8] =	ssyncset.done $0x0  }
0x172: {  	[sflag:s8] =	ssyncadd.s32 $0xFFFFC000  }
0x173: {  	[hbm4b:s12+s2] =	stream.linear.scatter [tilespmem:s6], [sflag:$0x3], $0x4000, $0x38;
	[tilespmem:$0x8800] =	vst v63  }
0x174: {  	_ =	swait.ge [sflag:s4], $0x4000  }
0x175: {  	[sflag:s4] =	ssyncset.done $0x0  }
0x176: {  	[sflag:s4] =	ssyncadd.s32 $0xFFFFC000  }
0x177: {  	[tilespmem:s9], [sflag:$0x1] =	stream.indirect.gather [hbm4b:s3+s10], $0x80, s15, s10, $0xb8;
	[tilespmem:$0x8800] =	vst v63  }
0x178: {  	_ = 	snop  }
0x179: {  	[tilespmem:s6], [sflag:$0x2] =	stream.indirect.gather [hbm4b:s3+s10], $0x80, s16, s10, $0xb8;
	[tilespmem:$0x8800] =	vst v63  }
0x17a: {  	_ =	swait.ge [sflag:s11], $0x4000  }
0x17b: {  	[sflag:s11] =	ssyncset.done $0x0  }
0x17c: {  	[sflag:s11] =	ssyncadd.s32 $0xFFFFC000  }
0x17d: {  	[hbm4b:s7+s2] =	stream.linear.scatter [tilespmem:s9], [sflag:$0x3], $0x4000, $0x38;
	[tilespmem:$0x8800] =	vst v63  }
0x17e: {  	_ =	swait.ge [sflag:s4], $0x4000  }
0x17f: {  	[sflag:s4] =	ssyncset.done $0x0  }
0x180: {  	[sflag:s4] =	ssyncadd.s32 $0xFFFFC000  }
0x181: {  	_ =	swait.ge [sflag:s8], $0x4000  }
0x182: {  	[sflag:s8] =	ssyncset.done $0x0  }
0x183: {  	[sflag:s8] =	ssyncadd.s32 $0xFFFFC000  }
0x184: {  	[hbm4b:s5+s2] =	stream.linear.scatter [tilespmem:s6], [sflag:$0x3], $0x4000, $0x38;
	[tilespmem:$0x8800] =	vst v63  }
0x185: {  	_ =	swait.ge [sflag:s4], $0x4000  }
0x186: {  	[sflag:s4] =	ssyncset.done $0x0  }
0x187: {  	[sflag:s4] =	ssyncadd.s32 $0xFFFFC000  }
0x188: {  	_ =	sfence.sel $0x180000  }
0x189: {  	[bflag:$0x0] =	sbarrier.arrive $0xFFFF  }
0x18a: {  	_ =	strace $0x90000056  }
0x18b: {  	s31 =	stileid.u32;
	[bflag:$0x2] =	sbarrier.arrive $0xFFFF  }
0x18c: {  	p0 =	sne.s32 s31, $0x0;
	s0 =	rddreg [dreg:$0x1]  }
0x18d: {  	s0 =	sadd.s32 @!p0 $0x100000, s0  }
0x18e: {  	[sflag:s0] =	ssyncadd.tile.s32 @!p0 $0x1;
	_ =	shalt  }
.Lfunc_end2:
_tile_overlayer_lowered:
.L_overlay_start_2:
0x18f: {  	(tag) =	ssettag $0x2  }
0x190: {  	s0 =	rddreg [dreg:$0x0];
	s2 =	stileid.u32  }
0x191: {  	s1 =	rddreg [dreg:$0x1];
	p0 =	sne.s32 s2, $0x0  }
0x192: {  	s3 =	rddreg [dreg:$0x2];
	[bflag:$0x3] =	sbarrier.arrive $0xFFFF;
	s2 =	simm.s32 @!p0 $0x1C03  }
0x193: {  	[timem:s3], [sflag:s2] =	dma.local @!p0 [hbm:s0], s1  }
0x194: {  	s0 =	simm.s32 @!p0 $0x3  }
0x195: {  	_ =	swait.ge @!p0 [sflag:s0], s1  }
0x196: {  	s1 =	ssub.s32 @!p0 $0x0, s1;
	[sflag:s0] =	ssyncset.done @!p0 $0x0  }
0x197: {  	[sflag:s0] =	ssyncadd.s32 @!p0 s1  }
0x198: {  	[bflag:$0x3] =	sbarrier.arrive $0xFFFF  }
0x199: {  	_ =	shalt  }

// kernel: kernel.39.cloned.1.call-start
scs
__scs_entry_jumppad:
0x0: {  	(pc) =	sbr.rel $0x88, $3  }
0x1: {  	(tag) =	ssettag $0x0;
	lr =	simm.s32 $0x1  }
0x2: {  	[smem:$0x3F92] =	sst lr;
	_ =	strace $0xD0000000  }
0x3: {  	_ = 	snop  }
0x4: {  	_ = 	snop  }
0x5: {  	_ = 	snop  }
0x6: {  	_ = 	snop  }
0x7: {  	_ = 	snop  }
__scs_overlays_trampoline_lowered:
0x8: {  	[smem:$0x3FA1] =	sst s0  }
0x9: {  	[smem:$0x3FA2] =	sst s1  }
0xa: {  	[smem:$0x3FA3] =	sst s2  }
0xb: {  	[smem:$0x3FA4] =	sst s3  }
0xc: {  	[smem:$0x3FA5] =	sst s4  }
0xd: {  	[smem:$0x3FA6] =	sst s5  }
0xe: {  	[smem:$0x3FA7] =	sst s6  }
0xf: {  	[smem:$0x3FA8] =	sst s7  }
0x10: {  	[smem:$0x3FA9] =	sst s8  }
0x11: {  	[smem:$0x3FAA] =	sst s9;
	s0 =	simm.s32 @!p0 $0x0  }
0x12: {  	s1 =	sld [smem:$0x3F90];
	s0 =	simm.s32 @p0 $0x1  }
0x13: {  	[smem:$0x3FAB] =	sst s0;
	s0 =	simm.s32 @!p1 $0x0  }
0x14: {  	s2 =	sld [smem:$0x3F8F];
	s0 =	simm.s32 @p1 $0x1  }
0x15: {  	[smem:$0x3FAC] =	sst s0;
	s0 =	simm.s32 @!p2 $0x0  }
0x16: {  	s3 =	sld [smem:$0x3FDB];
	s0 =	simm.s32 @p2 $0x1  }
0x17: {  	s4 =	simm.s32 $0x1BF5;
	[smem:$0x3FAE] =	sst s0  }
0x18: {  	s0 =	sld [smem:$0x3F91];
	_ =	swait.ge [sflag:s4], $0x0  }
0x19: {  	s7 =	sld [smem:$0x3F92]  }
0x1a: {  	s8 =	sadd.s32 $0xFFFFE003, lr  }
0x1b: {  	s9 =	sadd.s32 $0xFFFFFEF7, lr;
	s5 =	simm.s32 $0xFFFFFFFF;
	p2 =	slt.u32 s8, $0xFFFFF086  }
0x1c: {  	p1 =	slt.u32 s9, $0xF7A;
	s5 =	simm.s32 @!p2 $0x0  }
0x1d: {  	s5 =	simm.s32 @p1 $0x1;
	p0 =	seq.s32 s7, s2  }
0x1e: {  	s7 =	smul.u32 @!p0 $0xF7A, s2;
	p2 =	seq.s32 @!p0 s5, $0x0  }
0x1f: {  	s9 =	smul.u32 $0xF7A, s1;
	s8 =	simm.s32 @!p0 $0x1BF5;
	p2 =	por !p2, p0  }
0x20: {  	[sflag:s8] =	ssyncset.s32 @!p0 $0xFFFFF086;
	s6 =	sadd.s32 @!p0 s3, s7;
	s7 =	simm.s32 @!p0 $0x108  }
0x21: {  	s3 =	sadd.s32 s3, s9;
	s6 =	sadd.s32 @!p0 $0x88, s6;
	s7 =	simm.s32 @p2 $0x1082  }
0x22: {  	[simem:s7], [sflag:s8] =	dma.local @!p0 [hbm:s6], $0xF7A  }
0x23: {  	s9 =	sor.u32 $0xD0000000, s2;
	s6 =	simm.s32 $0x108;
	_ =	swait.ge @!p0 [sflag:s8], $0x0  }
0x24: {  	s3 =	sadd.s32 $0x88, s3;
	s6 =	simm.s32 @!p1 $0x1082;
	[sflag:s4] =	ssyncset.s32 $0xFFFFF086  }
0x25: {  	[simem:s6], [sflag:s4] =	dma.local [hbm:s3], $0xF7A  }
0x26: {  	[smem:$0x3F92] =	sst s1;
	(tag) =	ssettag s2;
	_ =	strace s9  }
0x27: {  	s1 =	sld [smem:$0x3FA2]  }
0x28: {  	s2 =	sld [smem:$0x3FA3]  }
0x29: {  	s4 =	sld [smem:$0x3FA5]  }
0x2a: {  	p0 =	seq.s32 s5, $0x0;
	s5 =	sld [smem:$0x3FA6]  }
0x2b: {  	s6 =	sld [smem:$0x3FA7]  }
0x2c: {  	s7 =	sld [smem:$0x3FA8]  }
0x2d: {  	s3 =	simm.s32 $0x108;
	s8 =	sld [smem:$0x3FA9]  }
0x2e: {  	s3 =	simm.s32 @!p0 $0x1082;
	s9 =	sld [smem:$0x3FAA]  }
0x2f: {  	lr =	sadd.s32 s0, s3;
	s0 =	sld [smem:$0x3FA1]  }
0x30: {  	s3 =	sld [smem:$0x3FA4]  }
0x31: {  	[smem:$0x3FAD] =	sst s10  }
0x32: {  	s10 =	sld [smem:$0x3FAB];
	_ =	sdelay $0x3  }
0x33: {  	p0 =	seq.s32 s10, $0x1;
	s10 =	sld [smem:$0x3FAD];
	_ =	sdelay $0x3  }
0x34: {  	[smem:$0x3FAD] =	sst s10  }
0x35: {  	s10 =	sld [smem:$0x3FAC];
	_ =	sdelay $0x3  }
0x36: {  	p1 =	seq.s32 s10, $0x1;
	s10 =	sld [smem:$0x3FAD];
	_ =	sdelay $0x3  }
0x37: {  	[smem:$0x3FAD] =	sst s10  }
0x38: {  	s10 =	sld [smem:$0x3FAE]  }
0x39: {  	_ = 	snop;
	(pc) =	sbr.ind lr, $3  }
0x3a: {  	_ = 	snop  }
0x3b: {  	_ = 	snop  }
0x3c: {  	p2 =	seq.s32 s10, $0x1;
	s10 =	sld [smem:$0x3FAD]  }
0x3d: {  	_ =	shalt  }
0x3e: {  	_ =	shalt  }
0x3f: {  	_ =	shalt  }
0x40: {  	_ =	shalt  }
0x41: {  	_ =	shalt  }
0x42: {  	_ =	shalt  }
0x43: {  	_ =	shalt  }
0x44: {  	_ =	shalt  }
0x45: {  	_ =	shalt  }
0x46: {  	_ =	shalt  }
0x47: {  	_ =	shalt  }
0x48: {  	_ =	shalt  }
0x49: {  	_ =	shalt  }
0x4a: {  	_ =	shalt  }
0x4b: {  	_ =	shalt  }
0x4c: {  	_ =	shalt  }
0x4d: {  	_ =	shalt  }
0x4e: {  	_ =	shalt  }
0x4f: {  	_ =	shalt  }
0x50: {  	_ =	shalt  }
0x51: {  	_ =	shalt  }
0x52: {  	_ =	shalt  }
0x53: {  	_ =	shalt  }
0x54: {  	_ =	shalt  }
0x55: {  	_ =	shalt  }
0x56: {  	_ =	shalt  }
0x57: {  	_ =	shalt  }
0x58: {  	_ =	shalt  }
0x59: {  	_ =	shalt  }
0x5a: {  	_ =	shalt  }
0x5b: {  	_ =	shalt  }
0x5c: {  	_ =	shalt  }
0x5d: {  	_ =	shalt  }
0x5e: {  	_ =	shalt  }
0x5f: {  	_ =	shalt  }
0x60: {  	_ =	shalt  }
0x61: {  	_ =	shalt  }
0x62: {  	_ =	shalt  }
0x63: {  	_ =	shalt  }
0x64: {  	_ =	shalt  }
0x65: {  	_ =	shalt  }
0x66: {  	_ =	shalt  }
0x67: {  	_ =	shalt  }
0x68: {  	_ =	shalt  }
0x69: {  	_ =	shalt  }
0x6a: {  	_ =	shalt  }
0x6b: {  	_ =	shalt  }
0x6c: {  	_ =	shalt  }
0x6d: {  	_ =	shalt  }
0x6e: {  	_ =	shalt  }
0x6f: {  	_ =	shalt  }
0x70: {  	_ =	shalt  }
0x71: {  	_ =	shalt  }
0x72: {  	_ =	shalt  }
0x73: {  	_ =	shalt  }
0x74: {  	_ =	shalt  }
0x75: {  	_ =	shalt  }
0x76: {  	_ =	shalt  }
0x77: {  	_ =	shalt  }
0x78: {  	_ =	shalt  }
0x79: {  	_ =	shalt  }
0x7a: {  	_ =	shalt  }
0x7b: {  	_ =	shalt  }
0x7c: {  	_ =	shalt  }
0x7d: {  	_ =	shalt  }
0x7e: {  	_ =	shalt  }
0x7f: {  	_ =	shalt  }
0x80: {  	_ =	shalt  }
0x81: {  	_ =	shalt  }
0x82: {  	_ =	shalt  }
0x83: {  	_ =	shalt  }
0x84: {  	_ =	shalt  }
0x85: {  	_ =	shalt  }
0x86: {  	_ =	shalt  }
0x87: {  	_ =	shalt  }
.Lfunc_end0:
.L_simem_size_0:
called_computation.6_lowered:
.L_overlay_start_0:
0x88: {  	s2 =	sld [smem:$0x3FD9]  }
0x89: {  	s3 =	sld [smem:$0x3FFE];
	_ =	sdelay $0x1  }
0x8a: {  	s1 =	srdreg.scid  }
0x8b: {  	s0 =	sand.u32 $0x1, s1  }
0x8c: {  	s16 =	sshll.u32 s0, $0xA;
	s2 =	sadd.s32 s3, s2  }
0x8d: {  	s2 =	sadd.s32 s2, s16  }
0x8e: {  	[smem:$0x3FB9] =	sst s2  }
0x8f: {  	_ = 	snop  }
0x90: {  	(tm) =	ssettm $0x1  }
0x91: {  	s17 =	sld [smem:$0x3FFB];
	_ =	sdelay $0x3  }
0x92: {  	_ =	strace s17  }
0x93: {  	s2 =	sld [smem:$0x3FFC];
	_ =	sdelay $0x3  }
0x94: {  	_ =	strace s2  }
0x95: {  	s2 =	sld [smem:$0x3FFD];
	_ =	sdelay $0x3  }
0x96: {  	_ =	strace s2  }
0x97: {  	_ =	strace $0x8FFFFFFF  }
0x98: {  	s18 =	sld [smem:$0x3FDB];
	_ =	sdelay $0x1  }
0x99: {  	s19 =	simm.s32 $_scs_section_size  }
0x9a: {  	s4 =	simm.s32 $_size__tile_overlayer_lowered;
	s5 =	simm.s32 $_tile_overlayer_lowered  }
0x9b: {  	s22 =	simm.s32 $0x1BFF;
	s21 =	sshll.u32 s5, $0x1;
	s2 =	sadd.s32 s19, s18  }
0x9c: {  	s6 =	simm.s32 $0x0;
	s20 =	sshll.u32 s4, $0x1;
	s4 =	sadd.s32 s21, s2  }
0x9d: {  	[timem:s6], [sflag:s22] =	dma.local [hbm:s4], s20  }
0x9e: {  	_ =	swait.ge [sflag:s22], s20  }
0x9f: {  	s3 =	ssub.s32 $0x0, s20;
	[sflag:s22] =	ssyncset.done $0x0  }
0xa0: {  	[sflag:s22] =	ssyncadd.s32 s3;
	_ =	sdelay $0x1  }
0xa1: {  	s23 =	simm.s32 $0x1B8B  }
0xa2: {  	_ =	swait.ge [sflag:s23], $0x1  }
0xa3: {  	[sflag:s23] =	ssyncset.done $0x0  }
0xa4: {  	s25 =	simm.s32 $0x1B8E;
	s24 =	sld [smem:$0x3FFE];
	[sflag:s23] =	ssyncadd.s32 $0xFFFFFFFF  }
0xa5: {  	s26 =	simm.s32 $execute0_lowered;
	[smem:$0x3FD2] =	sst s25  }
0xa6: {  	s4 =	sshll.u32 s26, $0x1;
	_ =	strace $0x80000058;
	[dreg:$0x1] =	wrdreg $0xFFFFFFFF  }
0xa7: {  	s28 =	simm.s32 $_size_execute0_lowered;
	s2 =	sadd.s32 s2, s4;
	[dreg:$0x0] =	wrdreg $0x0  }
0xa8: {  	s4 =	sshll.u32 s28, $0x1;
	[dreg:$0x2] =	wrdreg s2  }
0xa9: {  	[dreg:$0x3] =	wrdreg s4  }
0xaa: {  	[dreg:$0x4] =	wrdreg $0xC0  }
0xab: {  	_ =	task [dreg:s6], $0x5FFFF  }
0xac: {  	[dreg:$0x1] =	wrdreg $0xFFFFFFFF  }
0xad: {  	[dreg:$0x0] =	wrdreg $0x60  }
0xae: {  	[dreg:$0x2] =	wrdreg s24  }
0xaf: {  	[dreg:$0x3] =	wrdreg $0x9  }
0xb0: {  	_ =	task.clear_ibuf [dreg:s6], $0x4FFFF;
	_ =	strace $0x90000058  }
0xb1: {  	s29 =	simm.s32 $0x9;
	_ =	strace $0x8000005A  }
0xb2: {  	_ =	swait.ge [sflag:s29], $0x1  }
0xb3: {  	[sflag:s29] =	ssyncadd.s32 $0xFFFFFFFF  }
0xb4: {  	_ =	strace $0x9000005A  }
0xb5: {  	_ =	sfence  }
0xb6: {  	s30 =	sld [smem:$0x0];
	_ =	sdelay $0x2  }
0xb7: {  	s31 =	sshll.u32 s1, $0xD;
	s1 =	sshrl.u32 s1, $0x2  }
0xb8: {  	s3 =	sand.u32 $0x4000, s31;
	s1 =	sadd.s32 s1, s30  }
0xb9: {  	s0 =	sor.u32 s3, s0;
	s1 =	sshll.u32 s1, $0x11  }
0xba: {  	s0 =	sor.u32 s1, s0  }
0xbb: {  	s0 =	sadd.s32 $0x8F2B, s0  }
0xbc: {  	[sflag:s0] =	ssyncadd.remote.s32 $0x1  }
0xbd: {  	_ =	sfence.sel $0xFFFF  }
0xbe: {  	[dreg:$0x0] =	wrdreg $0xFFFFFFFF;
	(pc) =	sbr.abs _section_cstart, $3  }
0xbf: {  	[dreg:$0x1] =	wrdreg $0xFFFFFFFF  }
0xc0: {  	_ =	task.clear_ibuf [dreg:s6], $0x2FFFF;
	_ =	strace $0x9FFFFFFF  }
0xc1: {  	(tm) =	ssettm $0x7FFFFFFF  }
tec
execute0_lowered:
.L_overlay_start_1:
0x0: {  	(tag) =	ssettag $0x1  }
0x1: {  	s0 =	srdreg.scid  }
0x2: {  	s5 =	rddreg [dreg:$0x0];
	s2 =	simm.s32 $0x0;
	s10 =	simm.s32 $0x6400  }
0x3: {  	s11 =	simm.s32 $0xA400;
	s12 =	simm.s32 $0x1;
	s13 =	simm.s32 $0x2  }
0x4: {  	s14 =	simm.s32 $0x0;
	s4 =	sand.u32 $0x1, s0;
	s0 =	stileid.u32  }
0x5: {  	[smem:$0x7FF] =	sst s2;
	s9 =	sadd.s32 $0x2B7200, s5;
	s7 =	smul.u32 $0x3100000, s4  }
0x6: {  	s1 =	sshll.u32 s4, $0x4;
	s8 =	smul.u32 $0x310000, s0;
	s4 =	ssub.s32 $0x2, s4  }
0x7: {  	s3 =	sor.u32 s0, s1;
	s1 =	rddreg [dreg:$0x1];
	_ =	strace $0x80000059  }
0x8: {  	s29 =	sshrl.u32 s4, $0x1;
	s6 =	smul.u32 $0xC80, s3;
	s7 =	sadd.s32 s8, s7  }
0x9: {  	s3 =	sadd.s32 $0x9800, s5;
	s8 =	simm.s32 $0x3;
	s30 =	sor.u32 $0x4000, s7  }
0xa: {  	s7 =	sshrl.u32 s7, $0x3;
	s6 =	sadd.s32 s6, s5;
	s5 =	ssub.s32 s4, s29  }
0xb: {  	s31 =	sshrl.u32 s30, $0x3;
	s4 =	sadd.s32 $0x29E200, s6;
	s5 =	smax.u32 s5, $0x1  }
0xc: {  	s6 =	sadd.s32 s7, s9;
	s7 =	sadd.s32 s31, s9;
	s9 =	simm.s32 $0x80  }
.LBB2_1:
0xd: {  	[tilespmem:s2], [sflag:$0x3] =	stream.linear.gather [hbm4b:s4+s2], $0x6200, $0x38;
	[tilespmem:$0xE400] =	vst v63  }
0xe: {  	_ =	swait.ge [sflag:s8], $0x6200  }
0xf: {  	[sflag:s8] =	ssyncset.done $0x0  }
0x10: {  	[sflag:s8] =	ssyncadd.s32 $0xFFFF9E00  }
0x11: {  	[tilespmem:s10], [sflag:$0x1] =	stream.indirect.gather [hbm4b:s3+s9], $0x80, s2, s9, $0xb8;
	[tilespmem:$0xE400] =	vst v63  }
0x12: {  	s15 =	simm.s32 $0x80  }
0x13: {  	[tilespmem:s11], [sflag:$0x2] =	stream.indirect.gather [hbm4b:s3+s9], $0x80, s15, s9, $0xb8;
	[tilespmem:$0xE400] =	vst v63  }
0x14: {  	_ =	swait.ge [sflag:s12], $0x4000  }
0x15: {  	[sflag:s12] =	ssyncset.done $0x0  }
0x16: {  	s30 =	sadd.s32 $0x0, s6;
	[sflag:s12] =	ssyncadd.s32 $0xFFFFC000  }
0x17: {  	[hbm4b:s30+s2] =	stream.linear.scatter [tilespmem:s10], [sflag:$0x3], $0x4000, $0x38;
	[tilespmem:$0xE400] =	vst v63  }
0x18: {  	_ =	swait.ge [sflag:s8], $0x4000  }
0x19: {  	[sflag:s8] =	ssyncset.done $0x0  }
0x1a: {  	[sflag:s8] =	ssyncadd.s32 $0xFFFFC000  }
0x1b: {  	_ =	swait.ge [sflag:s13], $0x4000  }
0x1c: {  	[sflag:s13] =	ssyncset.done $0x0  }
0x1d: {  	s31 =	sadd.s32 $0x0, s7;
	[sflag:s13] =	ssyncadd.s32 $0xFFFFC000  }
0x1e: {  	[hbm4b:s31+s2] =	stream.linear.scatter [tilespmem:s11], [sflag:$0x3], $0x4000, $0x38;
	[tilespmem:$0xE400] =	vst v63  }
0x1f: {  	_ =	swait.ge [sflag:s8], $0x4000  }
0x20: {  	s16 =	simm.s32 $0x0;
	s15 =	simm.s32 $0x1000;
	[sflag:s8] =	ssyncset.done $0x0  }
.LBB2_2:
0x21: {  	p0 =	sne.s32 s15, $0x61000;
	[sflag:s8] =	ssyncadd.s32 $0xFFFFC000;
	s16 =	sadd.s32 $0x100, s16  }
0x22: {  	[tilespmem:s10], [sflag:$0x1] =	stream.indirect.gather [hbm4b:s3+s9], $0x80, s16, s9, $0xb8;
	[tilespmem:$0xE400] =	vst v63  }
0x23: {  	s18 =	smov.u32 s15;
	s15 =	sadd.s32 $0x1000, s15;
	s17 =	sadd.s32 $0x80, s16  }
0x24: {  	[tilespmem:s11], [sflag:$0x2] =	stream.indirect.gather [hbm4b:s3+s9], $0x80, s17, s9, $0xb8;
	[tilespmem:$0xE400] =	vst v63  }
0x25: {  	_ =	swait.ge [sflag:s12], $0x4000  }
0x26: {  	[sflag:s12] =	ssyncset.done $0x0  }
0x27: {  	s17 =	sadd.s32 s18, s6;
	[sflag:s12] =	ssyncadd.s32 $0xFFFFC000  }
0x28: {  	[hbm4b:s17+s2] =	stream.linear.scatter [tilespmem:s10], [sflag:$0x3], $0x4000, $0x38;
	[tilespmem:$0xE400] =	vst v63  }
0x29: {  	_ =	swait.ge [sflag:s8], $0x4000  }
0x2a: {  	[sflag:s8] =	ssyncset.done $0x0  }
0x2b: {  	[sflag:s8] =	ssyncadd.s32 $0xFFFFC000  }
0x2c: {  	_ =	swait.ge [sflag:s13], $0x4000  }
.Ltmp0:
0x2d: {  	[sflag:s13] =	ssyncset.done $0x0;
	(pc) =	sbr.rel @p0 .LBB2_2-.Ltmp0, $4  }
0x2e: {  	s17 =	sadd.s32 s18, s7;
	[sflag:s13] =	ssyncadd.s32 $0xFFFFC000  }
0x2f: {  	[hbm4b:s17+s2] =	stream.linear.scatter [tilespmem:s11], [sflag:$0x3], $0x4000, $0x38;
	[tilespmem:$0xE400] =	vst v63  }
0x30: {  	_ =	swait.ge [sflag:s8], $0x4000  }
0x31: {  	[sflag:s8] =	ssyncset.done $0x0  }
0x32: {  	s14 =	sadd.s32 $0x1, s14  }
0x33: {  	p0 =	sne.s32 s14, s5  }
.Ltmp1:
0x34: {  	_ = 	snop;
	(pc) =	sbr.rel @p0 .LBB2_1-.Ltmp1, $2  }
0x35: {  	_ =	sdelay $0x2  }
0x36: {  	[sflag:s8] =	ssyncadd.s32 $0xFFFFC000  }
0x37: {  	_ =	sfence.sel $0x180000  }
0x38: {  	[bflag:$0x0] =	sbarrier.arrive $0xFFFF  }
0x39: {  	p0 =	sne.s32 s0, $0x0;
	_ =	strace $0x90000059  }
0x3a: {  	s0 =	sadd.s32 @!p0 $0x100000, s1;
	[bflag:$0x2] =	sbarrier.arrive $0xFFFF  }
0x3b: {  	[sflag:s0] =	ssyncadd.tile.s32 @!p0 $0x1;
	_ =	shalt  }
.Lfunc_end2:
_tile_overlayer_lowered:
.L_overlay_start_2:
0x3c: {  	(tag) =	ssettag $0x2  }
0x3d: {  	s0 =	rddreg [dreg:$0x0];
	s2 =	stileid.u32  }
0x3e: {  	s1 =	rddreg [dreg:$0x1];
	p0 =	sne.s32 s2, $0x0  }
0x3f: {  	s3 =	rddreg [dreg:$0x2];
	[bflag:$0x3] =	sbarrier.arrive $0xFFFF;
	s2 =	simm.s32 @!p0 $0x1C03  }
0x40: {  	[timem:s3], [sflag:s2] =	dma.local @!p0 [hbm:s0], s1  }
0x41: {  	s0 =	simm.s32 @!p0 $0x3  }
0x42: {  	_ =	swait.ge @!p0 [sflag:s0], s1  }
0x43: {  	s1 =	ssub.s32 @!p0 $0x0, s1;
	[sflag:s0] =	ssyncset.done @!p0 $0x0  }
0x44: {  	[sflag:s0] =	ssyncadd.s32 @!p0 s1  }
0x45: {  	[bflag:$0x3] =	sbarrier.arrive $0xFFFF  }
0x46: {  	_ =	shalt  }

// kernel: kernel.42.cloned.1.call-start
scs
__scs_entry_jumppad:
0x0: {  	(pc) =	sbr.rel $0x88, $3  }
0x1: {  	(tag) =	ssettag $0x0;
	lr =	simm.s32 $0x1  }
0x2: {  	[smem:$0x3F92] =	sst lr;
	_ =	strace $0xD0000000  }
0x3: {  	_ = 	snop  }
0x4: {  	_ = 	snop  }
0x5: {  	_ = 	snop  }
0x6: {  	_ = 	snop  }
0x7: {  	_ = 	snop  }
__scs_overlays_trampoline_lowered:
0x8: {  	[smem:$0x3FA1] =	sst s0  }
0x9: {  	[smem:$0x3FA2] =	sst s1  }
0xa: {  	[smem:$0x3FA3] =	sst s2  }
0xb: {  	[smem:$0x3FA4] =	sst s3  }
0xc: {  	[smem:$0x3FA5] =	sst s4  }
0xd: {  	[smem:$0x3FA6] =	sst s5  }
0xe: {  	[smem:$0x3FA7] =	sst s6  }
0xf: {  	[smem:$0x3FA8] =	sst s7  }
0x10: {  	[smem:$0x3FA9] =	sst s8  }
0x11: {  	[smem:$0x3FAA] =	sst s9;
	s0 =	simm.s32 @!p0 $0x0  }
0x12: {  	s1 =	sld [smem:$0x3F90];
	s0 =	simm.s32 @p0 $0x1  }
0x13: {  	[smem:$0x3FAB] =	sst s0;
	s0 =	simm.s32 @!p1 $0x0  }
0x14: {  	s2 =	sld [smem:$0x3F8F];
	s0 =	simm.s32 @p1 $0x1  }
0x15: {  	[smem:$0x3FAC] =	sst s0;
	s0 =	simm.s32 @!p2 $0x0  }
0x16: {  	s3 =	sld [smem:$0x3FDB];
	s0 =	simm.s32 @p2 $0x1  }
0x17: {  	s4 =	simm.s32 $0x1BF5;
	[smem:$0x3FAE] =	sst s0  }
0x18: {  	s0 =	sld [smem:$0x3F91];
	_ =	swait.ge [sflag:s4], $0x0  }
0x19: {  	s7 =	sld [smem:$0x3F92]  }
0x1a: {  	s8 =	sadd.s32 $0xFFFFE003, lr  }
0x1b: {  	s9 =	sadd.s32 $0xFFFFFEF7, lr;
	s5 =	simm.s32 $0xFFFFFFFF;
	p2 =	slt.u32 s8, $0xFFFFF086  }
0x1c: {  	p1 =	slt.u32 s9, $0xF7A;
	s5 =	simm.s32 @!p2 $0x0  }
0x1d: {  	s5 =	simm.s32 @p1 $0x1;
	p0 =	seq.s32 s7, s2  }
0x1e: {  	s7 =	smul.u32 @!p0 $0xF7A, s2;
	p2 =	seq.s32 @!p0 s5, $0x0  }
0x1f: {  	s9 =	smul.u32 $0xF7A, s1;
	s8 =	simm.s32 @!p0 $0x1BF5;
	p2 =	por !p2, p0  }
0x20: {  	[sflag:s8] =	ssyncset.s32 @!p0 $0xFFFFF086;
	s6 =	sadd.s32 @!p0 s3, s7;
	s7 =	simm.s32 @!p0 $0x108  }
0x21: {  	s3 =	sadd.s32 s3, s9;
	s6 =	sadd.s32 @!p0 $0x88, s6;
	s7 =	simm.s32 @p2 $0x1082  }
0x22: {  	[simem:s7], [sflag:s8] =	dma.local @!p0 [hbm:s6], $0xF7A  }
0x23: {  	s9 =	sor.u32 $0xD0000000, s2;
	s6 =	simm.s32 $0x108;
	_ =	swait.ge @!p0 [sflag:s8], $0x0  }
0x24: {  	s3 =	sadd.s32 $0x88, s3;
	s6 =	simm.s32 @!p1 $0x1082;
	[sflag:s4] =	ssyncset.s32 $0xFFFFF086  }
0x25: {  	[simem:s6], [sflag:s4] =	dma.local [hbm:s3], $0xF7A  }
0x26: {  	[smem:$0x3F92] =	sst s1;
	(tag) =	ssettag s2;
	_ =	strace s9  }
0x27: {  	s1 =	sld [smem:$0x3FA2]  }
0x28: {  	s2 =	sld [smem:$0x3FA3]  }
0x29: {  	s4 =	sld [smem:$0x3FA5]  }
0x2a: {  	p0 =	seq.s32 s5, $0x0;
	s5 =	sld [smem:$0x3FA6]  }
0x2b: {  	s6 =	sld [smem:$0x3FA7]  }
0x2c: {  	s7 =	sld [smem:$0x3FA8]  }
0x2d: {  	s3 =	simm.s32 $0x108;
	s8 =	sld [smem:$0x3FA9]  }
0x2e: {  	s3 =	simm.s32 @!p0 $0x1082;
	s9 =	sld [smem:$0x3FAA]  }
0x2f: {  	lr =	sadd.s32 s0, s3;
	s0 =	sld [smem:$0x3FA1]  }
0x30: {  	s3 =	sld [smem:$0x3FA4]  }
0x31: {  	[smem:$0x3FAD] =	sst s10  }
0x32: {  	s10 =	sld [smem:$0x3FAB];
	_ =	sdelay $0x3  }
0x33: {  	p0 =	seq.s32 s10, $0x1;
	s10 =	sld [smem:$0x3FAD];
	_ =	sdelay $0x3  }
0x34: {  	[smem:$0x3FAD] =	sst s10  }
0x35: {  	s10 =	sld [smem:$0x3FAC];
	_ =	sdelay $0x3  }
0x36: {  	p1 =	seq.s32 s10, $0x1;
	s10 =	sld [smem:$0x3FAD];
	_ =	sdelay $0x3  }
0x37: {  	[smem:$0x3FAD] =	sst s10  }
0x38: {  	s10 =	sld [smem:$0x3FAE]  }
0x39: {  	_ = 	snop;
	(pc) =	sbr.ind lr, $3  }
0x3a: {  	_ = 	snop  }
0x3b: {  	_ = 	snop  }
0x3c: {  	p2 =	seq.s32 s10, $0x1;
	s10 =	sld [smem:$0x3FAD]  }
0x3d: {  	_ =	shalt  }
0x3e: {  	_ =	shalt  }
0x3f: {  	_ =	shalt  }
0x40: {  	_ =	shalt  }
0x41: {  	_ =	shalt  }
0x42: {  	_ =	shalt  }
0x43: {  	_ =	shalt  }
0x44: {  	_ =	shalt  }
0x45: {  	_ =	shalt  }
0x46: {  	_ =	shalt  }
0x47: {  	_ =	shalt  }
0x48: {  	_ =	shalt  }
0x49: {  	_ =	shalt  }
0x4a: {  	_ =	shalt  }
0x4b: {  	_ =	shalt  }
0x4c: {  	_ =	shalt  }
0x4d: {  	_ =	shalt  }
0x4e: {  	_ =	shalt  }
0x4f: {  	_ =	shalt  }
0x50: {  	_ =	shalt  }
0x51: {  	_ =	shalt  }
0x52: {  	_ =	shalt  }
0x53: {  	_ =	shalt  }
0x54: {  	_ =	shalt  }
0x55: {  	_ =	shalt  }
0x56: {  	_ =	shalt  }
0x57: {  	_ =	shalt  }
0x58: {  	_ =	shalt  }
0x59: {  	_ =	shalt  }
0x5a: {  	_ =	shalt  }
0x5b: {  	_ =	shalt  }
0x5c: {  	_ =	shalt  }
0x5d: {  	_ =	shalt  }
0x5e: {  	_ =	shalt  }
0x5f: {  	_ =	shalt  }
0x60: {  	_ =	shalt  }
0x61: {  	_ =	shalt  }
0x62: {  	_ =	shalt  }
0x63: {  	_ =	shalt  }
0x64: {  	_ =	shalt  }
0x65: {  	_ =	shalt  }
0x66: {  	_ =	shalt  }
0x67: {  	_ =	shalt  }
0x68: {  	_ =	shalt  }
0x69: {  	_ =	shalt  }
0x6a: {  	_ =	shalt  }
0x6b: {  	_ =	shalt  }
0x6c: {  	_ =	shalt  }
0x6d: {  	_ =	shalt  }
0x6e: {  	_ =	shalt  }
0x6f: {  	_ =	shalt  }
0x70: {  	_ =	shalt  }
0x71: {  	_ =	shalt  }
0x72: {  	_ =	shalt  }
0x73: {  	_ =	shalt  }
0x74: {  	_ =	shalt  }
0x75: {  	_ =	shalt  }
0x76: {  	_ =	shalt  }
0x77: {  	_ =	shalt  }
0x78: {  	_ =	shalt  }
0x79: {  	_ =	shalt  }
0x7a: {  	_ =	shalt  }
0x7b: {  	_ =	shalt  }
0x7c: {  	_ =	shalt  }
0x7d: {  	_ =	shalt  }
0x7e: {  	_ =	shalt  }
0x7f: {  	_ =	shalt  }
0x80: {  	_ =	shalt  }
0x81: {  	_ =	shalt  }
0x82: {  	_ =	shalt  }
0x83: {  	_ =	shalt  }
0x84: {  	_ =	shalt  }
0x85: {  	_ =	shalt  }
0x86: {  	_ =	shalt  }
0x87: {  	_ =	shalt  }
.Lfunc_end0:
.L_simem_size_0:
called_computation.7_lowered:
.L_overlay_start_0:
0x88: {  	s2 =	sld [smem:$0x3FD9]  }
0x89: {  	s3 =	sld [smem:$0x3FFE];
	_ =	sdelay $0x1  }
0x8a: {  	s1 =	srdreg.scid  }
0x8b: {  	s0 =	sand.u32 $0x1, s1  }
0x8c: {  	s16 =	sshll.u32 s0, $0xA;
	s2 =	sadd.s32 s3, s2  }
0x8d: {  	s2 =	sadd.s32 s2, s16  }
0x8e: {  	[smem:$0x3FB9] =	sst s2  }
0x8f: {  	_ = 	snop  }
0x90: {  	(tm) =	ssettm $0x1  }
0x91: {  	s17 =	sld [smem:$0x3FFB];
	_ =	sdelay $0x3  }
0x92: {  	_ =	strace s17  }
0x93: {  	s2 =	sld [smem:$0x3FFC];
	_ =	sdelay $0x3  }
0x94: {  	_ =	strace s2  }
0x95: {  	s2 =	sld [smem:$0x3FFD];
	_ =	sdelay $0x3  }
0x96: {  	_ =	strace s2  }
0x97: {  	_ =	strace $0x8FFFFFFF  }
0x98: {  	s18 =	sld [smem:$0x3FDB];
	_ =	sdelay $0x1  }
0x99: {  	s19 =	simm.s32 $_scs_section_size  }
0x9a: {  	s4 =	simm.s32 $_size__tile_overlayer_lowered;
	s5 =	simm.s32 $_tile_overlayer_lowered  }
0x9b: {  	s22 =	simm.s32 $0x1BFF;
	s21 =	sshll.u32 s5, $0x1;
	s2 =	sadd.s32 s19, s18  }
0x9c: {  	s6 =	simm.s32 $0x0;
	s20 =	sshll.u32 s4, $0x1;
	s4 =	sadd.s32 s21, s2  }
0x9d: {  	[timem:s6], [sflag:s22] =	dma.local [hbm:s4], s20  }
0x9e: {  	_ =	swait.ge [sflag:s22], s20  }
0x9f: {  	s3 =	ssub.s32 $0x0, s20;
	[sflag:s22] =	ssyncset.done $0x0  }
0xa0: {  	[sflag:s22] =	ssyncadd.s32 s3;
	_ =	sdelay $0x1  }
0xa1: {  	s23 =	simm.s32 $0x1B8B  }
0xa2: {  	_ =	swait.ge [sflag:s23], $0x1  }
0xa3: {  	[sflag:s23] =	ssyncset.done $0x0  }
0xa4: {  	s25 =	simm.s32 $0x1B8E;
	s24 =	sld [smem:$0x3FFE];
	[sflag:s23] =	ssyncadd.s32 $0xFFFFFFFF  }
0xa5: {  	s26 =	simm.s32 $execute0_lowered;
	[smem:$0x3FD2] =	sst s25  }
0xa6: {  	s4 =	sshll.u32 s26, $0x1;
	_ =	strace $0x8000005B;
	[dreg:$0x1] =	wrdreg $0xFFFFFFFF  }
0xa7: {  	s28 =	simm.s32 $_size_execute0_lowered;
	s2 =	sadd.s32 s2, s4;
	[dreg:$0x0] =	wrdreg $0x0  }
0xa8: {  	s4 =	sshll.u32 s28, $0x1;
	[dreg:$0x2] =	wrdreg s2  }
0xa9: {  	[dreg:$0x3] =	wrdreg s4  }
0xaa: {  	[dreg:$0x4] =	wrdreg $0xC0  }
0xab: {  	_ =	task [dreg:s6], $0x5FFFF  }
0xac: {  	[dreg:$0x1] =	wrdreg $0xFFFFFFFF  }
0xad: {  	[dreg:$0x0] =	wrdreg $0x60  }
0xae: {  	[dreg:$0x2] =	wrdreg s24  }
0xaf: {  	[dreg:$0x3] =	wrdreg $0x9  }
0xb0: {  	_ =	task.clear_ibuf [dreg:s6], $0x4FFFF;
	_ =	strace $0x9000005B  }
0xb1: {  	s29 =	simm.s32 $0x9;
	_ =	strace $0x8000005D  }
0xb2: {  	_ =	swait.ge [sflag:s29], $0x1  }
0xb3: {  	[sflag:s29] =	ssyncadd.s32 $0xFFFFFFFF  }
0xb4: {  	_ =	strace $0x9000005D  }
0xb5: {  	_ =	sfence  }
0xb6: {  	s30 =	sld [smem:$0x0];
	_ =	sdelay $0x2  }
0xb7: {  	s31 =	sshll.u32 s1, $0xD;
	s1 =	sshrl.u32 s1, $0x2  }
0xb8: {  	s3 =	sand.u32 $0x4000, s31;
	s1 =	sadd.s32 s1, s30  }
0xb9: {  	s0 =	sor.u32 s3, s0;
	s1 =	sshll.u32 s1, $0x11  }
0xba: {  	s0 =	sor.u32 s1, s0  }
0xbb: {  	s0 =	sadd.s32 $0x8F2B, s0  }
0xbc: {  	[sflag:s0] =	ssyncadd.remote.s32 $0x1  }
0xbd: {  	_ =	sfence.sel $0xFFFF  }
0xbe: {  	[dreg:$0x0] =	wrdreg $0xFFFFFFFF;
	(pc) =	sbr.abs _section_cstart, $3  }
0xbf: {  	[dreg:$0x1] =	wrdreg $0xFFFFFFFF  }
0xc0: {  	_ =	task.clear_ibuf [dreg:s6], $0x2FFFF;
	_ =	strace $0x9FFFFFFF  }
0xc1: {  	(tm) =	ssettm $0x7FFFFFFF  }
tec
execute0_lowered:
.L_overlay_start_1:
0x0: {  	(tag) =	ssettag $0x1  }
0x1: {  	s0 =	srdreg.scid  }
0x2: {  	s2 =	stileid.u32;
	s3 =	rddreg [dreg:$0x0]  }
0x3: {  	s10 =	simm.s32 $0x80;
	s9 =	simm.s32 $0x800;
	s6 =	simm.s32 $0x4800  }
0x4: {  	s11 =	simm.s32 $0x1;
	s8 =	simm.s32 $0x2;
	s30 =	simm.s32 $0x100  }
0x5: {  	s31 =	simm.s32 $0x180;
	s28 =	simm.s32 $0x200;
	s29 =	simm.s32 $0x280  }
0x6: {  	p0 =	por $0x0, $0x0;
	s19 =	simm.s32 $0x500;
	s0 =	sand.u32 $0x1, s0  }
0x7: {  	s20 =	simm.s32 $0x580;
	s15 =	simm.s32 $0x600;
	s1 =	sshll.u32 s0, $0x4  }
0x8: {  	s16 =	simm.s32 $0x680;
	s0 =	ssub.s32 $0x2, s0;
	s1 =	sor.u32 s2, s1  }
0x9: {  	s2 =	simm.s32 $0x0;
	s5 =	sshrl.u32 s0, $0x1;
	s4 =	smul.u32 $0x38000, s1  }
0xa: {  	s1 =	sshll.u32 s1, $0x8;
	[smem:$0x7FF] =	sst s2;
	s0 =	ssub.s32 s0, s5  }
0xb: {  	s1 =	sadd.s32 s1, s3;
	_ =	strace $0x8000005C;
	s0 =	smax.u32 s0, $0x1  }
0xc: {  	s4 =	sshrl.u32 s4, $0x3;
	s1 =	sadd.s32 $0x7800, s1;
	p1 =	sne.s32 s0, $0x1  }
0xd: {  	s4 =	sadd.s32 s4, s3;
	[dreg:$0x2] =	wrdreg s1;
	s3 =	sadd.s32 $0x1B37200, s3  }
0xe: {  	s1 =	sadd.s32 $0xFFFFFFFF, s0;
	s22 =	sadd.s32 $0x9800, s4;
	s23 =	sadd.s32 $0xA000, s4  }
0xf: {  	s24 =	sadd.s32 $0xA800, s4;
	s25 =	sadd.s32 $0xB000, s4;
	s0 =	rddreg [dreg:$0x2]  }
0x10: {  	s26 =	sadd.s32 $0xB800, s4;
	s21 =	sadd.s32 $0xC800, s4;
	[dreg:$0x3] =	wrdreg s22  }
0x11: {  	s18 =	sadd.s32 $0xD000, s4;
	s17 =	sadd.s32 $0xD800, s4;
	[dreg:$0x4] =	wrdreg s23  }
.Ltmp0:
0x12: {  	s14 =	sadd.s32 $0xE000, s4;
	[dreg:$0x5] =	wrdreg s24;
	(pc) =	sbr.rel @!p1 .LBB2_3-.Ltmp0, $4  }
0x13: {  	s13 =	sadd.s32 $0xE800, s4;
	s12 =	sadd.s32 $0xF000, s4;
	[dreg:$0x6] =	wrdreg s25  }
0x14: {  	s7 =	sadd.s32 $0xF800, s4;
	s5 =	sadd.s32 $0x10000, s4;
	[dreg:$0x7] =	wrdreg s26  }
0x15: {  	s22 =	sadd.s32 $0xC000, s4;
	s4 =	simm.s32 $0x3;
	s25 =	simm.s32 $0x300  }
0x16: {  	s26 =	simm.s32 $0x380;
	s23 =	simm.s32 $0x400;
	s24 =	simm.s32 $0x480  }
0x17: {  	[tilespmem:s2], [sflag:$0x3] =	stream.linear.gather [hbm4b:s0+s2], $0x700, $0x38;
	[tilespmem:$0x8800] =	vst v63  }
0x18: {  	_ =	swait.ge [sflag:s4], $0x700  }
0x19: {  	[sflag:s4] =	ssyncset.done $0x0  }
0x1a: {  	[sflag:s4] =	ssyncadd.s32 $0xFFFFF900  }
0x1b: {  	[tilespmem:s9], [sflag:$0x1] =	stream.indirect.gather [hbm4b:s3+s10], $0x80, s2, s10, $0xb8;
	[tilespmem:$0x8800] =	vst v63  }
0x1c: {  	_ = 	snop  }
0x1d: {  	[tilespmem:s6], [sflag:$0x2] =	stream.indirect.gather [hbm4b:s3+s10], $0x80, s10, s10, $0xb8;
	[tilespmem:$0x8800] =	vst v63  }
0x1e: {  	_ =	swait.ge [sflag:s11], $0x4000  }
0x1f: {  	[sflag:s11] =	ssyncset.done $0x0  }
0x20: {  	s0 =	rddreg [dreg:$0x3];
	[sflag:s11] =	ssyncadd.s32 $0xFFFFC000  }
0x21: {  	[hbm4b:s0+s2] =	stream.linear.scatter [tilespmem:s9], [sflag:$0x3], $0x4000, $0x38;
	[tilespmem:$0x8800] =	vst v63  }
0x22: {  	_ =	swait.ge [sflag:s4], $0x4000  }
0x23: {  	[sflag:s4] =	ssyncset.done $0x0  }
0x24: {  	[sflag:s4] =	ssyncadd.s32 $0xFFFFC000  }
0x25: {  	_ =	swait.ge [sflag:s8], $0x4000  }
0x26: {  	[sflag:s8] =	ssyncset.done $0x0  }
0x27: {  	s0 =	rddreg [dreg:$0x4];
	[sflag:s8] =	ssyncadd.s32 $0xFFFFC000  }
0x28: {  	[hbm4b:s0+s2] =	stream.linear.scatter [tilespmem:s6], [sflag:$0x3], $0x4000, $0x38;
	[tilespmem:$0x8800] =	vst v63  }
0x29: {  	_ =	swait.ge [sflag:s4], $0x4000  }
0x2a: {  	[sflag:s4] =	ssyncset.done $0x0  }
0x2b: {  	[sflag:s4] =	ssyncadd.s32 $0xFFFFC000  }
0x2c: {  	[tilespmem:s9], [sflag:$0x1] =	stream.indirect.gather [hbm4b:s3+s10], $0x80, s30, s10, $0xb8;
	[tilespmem:$0x8800] =	vst v63  }
0x2d: {  	_ = 	snop  }
0x2e: {  	[tilespmem:s6], [sflag:$0x2] =	stream.indirect.gather [hbm4b:s3+s10], $0x80, s31, s10, $0xb8;
	[tilespmem:$0x8800] =	vst v63  }
0x2f: {  	_ =	swait.ge [sflag:s11], $0x4000  }
0x30: {  	[sflag:s11] =	ssyncset.done $0x0  }
0x31: {  	s0 =	rddreg [dreg:$0x5];
	[sflag:s11] =	ssyncadd.s32 $0xFFFFC000  }
0x32: {  	[hbm4b:s0+s2] =	stream.linear.scatter [tilespmem:s9], [sflag:$0x3], $0x4000, $0x38;
	[tilespmem:$0x8800] =	vst v63  }
0x33: {  	_ =	swait.ge [sflag:s4], $0x4000  }
0x34: {  	[sflag:s4] =	ssyncset.done $0x0  }
0x35: {  	[sflag:s4] =	ssyncadd.s32 $0xFFFFC000  }
0x36: {  	_ =	swait.ge [sflag:s8], $0x4000  }
0x37: {  	[sflag:s8] =	ssyncset.done $0x0  }
0x38: {  	s0 =	rddreg [dreg:$0x6];
	[sflag:s8] =	ssyncadd.s32 $0xFFFFC000  }
0x39: {  	[hbm4b:s0+s2] =	stream.linear.scatter [tilespmem:s6], [sflag:$0x3], $0x4000, $0x38;
	[tilespmem:$0x8800] =	vst v63  }
0x3a: {  	_ =	swait.ge [sflag:s4], $0x4000  }
0x3b: {  	[sflag:s4] =	ssyncset.done $0x0  }
0x3c: {  	[sflag:s4] =	ssyncadd.s32 $0xFFFFC000  }
0x3d: {  	[tilespmem:s9], [sflag:$0x1] =	stream.indirect.gather [hbm4b:s3+s10], $0x80, s28, s10, $0xb8;
	[tilespmem:$0x8800] =	vst v63  }
0x3e: {  	_ = 	snop  }
0x3f: {  	[tilespmem:s6], [sflag:$0x2] =	stream.indirect.gather [hbm4b:s3+s10], $0x80, s29, s10, $0xb8;
	[tilespmem:$0x8800] =	vst v63  }
0x40: {  	_ =	swait.ge [sflag:s11], $0x4000  }
0x41: {  	[sflag:s11] =	ssyncset.done $0x0  }
0x42: {  	s0 =	rddreg [dreg:$0x7];
	[sflag:s11] =	ssyncadd.s32 $0xFFFFC000  }
0x43: {  	[hbm4b:s0+s2] =	stream.linear.scatter [tilespmem:s9], [sflag:$0x3], $0x4000, $0x38;
	[tilespmem:$0x8800] =	vst v63  }
0x44: {  	_ =	swait.ge [sflag:s4], $0x4000  }
0x45: {  	[sflag:s4] =	ssyncset.done $0x0  }
0x46: {  	[sflag:s4] =	ssyncadd.s32 $0xFFFFC000  }
0x47: {  	_ =	swait.ge [sflag:s8], $0x4000  }
0x48: {  	[sflag:s8] =	ssyncset.done $0x0  }
0x49: {  	[sflag:s8] =	ssyncadd.s32 $0xFFFFC000  }
0x4a: {  	[hbm4b:s22+s2] =	stream.linear.scatter [tilespmem:s6], [sflag:$0x3], $0x4000, $0x38;
	[tilespmem:$0x8800] =	vst v63  }
0x4b: {  	_ =	swait.ge [sflag:s4], $0x4000  }
0x4c: {  	[sflag:s4] =	ssyncset.done $0x0  }
0x4d: {  	[sflag:s4] =	ssyncadd.s32 $0xFFFFC000  }
0x4e: {  	[tilespmem:s9], [sflag:$0x1] =	stream.indirect.gather [hbm4b:s3+s10], $0x80, s25, s10, $0xb8;
	[tilespmem:$0x8800] =	vst v63  }
0x4f: {  	_ = 	snop  }
0x50: {  	[tilespmem:s6], [sflag:$0x2] =	stream.indirect.gather [hbm4b:s3+s10], $0x80, s26, s10, $0xb8;
	[tilespmem:$0x8800] =	vst v63  }
0x51: {  	_ =	swait.ge [sflag:s11], $0x4000  }
0x52: {  	[sflag:s11] =	ssyncset.done $0x0  }
0x53: {  	[sflag:s11] =	ssyncadd.s32 $0xFFFFC000  }
0x54: {  	[hbm4b:s21+s2] =	stream.linear.scatter [tilespmem:s9], [sflag:$0x3], $0x4000, $0x38;
	[tilespmem:$0x8800] =	vst v63  }
0x55: {  	_ =	swait.ge [sflag:s4], $0x4000  }
0x56: {  	[sflag:s4] =	ssyncset.done $0x0  }
0x57: {  	[sflag:s4] =	ssyncadd.s32 $0xFFFFC000  }
0x58: {  	_ =	swait.ge [sflag:s8], $0x4000  }
0x59: {  	[sflag:s8] =	ssyncset.done $0x0  }
0x5a: {  	[sflag:s8] =	ssyncadd.s32 $0xFFFFC000  }
0x5b: {  	[hbm4b:s18+s2] =	stream.linear.scatter [tilespmem:s6], [sflag:$0x3], $0x4000, $0x38;
	[tilespmem:$0x8800] =	vst v63  }
0x5c: {  	_ =	swait.ge [sflag:s4], $0x4000  }
0x5d: {  	[sflag:s4] =	ssyncset.done $0x0  }
0x5e: {  	[sflag:s4] =	ssyncadd.s32 $0xFFFFC000  }
0x5f: {  	[tilespmem:s9], [sflag:$0x1] =	stream.indirect.gather [hbm4b:s3+s10], $0x80, s23, s10, $0xb8;
	[tilespmem:$0x8800] =	vst v63  }
0x60: {  	_ = 	snop  }
0x61: {  	[tilespmem:s6], [sflag:$0x2] =	stream.indirect.gather [hbm4b:s3+s10], $0x80, s24, s10, $0xb8;
	[tilespmem:$0x8800] =	vst v63  }
0x62: {  	_ =	swait.ge [sflag:s11], $0x4000  }
0x63: {  	[sflag:s11] =	ssyncset.done $0x0  }
0x64: {  	[sflag:s11] =	ssyncadd.s32 $0xFFFFC000  }
0x65: {  	[hbm4b:s17+s2] =	stream.linear.scatter [tilespmem:s9], [sflag:$0x3], $0x4000, $0x38;
	[tilespmem:$0x8800] =	vst v63  }
0x66: {  	_ =	swait.ge [sflag:s4], $0x4000  }
0x67: {  	[sflag:s4] =	ssyncset.done $0x0  }
0x68: {  	[sflag:s4] =	ssyncadd.s32 $0xFFFFC000  }
0x69: {  	_ =	swait.ge [sflag:s8], $0x4000  }
0x6a: {  	[sflag:s8] =	ssyncset.done $0x0  }
0x6b: {  	[sflag:s8] =	ssyncadd.s32 $0xFFFFC000  }
0x6c: {  	[hbm4b:s14+s2] =	stream.linear.scatter [tilespmem:s6], [sflag:$0x3], $0x4000, $0x38;
	[tilespmem:$0x8800] =	vst v63  }
0x6d: {  	_ =	swait.ge [sflag:s4], $0x4000  }
0x6e: {  	[sflag:s4] =	ssyncset.done $0x0  }
0x6f: {  	[sflag:s4] =	ssyncadd.s32 $0xFFFFC000  }
0x70: {  	[tilespmem:s9], [sflag:$0x1] =	stream.indirect.gather [hbm4b:s3+s10], $0x80, s19, s10, $0xb8;
	[tilespmem:$0x8800] =	vst v63  }
0x71: {  	_ = 	snop  }
0x72: {  	[tilespmem:s6], [sflag:$0x2] =	stream.indirect.gather [hbm4b:s3+s10], $0x80, s20, s10, $0xb8;
	[tilespmem:$0x8800] =	vst v63  }
0x73: {  	_ =	swait.ge [sflag:s11], $0x4000  }
0x74: {  	[sflag:s11] =	ssyncset.done $0x0  }
0x75: {  	[sflag:s11] =	ssyncadd.s32 $0xFFFFC000  }
0x76: {  	[hbm4b:s13+s2] =	stream.linear.scatter [tilespmem:s9], [sflag:$0x3], $0x4000, $0x38;
	[tilespmem:$0x8800] =	vst v63  }
0x77: {  	_ =	swait.ge [sflag:s4], $0x4000  }
0x78: {  	[sflag:s4] =	ssyncset.done $0x0  }
0x79: {  	[sflag:s4] =	ssyncadd.s32 $0xFFFFC000  }
0x7a: {  	_ =	swait.ge [sflag:s8], $0x4000  }
0x7b: {  	[sflag:s8] =	ssyncset.done $0x0  }
0x7c: {  	[sflag:s8] =	ssyncadd.s32 $0xFFFFC000  }
0x7d: {  	[hbm4b:s12+s2] =	stream.linear.scatter [tilespmem:s6], [sflag:$0x3], $0x4000, $0x38;
	[tilespmem:$0x8800] =	vst v63  }
0x7e: {  	_ =	swait.ge [sflag:s4], $0x4000  }
0x7f: {  	[sflag:s4] =	ssyncset.done $0x0  }
0x80: {  	[sflag:s4] =	ssyncadd.s32 $0xFFFFC000  }
0x81: {  	[tilespmem:s9], [sflag:$0x1] =	stream.indirect.gather [hbm4b:s3+s10], $0x80, s15, s10, $0xb8;
	[tilespmem:$0x8800] =	vst v63  }
0x82: {  	_ = 	snop  }
0x83: {  	[tilespmem:s6], [sflag:$0x2] =	stream.indirect.gather [hbm4b:s3+s10], $0x80, s16, s10, $0xb8;
	[tilespmem:$0x8800] =	vst v63  }
0x84: {  	_ =	swait.ge [sflag:s11], $0x4000  }
0x85: {  	[sflag:s11] =	ssyncset.done $0x0  }
0x86: {  	[sflag:s11] =	ssyncadd.s32 $0xFFFFC000  }
0x87: {  	[hbm4b:s7+s2] =	stream.linear.scatter [tilespmem:s9], [sflag:$0x3], $0x4000, $0x38;
	[tilespmem:$0x8800] =	vst v63  }
0x88: {  	_ =	swait.ge [sflag:s4], $0x4000  }
0x89: {  	[sflag:s4] =	ssyncset.done $0x0  }
0x8a: {  	[sflag:s4] =	ssyncadd.s32 $0xFFFFC000  }
0x8b: {  	p1 =	sne.s32 s1, $0x1;
	_ =	swait.ge [sflag:s8], $0x4000  }
.Ltmp1:
0x8c: {  	[sflag:s8] =	ssyncset.done $0x0;
	(pc) =	sbr.rel @!p1 .LBB2_3-.Ltmp1, $4  }
0x8d: {  	[sflag:s8] =	ssyncadd.s32 $0xFFFFC000  }
0x8e: {  	[hbm4b:s5+s2] =	stream.linear.scatter [tilespmem:s6], [sflag:$0x3], $0x4000, $0x38;
	[tilespmem:$0x8800] =	vst v63  }
0x8f: {  	s1 =	sadd.s32 $0xFFFFFFFF, s1;
	_ =	swait.ge [sflag:s4], $0x4000  }
0x90: {  	p0 =	por $0x1, $0x1;
	s0 =	rddreg [dreg:$0x2];
	[sflag:s4] =	ssyncset.done $0x0  }
.LBB2_2:
0x91: {  	[sflag:s4] =	ssyncadd.s32 $0xFFFFC000  }
0x92: {  	[tilespmem:s2], [sflag:$0x3] =	stream.linear.gather [hbm4b:s0+s2], $0x700, $0x38;
	[tilespmem:$0x8800] =	vst v63  }
0x93: {  	_ =	swait.ge [sflag:s4], $0x700  }
0x94: {  	[sflag:s4] =	ssyncset.done $0x0  }
0x95: {  	[sflag:s4] =	ssyncadd.s32 $0xFFFFF900  }
0x96: {  	[tilespmem:s9], [sflag:$0x1] =	stream.indirect.gather [hbm4b:s3+s10], $0x80, s2, s10, $0xb8;
	[tilespmem:$0x8800] =	vst v63  }
0x97: {  	_ = 	snop  }
0x98: {  	[tilespmem:s6], [sflag:$0x2] =	stream.indirect.gather [hbm4b:s3+s10], $0x80, s10, s10, $0xb8;
	[tilespmem:$0x8800] =	vst v63  }
0x99: {  	_ =	swait.ge [sflag:s11], $0x4000  }
0x9a: {  	[sflag:s11] =	ssyncset.done $0x0  }
0x9b: {  	s0 =	rddreg [dreg:$0x3];
	[sflag:s11] =	ssyncadd.s32 $0xFFFFC000  }
0x9c: {  	[hbm4b:s0+s2] =	stream.linear.scatter [tilespmem:s9], [sflag:$0x3], $0x4000, $0x38;
	[tilespmem:$0x8800] =	vst v63  }
0x9d: {  	_ =	swait.ge [sflag:s4], $0x4000  }
0x9e: {  	[sflag:s4] =	ssyncset.done $0x0  }
0x9f: {  	[sflag:s4] =	ssyncadd.s32 $0xFFFFC000  }
0xa0: {  	_ =	swait.ge [sflag:s8], $0x4000  }
0xa1: {  	[sflag:s8] =	ssyncset.done $0x0  }
0xa2: {  	s0 =	rddreg [dreg:$0x4];
	[sflag:s8] =	ssyncadd.s32 $0xFFFFC000  }
0xa3: {  	[hbm4b:s0+s2] =	stream.linear.scatter [tilespmem:s6], [sflag:$0x3], $0x4000, $0x38;
	[tilespmem:$0x8800] =	vst v63  }
0xa4: {  	_ =	swait.ge [sflag:s4], $0x4000  }
0xa5: {  	[sflag:s4] =	ssyncset.done $0x0  }
0xa6: {  	[sflag:s4] =	ssyncadd.s32 $0xFFFFC000  }
0xa7: {  	[tilespmem:s9], [sflag:$0x1] =	stream.indirect.gather [hbm4b:s3+s10], $0x80, s30, s10, $0xb8;
	[tilespmem:$0x8800] =	vst v63  }
0xa8: {  	_ = 	snop  }
0xa9: {  	[tilespmem:s6], [sflag:$0x2] =	stream.indirect.gather [hbm4b:s3+s10], $0x80, s31, s10, $0xb8;
	[tilespmem:$0x8800] =	vst v63  }
0xaa: {  	_ =	swait.ge [sflag:s11], $0x4000  }
0xab: {  	[sflag:s11] =	ssyncset.done $0x0  }
0xac: {  	s0 =	rddreg [dreg:$0x5];
	[sflag:s11] =	ssyncadd.s32 $0xFFFFC000  }
0xad: {  	[hbm4b:s0+s2] =	stream.linear.scatter [tilespmem:s9], [sflag:$0x3], $0x4000, $0x38;
	[tilespmem:$0x8800] =	vst v63  }
0xae: {  	_ =	swait.ge [sflag:s4], $0x4000  }
0xaf: {  	[sflag:s4] =	ssyncset.done $0x0  }
0xb0: {  	[sflag:s4] =	ssyncadd.s32 $0xFFFFC000  }
0xb1: {  	_ =	swait.ge [sflag:s8], $0x4000  }
0xb2: {  	[sflag:s8] =	ssyncset.done $0x0  }
0xb3: {  	s0 =	rddreg [dreg:$0x6];
	[sflag:s8] =	ssyncadd.s32 $0xFFFFC000  }
0xb4: {  	[hbm4b:s0+s2] =	stream.linear.scatter [tilespmem:s6], [sflag:$0x3], $0x4000, $0x38;
	[tilespmem:$0x8800] =	vst v63  }
0xb5: {  	_ =	swait.ge [sflag:s4], $0x4000  }
0xb6: {  	[sflag:s4] =	ssyncset.done $0x0  }
0xb7: {  	[sflag:s4] =	ssyncadd.s32 $0xFFFFC000  }
0xb8: {  	[tilespmem:s9], [sflag:$0x1] =	stream.indirect.gather [hbm4b:s3+s10], $0x80, s28, s10, $0xb8;
	[tilespmem:$0x8800] =	vst v63  }
0xb9: {  	_ = 	snop  }
0xba: {  	[tilespmem:s6], [sflag:$0x2] =	stream.indirect.gather [hbm4b:s3+s10], $0x80, s29, s10, $0xb8;
	[tilespmem:$0x8800] =	vst v63  }
0xbb: {  	_ =	swait.ge [sflag:s11], $0x4000  }
0xbc: {  	[sflag:s11] =	ssyncset.done $0x0  }
0xbd: {  	s0 =	rddreg [dreg:$0x7];
	[sflag:s11] =	ssyncadd.s32 $0xFFFFC000  }
0xbe: {  	[hbm4b:s0+s2] =	stream.linear.scatter [tilespmem:s9], [sflag:$0x3], $0x4000, $0x38;
	[tilespmem:$0x8800] =	vst v63  }
0xbf: {  	_ =	swait.ge [sflag:s4], $0x4000  }
0xc0: {  	[sflag:s4] =	ssyncset.done $0x0  }
0xc1: {  	[sflag:s4] =	ssyncadd.s32 $0xFFFFC000  }
0xc2: {  	_ =	swait.ge [sflag:s8], $0x4000  }
0xc3: {  	[sflag:s8] =	ssyncset.done $0x0  }
0xc4: {  	[sflag:s8] =	ssyncadd.s32 $0xFFFFC000  }
0xc5: {  	[hbm4b:s22+s2] =	stream.linear.scatter [tilespmem:s6], [sflag:$0x3], $0x4000, $0x38;
	[tilespmem:$0x8800] =	vst v63  }
0xc6: {  	_ =	swait.ge [sflag:s4], $0x4000  }
0xc7: {  	[sflag:s4] =	ssyncset.done $0x0  }
0xc8: {  	[sflag:s4] =	ssyncadd.s32 $0xFFFFC000  }
0xc9: {  	[tilespmem:s9], [sflag:$0x1] =	stream.indirect.gather [hbm4b:s3+s10], $0x80, s25, s10, $0xb8;
	[tilespmem:$0x8800] =	vst v63  }
0xca: {  	_ = 	snop  }
0xcb: {  	[tilespmem:s6], [sflag:$0x2] =	stream.indirect.gather [hbm4b:s3+s10], $0x80, s26, s10, $0xb8;
	[tilespmem:$0x8800] =	vst v63  }
0xcc: {  	_ =	swait.ge [sflag:s11], $0x4000  }
0xcd: {  	[sflag:s11] =	ssyncset.done $0x0  }
0xce: {  	[sflag:s11] =	ssyncadd.s32 $0xFFFFC000  }
0xcf: {  	[hbm4b:s21+s2] =	stream.linear.scatter [tilespmem:s9], [sflag:$0x3], $0x4000, $0x38;
	[tilespmem:$0x8800] =	vst v63  }
0xd0: {  	_ =	swait.ge [sflag:s4], $0x4000  }
0xd1: {  	[sflag:s4] =	ssyncset.done $0x0  }
0xd2: {  	[sflag:s4] =	ssyncadd.s32 $0xFFFFC000  }
0xd3: {  	_ =	swait.ge [sflag:s8], $0x4000  }
0xd4: {  	[sflag:s8] =	ssyncset.done $0x0  }
0xd5: {  	[sflag:s8] =	ssyncadd.s32 $0xFFFFC000  }
0xd6: {  	[hbm4b:s18+s2] =	stream.linear.scatter [tilespmem:s6], [sflag:$0x3], $0x4000, $0x38;
	[tilespmem:$0x8800] =	vst v63  }
0xd7: {  	_ =	swait.ge [sflag:s4], $0x4000  }
0xd8: {  	[sflag:s4] =	ssyncset.done $0x0  }
0xd9: {  	[sflag:s4] =	ssyncadd.s32 $0xFFFFC000  }
0xda: {  	[tilespmem:s9], [sflag:$0x1] =	stream.indirect.gather [hbm4b:s3+s10], $0x80, s23, s10, $0xb8;
	[tilespmem:$0x8800] =	vst v63  }
0xdb: {  	_ = 	snop  }
0xdc: {  	[tilespmem:s6], [sflag:$0x2] =	stream.indirect.gather [hbm4b:s3+s10], $0x80, s24, s10, $0xb8;
	[tilespmem:$0x8800] =	vst v63  }
0xdd: {  	_ =	swait.ge [sflag:s11], $0x4000  }
0xde: {  	[sflag:s11] =	ssyncset.done $0x0  }
0xdf: {  	[sflag:s11] =	ssyncadd.s32 $0xFFFFC000  }
0xe0: {  	[hbm4b:s17+s2] =	stream.linear.scatter [tilespmem:s9], [sflag:$0x3], $0x4000, $0x38;
	[tilespmem:$0x8800] =	vst v63  }
0xe1: {  	_ =	swait.ge [sflag:s4], $0x4000  }
0xe2: {  	[sflag:s4] =	ssyncset.done $0x0  }
0xe3: {  	[sflag:s4] =	ssyncadd.s32 $0xFFFFC000  }
0xe4: {  	_ =	swait.ge [sflag:s8], $0x4000  }
0xe5: {  	[sflag:s8] =	ssyncset.done $0x0  }
0xe6: {  	[sflag:s8] =	ssyncadd.s32 $0xFFFFC000  }
0xe7: {  	[hbm4b:s14+s2] =	stream.linear.scatter [tilespmem:s6], [sflag:$0x3], $0x4000, $0x38;
	[tilespmem:$0x8800] =	vst v63  }
0xe8: {  	_ =	swait.ge [sflag:s4], $0x4000  }
0xe9: {  	[sflag:s4] =	ssyncset.done $0x0  }
0xea: {  	[sflag:s4] =	ssyncadd.s32 $0xFFFFC000  }
0xeb: {  	[tilespmem:s9], [sflag:$0x1] =	stream.indirect.gather [hbm4b:s3+s10], $0x80, s19, s10, $0xb8;
	[tilespmem:$0x8800] =	vst v63  }
0xec: {  	_ = 	snop  }
0xed: {  	[tilespmem:s6], [sflag:$0x2] =	stream.indirect.gather [hbm4b:s3+s10], $0x80, s20, s10, $0xb8;
	[tilespmem:$0x8800] =	vst v63  }
0xee: {  	_ =	swait.ge [sflag:s11], $0x4000  }
0xef: {  	[sflag:s11] =	ssyncset.done $0x0  }
0xf0: {  	[sflag:s11] =	ssyncadd.s32 $0xFFFFC000  }
0xf1: {  	[hbm4b:s13+s2] =	stream.linear.scatter [tilespmem:s9], [sflag:$0x3], $0x4000, $0x38;
	[tilespmem:$0x8800] =	vst v63  }
0xf2: {  	_ =	swait.ge [sflag:s4], $0x4000  }
0xf3: {  	[sflag:s4] =	ssyncset.done $0x0  }
0xf4: {  	[sflag:s4] =	ssyncadd.s32 $0xFFFFC000  }
0xf5: {  	_ =	swait.ge [sflag:s8], $0x4000  }
0xf6: {  	[sflag:s8] =	ssyncset.done $0x0  }
0xf7: {  	[sflag:s8] =	ssyncadd.s32 $0xFFFFC000  }
0xf8: {  	[hbm4b:s12+s2] =	stream.linear.scatter [tilespmem:s6], [sflag:$0x3], $0x4000, $0x38;
	[tilespmem:$0x8800] =	vst v63  }
0xf9: {  	_ =	swait.ge [sflag:s4], $0x4000  }
0xfa: {  	[sflag:s4] =	ssyncset.done $0x0  }
0xfb: {  	[sflag:s4] =	ssyncadd.s32 $0xFFFFC000  }
0xfc: {  	[tilespmem:s9], [sflag:$0x1] =	stream.indirect.gather [hbm4b:s3+s10], $0x80, s15, s10, $0xb8;
	[tilespmem:$0x8800] =	vst v63  }
0xfd: {  	_ = 	snop  }
0xfe: {  	[tilespmem:s6], [sflag:$0x2] =	stream.indirect.gather [hbm4b:s3+s10], $0x80, s16, s10, $0xb8;
	[tilespmem:$0x8800] =	vst v63  }
0xff: {  	_ =	swait.ge [sflag:s11], $0x4000  }
0x100: {  	[sflag:s11] =	ssyncset.done $0x0  }
0x101: {  	[sflag:s11] =	ssyncadd.s32 $0xFFFFC000  }
0x102: {  	[hbm4b:s7+s2] =	stream.linear.scatter [tilespmem:s9], [sflag:$0x3], $0x4000, $0x38;
	[tilespmem:$0x8800] =	vst v63  }
0x103: {  	_ =	swait.ge [sflag:s4], $0x4000  }
0x104: {  	[sflag:s4] =	ssyncset.done $0x0  }
0x105: {  	[sflag:s4] =	ssyncadd.s32 $0xFFFFC000  }
0x106: {  	p1 =	sne.s32 s1, $0x1;
	_ =	swait.ge [sflag:s8], $0x4000  }
.Ltmp2:
0x107: {  	[sflag:s8] =	ssyncset.done $0x0;
	(pc) =	sbr.rel @p1 .LBB2_2-.Ltmp2, $4  }
0x108: {  	[sflag:s8] =	ssyncadd.s32 $0xFFFFC000  }
0x109: {  	[hbm4b:s5+s2] =	stream.linear.scatter [tilespmem:s6], [sflag:$0x3], $0x4000, $0x38;
	[tilespmem:$0x8800] =	vst v63  }
0x10a: {  	_ =	swait.ge [sflag:s4], $0x4000  }
0x10b: {  	s1 =	sadd.s32 $0xFFFFFFFF, s1;
	s0 =	rddreg [dreg:$0x2];
	[sflag:s4] =	ssyncset.done $0x0  }
.LBB2_3:
0x10c: {  	[sflag:s4] =	ssyncadd.s32 @p0 $0xFFFFC000  }
0x10d: {  	[tilespmem:s2], [sflag:$0x3] =	stream.linear.gather [hbm4b:s0+s2], $0x700, $0x38;
	[tilespmem:$0x8800] =	vst v63  }
0x10e: {  	_ =	swait.ge [sflag:s4], $0x700  }
0x10f: {  	[sflag:s4] =	ssyncset.done $0x0  }
0x110: {  	[sflag:s4] =	ssyncadd.s32 $0xFFFFF900  }
0x111: {  	[tilespmem:s9], [sflag:$0x1] =	stream.indirect.gather [hbm4b:s3+s10], $0x80, s2, s10, $0xb8;
	[tilespmem:$0x8800] =	vst v63  }
0x112: {  	_ = 	snop  }
0x113: {  	[tilespmem:s6], [sflag:$0x2] =	stream.indirect.gather [hbm4b:s3+s10], $0x80, s10, s10, $0xb8;
	[tilespmem:$0x8800] =	vst v63  }
0x114: {  	_ =	swait.ge [sflag:s11], $0x4000  }
0x115: {  	[sflag:s11] =	ssyncset.done $0x0  }
0x116: {  	s1 =	rddreg [dreg:$0x3];
	[sflag:s11] =	ssyncadd.s32 $0xFFFFC000  }
0x117: {  	[hbm4b:s1+s2] =	stream.linear.scatter [tilespmem:s9], [sflag:$0x3], $0x4000, $0x38;
	[tilespmem:$0x8800] =	vst v63  }
0x118: {  	_ =	swait.ge [sflag:s4], $0x4000  }
0x119: {  	[sflag:s4] =	ssyncset.done $0x0  }
0x11a: {  	[sflag:s4] =	ssyncadd.s32 $0xFFFFC000  }
0x11b: {  	_ =	swait.ge [sflag:s8], $0x4000  }
0x11c: {  	[sflag:s8] =	ssyncset.done $0x0  }
0x11d: {  	s1 =	rddreg [dreg:$0x4];
	[sflag:s8] =	ssyncadd.s32 $0xFFFFC000  }
0x11e: {  	[hbm4b:s1+s2] =	stream.linear.scatter [tilespmem:s6], [sflag:$0x3], $0x4000, $0x38;
	[tilespmem:$0x8800] =	vst v63  }
0x11f: {  	_ =	swait.ge [sflag:s4], $0x4000  }
0x120: {  	[sflag:s4] =	ssyncset.done $0x0  }
0x121: {  	[sflag:s4] =	ssyncadd.s32 $0xFFFFC000  }
0x122: {  	[tilespmem:s9], [sflag:$0x1] =	stream.indirect.gather [hbm4b:s3+s10], $0x80, s30, s10, $0xb8;
	[tilespmem:$0x8800] =	vst v63  }
0x123: {  	_ = 	snop  }
0x124: {  	[tilespmem:s6], [sflag:$0x2] =	stream.indirect.gather [hbm4b:s3+s10], $0x80, s31, s10, $0xb8;
	[tilespmem:$0x8800] =	vst v63  }
0x125: {  	_ =	swait.ge [sflag:s11], $0x4000  }
0x126: {  	[sflag:s11] =	ssyncset.done $0x0  }
0x127: {  	s31 =	rddreg [dreg:$0x5];
	[sflag:s11] =	ssyncadd.s32 $0xFFFFC000  }
0x128: {  	[hbm4b:s31+s2] =	stream.linear.scatter [tilespmem:s9], [sflag:$0x3], $0x4000, $0x38;
	[tilespmem:$0x8800] =	vst v63  }
0x129: {  	_ =	swait.ge [sflag:s4], $0x4000  }
0x12a: {  	[sflag:s4] =	ssyncset.done $0x0  }
0x12b: {  	[sflag:s4] =	ssyncadd.s32 $0xFFFFC000  }
0x12c: {  	_ =	swait.ge [sflag:s8], $0x4000  }
0x12d: {  	[sflag:s8] =	ssyncset.done $0x0  }
0x12e: {  	s1 =	rddreg [dreg:$0x6];
	[sflag:s8] =	ssyncadd.s32 $0xFFFFC000  }
0x12f: {  	[hbm4b:s1+s2] =	stream.linear.scatter [tilespmem:s6], [sflag:$0x3], $0x4000, $0x38;
	[tilespmem:$0x8800] =	vst v63  }
0x130: {  	_ =	swait.ge [sflag:s4], $0x4000  }
0x131: {  	[sflag:s4] =	ssyncset.done $0x0  }
0x132: {  	[sflag:s4] =	ssyncadd.s32 $0xFFFFC000  }
0x133: {  	[tilespmem:s9], [sflag:$0x1] =	stream.indirect.gather [hbm4b:s3+s10], $0x80, s28, s10, $0xb8;
	[tilespmem:$0x8800] =	vst v63  }
0x134: {  	_ = 	snop  }
0x135: {  	[tilespmem:s6], [sflag:$0x2] =	stream.indirect.gather [hbm4b:s3+s10], $0x80, s29, s10, $0xb8;
	[tilespmem:$0x8800] =	vst v63  }
0x136: {  	_ =	swait.ge [sflag:s11], $0x4000  }
0x137: {  	[sflag:s11] =	ssyncset.done $0x0  }
0x138: {  	s30 =	rddreg [dreg:$0x7];
	[sflag:s11] =	ssyncadd.s32 $0xFFFFC000  }
0x139: {  	[hbm4b:s30+s2] =	stream.linear.scatter [tilespmem:s9], [sflag:$0x3], $0x4000, $0x38;
	[tilespmem:$0x8800] =	vst v63  }
0x13a: {  	_ =	swait.ge [sflag:s4], $0x4000  }
0x13b: {  	[sflag:s4] =	ssyncset.done $0x0  }
0x13c: {  	[sflag:s4] =	ssyncadd.s32 $0xFFFFC000  }
0x13d: {  	_ =	swait.ge [sflag:s8], $0x4000  }
0x13e: {  	[sflag:s8] =	ssyncset.done $0x0  }
0x13f: {  	[sflag:s8] =	ssyncadd.s32 $0xFFFFC000  }
0x140: {  	[hbm4b:s22+s2] =	stream.linear.scatter [tilespmem:s6], [sflag:$0x3], $0x4000, $0x38;
	[tilespmem:$0x8800] =	vst v63  }
0x141: {  	_ =	swait.ge [sflag:s4], $0x4000  }
0x142: {  	[sflag:s4] =	ssyncset.done $0x0  }
0x143: {  	[sflag:s4] =	ssyncadd.s32 $0xFFFFC000  }
0x144: {  	[tilespmem:s9], [sflag:$0x1] =	stream.indirect.gather [hbm4b:s3+s10], $0x80, s25, s10, $0xb8;
	[tilespmem:$0x8800] =	vst v63  }
0x145: {  	_ = 	snop  }
0x146: {  	[tilespmem:s6], [sflag:$0x2] =	stream.indirect.gather [hbm4b:s3+s10], $0x80, s26, s10, $0xb8;
	[tilespmem:$0x8800] =	vst v63  }
0x147: {  	_ =	swait.ge [sflag:s11], $0x4000  }
0x148: {  	[sflag:s11] =	ssyncset.done $0x0  }
0x149: {  	[sflag:s11] =	ssyncadd.s32 $0xFFFFC000  }
0x14a: {  	[hbm4b:s21+s2] =	stream.linear.scatter [tilespmem:s9], [sflag:$0x3], $0x4000, $0x38;
	[tilespmem:$0x8800] =	vst v63  }
0x14b: {  	_ =	swait.ge [sflag:s4], $0x4000  }
0x14c: {  	[sflag:s4] =	ssyncset.done $0x0  }
0x14d: {  	[sflag:s4] =	ssyncadd.s32 $0xFFFFC000  }
0x14e: {  	_ =	swait.ge [sflag:s8], $0x4000  }
0x14f: {  	[sflag:s8] =	ssyncset.done $0x0  }
0x150: {  	[sflag:s8] =	ssyncadd.s32 $0xFFFFC000  }
0x151: {  	[hbm4b:s18+s2] =	stream.linear.scatter [tilespmem:s6], [sflag:$0x3], $0x4000, $0x38;
	[tilespmem:$0x8800] =	vst v63  }
0x152: {  	_ =	swait.ge [sflag:s4], $0x4000  }
0x153: {  	[sflag:s4] =	ssyncset.done $0x0  }
0x154: {  	[sflag:s4] =	ssyncadd.s32 $0xFFFFC000  }
0x155: {  	[tilespmem:s9], [sflag:$0x1] =	stream.indirect.gather [hbm4b:s3+s10], $0x80, s23, s10, $0xb8;
	[tilespmem:$0x8800] =	vst v63  }
0x156: {  	_ = 	snop  }
0x157: {  	[tilespmem:s6], [sflag:$0x2] =	stream.indirect.gather [hbm4b:s3+s10], $0x80, s24, s10, $0xb8;
	[tilespmem:$0x8800] =	vst v63  }
0x158: {  	_ =	swait.ge [sflag:s11], $0x4000  }
0x159: {  	[sflag:s11] =	ssyncset.done $0x0  }
0x15a: {  	[sflag:s11] =	ssyncadd.s32 $0xFFFFC000  }
0x15b: {  	[hbm4b:s17+s2] =	stream.linear.scatter [tilespmem:s9], [sflag:$0x3], $0x4000, $0x38;
	[tilespmem:$0x8800] =	vst v63  }
0x15c: {  	_ =	swait.ge [sflag:s4], $0x4000  }
0x15d: {  	[sflag:s4] =	ssyncset.done $0x0  }
0x15e: {  	[sflag:s4] =	ssyncadd.s32 $0xFFFFC000  }
0x15f: {  	_ =	swait.ge [sflag:s8], $0x4000  }
0x160: {  	[sflag:s8] =	ssyncset.done $0x0  }
0x161: {  	[sflag:s8] =	ssyncadd.s32 $0xFFFFC000  }
0x162: {  	[hbm4b:s14+s2] =	stream.linear.scatter [tilespmem:s6], [sflag:$0x3], $0x4000, $0x38;
	[tilespmem:$0x8800] =	vst v63  }
0x163: {  	_ =	swait.ge [sflag:s4], $0x4000  }
0x164: {  	[sflag:s4] =	ssyncset.done $0x0  }
0x165: {  	[sflag:s4] =	ssyncadd.s32 $0xFFFFC000  }
0x166: {  	[tilespmem:s9], [sflag:$0x1] =	stream.indirect.gather [hbm4b:s3+s10], $0x80, s19, s10, $0xb8;
	[tilespmem:$0x8800] =	vst v63  }
0x167: {  	_ = 	snop  }
0x168: {  	[tilespmem:s6], [sflag:$0x2] =	stream.indirect.gather [hbm4b:s3+s10], $0x80, s20, s10, $0xb8;
	[tilespmem:$0x8800] =	vst v63  }
0x169: {  	_ =	swait.ge [sflag:s11], $0x4000  }
0x16a: {  	[sflag:s11] =	ssyncset.done $0x0  }
0x16b: {  	[sflag:s11] =	ssyncadd.s32 $0xFFFFC000  }
0x16c: {  	[hbm4b:s13+s2] =	stream.linear.scatter [tilespmem:s9], [sflag:$0x3], $0x4000, $0x38;
	[tilespmem:$0x8800] =	vst v63  }
0x16d: {  	_ =	swait.ge [sflag:s4], $0x4000  }
0x16e: {  	[sflag:s4] =	ssyncset.done $0x0  }
0x16f: {  	[sflag:s4] =	ssyncadd.s32 $0xFFFFC000  }
0x170: {  	_ =	swait.ge [sflag:s8], $0x4000  }
0x171: {  	[sflag:s8] =	ssyncset.done $0x0  }
0x172: {  	[sflag:s8] =	ssyncadd.s32 $0xFFFFC000  }
0x173: {  	[hbm4b:s12+s2] =	stream.linear.scatter [tilespmem:s6], [sflag:$0x3], $0x4000, $0x38;
	[tilespmem:$0x8800] =	vst v63  }
0x174: {  	_ =	swait.ge [sflag:s4], $0x4000  }
0x175: {  	[sflag:s4] =	ssyncset.done $0x0  }
0x176: {  	[sflag:s4] =	ssyncadd.s32 $0xFFFFC000  }
0x177: {  	[tilespmem:s9], [sflag:$0x1] =	stream.indirect.gather [hbm4b:s3+s10], $0x80, s15, s10, $0xb8;
	[tilespmem:$0x8800] =	vst v63  }
0x178: {  	_ = 	snop  }
0x179: {  	[tilespmem:s6], [sflag:$0x2] =	stream.indirect.gather [hbm4b:s3+s10], $0x80, s16, s10, $0xb8;
	[tilespmem:$0x8800] =	vst v63  }
0x17a: {  	_ =	swait.ge [sflag:s11], $0x4000  }
0x17b: {  	[sflag:s11] =	ssyncset.done $0x0  }
0x17c: {  	[sflag:s11] =	ssyncadd.s32 $0xFFFFC000  }
0x17d: {  	[hbm4b:s7+s2] =	stream.linear.scatter [tilespmem:s9], [sflag:$0x3], $0x4000, $0x38;
	[tilespmem:$0x8800] =	vst v63  }
0x17e: {  	_ =	swait.ge [sflag:s4], $0x4000  }
0x17f: {  	[sflag:s4] =	ssyncset.done $0x0  }
0x180: {  	[sflag:s4] =	ssyncadd.s32 $0xFFFFC000  }
0x181: {  	_ =	swait.ge [sflag:s8], $0x4000  }
0x182: {  	[sflag:s8] =	ssyncset.done $0x0  }
0x183: {  	[sflag:s8] =	ssyncadd.s32 $0xFFFFC000  }
0x184: {  	[hbm4b:s5+s2] =	stream.linear.scatter [tilespmem:s6], [sflag:$0x3], $0x4000, $0x38;
	[tilespmem:$0x8800] =	vst v63  }
0x185: {  	_ =	swait.ge [sflag:s4], $0x4000  }
0x186: {  	[sflag:s4] =	ssyncset.done $0x0  }
0x187: {  	[sflag:s4] =	ssyncadd.s32 $0xFFFFC000  }
0x188: {  	_ =	sfence.sel $0x180000  }
0x189: {  	[bflag:$0x0] =	sbarrier.arrive $0xFFFF  }
0x18a: {  	_ =	strace $0x9000005C  }
0x18b: {  	s31 =	stileid.u32;
	[bflag:$0x2] =	sbarrier.arrive $0xFFFF  }
0x18c: {  	p0 =	sne.s32 s31, $0x0;
	s0 =	rddreg [dreg:$0x1]  }
0x18d: {  	s0 =	sadd.s32 @!p0 $0x100000, s0  }
0x18e: {  	[sflag:s0] =	ssyncadd.tile.s32 @!p0 $0x1;
	_ =	shalt  }
.Lfunc_end2:
_tile_overlayer_lowered:
.L_overlay_start_2:
0x18f: {  	(tag) =	ssettag $0x2  }
0x190: {  	s0 =	rddreg [dreg:$0x0];
	s2 =	stileid.u32  }
0x191: {  	s1 =	rddreg [dreg:$0x1];
	p0 =	sne.s32 s2, $0x0  }
0x192: {  	s3 =	rddreg [dreg:$0x2];
	[bflag:$0x3] =	sbarrier.arrive $0xFFFF;
	s2 =	simm.s32 @!p0 $0x1C03  }
0x193: {  	[timem:s3], [sflag:s2] =	dma.local @!p0 [hbm:s0], s1  }
0x194: {  	s0 =	simm.s32 @!p0 $0x3  }
0x195: {  	_ =	swait.ge @!p0 [sflag:s0], s1  }
0x196: {  	s1 =	ssub.s32 @!p0 $0x0, s1;
	[sflag:s0] =	ssyncset.done @!p0 $0x0  }
0x197: {  	[sflag:s0] =	ssyncadd.s32 @!p0 s1  }
0x198: {  	[bflag:$0x3] =	sbarrier.arrive $0xFFFF  }
0x199: {  	_ =	shalt  }

// kernel: kernel.45.cloned.1.call-start
scs
__scs_entry_jumppad:
0x0: {  	(pc) =	sbr.rel $0x88, $3  }
0x1: {  	(tag) =	ssettag $0x0;
	lr =	simm.s32 $0x1  }
0x2: {  	[smem:$0x3F92] =	sst lr;
	_ =	strace $0xD0000000  }
0x3: {  	_ = 	snop  }
0x4: {  	_ = 	snop  }
0x5: {  	_ = 	snop  }
0x6: {  	_ = 	snop  }
0x7: {  	_ = 	snop  }
__scs_overlays_trampoline_lowered:
0x8: {  	[smem:$0x3FA1] =	sst s0  }
0x9: {  	[smem:$0x3FA2] =	sst s1  }
0xa: {  	[smem:$0x3FA3] =	sst s2  }
0xb: {  	[smem:$0x3FA4] =	sst s3  }
0xc: {  	[smem:$0x3FA5] =	sst s4  }
0xd: {  	[smem:$0x3FA6] =	sst s5  }
0xe: {  	[smem:$0x3FA7] =	sst s6  }
0xf: {  	[smem:$0x3FA8] =	sst s7  }
0x10: {  	[smem:$0x3FA9] =	sst s8  }
0x11: {  	[smem:$0x3FAA] =	sst s9;
	s0 =	simm.s32 @!p0 $0x0  }
0x12: {  	s1 =	sld [smem:$0x3F90];
	s0 =	simm.s32 @p0 $0x1  }
0x13: {  	[smem:$0x3FAB] =	sst s0;
	s0 =	simm.s32 @!p1 $0x0  }
0x14: {  	s2 =	sld [smem:$0x3F8F];
	s0 =	simm.s32 @p1 $0x1  }
0x15: {  	[smem:$0x3FAC] =	sst s0;
	s0 =	simm.s32 @!p2 $0x0  }
0x16: {  	s3 =	sld [smem:$0x3FDB];
	s0 =	simm.s32 @p2 $0x1  }
0x17: {  	s4 =	simm.s32 $0x1BF5;
	[smem:$0x3FAE] =	sst s0  }
0x18: {  	s0 =	sld [smem:$0x3F91];
	_ =	swait.ge [sflag:s4], $0x0  }
0x19: {  	s7 =	sld [smem:$0x3F92]  }
0x1a: {  	s8 =	sadd.s32 $0xFFFFE003, lr  }
0x1b: {  	s9 =	sadd.s32 $0xFFFFFEF7, lr;
	s5 =	simm.s32 $0xFFFFFFFF;
	p2 =	slt.u32 s8, $0xFFFFF086  }
0x1c: {  	p1 =	slt.u32 s9, $0xF7A;
	s5 =	simm.s32 @!p2 $0x0  }
0x1d: {  	s5 =	simm.s32 @p1 $0x1;
	p0 =	seq.s32 s7, s2  }
0x1e: {  	s7 =	smul.u32 @!p0 $0xF7A, s2;
	p2 =	seq.s32 @!p0 s5, $0x0  }
0x1f: {  	s9 =	smul.u32 $0xF7A, s1;
	s8 =	simm.s32 @!p0 $0x1BF5;
	p2 =	por !p2, p0  }
0x20: {  	[sflag:s8] =	ssyncset.s32 @!p0 $0xFFFFF086;
	s6 =	sadd.s32 @!p0 s3, s7;
	s7 =	simm.s32 @!p0 $0x108  }
0x21: {  	s3 =	sadd.s32 s3, s9;
	s6 =	sadd.s32 @!p0 $0x88, s6;
	s7 =	simm.s32 @p2 $0x1082  }
0x22: {  	[simem:s7], [sflag:s8] =	dma.local @!p0 [hbm:s6], $0xF7A  }
0x23: {  	s9 =	sor.u32 $0xD0000000, s2;
	s6 =	simm.s32 $0x108;
	_ =	swait.ge @!p0 [sflag:s8], $0x0  }
0x24: {  	s3 =	sadd.s32 $0x88, s3;
	s6 =	simm.s32 @!p1 $0x1082;
	[sflag:s4] =	ssyncset.s32 $0xFFFFF086  }
0x25: {  	[simem:s6], [sflag:s4] =	dma.local [hbm:s3], $0xF7A  }
0x26: {  	[smem:$0x3F92] =	sst s1;
	(tag) =	ssettag s2;
	_ =	strace s9  }
0x27: {  	s1 =	sld [smem:$0x3FA2]  }
0x28: {  	s2 =	sld [smem:$0x3FA3]  }
0x29: {  	s4 =	sld [smem:$0x3FA5]  }
0x2a: {  	p0 =	seq.s32 s5, $0x0;
	s5 =	sld [smem:$0x3FA6]  }
0x2b: {  	s6 =	sld [smem:$0x3FA7]  }
0x2c: {  	s7 =	sld [smem:$0x3FA8]  }
0x2d: {  	s3 =	simm.s32 $0x108;
	s8 =	sld [smem:$0x3FA9]  }
0x2e: {  	s3 =	simm.s32 @!p0 $0x1082;
	s9 =	sld [smem:$0x3FAA]  }
0x2f: {  	lr =	sadd.s32 s0, s3;
	s0 =	sld [smem:$0x3FA1]  }
0x30: {  	s3 =	sld [smem:$0x3FA4]  }
0x31: {  	[smem:$0x3FAD] =	sst s10  }
0x32: {  	s10 =	sld [smem:$0x3FAB];
	_ =	sdelay $0x3  }
0x33: {  	p0 =	seq.s32 s10, $0x1;
	s10 =	sld [smem:$0x3FAD];
	_ =	sdelay $0x3  }
0x34: {  	[smem:$0x3FAD] =	sst s10  }
0x35: {  	s10 =	sld [smem:$0x3FAC];
	_ =	sdelay $0x3  }
0x36: {  	p1 =	seq.s32 s10, $0x1;
	s10 =	sld [smem:$0x3FAD];
	_ =	sdelay $0x3  }
0x37: {  	[smem:$0x3FAD] =	sst s10  }
0x38: {  	s10 =	sld [smem:$0x3FAE]  }
0x39: {  	_ = 	snop;
	(pc) =	sbr.ind lr, $3  }
0x3a: {  	_ = 	snop  }
0x3b: {  	_ = 	snop  }
0x3c: {  	p2 =	seq.s32 s10, $0x1;
	s10 =	sld [smem:$0x3FAD]  }
0x3d: {  	_ =	shalt  }
0x3e: {  	_ =	shalt  }
0x3f: {  	_ =	shalt  }
0x40: {  	_ =	shalt  }
0x41: {  	_ =	shalt  }
0x42: {  	_ =	shalt  }
0x43: {  	_ =	shalt  }
0x44: {  	_ =	shalt  }
0x45: {  	_ =	shalt  }
0x46: {  	_ =	shalt  }
0x47: {  	_ =	shalt  }
0x48: {  	_ =	shalt  }
0x49: {  	_ =	shalt  }
0x4a: {  	_ =	shalt  }
0x4b: {  	_ =	shalt  }
0x4c: {  	_ =	shalt  }
0x4d: {  	_ =	shalt  }
0x4e: {  	_ =	shalt  }
0x4f: {  	_ =	shalt  }
0x50: {  	_ =	shalt  }
0x51: {  	_ =	shalt  }
0x52: {  	_ =	shalt  }
0x53: {  	_ =	shalt  }
0x54: {  	_ =	shalt  }
0x55: {  	_ =	shalt  }
0x56: {  	_ =	shalt  }
0x57: {  	_ =	shalt  }
0x58: {  	_ =	shalt  }
0x59: {  	_ =	shalt  }
0x5a: {  	_ =	shalt  }
0x5b: {  	_ =	shalt  }
0x5c: {  	_ =	shalt  }
0x5d: {  	_ =	shalt  }
0x5e: {  	_ =	shalt  }
0x5f: {  	_ =	shalt  }
0x60: {  	_ =	shalt  }
0x61: {  	_ =	shalt  }
0x62: {  	_ =	shalt  }
0x63: {  	_ =	shalt  }
0x64: {  	_ =	shalt  }
0x65: {  	_ =	shalt  }
0x66: {  	_ =	shalt  }
0x67: {  	_ =	shalt  }
0x68: {  	_ =	shalt  }
0x69: {  	_ =	shalt  }
0x6a: {  	_ =	shalt  }
0x6b: {  	_ =	shalt  }
0x6c: {  	_ =	shalt  }
0x6d: {  	_ =	shalt  }
0x6e: {  	_ =	shalt  }
0x6f: {  	_ =	shalt  }
0x70: {  	_ =	shalt  }
0x71: {  	_ =	shalt  }
0x72: {  	_ =	shalt  }
0x73: {  	_ =	shalt  }
0x74: {  	_ =	shalt  }
0x75: {  	_ =	shalt  }
0x76: {  	_ =	shalt  }
0x77: {  	_ =	shalt  }
0x78: {  	_ =	shalt  }
0x79: {  	_ =	shalt  }
0x7a: {  	_ =	shalt  }
0x7b: {  	_ =	shalt  }
0x7c: {  	_ =	shalt  }
0x7d: {  	_ =	shalt  }
0x7e: {  	_ =	shalt  }
0x7f: {  	_ =	shalt  }
0x80: {  	_ =	shalt  }
0x81: {  	_ =	shalt  }
0x82: {  	_ =	shalt  }
0x83: {  	_ =	shalt  }
0x84: {  	_ =	shalt  }
0x85: {  	_ =	shalt  }
0x86: {  	_ =	shalt  }
0x87: {  	_ =	shalt  }
.Lfunc_end0:
.L_simem_size_0:
called_computation.8_lowered:
.L_overlay_start_0:
0x88: {  	s2 =	sld [smem:$0x3FD9]  }
0x89: {  	s3 =	sld [smem:$0x3FFE];
	_ =	sdelay $0x1  }
0x8a: {  	s1 =	srdreg.scid  }
0x8b: {  	s0 =	sand.u32 $0x1, s1  }
0x8c: {  	s16 =	sshll.u32 s0, $0xA;
	s2 =	sadd.s32 s3, s2  }
0x8d: {  	s2 =	sadd.s32 s2, s16  }
0x8e: {  	[smem:$0x3FB9] =	sst s2  }
0x8f: {  	_ = 	snop  }
0x90: {  	(tm) =	ssettm $0x1  }
0x91: {  	s17 =	sld [smem:$0x3FFB];
	_ =	sdelay $0x3  }
0x92: {  	_ =	strace s17  }
0x93: {  	s2 =	sld [smem:$0x3FFC];
	_ =	sdelay $0x3  }
0x94: {  	_ =	strace s2  }
0x95: {  	s2 =	sld [smem:$0x3FFD];
	_ =	sdelay $0x3  }
0x96: {  	_ =	strace s2  }
0x97: {  	_ =	strace $0x8FFFFFFF  }
0x98: {  	s18 =	sld [smem:$0x3FDB];
	_ =	sdelay $0x1  }
0x99: {  	s19 =	simm.s32 $_scs_section_size  }
0x9a: {  	s4 =	simm.s32 $_size__tile_overlayer_lowered;
	s5 =	simm.s32 $_tile_overlayer_lowered  }
0x9b: {  	s22 =	simm.s32 $0x1BFF;
	s21 =	sshll.u32 s5, $0x1;
	s2 =	sadd.s32 s19, s18  }
0x9c: {  	s6 =	simm.s32 $0x0;
	s20 =	sshll.u32 s4, $0x1;
	s4 =	sadd.s32 s21, s2  }
0x9d: {  	[timem:s6], [sflag:s22] =	dma.local [hbm:s4], s20  }
0x9e: {  	_ =	swait.ge [sflag:s22], s20  }
0x9f: {  	s3 =	ssub.s32 $0x0, s20;
	[sflag:s22] =	ssyncset.done $0x0  }
0xa0: {  	[sflag:s22] =	ssyncadd.s32 s3;
	_ =	sdelay $0x1  }
0xa1: {  	s23 =	simm.s32 $0x1B8B  }
0xa2: {  	_ =	swait.ge [sflag:s23], $0x1  }
0xa3: {  	[sflag:s23] =	ssyncset.done $0x0  }
0xa4: {  	s25 =	simm.s32 $0x1B8E;
	s24 =	sld [smem:$0x3FFE];
	[sflag:s23] =	ssyncadd.s32 $0xFFFFFFFF  }
0xa5: {  	s26 =	simm.s32 $execute0_lowered;
	[smem:$0x3FD2] =	sst s25  }
0xa6: {  	s4 =	sshll.u32 s26, $0x1;
	_ =	strace $0x8000005E;
	[dreg:$0x1] =	wrdreg $0xFFFFFFFF  }
0xa7: {  	s28 =	simm.s32 $_size_execute0_lowered;
	s2 =	sadd.s32 s2, s4;
	[dreg:$0x0] =	wrdreg $0x0  }
0xa8: {  	s4 =	sshll.u32 s28, $0x1;
	[dreg:$0x2] =	wrdreg s2  }
0xa9: {  	[dreg:$0x3] =	wrdreg s4  }
0xaa: {  	[dreg:$0x4] =	wrdreg $0xC0  }
0xab: {  	_ =	task [dreg:s6], $0x5FFFF  }
0xac: {  	[dreg:$0x1] =	wrdreg $0xFFFFFFFF  }
0xad: {  	[dreg:$0x0] =	wrdreg $0x60  }
0xae: {  	[dreg:$0x2] =	wrdreg s24  }
0xaf: {  	[dreg:$0x3] =	wrdreg $0x9  }
0xb0: {  	_ =	task.clear_ibuf [dreg:s6], $0x4FFFF;
	_ =	strace $0x9000005E  }
0xb1: {  	s29 =	simm.s32 $0x9;
	_ =	strace $0x80000060  }
0xb2: {  	_ =	swait.ge [sflag:s29], $0x1  }
0xb3: {  	[sflag:s29] =	ssyncadd.s32 $0xFFFFFFFF  }
0xb4: {  	_ =	strace $0x90000060  }
0xb5: {  	_ =	sfence  }
0xb6: {  	s30 =	sld [smem:$0x0];
	_ =	sdelay $0x2  }
0xb7: {  	s31 =	sshll.u32 s1, $0xD;
	s1 =	sshrl.u32 s1, $0x2  }
0xb8: {  	s3 =	sand.u32 $0x4000, s31;
	s1 =	sadd.s32 s1, s30  }
0xb9: {  	s0 =	sor.u32 s3, s0;
	s1 =	sshll.u32 s1, $0x11  }
0xba: {  	s0 =	sor.u32 s1, s0  }
0xbb: {  	s0 =	sadd.s32 $0x8F2B, s0  }
0xbc: {  	[sflag:s0] =	ssyncadd.remote.s32 $0x1  }
0xbd: {  	_ =	sfence.sel $0xFFFF  }
0xbe: {  	[dreg:$0x0] =	wrdreg $0xFFFFFFFF;
	(pc) =	sbr.abs _section_cstart, $3  }
0xbf: {  	[dreg:$0x1] =	wrdreg $0xFFFFFFFF  }
0xc0: {  	_ =	task.clear_ibuf [dreg:s6], $0x2FFFF;
	_ =	strace $0x9FFFFFFF  }
0xc1: {  	(tm) =	ssettm $0x7FFFFFFF  }
tec
execute0_lowered:
.L_overlay_start_1:
0x0: {  	(tag) =	ssettag $0x1  }
0x1: {  	s0 =	srdreg.scid  }
0x2: {  	s5 =	rddreg [dreg:$0x0];
	s2 =	simm.s32 $0x0;
	s10 =	simm.s32 $0x6400  }
0x3: {  	s11 =	simm.s32 $0xA400;
	s12 =	simm.s32 $0x1;
	s13 =	simm.s32 $0x2  }
0x4: {  	s14 =	simm.s32 $0x0;
	s4 =	sand.u32 $0x1, s0;
	s0 =	stileid.u32  }
0x5: {  	[smem:$0x7FF] =	sst s2;
	s9 =	sadd.s32 $0x2B7200, s5;
	s7 =	smul.u32 $0x3100000, s4  }
0x6: {  	s1 =	sshll.u32 s4, $0x4;
	s8 =	smul.u32 $0x310000, s0;
	s4 =	ssub.s32 $0x2, s4  }
0x7: {  	s3 =	sor.u32 s0, s1;
	s1 =	rddreg [dreg:$0x1];
	_ =	strace $0x8000005F  }
0x8: {  	s29 =	sshrl.u32 s4, $0x1;
	s6 =	smul.u32 $0xC80, s3;
	s7 =	sadd.s32 s8, s7  }
0x9: {  	s3 =	sadd.s32 $0x9800, s5;
	s8 =	simm.s32 $0x3;
	s30 =	sor.u32 $0x4000, s7  }
0xa: {  	s7 =	sshrl.u32 s7, $0x3;
	s6 =	sadd.s32 s6, s5;
	s5 =	ssub.s32 s4, s29  }
0xb: {  	s31 =	sshrl.u32 s30, $0x3;
	s4 =	sadd.s32 $0x29E200, s6;
	s5 =	smax.u32 s5, $0x1  }
0xc: {  	s6 =	sadd.s32 s7, s9;
	s7 =	sadd.s32 s31, s9;
	s9 =	simm.s32 $0x80  }
.LBB2_1:
0xd: {  	[tilespmem:s2], [sflag:$0x3] =	stream.linear.gather [hbm4b:s4+s2], $0x6200, $0x38;
	[tilespmem:$0xE400] =	vst v63  }
0xe: {  	_ =	swait.ge [sflag:s8], $0x6200  }
0xf: {  	[sflag:s8] =	ssyncset.done $0x0  }
0x10: {  	[sflag:s8] =	ssyncadd.s32 $0xFFFF9E00  }
0x11: {  	[tilespmem:s10], [sflag:$0x1] =	stream.indirect.gather [hbm4b:s3+s9], $0x80, s2, s9, $0xb8;
	[tilespmem:$0xE400] =	vst v63  }
0x12: {  	s15 =	simm.s32 $0x80  }
0x13: {  	[tilespmem:s11], [sflag:$0x2] =	stream.indirect.gather [hbm4b:s3+s9], $0x80, s15, s9, $0xb8;
	[tilespmem:$0xE400] =	vst v63  }
0x14: {  	_ =	swait.ge [sflag:s12], $0x4000  }
0x15: {  	[sflag:s12] =	ssyncset.done $0x0  }
0x16: {  	s30 =	sadd.s32 $0x0, s6;
	[sflag:s12] =	ssyncadd.s32 $0xFFFFC000  }
0x17: {  	[hbm4b:s30+s2] =	stream.linear.scatter [tilespmem:s10], [sflag:$0x3], $0x4000, $0x38;
	[tilespmem:$0xE400] =	vst v63  }
0x18: {  	_ =	swait.ge [sflag:s8], $0x4000  }
0x19: {  	[sflag:s8] =	ssyncset.done $0x0  }
0x1a: {  	[sflag:s8] =	ssyncadd.s32 $0xFFFFC000  }
0x1b: {  	_ =	swait.ge [sflag:s13], $0x4000  }
0x1c: {  	[sflag:s13] =	ssyncset.done $0x0  }
0x1d: {  	s31 =	sadd.s32 $0x0, s7;
	[sflag:s13] =	ssyncadd.s32 $0xFFFFC000  }
0x1e: {  	[hbm4b:s31+s2] =	stream.linear.scatter [tilespmem:s11], [sflag:$0x3], $0x4000, $0x38;
	[tilespmem:$0xE400] =	vst v63  }
0x1f: {  	_ =	swait.ge [sflag:s8], $0x4000  }
0x20: {  	s16 =	simm.s32 $0x0;
	s15 =	simm.s32 $0x1000;
	[sflag:s8] =	ssyncset.done $0x0  }
.LBB2_2:
0x21: {  	p0 =	sne.s32 s15, $0x61000;
	[sflag:s8] =	ssyncadd.s32 $0xFFFFC000;
	s16 =	sadd.s32 $0x100, s16  }
0x22: {  	[tilespmem:s10], [sflag:$0x1] =	stream.indirect.gather [hbm4b:s3+s9], $0x80, s16, s9, $0xb8;
	[tilespmem:$0xE400] =	vst v63  }
0x23: {  	s18 =	smov.u32 s15;
	s15 =	sadd.s32 $0x1000, s15;
	s17 =	sadd.s32 $0x80, s16  }
0x24: {  	[tilespmem:s11], [sflag:$0x2] =	stream.indirect.gather [hbm4b:s3+s9], $0x80, s17, s9, $0xb8;
	[tilespmem:$0xE400] =	vst v63  }
0x25: {  	_ =	swait.ge [sflag:s12], $0x4000  }
0x26: {  	[sflag:s12] =	ssyncset.done $0x0  }
0x27: {  	s17 =	sadd.s32 s18, s6;
	[sflag:s12] =	ssyncadd.s32 $0xFFFFC000  }
0x28: {  	[hbm4b:s17+s2] =	stream.linear.scatter [tilespmem:s10], [sflag:$0x3], $0x4000, $0x38;
	[tilespmem:$0xE400] =	vst v63  }
0x29: {  	_ =	swait.ge [sflag:s8], $0x4000  }
0x2a: {  	[sflag:s8] =	ssyncset.done $0x0  }
0x2b: {  	[sflag:s8] =	ssyncadd.s32 $0xFFFFC000  }
0x2c: {  	_ =	swait.ge [sflag:s13], $0x4000  }
.Ltmp0:
0x2d: {  	[sflag:s13] =	ssyncset.done $0x0;
	(pc) =	sbr.rel @p0 .LBB2_2-.Ltmp0, $4  }
0x2e: {  	s17 =	sadd.s32 s18, s7;
	[sflag:s13] =	ssyncadd.s32 $0xFFFFC000  }
0x2f: {  	[hbm4b:s17+s2] =	stream.linear.scatter [tilespmem:s11], [sflag:$0x3], $0x4000, $0x38;
	[tilespmem:$0xE400] =	vst v63  }
0x30: {  	_ =	swait.ge [sflag:s8], $0x4000  }
0x31: {  	[sflag:s8] =	ssyncset.done $0x0  }
0x32: {  	s14 =	sadd.s32 $0x1, s14  }
0x33: {  	p0 =	sne.s32 s14, s5  }
.Ltmp1:
0x34: {  	_ = 	snop;
	(pc) =	sbr.rel @p0 .LBB2_1-.Ltmp1, $2  }
0x35: {  	_ =	sdelay $0x2  }
0x36: {  	[sflag:s8] =	ssyncadd.s32 $0xFFFFC000  }
0x37: {  	_ =	sfence.sel $0x180000  }
0x38: {  	[bflag:$0x0] =	sbarrier.arrive $0xFFFF  }
0x39: {  	p0 =	sne.s32 s0, $0x0;
	_ =	strace $0x9000005F  }
0x3a: {  	s0 =	sadd.s32 @!p0 $0x100000, s1;
	[bflag:$0x2] =	sbarrier.arrive $0xFFFF  }
0x3b: {  	[sflag:s0] =	ssyncadd.tile.s32 @!p0 $0x1;
	_ =	shalt  }
.Lfunc_end2:
_tile_overlayer_lowered:
.L_overlay_start_2:
0x3c: {  	(tag) =	ssettag $0x2  }
0x3d: {  	s0 =	rddreg [dreg:$0x0];
	s2 =	stileid.u32  }
0x3e: {  	s1 =	rddreg [dreg:$0x1];
	p0 =	sne.s32 s2, $0x0  }
0x3f: {  	s3 =	rddreg [dreg:$0x2];
	[bflag:$0x3] =	sbarrier.arrive $0xFFFF;
	s2 =	simm.s32 @!p0 $0x1C03  }
0x40: {  	[timem:s3], [sflag:s2] =	dma.local @!p0 [hbm:s0], s1  }
0x41: {  	s0 =	simm.s32 @!p0 $0x3  }
0x42: {  	_ =	swait.ge @!p0 [sflag:s0], s1  }
0x43: {  	s1 =	ssub.s32 @!p0 $0x0, s1;
	[sflag:s0] =	ssyncset.done @!p0 $0x0  }
0x44: {  	[sflag:s0] =	ssyncadd.s32 @!p0 s1  }
0x45: {  	[bflag:$0x3] =	sbarrier.arrive $0xFFFF  }
0x46: {  	_ =	shalt  }

// kernel: kernel.48.cloned.1.call-start
scs
__scs_entry_jumppad:
0x0: {  	(pc) =	sbr.rel $0x88, $3  }
0x1: {  	(tag) =	ssettag $0x0;
	lr =	simm.s32 $0x1  }
0x2: {  	[smem:$0x3F92] =	sst lr;
	_ =	strace $0xD0000000  }
0x3: {  	_ = 	snop  }
0x4: {  	_ = 	snop  }
0x5: {  	_ = 	snop  }
0x6: {  	_ = 	snop  }
0x7: {  	_ = 	snop  }
__scs_overlays_trampoline_lowered:
0x8: {  	[smem:$0x3FA1] =	sst s0  }
0x9: {  	[smem:$0x3FA2] =	sst s1  }
0xa: {  	[smem:$0x3FA3] =	sst s2  }
0xb: {  	[smem:$0x3FA4] =	sst s3  }
0xc: {  	[smem:$0x3FA5] =	sst s4  }
0xd: {  	[smem:$0x3FA6] =	sst s5  }
0xe: {  	[smem:$0x3FA7] =	sst s6  }
0xf: {  	[smem:$0x3FA8] =	sst s7  }
0x10: {  	[smem:$0x3FA9] =	sst s8  }
0x11: {  	[smem:$0x3FAA] =	sst s9;
	s0 =	simm.s32 @!p0 $0x0  }
0x12: {  	s1 =	sld [smem:$0x3F90];
	s0 =	simm.s32 @p0 $0x1  }
0x13: {  	[smem:$0x3FAB] =	sst s0;
	s0 =	simm.s32 @!p1 $0x0  }
0x14: {  	s2 =	sld [smem:$0x3F8F];
	s0 =	simm.s32 @p1 $0x1  }
0x15: {  	[smem:$0x3FAC] =	sst s0;
	s0 =	simm.s32 @!p2 $0x0  }
0x16: {  	s3 =	sld [smem:$0x3FDB];
	s0 =	simm.s32 @p2 $0x1  }
0x17: {  	s4 =	simm.s32 $0x1BF5;
	[smem:$0x3FAE] =	sst s0  }
0x18: {  	s0 =	sld [smem:$0x3F91];
	_ =	swait.ge [sflag:s4], $0x0  }
0x19: {  	s7 =	sld [smem:$0x3F92]  }
0x1a: {  	s8 =	sadd.s32 $0xFFFFE003, lr  }
0x1b: {  	s9 =	sadd.s32 $0xFFFFFEF7, lr;
	s5 =	simm.s32 $0xFFFFFFFF;
	p2 =	slt.u32 s8, $0xFFFFF086  }
0x1c: {  	p1 =	slt.u32 s9, $0xF7A;
	s5 =	simm.s32 @!p2 $0x0  }
0x1d: {  	s5 =	simm.s32 @p1 $0x1;
	p0 =	seq.s32 s7, s2  }
0x1e: {  	s7 =	smul.u32 @!p0 $0xF7A, s2;
	p2 =	seq.s32 @!p0 s5, $0x0  }
0x1f: {  	s9 =	smul.u32 $0xF7A, s1;
	s8 =	simm.s32 @!p0 $0x1BF5;
	p2 =	por !p2, p0  }
0x20: {  	[sflag:s8] =	ssyncset.s32 @!p0 $0xFFFFF086;
	s6 =	sadd.s32 @!p0 s3, s7;
	s7 =	simm.s32 @!p0 $0x108  }
0x21: {  	s3 =	sadd.s32 s3, s9;
	s6 =	sadd.s32 @!p0 $0x88, s6;
	s7 =	simm.s32 @p2 $0x1082  }
0x22: {  	[simem:s7], [sflag:s8] =	dma.local @!p0 [hbm:s6], $0xF7A  }
0x23: {  	s9 =	sor.u32 $0xD0000000, s2;
	s6 =	simm.s32 $0x108;
	_ =	swait.ge @!p0 [sflag:s8], $0x0  }
0x24: {  	s3 =	sadd.s32 $0x88, s3;
	s6 =	simm.s32 @!p1 $0x1082;
	[sflag:s4] =	ssyncset.s32 $0xFFFFF086  }
0x25: {  	[simem:s6], [sflag:s4] =	dma.local [hbm:s3], $0xF7A  }
0x26: {  	[smem:$0x3F92] =	sst s1;
	(tag) =	ssettag s2;
	_ =	strace s9  }
0x27: {  	s1 =	sld [smem:$0x3FA2]  }
0x28: {  	s2 =	sld [smem:$0x3FA3]  }
0x29: {  	s4 =	sld [smem:$0x3FA5]  }
0x2a: {  	p0 =	seq.s32 s5, $0x0;
	s5 =	sld [smem:$0x3FA6]  }
0x2b: {  	s6 =	sld [smem:$0x3FA7]  }
0x2c: {  	s7 =	sld [smem:$0x3FA8]  }
0x2d: {  	s3 =	simm.s32 $0x108;
	s8 =	sld [smem:$0x3FA9]  }
0x2e: {  	s3 =	simm.s32 @!p0 $0x1082;
	s9 =	sld [smem:$0x3FAA]  }
0x2f: {  	lr =	sadd.s32 s0, s3;
	s0 =	sld [smem:$0x3FA1]  }
0x30: {  	s3 =	sld [smem:$0x3FA4]  }
0x31: {  	[smem:$0x3FAD] =	sst s10  }
0x32: {  	s10 =	sld [smem:$0x3FAB];
	_ =	sdelay $0x3  }
0x33: {  	p0 =	seq.s32 s10, $0x1;
	s10 =	sld [smem:$0x3FAD];
	_ =	sdelay $0x3  }
0x34: {  	[smem:$0x3FAD] =	sst s10  }
0x35: {  	s10 =	sld [smem:$0x3FAC];
	_ =	sdelay $0x3  }
0x36: {  	p1 =	seq.s32 s10, $0x1;
	s10 =	sld [smem:$0x3FAD];
	_ =	sdelay $0x3  }
0x37: {  	[smem:$0x3FAD] =	sst s10  }
0x38: {  	s10 =	sld [smem:$0x3FAE]  }
0x39: {  	_ = 	snop;
	(pc) =	sbr.ind lr, $3  }
0x3a: {  	_ = 	snop  }
0x3b: {  	_ = 	snop  }
0x3c: {  	p2 =	seq.s32 s10, $0x1;
	s10 =	sld [smem:$0x3FAD]  }
0x3d: {  	_ =	shalt  }
0x3e: {  	_ =	shalt  }
0x3f: {  	_ =	shalt  }
0x40: {  	_ =	shalt  }
0x41: {  	_ =	shalt  }
0x42: {  	_ =	shalt  }
0x43: {  	_ =	shalt  }
0x44: {  	_ =	shalt  }
0x45: {  	_ =	shalt  }
0x46: {  	_ =	shalt  }
0x47: {  	_ =	shalt  }
0x48: {  	_ =	shalt  }
0x49: {  	_ =	shalt  }
0x4a: {  	_ =	shalt  }
0x4b: {  	_ =	shalt  }
0x4c: {  	_ =	shalt  }
0x4d: {  	_ =	shalt  }
0x4e: {  	_ =	shalt  }
0x4f: {  	_ =	shalt  }
0x50: {  	_ =	shalt  }
0x51: {  	_ =	shalt  }
0x52: {  	_ =	shalt  }
0x53: {  	_ =	shalt  }
0x54: {  	_ =	shalt  }
0x55: {  	_ =	shalt  }
0x56: {  	_ =	shalt  }
0x57: {  	_ =	shalt  }
0x58: {  	_ =	shalt  }
0x59: {  	_ =	shalt  }
0x5a: {  	_ =	shalt  }
0x5b: {  	_ =	shalt  }
0x5c: {  	_ =	shalt  }
0x5d: {  	_ =	shalt  }
0x5e: {  	_ =	shalt  }
0x5f: {  	_ =	shalt  }
0x60: {  	_ =	shalt  }
0x61: {  	_ =	shalt  }
0x62: {  	_ =	shalt  }
0x63: {  	_ =	shalt  }
0x64: {  	_ =	shalt  }
0x65: {  	_ =	shalt  }
0x66: {  	_ =	shalt  }
0x67: {  	_ =	shalt  }
0x68: {  	_ =	shalt  }
0x69: {  	_ =	shalt  }
0x6a: {  	_ =	shalt  }
0x6b: {  	_ =	shalt  }
0x6c: {  	_ =	shalt  }
0x6d: {  	_ =	shalt  }
0x6e: {  	_ =	shalt  }
0x6f: {  	_ =	shalt  }
0x70: {  	_ =	shalt  }
0x71: {  	_ =	shalt  }
0x72: {  	_ =	shalt  }
0x73: {  	_ =	shalt  }
0x74: {  	_ =	shalt  }
0x75: {  	_ =	shalt  }
0x76: {  	_ =	shalt  }
0x77: {  	_ =	shalt  }
0x78: {  	_ =	shalt  }
0x79: {  	_ =	shalt  }
0x7a: {  	_ =	shalt  }
0x7b: {  	_ =	shalt  }
0x7c: {  	_ =	shalt  }
0x7d: {  	_ =	shalt  }
0x7e: {  	_ =	shalt  }
0x7f: {  	_ =	shalt  }
0x80: {  	_ =	shalt  }
0x81: {  	_ =	shalt  }
0x82: {  	_ =	shalt  }
0x83: {  	_ =	shalt  }
0x84: {  	_ =	shalt  }
0x85: {  	_ =	shalt  }
0x86: {  	_ =	shalt  }
0x87: {  	_ =	shalt  }
.Lfunc_end0:
.L_simem_size_0:
called_computation.9_lowered:
.L_overlay_start_0:
0x88: {  	s2 =	sld [smem:$0x3FD9]  }
0x89: {  	s3 =	sld [smem:$0x3FFE];
	_ =	sdelay $0x1  }
0x8a: {  	s1 =	srdreg.scid  }
0x8b: {  	s0 =	sand.u32 $0x1, s1  }
0x8c: {  	s16 =	sshll.u32 s0, $0xA;
	s2 =	sadd.s32 s3, s2  }
0x8d: {  	s2 =	sadd.s32 s2, s16  }
0x8e: {  	[smem:$0x3FB9] =	sst s2  }
0x8f: {  	_ = 	snop  }
0x90: {  	(tm) =	ssettm $0x1  }
0x91: {  	s17 =	sld [smem:$0x3FFB];
	_ =	sdelay $0x3  }
0x92: {  	_ =	strace s17  }
0x93: {  	s2 =	sld [smem:$0x3FFC];
	_ =	sdelay $0x3  }
0x94: {  	_ =	strace s2  }
0x95: {  	s2 =	sld [smem:$0x3FFD];
	_ =	sdelay $0x3  }
0x96: {  	_ =	strace s2  }
0x97: {  	_ =	strace $0x8FFFFFFF  }
0x98: {  	s18 =	sld [smem:$0x3FDB];
	_ =	sdelay $0x1  }
0x99: {  	s19 =	simm.s32 $_scs_section_size  }
0x9a: {  	s4 =	simm.s32 $_size__tile_overlayer_lowered;
	s5 =	simm.s32 $_tile_overlayer_lowered  }
0x9b: {  	s22 =	simm.s32 $0x1BFF;
	s21 =	sshll.u32 s5, $0x1;
	s2 =	sadd.s32 s19, s18  }
0x9c: {  	s6 =	simm.s32 $0x0;
	s20 =	sshll.u32 s4, $0x1;
	s4 =	sadd.s32 s21, s2  }
0x9d: {  	[timem:s6], [sflag:s22] =	dma.local [hbm:s4], s20  }
0x9e: {  	_ =	swait.ge [sflag:s22], s20  }
0x9f: {  	s3 =	ssub.s32 $0x0, s20;
	[sflag:s22] =	ssyncset.done $0x0  }
0xa0: {  	[sflag:s22] =	ssyncadd.s32 s3;
	_ =	sdelay $0x1  }
0xa1: {  	s23 =	simm.s32 $0x1B8B  }
0xa2: {  	_ =	swait.ge [sflag:s23], $0x1  }
0xa3: {  	[sflag:s23] =	ssyncset.done $0x0  }
0xa4: {  	s25 =	simm.s32 $0x1B8E;
	s24 =	sld [smem:$0x3FFE];
	[sflag:s23] =	ssyncadd.s32 $0xFFFFFFFF  }
0xa5: {  	s26 =	simm.s32 $execute0_lowered;
	[smem:$0x3FD2] =	sst s25  }
0xa6: {  	s4 =	sshll.u32 s26, $0x1;
	_ =	strace $0x80000061;
	[dreg:$0x1] =	wrdreg $0xFFFFFFFF  }
0xa7: {  	s28 =	simm.s32 $_size_execute0_lowered;
	s2 =	sadd.s32 s2, s4;
	[dreg:$0x0] =	wrdreg $0x0  }
0xa8: {  	s4 =	sshll.u32 s28, $0x1;
	[dreg:$0x2] =	wrdreg s2  }
0xa9: {  	[dreg:$0x3] =	wrdreg s4  }
0xaa: {  	[dreg:$0x4] =	wrdreg $0xC0  }
0xab: {  	_ =	task [dreg:s6], $0x5FFFF  }
0xac: {  	[dreg:$0x1] =	wrdreg $0xFFFFFFFF  }
0xad: {  	[dreg:$0x0] =	wrdreg $0x60  }
0xae: {  	[dreg:$0x2] =	wrdreg s24  }
0xaf: {  	[dreg:$0x3] =	wrdreg $0x9  }
0xb0: {  	_ =	task.clear_ibuf [dreg:s6], $0x4FFFF;
	_ =	strace $0x90000061  }
0xb1: {  	s29 =	simm.s32 $0x9;
	_ =	strace $0x80000063  }
0xb2: {  	_ =	swait.ge [sflag:s29], $0x1  }
0xb3: {  	[sflag:s29] =	ssyncadd.s32 $0xFFFFFFFF  }
0xb4: {  	_ =	strace $0x90000063  }
0xb5: {  	_ =	sfence  }
0xb6: {  	s30 =	sld [smem:$0x0];
	_ =	sdelay $0x2  }
0xb7: {  	s31 =	sshll.u32 s1, $0xD;
	s1 =	sshrl.u32 s1, $0x2  }
0xb8: {  	s3 =	sand.u32 $0x4000, s31;
	s1 =	sadd.s32 s1, s30  }
0xb9: {  	s0 =	sor.u32 s3, s0;
	s1 =	sshll.u32 s1, $0x11  }
0xba: {  	s0 =	sor.u32 s1, s0  }
0xbb: {  	s0 =	sadd.s32 $0x8F2B, s0  }
0xbc: {  	[sflag:s0] =	ssyncadd.remote.s32 $0x1  }
0xbd: {  	_ =	sfence.sel $0xFFFF  }
0xbe: {  	[dreg:$0x0] =	wrdreg $0xFFFFFFFF;
	(pc) =	sbr.abs _section_cstart, $3  }
0xbf: {  	[dreg:$0x1] =	wrdreg $0xFFFFFFFF  }
0xc0: {  	_ =	task.clear_ibuf [dreg:s6], $0x2FFFF;
	_ =	strace $0x9FFFFFFF  }
0xc1: {  	(tm) =	ssettm $0x7FFFFFFF  }
tec
execute0_lowered:
.L_overlay_start_1:
0x0: {  	(tag) =	ssettag $0x1  }
0x1: {  	s0 =	srdreg.scid  }
0x2: {  	s2 =	stileid.u32;
	s3 =	rddreg [dreg:$0x0]  }
0x3: {  	s10 =	simm.s32 $0x80;
	s9 =	simm.s32 $0x800;
	s6 =	simm.s32 $0x4800  }
0x4: {  	s11 =	simm.s32 $0x1;
	s8 =	simm.s32 $0x2;
	s30 =	simm.s32 $0x100  }
0x5: {  	s31 =	simm.s32 $0x180;
	s28 =	simm.s32 $0x200;
	s29 =	simm.s32 $0x280  }
0x6: {  	p0 =	por $0x0, $0x0;
	s19 =	simm.s32 $0x500;
	s0 =	sand.u32 $0x1, s0  }
0x7: {  	s20 =	simm.s32 $0x580;
	s15 =	simm.s32 $0x600;
	s1 =	sshll.u32 s0, $0x4  }
0x8: {  	s16 =	simm.s32 $0x680;
	s0 =	ssub.s32 $0x2, s0;
	s1 =	sor.u32 s2, s1  }
0x9: {  	s2 =	simm.s32 $0x0;
	s5 =	sshrl.u32 s0, $0x1;
	s4 =	smul.u32 $0x38000, s1  }
0xa: {  	s1 =	sshll.u32 s1, $0x8;
	[smem:$0x7FF] =	sst s2;
	s0 =	ssub.s32 s0, s5  }
0xb: {  	s1 =	sadd.s32 s1, s3;
	_ =	strace $0x80000062;
	s0 =	smax.u32 s0, $0x1  }
0xc: {  	s4 =	sshrl.u32 s4, $0x3;
	s1 =	sadd.s32 $0x7800, s1;
	p1 =	sne.s32 s0, $0x1  }
0xd: {  	s4 =	sadd.s32 s4, s3;
	[dreg:$0x2] =	wrdreg s1;
	s3 =	sadd.s32 $0x1B37200, s3  }
0xe: {  	s1 =	sadd.s32 $0xFFFFFFFF, s0;
	s22 =	sadd.s32 $0x9800, s4;
	s23 =	sadd.s32 $0xA000, s4  }
0xf: {  	s24 =	sadd.s32 $0xA800, s4;
	s25 =	sadd.s32 $0xB000, s4;
	s0 =	rddreg [dreg:$0x2]  }
0x10: {  	s26 =	sadd.s32 $0xB800, s4;
	s21 =	sadd.s32 $0xC800, s4;
	[dreg:$0x3] =	wrdreg s22  }
0x11: {  	s18 =	sadd.s32 $0xD000, s4;
	s17 =	sadd.s32 $0xD800, s4;
	[dreg:$0x4] =	wrdreg s23  }
.Ltmp0:
0x12: {  	s14 =	sadd.s32 $0xE000, s4;
	[dreg:$0x5] =	wrdreg s24;
	(pc) =	sbr.rel @!p1 .LBB2_3-.Ltmp0, $4  }
0x13: {  	s13 =	sadd.s32 $0xE800, s4;
	s12 =	sadd.s32 $0xF000, s4;
	[dreg:$0x6] =	wrdreg s25  }
0x14: {  	s7 =	sadd.s32 $0xF800, s4;
	s5 =	sadd.s32 $0x10000, s4;
	[dreg:$0x7] =	wrdreg s26  }
0x15: {  	s22 =	sadd.s32 $0xC000, s4;
	s4 =	simm.s32 $0x3;
	s25 =	simm.s32 $0x300  }
0x16: {  	s26 =	simm.s32 $0x380;
	s23 =	simm.s32 $0x400;
	s24 =	simm.s32 $0x480  }
0x17: {  	[tilespmem:s2], [sflag:$0x3] =	stream.linear.gather [hbm4b:s0+s2], $0x700, $0x38;
	[tilespmem:$0x8800] =	vst v63  }
0x18: {  	_ =	swait.ge [sflag:s4], $0x700  }
0x19: {  	[sflag:s4] =	ssyncset.done $0x0  }
0x1a: {  	[sflag:s4] =	ssyncadd.s32 $0xFFFFF900  }
0x1b: {  	[tilespmem:s9], [sflag:$0x1] =	stream.indirect.gather [hbm4b:s3+s10], $0x80, s2, s10, $0xb8;
	[tilespmem:$0x8800] =	vst v63  }
0x1c: {  	_ = 	snop  }
0x1d: {  	[tilespmem:s6], [sflag:$0x2] =	stream.indirect.gather [hbm4b:s3+s10], $0x80, s10, s10, $0xb8;
	[tilespmem:$0x8800] =	vst v63  }
0x1e: {  	_ =	swait.ge [sflag:s11], $0x4000  }
0x1f: {  	[sflag:s11] =	ssyncset.done $0x0  }
0x20: {  	s0 =	rddreg [dreg:$0x3];
	[sflag:s11] =	ssyncadd.s32 $0xFFFFC000  }
0x21: {  	[hbm4b:s0+s2] =	stream.linear.scatter [tilespmem:s9], [sflag:$0x3], $0x4000, $0x38;
	[tilespmem:$0x8800] =	vst v63  }
0x22: {  	_ =	swait.ge [sflag:s4], $0x4000  }
0x23: {  	[sflag:s4] =	ssyncset.done $0x0  }
0x24: {  	[sflag:s4] =	ssyncadd.s32 $0xFFFFC000  }
0x25: {  	_ =	swait.ge [sflag:s8], $0x4000  }
0x26: {  	[sflag:s8] =	ssyncset.done $0x0  }
0x27: {  	s0 =	rddreg [dreg:$0x4];
	[sflag:s8] =	ssyncadd.s32 $0xFFFFC000  }
0x28: {  	[hbm4b:s0+s2] =	stream.linear.scatter [tilespmem:s6], [sflag:$0x3], $0x4000, $0x38;
	[tilespmem:$0x8800] =	vst v63  }
0x29: {  	_ =	swait.ge [sflag:s4], $0x4000  }
0x2a: {  	[sflag:s4] =	ssyncset.done $0x0  }
0x2b: {  	[sflag:s4] =	ssyncadd.s32 $0xFFFFC000  }
0x2c: {  	[tilespmem:s9], [sflag:$0x1] =	stream.indirect.gather [hbm4b:s3+s10], $0x80, s30, s10, $0xb8;
	[tilespmem:$0x8800] =	vst v63  }
0x2d: {  	_ = 	snop  }
0x2e: {  	[tilespmem:s6], [sflag:$0x2] =	stream.indirect.gather [hbm4b:s3+s10], $0x80, s31, s10, $0xb8;
	[tilespmem:$0x8800] =	vst v63  }
0x2f: {  	_ =	swait.ge [sflag:s11], $0x4000  }
0x30: {  	[sflag:s11] =	ssyncset.done $0x0  }
0x31: {  	s0 =	rddreg [dreg:$0x5];
	[sflag:s11] =	ssyncadd.s32 $0xFFFFC000  }
0x32: {  	[hbm4b:s0+s2] =	stream.linear.scatter [tilespmem:s9], [sflag:$0x3], $0x4000, $0x38;
	[tilespmem:$0x8800] =	vst v63  }
0x33: {  	_ =	swait.ge [sflag:s4], $0x4000  }
0x34: {  	[sflag:s4] =	ssyncset.done $0x0  }
0x35: {  	[sflag:s4] =	ssyncadd.s32 $0xFFFFC000  }
0x36: {  	_ =	swait.ge [sflag:s8], $0x4000  }
0x37: {  	[sflag:s8] =	ssyncset.done $0x0  }
0x38: {  	s0 =	rddreg [dreg:$0x6];
	[sflag:s8] =	ssyncadd.s32 $0xFFFFC000  }
0x39: {  	[hbm4b:s0+s2] =	stream.linear.scatter [tilespmem:s6], [sflag:$0x3], $0x4000, $0x38;
	[tilespmem:$0x8800] =	vst v63  }
0x3a: {  	_ =	swait.ge [sflag:s4], $0x4000  }
0x3b: {  	[sflag:s4] =	ssyncset.done $0x0  }
0x3c: {  	[sflag:s4] =	ssyncadd.s32 $0xFFFFC000  }
0x3d: {  	[tilespmem:s9], [sflag:$0x1] =	stream.indirect.gather [hbm4b:s3+s10], $0x80, s28, s10, $0xb8;
	[tilespmem:$0x8800] =	vst v63  }
0x3e: {  	_ = 	snop  }
0x3f: {  	[tilespmem:s6], [sflag:$0x2] =	stream.indirect.gather [hbm4b:s3+s10], $0x80, s29, s10, $0xb8;
	[tilespmem:$0x8800] =	vst v63  }
0x40: {  	_ =	swait.ge [sflag:s11], $0x4000  }
0x41: {  	[sflag:s11] =	ssyncset.done $0x0  }
0x42: {  	s0 =	rddreg [dreg:$0x7];
	[sflag:s11] =	ssyncadd.s32 $0xFFFFC000  }
0x43: {  	[hbm4b:s0+s2] =	stream.linear.scatter [tilespmem:s9], [sflag:$0x3], $0x4000, $0x38;
	[tilespmem:$0x8800] =	vst v63  }
0x44: {  	_ =	swait.ge [sflag:s4], $0x4000  }
0x45: {  	[sflag:s4] =	ssyncset.done $0x0  }
0x46: {  	[sflag:s4] =	ssyncadd.s32 $0xFFFFC000  }
0x47: {  	_ =	swait.ge [sflag:s8], $0x4000  }
0x48: {  	[sflag:s8] =	ssyncset.done $0x0  }
0x49: {  	[sflag:s8] =	ssyncadd.s32 $0xFFFFC000  }
0x4a: {  	[hbm4b:s22+s2] =	stream.linear.scatter [tilespmem:s6], [sflag:$0x3], $0x4000, $0x38;
	[tilespmem:$0x8800] =	vst v63  }
0x4b: {  	_ =	swait.ge [sflag:s4], $0x4000  }
0x4c: {  	[sflag:s4] =	ssyncset.done $0x0  }
0x4d: {  	[sflag:s4] =	ssyncadd.s32 $0xFFFFC000  }
0x4e: {  	[tilespmem:s9], [sflag:$0x1] =	stream.indirect.gather [hbm4b:s3+s10], $0x80, s25, s10, $0xb8;
	[tilespmem:$0x8800] =	vst v63  }
0x4f: {  	_ = 	snop  }
0x50: {  	[tilespmem:s6], [sflag:$0x2] =	stream.indirect.gather [hbm4b:s3+s10], $0x80, s26, s10, $0xb8;
	[tilespmem:$0x8800] =	vst v63  }
0x51: {  	_ =	swait.ge [sflag:s11], $0x4000  }
0x52: {  	[sflag:s11] =	ssyncset.done $0x0  }
0x53: {  	[sflag:s11] =	ssyncadd.s32 $0xFFFFC000  }
0x54: {  	[hbm4b:s21+s2] =	stream.linear.scatter [tilespmem:s9], [sflag:$0x3], $0x4000, $0x38;
	[tilespmem:$0x8800] =	vst v63  }
0x55: {  	_ =	swait.ge [sflag:s4], $0x4000  }
0x56: {  	[sflag:s4] =	ssyncset.done $0x0  }
0x57: {  	[sflag:s4] =	ssyncadd.s32 $0xFFFFC000  }
0x58: {  	_ =	swait.ge [sflag:s8], $0x4000  }
0x59: {  	[sflag:s8] =	ssyncset.done $0x0  }
0x5a: {  	[sflag:s8] =	ssyncadd.s32 $0xFFFFC000  }
0x5b: {  	[hbm4b:s18+s2] =	stream.linear.scatter [tilespmem:s6], [sflag:$0x3], $0x4000, $0x38;
	[tilespmem:$0x8800] =	vst v63  }
0x5c: {  	_ =	swait.ge [sflag:s4], $0x4000  }
0x5d: {  	[sflag:s4] =	ssyncset.done $0x0  }
0x5e: {  	[sflag:s4] =	ssyncadd.s32 $0xFFFFC000  }
0x5f: {  	[tilespmem:s9], [sflag:$0x1] =	stream.indirect.gather [hbm4b:s3+s10], $0x80, s23, s10, $0xb8;
	[tilespmem:$0x8800] =	vst v63  }
0x60: {  	_ = 	snop  }
0x61: {  	[tilespmem:s6], [sflag:$0x2] =	stream.indirect.gather [hbm4b:s3+s10], $0x80, s24, s10, $0xb8;
	[tilespmem:$0x8800] =	vst v63  }
0x62: {  	_ =	swait.ge [sflag:s11], $0x4000  }
0x63: {  	[sflag:s11] =	ssyncset.done $0x0  }
0x64: {  	[sflag:s11] =	ssyncadd.s32 $0xFFFFC000  }
0x65: {  	[hbm4b:s17+s2] =	stream.linear.scatter [tilespmem:s9], [sflag:$0x3], $0x4000, $0x38;
	[tilespmem:$0x8800] =	vst v63  }
0x66: {  	_ =	swait.ge [sflag:s4], $0x4000  }
0x67: {  	[sflag:s4] =	ssyncset.done $0x0  }
0x68: {  	[sflag:s4] =	ssyncadd.s32 $0xFFFFC000  }
0x69: {  	_ =	swait.ge [sflag:s8], $0x4000  }
0x6a: {  	[sflag:s8] =	ssyncset.done $0x0  }
0x6b: {  	[sflag:s8] =	ssyncadd.s32 $0xFFFFC000  }
0x6c: {  	[hbm4b:s14+s2] =	stream.linear.scatter [tilespmem:s6], [sflag:$0x3], $0x4000, $0x38;
	[tilespmem:$0x8800] =	vst v63  }
0x6d: {  	_ =	swait.ge [sflag:s4], $0x4000  }
0x6e: {  	[sflag:s4] =	ssyncset.done $0x0  }
0x6f: {  	[sflag:s4] =	ssyncadd.s32 $0xFFFFC000  }
0x70: {  	[tilespmem:s9], [sflag:$0x1] =	stream.indirect.gather [hbm4b:s3+s10], $0x80, s19, s10, $0xb8;
	[tilespmem:$0x8800] =	vst v63  }
0x71: {  	_ = 	snop  }
0x72: {  	[tilespmem:s6], [sflag:$0x2] =	stream.indirect.gather [hbm4b:s3+s10], $0x80, s20, s10, $0xb8;
	[tilespmem:$0x8800] =	vst v63  }
0x73: {  	_ =	swait.ge [sflag:s11], $0x4000  }
0x74: {  	[sflag:s11] =	ssyncset.done $0x0  }
0x75: {  	[sflag:s11] =	ssyncadd.s32 $0xFFFFC000  }
0x76: {  	[hbm4b:s13+s2] =	stream.linear.scatter [tilespmem:s9], [sflag:$0x3], $0x4000, $0x38;
	[tilespmem:$0x8800] =	vst v63  }
0x77: {  	_ =	swait.ge [sflag:s4], $0x4000  }
0x78: {  	[sflag:s4] =	ssyncset.done $0x0  }
0x79: {  	[sflag:s4] =	ssyncadd.s32 $0xFFFFC000  }
0x7a: {  	_ =	swait.ge [sflag:s8], $0x4000  }
0x7b: {  	[sflag:s8] =	ssyncset.done $0x0  }
0x7c: {  	[sflag:s8] =	ssyncadd.s32 $0xFFFFC000  }
0x7d: {  	[hbm4b:s12+s2] =	stream.linear.scatter [tilespmem:s6], [sflag:$0x3], $0x4000, $0x38;
	[tilespmem:$0x8800] =	vst v63  }
0x7e: {  	_ =	swait.ge [sflag:s4], $0x4000  }
0x7f: {  	[sflag:s4] =	ssyncset.done $0x0  }
0x80: {  	[sflag:s4] =	ssyncadd.s32 $0xFFFFC000  }
0x81: {  	[tilespmem:s9], [sflag:$0x1] =	stream.indirect.gather [hbm4b:s3+s10], $0x80, s15, s10, $0xb8;
	[tilespmem:$0x8800] =	vst v63  }
0x82: {  	_ = 	snop  }
0x83: {  	[tilespmem:s6], [sflag:$0x2] =	stream.indirect.gather [hbm4b:s3+s10], $0x80, s16, s10, $0xb8;
	[tilespmem:$0x8800] =	vst v63  }
0x84: {  	_ =	swait.ge [sflag:s11], $0x4000  }
0x85: {  	[sflag:s11] =	ssyncset.done $0x0  }
0x86: {  	[sflag:s11] =	ssyncadd.s32 $0xFFFFC000  }
0x87: {  	[hbm4b:s7+s2] =	stream.linear.scatter [tilespmem:s9], [sflag:$0x3], $0x4000, $0x38;
	[tilespmem:$0x8800] =	vst v63  }
0x88: {  	_ =	swait.ge [sflag:s4], $0x4000  }
0x89: {  	[sflag:s4] =	ssyncset.done $0x0  }
0x8a: {  	[sflag:s4] =	ssyncadd.s32 $0xFFFFC000  }
0x8b: {  	p1 =	sne.s32 s1, $0x1;
	_ =	swait.ge [sflag:s8], $0x4000  }
.Ltmp1:
0x8c: {  	[sflag:s8] =	ssyncset.done $0x0;
	(pc) =	sbr.rel @!p1 .LBB2_3-.Ltmp1, $4  }
0x8d: {  	[sflag:s8] =	ssyncadd.s32 $0xFFFFC000  }
0x8e: {  	[hbm4b:s5+s2] =	stream.linear.scatter [tilespmem:s6], [sflag:$0x3], $0x4000, $0x38;
	[tilespmem:$0x8800] =	vst v63  }
0x8f: {  	s1 =	sadd.s32 $0xFFFFFFFF, s1;
	_ =	swait.ge [sflag:s4], $0x4000  }
0x90: {  	p0 =	por $0x1, $0x1;
	s0 =	rddreg [dreg:$0x2];
	[sflag:s4] =	ssyncset.done $0x0  }
.LBB2_2:
0x91: {  	[sflag:s4] =	ssyncadd.s32 $0xFFFFC000  }
0x92: {  	[tilespmem:s2], [sflag:$0x3] =	stream.linear.gather [hbm4b:s0+s2], $0x700, $0x38;
	[tilespmem:$0x8800] =	vst v63  }
0x93: {  	_ =	swait.ge [sflag:s4], $0x700  }
0x94: {  	[sflag:s4] =	ssyncset.done $0x0  }
0x95: {  	[sflag:s4] =	ssyncadd.s32 $0xFFFFF900  }
0x96: {  	[tilespmem:s9], [sflag:$0x1] =	stream.indirect.gather [hbm4b:s3+s10], $0x80, s2, s10, $0xb8;
	[tilespmem:$0x8800] =	vst v63  }
0x97: {  	_ = 	snop  }
0x98: {  	[tilespmem:s6], [sflag:$0x2] =	stream.indirect.gather [hbm4b:s3+s10], $0x80, s10, s10, $0xb8;
	[tilespmem:$0x8800] =	vst v63  }
0x99: {  	_ =	swait.ge [sflag:s11], $0x4000  }
0x9a: {  	[sflag:s11] =	ssyncset.done $0x0  }
0x9b: {  	s0 =	rddreg [dreg:$0x3];
	[sflag:s11] =	ssyncadd.s32 $0xFFFFC000  }
0x9c: {  	[hbm4b:s0+s2] =	stream.linear.scatter [tilespmem:s9], [sflag:$0x3], $0x4000, $0x38;
	[tilespmem:$0x8800] =	vst v63  }
0x9d: {  	_ =	swait.ge [sflag:s4], $0x4000  }
0x9e: {  	[sflag:s4] =	ssyncset.done $0x0  }
0x9f: {  	[sflag:s4] =	ssyncadd.s32 $0xFFFFC000  }
0xa0: {  	_ =	swait.ge [sflag:s8], $0x4000  }
0xa1: {  	[sflag:s8] =	ssyncset.done $0x0  }
0xa2: {  	s0 =	rddreg [dreg:$0x4];
	[sflag:s8] =	ssyncadd.s32 $0xFFFFC000  }
0xa3: {  	[hbm4b:s0+s2] =	stream.linear.scatter [tilespmem:s6], [sflag:$0x3], $0x4000, $0x38;
	[tilespmem:$0x8800] =	vst v63  }
0xa4: {  	_ =	swait.ge [sflag:s4], $0x4000  }
0xa5: {  	[sflag:s4] =	ssyncset.done $0x0  }
0xa6: {  	[sflag:s4] =	ssyncadd.s32 $0xFFFFC000  }
0xa7: {  	[tilespmem:s9], [sflag:$0x1] =	stream.indirect.gather [hbm4b:s3+s10], $0x80, s30, s10, $0xb8;
	[tilespmem:$0x8800] =	vst v63  }
0xa8: {  	_ = 	snop  }
0xa9: {  	[tilespmem:s6], [sflag:$0x2] =	stream.indirect.gather [hbm4b:s3+s10], $0x80, s31, s10, $0xb8;
	[tilespmem:$0x8800] =	vst v63  }
0xaa: {  	_ =	swait.ge [sflag:s11], $0x4000  }
0xab: {  	[sflag:s11] =	ssyncset.done $0x0  }
0xac: {  	s0 =	rddreg [dreg:$0x5];
	[sflag:s11] =	ssyncadd.s32 $0xFFFFC000  }
0xad: {  	[hbm4b:s0+s2] =	stream.linear.scatter [tilespmem:s9], [sflag:$0x3], $0x4000, $0x38;
	[tilespmem:$0x8800] =	vst v63  }
0xae: {  	_ =	swait.ge [sflag:s4], $0x4000  }
0xaf: {  	[sflag:s4] =	ssyncset.done $0x0  }
0xb0: {  	[sflag:s4] =	ssyncadd.s32 $0xFFFFC000  }
0xb1: {  	_ =	swait.ge [sflag:s8], $0x4000  }
0xb2: {  	[sflag:s8] =	ssyncset.done $0x0  }
0xb3: {  	s0 =	rddreg [dreg:$0x6];
	[sflag:s8] =	ssyncadd.s32 $0xFFFFC000  }
0xb4: {  	[hbm4b:s0+s2] =	stream.linear.scatter [tilespmem:s6], [sflag:$0x3], $0x4000, $0x38;
	[tilespmem:$0x8800] =	vst v63  }
0xb5: {  	_ =	swait.ge [sflag:s4], $0x4000  }
0xb6: {  	[sflag:s4] =	ssyncset.done $0x0  }
0xb7: {  	[sflag:s4] =	ssyncadd.s32 $0xFFFFC000  }
0xb8: {  	[tilespmem:s9], [sflag:$0x1] =	stream.indirect.gather [hbm4b:s3+s10], $0x80, s28, s10, $0xb8;
	[tilespmem:$0x8800] =	vst v63  }
0xb9: {  	_ = 	snop  }
0xba: {  	[tilespmem:s6], [sflag:$0x2] =	stream.indirect.gather [hbm4b:s3+s10], $0x80, s29, s10, $0xb8;
	[tilespmem:$0x8800] =	vst v63  }
0xbb: {  	_ =	swait.ge [sflag:s11], $0x4000  }
0xbc: {  	[sflag:s11] =	ssyncset.done $0x0  }
0xbd: {  	s0 =	rddreg [dreg:$0x7];
	[sflag:s11] =	ssyncadd.s32 $0xFFFFC000  }
0xbe: {  	[hbm4b:s0+s2] =	stream.linear.scatter [tilespmem:s9], [sflag:$0x3], $0x4000, $0x38;
	[tilespmem:$0x8800] =	vst v63  }
0xbf: {  	_ =	swait.ge [sflag:s4], $0x4000  }
0xc0: {  	[sflag:s4] =	ssyncset.done $0x0  }
0xc1: {  	[sflag:s4] =	ssyncadd.s32 $0xFFFFC000  }
0xc2: {  	_ =	swait.ge [sflag:s8], $0x4000  }
0xc3: {  	[sflag:s8] =	ssyncset.done $0x0  }
0xc4: {  	[sflag:s8] =	ssyncadd.s32 $0xFFFFC000  }
0xc5: {  	[hbm4b:s22+s2] =	stream.linear.scatter [tilespmem:s6], [sflag:$0x3], $0x4000, $0x38;
	[tilespmem:$0x8800] =	vst v63  }
0xc6: {  	_ =	swait.ge [sflag:s4], $0x4000  }
0xc7: {  	[sflag:s4] =	ssyncset.done $0x0  }
0xc8: {  	[sflag:s4] =	ssyncadd.s32 $0xFFFFC000  }
0xc9: {  	[tilespmem:s9], [sflag:$0x1] =	stream.indirect.gather [hbm4b:s3+s10], $0x80, s25, s10, $0xb8;
	[tilespmem:$0x8800] =	vst v63  }
0xca: {  	_ = 	snop  }
0xcb: {  	[tilespmem:s6], [sflag:$0x2] =	stream.indirect.gather [hbm4b:s3+s10], $0x80, s26, s10, $0xb8;
	[tilespmem:$0x8800] =	vst v63  }
0xcc: {  	_ =	swait.ge [sflag:s11], $0x4000  }
0xcd: {  	[sflag:s11] =	ssyncset.done $0x0  }
0xce: {  	[sflag:s11] =	ssyncadd.s32 $0xFFFFC000  }
0xcf: {  	[hbm4b:s21+s2] =	stream.linear.scatter [tilespmem:s9], [sflag:$0x3], $0x4000, $0x38;
	[tilespmem:$0x8800] =	vst v63  }
0xd0: {  	_ =	swait.ge [sflag:s4], $0x4000  }
0xd1: {  	[sflag:s4] =	ssyncset.done $0x0  }
0xd2: {  	[sflag:s4] =	ssyncadd.s32 $0xFFFFC000  }
0xd3: {  	_ =	swait.ge [sflag:s8], $0x4000  }
0xd4: {  	[sflag:s8] =	ssyncset.done $0x0  }
0xd5: {  	[sflag:s8] =	ssyncadd.s32 $0xFFFFC000  }
0xd6: {  	[hbm4b:s18+s2] =	stream.linear.scatter [tilespmem:s6], [sflag:$0x3], $0x4000, $0x38;
	[tilespmem:$0x8800] =	vst v63  }
0xd7: {  	_ =	swait.ge [sflag:s4], $0x4000  }
0xd8: {  	[sflag:s4] =	ssyncset.done $0x0  }
0xd9: {  	[sflag:s4] =	ssyncadd.s32 $0xFFFFC000  }
0xda: {  	[tilespmem:s9], [sflag:$0x1] =	stream.indirect.gather [hbm4b:s3+s10], $0x80, s23, s10, $0xb8;
	[tilespmem:$0x8800] =	vst v63  }
0xdb: {  	_ = 	snop  }
0xdc: {  	[tilespmem:s6], [sflag:$0x2] =	stream.indirect.gather [hbm4b:s3+s10], $0x80, s24, s10, $0xb8;
	[tilespmem:$0x8800] =	vst v63  }
0xdd: {  	_ =	swait.ge [sflag:s11], $0x4000  }
0xde: {  	[sflag:s11] =	ssyncset.done $0x0  }
0xdf: {  	[sflag:s11] =	ssyncadd.s32 $0xFFFFC000  }
0xe0: {  	[hbm4b:s17+s2] =	stream.linear.scatter [tilespmem:s9], [sflag:$0x3], $0x4000, $0x38;
	[tilespmem:$0x8800] =	vst v63  }
0xe1: {  	_ =	swait.ge [sflag:s4], $0x4000  }
0xe2: {  	[sflag:s4] =	ssyncset.done $0x0  }
0xe3: {  	[sflag:s4] =	ssyncadd.s32 $0xFFFFC000  }
0xe4: {  	_ =	swait.ge [sflag:s8], $0x4000  }
0xe5: {  	[sflag:s8] =	ssyncset.done $0x0  }
0xe6: {  	[sflag:s8] =	ssyncadd.s32 $0xFFFFC000  }
0xe7: {  	[hbm4b:s14+s2] =	stream.linear.scatter [tilespmem:s6], [sflag:$0x3], $0x4000, $0x38;
	[tilespmem:$0x8800] =	vst v63  }
0xe8: {  	_ =	swait.ge [sflag:s4], $0x4000  }
0xe9: {  	[sflag:s4] =	ssyncset.done $0x0  }
0xea: {  	[sflag:s4] =	ssyncadd.s32 $0xFFFFC000  }
0xeb: {  	[tilespmem:s9], [sflag:$0x1] =	stream.indirect.gather [hbm4b:s3+s10], $0x80, s19, s10, $0xb8;
	[tilespmem:$0x8800] =	vst v63  }
0xec: {  	_ = 	snop  }
0xed: {  	[tilespmem:s6], [sflag:$0x2] =	stream.indirect.gather [hbm4b:s3+s10], $0x80, s20, s10, $0xb8;
	[tilespmem:$0x8800] =	vst v63  }
0xee: {  	_ =	swait.ge [sflag:s11], $0x4000  }
0xef: {  	[sflag:s11] =	ssyncset.done $0x0  }
0xf0: {  	[sflag:s11] =	ssyncadd.s32 $0xFFFFC000  }
0xf1: {  	[hbm4b:s13+s2] =	stream.linear.scatter [tilespmem:s9], [sflag:$0x3], $0x4000, $0x38;
	[tilespmem:$0x8800] =	vst v63  }
0xf2: {  	_ =	swait.ge [sflag:s4], $0x4000  }
0xf3: {  	[sflag:s4] =	ssyncset.done $0x0  }
0xf4: {  	[sflag:s4] =	ssyncadd.s32 $0xFFFFC000  }
0xf5: {  	_ =	swait.ge [sflag:s8], $0x4000  }
0xf6: {  	[sflag:s8] =	ssyncset.done $0x0  }
0xf7: {  	[sflag:s8] =	ssyncadd.s32 $0xFFFFC000  }
0xf8: {  	[hbm4b:s12+s2] =	stream.linear.scatter [tilespmem:s6], [sflag:$0x3], $0x4000, $0x38;
	[tilespmem:$0x8800] =	vst v63  }
0xf9: {  	_ =	swait.ge [sflag:s4], $0x4000  }
0xfa: {  	[sflag:s4] =	ssyncset.done $0x0  }
0xfb: {  	[sflag:s4] =	ssyncadd.s32 $0xFFFFC000  }
0xfc: {  	[tilespmem:s9], [sflag:$0x1] =	stream.indirect.gather [hbm4b:s3+s10], $0x80, s15, s10, $0xb8;
	[tilespmem:$0x8800] =	vst v63  }
0xfd: {  	_ = 	snop  }
0xfe: {  	[tilespmem:s6], [sflag:$0x2] =	stream.indirect.gather [hbm4b:s3+s10], $0x80, s16, s10, $0xb8;
	[tilespmem:$0x8800] =	vst v63  }
0xff: {  	_ =	swait.ge [sflag:s11], $0x4000  }
0x100: {  	[sflag:s11] =	ssyncset.done $0x0  }
0x101: {  	[sflag:s11] =	ssyncadd.s32 $0xFFFFC000  }
0x102: {  	[hbm4b:s7+s2] =	stream.linear.scatter [tilespmem:s9], [sflag:$0x3], $0x4000, $0x38;
	[tilespmem:$0x8800] =	vst v63  }
0x103: {  	_ =	swait.ge [sflag:s4], $0x4000  }
0x104: {  	[sflag:s4] =	ssyncset.done $0x0  }
0x105: {  	[sflag:s4] =	ssyncadd.s32 $0xFFFFC000  }
0x106: {  	p1 =	sne.s32 s1, $0x1;
	_ =	swait.ge [sflag:s8], $0x4000  }
.Ltmp2:
0x107: {  	[sflag:s8] =	ssyncset.done $0x0;
	(pc) =	sbr.rel @p1 .LBB2_2-.Ltmp2, $4  }
0x108: {  	[sflag:s8] =	ssyncadd.s32 $0xFFFFC000  }
0x109: {  	[hbm4b:s5+s2] =	stream.linear.scatter [tilespmem:s6], [sflag:$0x3], $0x4000, $0x38;
	[tilespmem:$0x8800] =	vst v63  }
0x10a: {  	_ =	swait.ge [sflag:s4], $0x4000  }
0x10b: {  	s1 =	sadd.s32 $0xFFFFFFFF, s1;
	s0 =	rddreg [dreg:$0x2];
	[sflag:s4] =	ssyncset.done $0x0  }
.LBB2_3:
0x10c: {  	[sflag:s4] =	ssyncadd.s32 @p0 $0xFFFFC000  }
0x10d: {  	[tilespmem:s2], [sflag:$0x3] =	stream.linear.gather [hbm4b:s0+s2], $0x700, $0x38;
	[tilespmem:$0x8800] =	vst v63  }
0x10e: {  	_ =	swait.ge [sflag:s4], $0x700  }
0x10f: {  	[sflag:s4] =	ssyncset.done $0x0  }
0x110: {  	[sflag:s4] =	ssyncadd.s32 $0xFFFFF900  }
0x111: {  	[tilespmem:s9], [sflag:$0x1] =	stream.indirect.gather [hbm4b:s3+s10], $0x80, s2, s10, $0xb8;
	[tilespmem:$0x8800] =	vst v63  }
0x112: {  	_ = 	snop  }
0x113: {  	[tilespmem:s6], [sflag:$0x2] =	stream.indirect.gather [hbm4b:s3+s10], $0x80, s10, s10, $0xb8;
	[tilespmem:$0x8800] =	vst v63  }
0x114: {  	_ =	swait.ge [sflag:s11], $0x4000  }
0x115: {  	[sflag:s11] =	ssyncset.done $0x0  }
0x116: {  	s1 =	rddreg [dreg:$0x3];
	[sflag:s11] =	ssyncadd.s32 $0xFFFFC000  }
0x117: {  	[hbm4b:s1+s2] =	stream.linear.scatter [tilespmem:s9], [sflag:$0x3], $0x4000, $0x38;
	[tilespmem:$0x8800] =	vst v63  }
0x118: {  	_ =	swait.ge [sflag:s4], $0x4000  }
0x119: {  	[sflag:s4] =	ssyncset.done $0x0  }
0x11a: {  	[sflag:s4] =	ssyncadd.s32 $0xFFFFC000  }
0x11b: {  	_ =	swait.ge [sflag:s8], $0x4000  }
0x11c: {  	[sflag:s8] =	ssyncset.done $0x0  }
0x11d: {  	s1 =	rddreg [dreg:$0x4];
	[sflag:s8] =	ssyncadd.s32 $0xFFFFC000  }
0x11e: {  	[hbm4b:s1+s2] =	stream.linear.scatter [tilespmem:s6], [sflag:$0x3], $0x4000, $0x38;
	[tilespmem:$0x8800] =	vst v63  }
0x11f: {  	_ =	swait.ge [sflag:s4], $0x4000  }
0x120: {  	[sflag:s4] =	ssyncset.done $0x0  }
0x121: {  	[sflag:s4] =	ssyncadd.s32 $0xFFFFC000  }
0x122: {  	[tilespmem:s9], [sflag:$0x1] =	stream.indirect.gather [hbm4b:s3+s10], $0x80, s30, s10, $0xb8;
	[tilespmem:$0x8800] =	vst v63  }
0x123: {  	_ = 	snop  }
0x124: {  	[tilespmem:s6], [sflag:$0x2] =	stream.indirect.gather [hbm4b:s3+s10], $0x80, s31, s10, $0xb8;
	[tilespmem:$0x8800] =	vst v63  }
0x125: {  	_ =	swait.ge [sflag:s11], $0x4000  }
0x126: {  	[sflag:s11] =	ssyncset.done $0x0  }
0x127: {  	s31 =	rddreg [dreg:$0x5];
	[sflag:s11] =	ssyncadd.s32 $0xFFFFC000  }
0x128: {  	[hbm4b:s31+s2] =	stream.linear.scatter [tilespmem:s9], [sflag:$0x3], $0x4000, $0x38;
	[tilespmem:$0x8800] =	vst v63  }
0x129: {  	_ =	swait.ge [sflag:s4], $0x4000  }
0x12a: {  	[sflag:s4] =	ssyncset.done $0x0  }
0x12b: {  	[sflag:s4] =	ssyncadd.s32 $0xFFFFC000  }
0x12c: {  	_ =	swait.ge [sflag:s8], $0x4000  }
0x12d: {  	[sflag:s8] =	ssyncset.done $0x0  }
0x12e: {  	s1 =	rddreg [dreg:$0x6];
	[sflag:s8] =	ssyncadd.s32 $0xFFFFC000  }
0x12f: {  	[hbm4b:s1+s2] =	stream.linear.scatter [tilespmem:s6], [sflag:$0x3], $0x4000, $0x38;
	[tilespmem:$0x8800] =	vst v63  }
0x130: {  	_ =	swait.ge [sflag:s4], $0x4000  }
0x131: {  	[sflag:s4] =	ssyncset.done $0x0  }
0x132: {  	[sflag:s4] =	ssyncadd.s32 $0xFFFFC000  }
0x133: {  	[tilespmem:s9], [sflag:$0x1] =	stream.indirect.gather [hbm4b:s3+s10], $0x80, s28, s10, $0xb8;
	[tilespmem:$0x8800] =	vst v63  }
0x134: {  	_ = 	snop  }
0x135: {  	[tilespmem:s6], [sflag:$0x2] =	stream.indirect.gather [hbm4b:s3+s10], $0x80, s29, s10, $0xb8;
	[tilespmem:$0x8800] =	vst v63  }
0x136: {  	_ =	swait.ge [sflag:s11], $0x4000  }
0x137: {  	[sflag:s11] =	ssyncset.done $0x0  }
0x138: {  	s30 =	rddreg [dreg:$0x7];
	[sflag:s11] =	ssyncadd.s32 $0xFFFFC000  }
0x139: {  	[hbm4b:s30+s2] =	stream.linear.scatter [tilespmem:s9], [sflag:$0x3], $0x4000, $0x38;
	[tilespmem:$0x8800] =	vst v63  }
0x13a: {  	_ =	swait.ge [sflag:s4], $0x4000  }
0x13b: {  	[sflag:s4] =	ssyncset.done $0x0  }
0x13c: {  	[sflag:s4] =	ssyncadd.s32 $0xFFFFC000  }
0x13d: {  	_ =	swait.ge [sflag:s8], $0x4000  }
0x13e: {  	[sflag:s8] =	ssyncset.done $0x0  }
0x13f: {  	[sflag:s8] =	ssyncadd.s32 $0xFFFFC000  }
0x140: {  	[hbm4b:s22+s2] =	stream.linear.scatter [tilespmem:s6], [sflag:$0x3], $0x4000, $0x38;
	[tilespmem:$0x8800] =	vst v63  }
0x141: {  	_ =	swait.ge [sflag:s4], $0x4000  }
0x142: {  	[sflag:s4] =	ssyncset.done $0x0  }
0x143: {  	[sflag:s4] =	ssyncadd.s32 $0xFFFFC000  }
0x144: {  	[tilespmem:s9], [sflag:$0x1] =	stream.indirect.gather [hbm4b:s3+s10], $0x80, s25, s10, $0xb8;
	[tilespmem:$0x8800] =	vst v63  }
0x145: {  	_ = 	snop  }
0x146: {  	[tilespmem:s6], [sflag:$0x2] =	stream.indirect.gather [hbm4b:s3+s10], $0x80, s26, s10, $0xb8;
	[tilespmem:$0x8800] =	vst v63  }
0x147: {  	_ =	swait.ge [sflag:s11], $0x4000  }
0x148: {  	[sflag:s11] =	ssyncset.done $0x0  }
0x149: {  	[sflag:s11] =	ssyncadd.s32 $0xFFFFC000  }
0x14a: {  	[hbm4b:s21+s2] =	stream.linear.scatter [tilespmem:s9], [sflag:$0x3], $0x4000, $0x38;
	[tilespmem:$0x8800] =	vst v63  }
0x14b: {  	_ =	swait.ge [sflag:s4], $0x4000  }
0x14c: {  	[sflag:s4] =	ssyncset.done $0x0  }
0x14d: {  	[sflag:s4] =	ssyncadd.s32 $0xFFFFC000  }
0x14e: {  	_ =	swait.ge [sflag:s8], $0x4000  }
0x14f: {  	[sflag:s8] =	ssyncset.done $0x0  }
0x150: {  	[sflag:s8] =	ssyncadd.s32 $0xFFFFC000  }
0x151: {  	[hbm4b:s18+s2] =	stream.linear.scatter [tilespmem:s6], [sflag:$0x3], $0x4000, $0x38;
	[tilespmem:$0x8800] =	vst v63  }
0x152: {  	_ =	swait.ge [sflag:s4], $0x4000  }
0x153: {  	[sflag:s4] =	ssyncset.done $0x0  }
0x154: {  	[sflag:s4] =	ssyncadd.s32 $0xFFFFC000  }
0x155: {  	[tilespmem:s9], [sflag:$0x1] =	stream.indirect.gather [hbm4b:s3+s10], $0x80, s23, s10, $0xb8;
	[tilespmem:$0x8800] =	vst v63  }
0x156: {  	_ = 	snop  }
0x157: {  	[tilespmem:s6], [sflag:$0x2] =	stream.indirect.gather [hbm4b:s3+s10], $0x80, s24, s10, $0xb8;
	[tilespmem:$0x8800] =	vst v63  }
0x158: {  	_ =	swait.ge [sflag:s11], $0x4000  }
0x159: {  	[sflag:s11] =	ssyncset.done $0x0  }
0x15a: {  	[sflag:s11] =	ssyncadd.s32 $0xFFFFC000  }
0x15b: {  	[hbm4b:s17+s2] =	stream.linear.scatter [tilespmem:s9], [sflag:$0x3], $0x4000, $0x38;
	[tilespmem:$0x8800] =	vst v63  }
0x15c: {  	_ =	swait.ge [sflag:s4], $0x4000  }
0x15d: {  	[sflag:s4] =	ssyncset.done $0x0  }
0x15e: {  	[sflag:s4] =	ssyncadd.s32 $0xFFFFC000  }
0x15f: {  	_ =	swait.ge [sflag:s8], $0x4000  }
0x160: {  	[sflag:s8] =	ssyncset.done $0x0  }
0x161: {  	[sflag:s8] =	ssyncadd.s32 $0xFFFFC000  }
0x162: {  	[hbm4b:s14+s2] =	stream.linear.scatter [tilespmem:s6], [sflag:$0x3], $0x4000, $0x38;
	[tilespmem:$0x8800] =	vst v63  }
0x163: {  	_ =	swait.ge [sflag:s4], $0x4000  }
0x164: {  	[sflag:s4] =	ssyncset.done $0x0  }
0x165: {  	[sflag:s4] =	ssyncadd.s32 $0xFFFFC000  }
0x166: {  	[tilespmem:s9], [sflag:$0x1] =	stream.indirect.gather [hbm4b:s3+s10], $0x80, s19, s10, $0xb8;
	[tilespmem:$0x8800] =	vst v63  }
0x167: {  	_ = 	snop  }
0x168: {  	[tilespmem:s6], [sflag:$0x2] =	stream.indirect.gather [hbm4b:s3+s10], $0x80, s20, s10, $0xb8;
	[tilespmem:$0x8800] =	vst v63  }
0x169: {  	_ =	swait.ge [sflag:s11], $0x4000  }
0x16a: {  	[sflag:s11] =	ssyncset.done $0x0  }
0x16b: {  	[sflag:s11] =	ssyncadd.s32 $0xFFFFC000  }
0x16c: {  	[hbm4b:s13+s2] =	stream.linear.scatter [tilespmem:s9], [sflag:$0x3], $0x4000, $0x38;
	[tilespmem:$0x8800] =	vst v63  }
0x16d: {  	_ =	swait.ge [sflag:s4], $0x4000  }
0x16e: {  	[sflag:s4] =	ssyncset.done $0x0  }
0x16f: {  	[sflag:s4] =	ssyncadd.s32 $0xFFFFC000  }
0x170: {  	_ =	swait.ge [sflag:s8], $0x4000  }
0x171: {  	[sflag:s8] =	ssyncset.done $0x0  }
0x172: {  	[sflag:s8] =	ssyncadd.s32 $0xFFFFC000  }
0x173: {  	[hbm4b:s12+s2] =	stream.linear.scatter [tilespmem:s6], [sflag:$0x3], $0x4000, $0x38;
	[tilespmem:$0x8800] =	vst v63  }
0x174: {  	_ =	swait.ge [sflag:s4], $0x4000  }
0x175: {  	[sflag:s4] =	ssyncset.done $0x0  }
0x176: {  	[sflag:s4] =	ssyncadd.s32 $0xFFFFC000  }
0x177: {  	[tilespmem:s9], [sflag:$0x1] =	stream.indirect.gather [hbm4b:s3+s10], $0x80, s15, s10, $0xb8;
	[tilespmem:$0x8800] =	vst v63  }
0x178: {  	_ = 	snop  }
0x179: {  	[tilespmem:s6], [sflag:$0x2] =	stream.indirect.gather [hbm4b:s3+s10], $0x80, s16, s10, $0xb8;
	[tilespmem:$0x8800] =	vst v63  }
0x17a: {  	_ =	swait.ge [sflag:s11], $0x4000  }
0x17b: {  	[sflag:s11] =	ssyncset.done $0x0  }
0x17c: {  	[sflag:s11] =	ssyncadd.s32 $0xFFFFC000  }
0x17d: {  	[hbm4b:s7+s2] =	stream.linear.scatter [tilespmem:s9], [sflag:$0x3], $0x4000, $0x38;
	[tilespmem:$0x8800] =	vst v63  }
0x17e: {  	_ =	swait.ge [sflag:s4], $0x4000  }
0x17f: {  	[sflag:s4] =	ssyncset.done $0x0  }
0x180: {  	[sflag:s4] =	ssyncadd.s32 $0xFFFFC000  }
0x181: {  	_ =	swait.ge [sflag:s8], $0x4000  }
0x182: {  	[sflag:s8] =	ssyncset.done $0x0  }
0x183: {  	[sflag:s8] =	ssyncadd.s32 $0xFFFFC000  }
0x184: {  	[hbm4b:s5+s2] =	stream.linear.scatter [tilespmem:s6], [sflag:$0x3], $0x4000, $0x38;
	[tilespmem:$0x8800] =	vst v63  }
0x185: {  	_ =	swait.ge [sflag:s4], $0x4000  }
0x186: {  	[sflag:s4] =	ssyncset.done $0x0  }
0x187: {  	[sflag:s4] =	ssyncadd.s32 $0xFFFFC000  }
0x188: {  	_ =	sfence.sel $0x180000  }
0x189: {  	[bflag:$0x0] =	sbarrier.arrive $0xFFFF  }
0x18a: {  	_ =	strace $0x90000062  }
0x18b: {  	s31 =	stileid.u32;
	[bflag:$0x2] =	sbarrier.arrive $0xFFFF  }
0x18c: {  	p0 =	sne.s32 s31, $0x0;
	s0 =	rddreg [dreg:$0x1]  }
0x18d: {  	s0 =	sadd.s32 @!p0 $0x100000, s0  }
0x18e: {  	[sflag:s0] =	ssyncadd.tile.s32 @!p0 $0x1;
	_ =	shalt  }
.Lfunc_end2:
_tile_overlayer_lowered:
.L_overlay_start_2:
0x18f: {  	(tag) =	ssettag $0x2  }
0x190: {  	s0 =	rddreg [dreg:$0x0];
	s2 =	stileid.u32  }
0x191: {  	s1 =	rddreg [dreg:$0x1];
	p0 =	sne.s32 s2, $0x0  }
0x192: {  	s3 =	rddreg [dreg:$0x2];
	[bflag:$0x3] =	sbarrier.arrive $0xFFFF;
	s2 =	simm.s32 @!p0 $0x1C03  }
0x193: {  	[timem:s3], [sflag:s2] =	dma.local @!p0 [hbm:s0], s1  }
0x194: {  	s0 =	simm.s32 @!p0 $0x3  }
0x195: {  	_ =	swait.ge @!p0 [sflag:s0], s1  }
0x196: {  	s1 =	ssub.s32 @!p0 $0x0, s1;
	[sflag:s0] =	ssyncset.done @!p0 $0x0  }
0x197: {  	[sflag:s0] =	ssyncadd.s32 @!p0 s1  }
0x198: {  	[bflag:$0x3] =	sbarrier.arrive $0xFFFF  }
0x199: {  	_ =	shalt  }

</sc_bundles>
